<compile_context>
chip_gen: v7x
topology: tpu7x:2x2x1
jax: 0.10.2.dev20260603
libtpu: 0.0.44.dev20260713+nightly
codegen_flags: <defaults>
</compile_context>

<pallas_src>
import functools
import math

import jax
import jax.numpy as jnp
from jax import lax
from jax.experimental import pallas as pl
from jax.experimental.pallas import tpu as pltpu
from jax.experimental.pallas import tpu_sc as plsc

_NUM_LEVELS = 16
_LEVEL_DIM = 2
_BASE_RES = 16
_MAX_RES = 2048
_LOG2_HASH = 19
_HASH = 2 ** _LOG2_HASH
_SCALE = math.exp((math.log(_MAX_RES) - math.log(_BASE_RES)) / (_NUM_LEVELS - 1))
_RES = [int(_BASE_RES * _SCALE ** l) for l in range(_NUM_LEVELS)]
_R2M = [(r * r) % _HASH for r in _RES]

_NC = 2
_NS = 16
_NW = _NC * _NS

_P = 256
_PB = _P // 128
_W = _NUM_LEVELS * _LEVEL_DIM
_FB = _W // 8
_REG = _P * 8
_N0 = _PB * 256 + _REG
_N1 = 2 * _REG
_TL0 = ((_RES[0] ** 3 - 1) >> 7 << 8) + 256
_TL1 = ((_RES[1] ** 3 - 1) >> 7 << 8) + 256
_TL2 = ((_RES[2] ** 3 - 1) >> 7 << 8) + 256
_VV = _PB * 768


def _sc_body(xv, tabw, out, ca, cb, fa0, fa1, fb0, fb1, ga0, ga1, gb0, gb1,
             va, vb, tl0_v, tl1_v, tl2_v, sa0, sa1, sb0, sb1, *, n_points,
             rows_per_batch):
    ppw = n_points // _NW
    nchunk = ppw // _P
    wid = lax.axis_index("s") * _NC + lax.axis_index("c")
    wpb = rows_per_batch // ppw
    b = wid // wpb
    pb_base = (wid % wpb) * (ppw // 128)
    obase = b * (rows_per_batch * _W)

    pltpu.sync_copy(tabw.at[pl.ds(0, _TL0)], tl0_v)
    pltpu.sync_copy(tabw.at[pl.ds(1 << 20, _TL1)], tl1_v)
    pltpu.sync_copy(tabw.at[pl.ds(2 << 20, _TL2)], tl2_v)

    def compute(k, cv, fv0, fv1, vv):
        pb0 = pb_base + k * _PB
        for c in range(3):
            pltpu.sync_copy(xv.at[c, pl.ds(pb0, _PB), b], cv.at[c])
        for pbl in range(_PB):
            def grp(jj, _, *, pbl=pbl):
                s = pl.ds(jj * 16, 16)
                v0 = cv[0, pbl, s]
                v1 = cv[1, pbl, s]
                v2 = cv[2, pbl, s]
                for l in range(_NUM_LEVELS):
                    res = _RES[l]
                    r2m = _R2M[l]
                    i0 = (v0 * res).astype(jnp.int32)
                    i1 = (v1 * res).astype(jnp.int32)
                    i2 = (v2 * res).astype(jnp.int32)
                    i0 = jnp.where(i0 >= res, i0 - res, i0)
                    i1 = jnp.where(i1 >= res, i1 - res, i1)
                    i2 = jnp.where(i2 >= res, i2 - res, i2)
                    h = i0 + i1 * res + i2 * r2m
                    if l < 3:
                        lo = ((h >> 7) << 8) | (h & 127)
                        hi = lo | 128
                        tl = (tl0_v, tl1_v, tl2_v)[l]
                        g0 = plsc.load_gather(tl, [lo])
                        g1 = plsc.load_gather(tl, [hi])
                        voff = pbl * 768 + (2 * l) * 128 + jj * 16
                        vv[pl.ds(voff, 16)] = g0
                        vv[pl.ds(voff + 128, 16)] = g1
                        continue
                    fidx = (h & (_HASH - 1)) | (l << _LOG2_HASH)
                    lo = ((fidx >> 7) << 8) | (fidx & 127)
                    hi = lo | 128
                    if l < 4:
                        fv = fv0
                        off = pbl * 256
                    elif l < 8:
                        fv = fv0
                        off = _PB * 256 + pbl * 1024 + (2 * (l & 3)) * 128
                    else:
                        fv = fv1
                        off = (((l >> 2) - 2) * _REG + pbl * 1024
                               + (2 * (l & 3)) * 128)
                    fv[pl.ds(off + jj * 16, 16)] = lo
                    fv[pl.ds(off + 128 + jj * 16, 16)] = hi
                return 0

            lax.fori_loop(0, 8, grp, 0)

    def writeback(k, gv0, gv1, vv):
        pb0 = pb_base + k * _PB
        rpb8 = rows_per_batch * 8
        for pbl in range(_PB):
            dst = obase + (pb0 + pbl) * 1024
            pltpu.sync_copy(vv.at[pl.ds(pbl * 768, 768)],
                            out.at[pl.ds(dst, 768)])
            pltpu.sync_copy(gv0.at[pl.ds(pbl * 256, 256)],
                            out.at[pl.ds(dst + 768, 256)])
        pltpu.sync_copy(gv0.at[pl.ds(_PB * 256, _REG)],
                        out.at[pl.ds(obase + rpb8 + pb0 * 1024, _REG)])
        for f in (2, 3):
            pltpu.sync_copy(
                gv1.at[pl.ds((f - 2) * _REG, _REG)],
                out.at[pl.ds(obase + f * rpb8 + pb0 * 1024, _REG)])

    def gwait(gv, sem, nwords):
        pltpu.make_async_copy(tabw.at[pl.ds(0, nwords)], gv, sem).wait()

    bufs = (
        (ca, fa0, fa1, ga0, ga1, va, sa0, sa1),
        (cb, fb0, fb1, gb0, gb1, vb, sb0, sb1),
    )

    def iter_k(k, _):
        for par in (0, 1):
            cv, fv0, fv1, gv0, gv1, vv, se0, se1 = bufs[par]
            _, _, _, pg0, pg1, pvv, ps0, ps1 = bufs[1 - par]

            @pl.when((k & 1) == par)
            def _(cv=cv, fv0=fv0, fv1=fv1, gv0=gv0, gv1=gv1, vv=vv, se0=se0,
                  se1=se1, pg0=pg0, pg1=pg1, pvv=pvv, ps0=ps0, ps1=ps1):
                compute(k, cv, fv0, fv1, vv)
                pltpu.async_copy(tabw.at[fv0], gv0, se0)
                pltpu.async_copy(tabw.at[fv1], gv1, se1)

                @pl.when(k > 0)
                def _():
                    gwait(pg0, ps0, _N0)
                    gwait(pg1, ps1, _N1)
                    writeback(k - 1, pg0, pg1, pvv)
        return 0

    lax.fori_loop(0, nchunk, iter_k, 0)
    last = nchunk - 1
    _, _, _, lg0, lg1, lvv, ls0, ls1 = bufs[last & 1]
    gwait(lg0, ls0, _N0)
    gwait(lg1, ls1, _N1)
    writeback(last, lg0, lg1, lvv)


def kernel(x, tables):
    b0, b1, _ = x.shape
    n = b0 * b1
    xv = x.reshape(b0, b1 // 128, 128, 3).transpose(3, 1, 0, 2)
    tabw = tables.reshape(_NUM_LEVELS, _HASH // 128, 128, _LEVEL_DIM)
    tabw = tabw.transpose(0, 1, 3, 2).reshape(-1)

    mesh = plsc.VectorSubcoreMesh(core_axis_name="c", subcore_axis_name="s")
    run = pl.kernel(
        functools.partial(_sc_body, n_points=n, rows_per_batch=b1),
        out_type=jax.ShapeDtypeStruct((n * _W,), jnp.float32),
        mesh=mesh,
        compiler_params=pltpu.CompilerParams(use_tc_tiling_on_sc=False, needs_layout_passes=False),
        scratch_types=(
            [pltpu.VMEM((3, _PB, 128), jnp.float32)] * 2
            + [pltpu.VMEM((_N0,), jnp.int32), pltpu.VMEM((_N1,), jnp.int32)] * 2
            + [pltpu.VMEM((_N0,), jnp.float32), pltpu.VMEM((_N1,), jnp.float32)] * 2
            + [pltpu.VMEM((_VV,), jnp.float32)] * 2
            + [pltpu.VMEM((_TL0,), jnp.float32), pltpu.VMEM((_TL1,), jnp.float32),
               pltpu.VMEM((_TL2,), jnp.float32)]
            + [pltpu.SemaphoreType.DMA] * 4
        ),
    )
    out = run(xv, tabw)
    out = out.reshape(b0, _FB, b1 // 128, 8, 128)
    return out.transpose(0, 2, 4, 1, 3).reshape(b0, b1, _W)

# --- scband reference (transcript-rebuilt; emitter-appended) ---
"""Pipeline reference for scband-hash-grid-encoding-51110110822808 (READ-ONLY COPY).

The authoritative reference and input builder live on the scoring server;
editing this copy changes nothing except your own understanding.
"""

import jax, jax.numpy as jnp
import numpy as np
import math

NUM_LEVELS = 16
LEVEL_DIM = 2
BASE_RES = 16
MAX_RES = 2048
LOG2_HASH = 19
HASHMAP_SIZE = 2 ** LOG2_HASH
PER_LEVEL_SCALE = math.exp((math.log(MAX_RES) - math.log(BASE_RES)) / (NUM_LEVELS - 1))


def setup_inputs(seed: int = 0) -> dict:
    key = jax.random.key(seed)
    kx, kt = jax.random.split(key)
    x = jax.random.uniform(kx, (4, 65536, 3), dtype=jnp.float32)
    tables = jax.random.uniform(
        kt, (NUM_LEVELS, HASHMAP_SIZE, LEVEL_DIM),
        minval=-1e-4, maxval=1e-4, dtype=jnp.float32,
    )
    return {"x": x, "tables": tables}


def reference(x, tables):
    features = []
    for level in range(NUM_LEVELS):
        resolution = int(BASE_RES * PER_LEVEL_SCALE ** level)
        scaled_x = x * resolution
        x_floor = jnp.floor(scaled_x).astype(jnp.int32)
        coords = x_floor % resolution
        # modular arithmetic keeps intermediates within int32 while matching
        # (c0 + c1*R + c2*R^2) % HASHMAP_SIZE computed in int64
        r2m = (resolution * resolution) % HASHMAP_SIZE
        hash_val = coords[..., 0] + coords[..., 1] * resolution + coords[..., 2] * r2m
        idx = hash_val % HASHMAP_SIZE
        corner_features = jnp.take(tables[level], idx, axis=0)
        features.append(corner_features)
    encoded = jnp.concatenate(features, axis=-1)
    return encoded

if __name__ == "__main__":
    import jax
    _d = setup_inputs()
    print(jax.jit(kernel)(*tuple(_d.values())))

</pallas_src>

<mosaic_0001>
#map = affine_map<(d0, d1) -> (0, 0, 0, 0)>
#map1 = affine_map<(d0, d1) -> (0)>
module attributes {stable_mosaic.version = 14 : i64} {
  func.func @_sc_body(%arg0: i32, %arg1: i32, %arg2: memref<3x512x4x128xf32, #tpu.memory_space<hbm>>, %arg3: memref<16777216xf32, #tpu.memory_space<hbm>>, %arg4: memref<8388608xf32, #tpu.memory_space<hbm>>, %arg5: memref<3x2x128xf32, #tpu.memory_space<vmem>>, %arg6: memref<3x2x128xf32, #tpu.memory_space<vmem>>, %arg7: memref<2560xi32, #tpu.memory_space<vmem>>, %arg8: memref<4096xi32, #tpu.memory_space<vmem>>, %arg9: memref<2560xi32, #tpu.memory_space<vmem>>, %arg10: memref<4096xi32, #tpu.memory_space<vmem>>, %arg11: memref<2560xf32, #tpu.memory_space<vmem>>, %arg12: memref<4096xf32, #tpu.memory_space<vmem>>, %arg13: memref<2560xf32, #tpu.memory_space<vmem>>, %arg14: memref<4096xf32, #tpu.memory_space<vmem>>, %arg15: memref<1536xf32, #tpu.memory_space<vmem>>, %arg16: memref<1536xf32, #tpu.memory_space<vmem>>, %arg17: memref<8192xf32, #tpu.memory_space<vmem>>, %arg18: memref<21504xf32, #tpu.memory_space<vmem>>, %arg19: memref<54016xf32, #tpu.memory_space<vmem>>, %arg20: memref<!tpu.dma_semaphore, #tpu.memory_space<semaphore_mem>>, %arg21: memref<!tpu.dma_semaphore, #tpu.memory_space<semaphore_mem>>, %arg22: memref<!tpu.dma_semaphore, #tpu.memory_space<semaphore_mem>>, %arg23: memref<!tpu.dma_semaphore, #tpu.memory_space<semaphore_mem>>) attributes {dimension_semantics = [#tpu.dimension_semantics<core_parallel>, #tpu.dimension_semantics<subcore_parallel>], iteration_bounds = array<i64: 2, 16>, scalar_prefetch = 0 : i64, scratch_operands = 19 : i64, tpu.core_type = #tpu.core_type<sc_vector_subcore>, window_params = [{transform_indices = #map}, {transform_indices = #map1}, {transform_indices = #map1}]} {
    %mul3A = arith.constant 2 : i32
    %mul3A_0 = arith.muli %arg1, %mul3A : i32
    %add3A = arith.addi %mul3A_0, %arg0 : i32
    %jit3A = arith.constant 8 : i32
    %div3A = arith.divsi %add3A, %jit3A : i32
    %sign3A = arith.constant 0 : i32
    %sign3A_1 = arith.cmpi sgt, %add3A, %sign3A : i32
    %sign3A_2 = arith.extui %sign3A_1 : i1 to i32
    %sign3A_3 = arith.constant 0 : i32
    %sign3A_4 = arith.cmpi slt, %add3A, %sign3A_3 : i32
    %sign3A_5 = arith.extui %sign3A_4 : i1 to i32
    %sign3A_6 = arith.subi %sign3A_2, %sign3A_5 : i32
    %sign3A_7 = arith.constant 0 : i32
    %sign3A_8 = arith.cmpi sgt, %jit3A, %sign3A_7 : i32
    %sign3A_9 = arith.extui %sign3A_8 : i1 to i32
    %sign3A_10 = arith.constant 0 : i32
    %sign3A_11 = arith.cmpi slt, %jit3A, %sign3A_10 : i32
    %sign3A_12 = arith.extui %sign3A_11 : i1 to i32
    %sign3A_13 = arith.subi %sign3A_9, %sign3A_12 : i32
    %ne3A = arith.cmpi ne, %sign3A_6, %sign3A_13 : i32
    %rem3A = arith.remsi %add3A, %jit3A : i32
    %ne3A_14 = arith.constant 0 : i32
    %ne3A_15 = arith.cmpi ne, %rem3A, %ne3A_14 : i32
    %and3A = arith.andi %ne3A, %ne3A_15 : i1
    %sub3A = arith.constant 1 : i32
    %sub3A_16 = arith.subi %div3A, %sub3A : i32
    %select_n3A = arith.select %and3A, %sub3A_16, %div3A : i32
    %jit3A_17 = arith.constant 8 : i32
    %eq3A = arith.constant 0 : i32
    %eq3A_18 = arith.cmpi eq, %jit3A_17, %eq3A : i32
    %jit3A_19 = arith.constant 1 : i32
    %select_n3A_20 = arith.select %eq3A_18, %jit3A_19, %jit3A_17 : i32
    %rem3A_21 = arith.remsi %add3A, %select_n3A_20 : i32
    %ne3A_22 = arith.constant 0 : i32
    %ne3A_23 = arith.cmpi ne, %rem3A_21, %ne3A_22 : i32
    %lt3A = arith.constant 0 : i32
    %lt3A_24 = arith.cmpi slt, %rem3A_21, %lt3A : i32
    %lt3A_25 = arith.constant 0 : i32
    %lt3A_26 = arith.cmpi slt, %select_n3A_20, %lt3A_25 : i32
    %ne3A_27 = arith.xori %lt3A_24, %lt3A_26 : i1
    %and3A_28 = arith.andi %ne3A_27, %ne3A_23 : i1
    %add3A_29 = arith.addi %rem3A_21, %select_n3A_20 : i32
    %select_n3A_30 = arith.select %and3A_28, %add3A_29, %rem3A_21 : i32
    %mul3A_31 = arith.constant 64 : i32
    %mul3A_32 = arith.muli %select_n3A_30, %mul3A_31 : i32
    %mul3A_33 = arith.constant 2097152 : i32
    %mul3A_34 = arith.muli %select_n3A, %mul3A_33 : i32
    "tpu.region"() ({
      %run_scoped3A = tpu.sem_alloc : memref<!tpu.dma_semaphore, #tpu.memory_space<semaphore_mem>>
      %dma_start3A = arith.constant 0 : i32
      %dma_start3A_79 = tpu.memref_slice %arg3[%dma_start3A] : memref<16777216xf32, #tpu.memory_space<hbm>> -> memref<8192xf32, #tpu.memory_space<hbm>>
      %dma_start3A_80 = arith.constant 0 : i32
      %dma_start3A_81 = tpu.memref_slice %arg3[%dma_start3A_80] : memref<16777216xf32, #tpu.memory_space<hbm>> -> memref<8192xf32, #tpu.memory_space<hbm>>
      tpu.enqueue_dma source(%dma_start3A_81 : memref<8192xf32, #tpu.memory_space<hbm>>) target(%arg17 : memref<8192xf32, #tpu.memory_space<vmem>>) target_semaphore(%run_scoped3A : memref<!tpu.dma_semaphore, #tpu.memory_space<semaphore_mem>>)
      %dma_wait3A_82 = arith.constant 0 : i32
      %dma_wait3A_83 = tpu.memref_slice %arg3[%dma_wait3A_82] : memref<16777216xf32, #tpu.memory_space<hbm>> -> memref<8192xf32, #tpu.memory_space<hbm>>
      %dma_wait3A_84 = arith.constant 0 : i32
      %dma_wait3A_85 = tpu.memref_slice %arg3[%dma_wait3A_84] : memref<16777216xf32, #tpu.memory_space<hbm>> -> memref<8192xf32, #tpu.memory_space<hbm>>
      tpu.wait_dma2 semaphore(%run_scoped3A : memref<!tpu.dma_semaphore, #tpu.memory_space<semaphore_mem>>) src(%dma_wait3A_85 : memref<8192xf32, #tpu.memory_space<hbm>>) dst(%arg17 : memref<8192xf32, #tpu.memory_space<vmem>>)
      tpu.yield
    }) : () -> ()
    "tpu.region"() ({
      %run_scoped3A = tpu.sem_alloc : memref<!tpu.dma_semaphore, #tpu.memory_space<semaphore_mem>>
      %dma_start3A = arith.constant 1048576 : i32
      %dma_start3A_79 = tpu.memref_slice %arg3[%dma_start3A] : memref<16777216xf32, #tpu.memory_space<hbm>> -> memref<21504xf32, #tpu.memory_space<hbm>>
      %dma_start3A_80 = arith.constant 1048576 : i32
      %dma_start3A_81 = tpu.memref_slice %arg3[%dma_start3A_80] : memref<16777216xf32, #tpu.memory_space<hbm>> -> memref<21504xf32, #tpu.memory_space<hbm>>
      tpu.enqueue_dma source(%dma_start3A_81 : memref<21504xf32, #tpu.memory_space<hbm>>) target(%arg18 : memref<21504xf32, #tpu.memory_space<vmem>>) target_semaphore(%run_scoped3A : memref<!tpu.dma_semaphore, #tpu.memory_space<semaphore_mem>>)
      %dma_wait3A_82 = arith.constant 1048576 : i32
      %dma_wait3A_83 = tpu.memref_slice %arg3[%dma_wait3A_82] : memref<16777216xf32, #tpu.memory_space<hbm>> -> memref<21504xf32, #tpu.memory_space<hbm>>
      %dma_wait3A_84 = arith.constant 1048576 : i32
      %dma_wait3A_85 = tpu.memref_slice %arg3[%dma_wait3A_84] : memref<16777216xf32, #tpu.memory_space<hbm>> -> memref<21504xf32, #tpu.memory_space<hbm>>
      tpu.wait_dma2 semaphore(%run_scoped3A : memref<!tpu.dma_semaphore, #tpu.memory_space<semaphore_mem>>) src(%dma_wait3A_85 : memref<21504xf32, #tpu.memory_space<hbm>>) dst(%arg18 : memref<21504xf32, #tpu.memory_space<vmem>>)
      tpu.yield
    }) : () -> ()
    "tpu.region"() ({
      %run_scoped3A = tpu.sem_alloc : memref<!tpu.dma_semaphore, #tpu.memory_space<semaphore_mem>>
      %dma_start3A = arith.constant 2097152 : i32
      %dma_start3A_79 = tpu.memref_slice %arg3[%dma_start3A] : memref<16777216xf32, #tpu.memory_space<hbm>> -> memref<54016xf32, #tpu.memory_space<hbm>>
      %dma_start3A_80 = arith.constant 2097152 : i32
      %dma_start3A_81 = tpu.memref_slice %arg3[%dma_start3A_80] : memref<16777216xf32, #tpu.memory_space<hbm>> -> memref<54016xf32, #tpu.memory_space<hbm>>
      tpu.enqueue_dma source(%dma_start3A_81 : memref<54016xf32, #tpu.memory_space<hbm>>) target(%arg19 : memref<54016xf32, #tpu.memory_space<vmem>>) target_semaphore(%run_scoped3A : memref<!tpu.dma_semaphore, #tpu.memory_space<semaphore_mem>>)
      %dma_wait3A_82 = arith.constant 2097152 : i32
      %dma_wait3A_83 = tpu.memref_slice %arg3[%dma_wait3A_82] : memref<16777216xf32, #tpu.memory_space<hbm>> -> memref<54016xf32, #tpu.memory_space<hbm>>
      %dma_wait3A_84 = arith.constant 2097152 : i32
      %dma_wait3A_85 = tpu.memref_slice %arg3[%dma_wait3A_84] : memref<16777216xf32, #tpu.memory_space<hbm>> -> memref<54016xf32, #tpu.memory_space<hbm>>
      tpu.wait_dma2 semaphore(%run_scoped3A : memref<!tpu.dma_semaphore, #tpu.memory_space<semaphore_mem>>) src(%dma_wait3A_85 : memref<54016xf32, #tpu.memory_space<hbm>>) dst(%arg19 : memref<54016xf32, #tpu.memory_space<vmem>>)
      tpu.yield
    }) : () -> ()
    %scan3A = arith.constant 0 : i32
    %scan3A_35 = arith.constant 0 : i32
    %scan3A_36 = arith.constant 32 : i32
    %scan3A_37 = arith.addi %scan3A_35, %scan3A_36 : i32
    %scan3A_38 = arith.constant 1 : i32
    %scan3A_39 = scf.for %scan3A_79 = %scan3A_35 to %scan3A_37 step %scan3A_38 iter_args(%scan3A_80 = %scan3A) -> (i32)  : i32 {
      %and3A_81 = arith.constant 1 : i32
      %and3A_82 = arith.andi %scan3A_79, %and3A_81 : i32
      %eq3A_83 = arith.constant 0 : i32
      %eq3A_84 = arith.cmpi eq, %and3A_82, %eq3A_83 : i32
      %convert_element_type3A = arith.extui %eq3A_84 : i1 to i32
      %cond3A = arith.constant 0 : i32
      %cond3A_85 = arith.cmpi ne, %convert_element_type3A, %cond3A : i32
      scf.if %cond3A_85 {
        %mul3A_94 = arith.constant 2 : i32
        %mul3A_95 = arith.muli %scan3A_79, %mul3A_94 : i32
        %add3A_96 = arith.addi %mul3A_32, %mul3A_95 : i32
        %run_scoped3A = arith.constant 0 : i32
        %run_scoped3A_97 = arith.constant 0 : i32
        "tpu.region"() ({
          %run_scoped3A_123 = tpu.sem_alloc : memref<!tpu.dma_semaphore, #tpu.memory_space<semaphore_mem>>
          %dma_start3A_124 = arith.constant 0 : i32
          %dma_start3A_125 = arith.constant 0 : i32
          %dma_start3A_126 = tpu.memref_slice %arg5[%run_scoped3A_97, %dma_start3A_124, %dma_start3A_125] : memref<3x2x128xf32, #tpu.memory_space<vmem>> -> memref<1x2x128xf32, #tpu.memory_space<vmem>>
          %dma_start3A_127 = tpu.memref_squeeze %dma_start3A_126 : memref<1x2x128xf32, #tpu.memory_space<vmem>> -> memref<2x128xf32, #tpu.memory_space<vmem>>
          %dma_start3A_128 = arith.constant 0 : i32
          %dma_start3A_129 = tpu.memref_slice %arg2[%run_scoped3A, %add3A_96, %select_n3A, %dma_start3A_128] : memref<3x512x4x128xf32, #tpu.memory_space<hbm>> -> memref<1x2x1x128xf32, #tpu.memory_space<hbm>>
          %dma_start3A_130 = tpu.memref_squeeze %dma_start3A_129 : memref<1x2x1x128xf32, #tpu.memory_space<hbm>> -> memref<2x128xf32, #tpu.memory_space<hbm>>
          %dma_start3A_131 = arith.constant 0 : i32
          %dma_start3A_132 = arith.constant 0 : i32
          %dma_start3A_133 = tpu.memref_slice %arg5[%run_scoped3A_97, %dma_start3A_131, %dma_start3A_132] : memref<3x2x128xf32, #tpu.memory_space<vmem>> -> memref<1x2x128xf32, #tpu.memory_space<vmem>>
          %dma_start3A_134 = tpu.memref_squeeze %dma_start3A_133 : memref<1x2x128xf32, #tpu.memory_space<vmem>> -> memref<2x128xf32, #tpu.memory_space<vmem>>
          %dma_start3A_135 = arith.constant 0 : i32
          %dma_start3A_136 = tpu.memref_slice %arg2[%run_scoped3A, %add3A_96, %select_n3A, %dma_start3A_135] : memref<3x512x4x128xf32, #tpu.memory_space<hbm>> -> memref<1x2x1x128xf32, #tpu.memory_space<hbm>>
          %dma_start3A_137 = tpu.memref_squeeze %dma_start3A_136 : memref<1x2x1x128xf32, #tpu.memory_space<hbm>> -> memref<2x128xf32, #tpu.memory_space<hbm>>
          tpu.enqueue_dma source(%dma_start3A_137 : memref<2x128xf32, #tpu.memory_space<hbm>>) target(%dma_start3A_134 : memref<2x128xf32, #tpu.memory_space<vmem>>) target_semaphore(%run_scoped3A_123 : memref<!tpu.dma_semaphore, #tpu.memory_space<semaphore_mem>>)
          %dma_wait3A_138 = arith.constant 0 : i32
          %dma_wait3A_139 = arith.constant 0 : i32
          %dma_wait3A_140 = tpu.memref_slice %arg5[%run_scoped3A_97, %dma_wait3A_138, %dma_wait3A_139] : memref<3x2x128xf32, #tpu.memory_space<vmem>> -> memref<1x2x128xf32, #tpu.memory_space<vmem>>
          %dma_wait3A_141 = tpu.memref_squeeze %dma_wait3A_140 : memref<1x2x128xf32, #tpu.memory_space<vmem>> -> memref<2x128xf32, #tpu.memory_space<vmem>>
          %dma_wait3A_142 = arith.constant 0 : i32
          %dma_wait3A_143 = tpu.memref_slice %arg2[%run_scoped3A, %add3A_96, %select_n3A, %dma_wait3A_142] : memref<3x512x4x128xf32, #tpu.memory_space<hbm>> -> memref<1x2x1x128xf32, #tpu.memory_space<hbm>>
          %dma_wait3A_144 = tpu.memref_squeeze %dma_wait3A_143 : memref<1x2x1x128xf32, #tpu.memory_space<hbm>> -> memref<2x128xf32, #tpu.memory_space<hbm>>
          %dma_wait3A_145 = arith.constant 0 : i32
          %dma_wait3A_146 = arith.constant 0 : i32
          %dma_wait3A_147 = tpu.memref_slice %arg5[%run_scoped3A_97, %dma_wait3A_145, %dma_wait3A_146] : memref<3x2x128xf32, #tpu.memory_space<vmem>> -> memref<1x2x128xf32, #tpu.memory_space<vmem>>
          %dma_wait3A_148 = tpu.memref_squeeze %dma_wait3A_147 : memref<1x2x128xf32, #tpu.memory_space<vmem>> -> memref<2x128xf32, #tpu.memory_space<vmem>>
          %dma_wait3A_149 = arith.constant 0 : i32
          %dma_wait3A_150 = tpu.memref_slice %arg2[%run_scoped3A, %add3A_96, %select_n3A, %dma_wait3A_149] : memref<3x512x4x128xf32, #tpu.memory_space<hbm>> -> memref<1x2x1x128xf32, #tpu.memory_space<hbm>>
          %dma_wait3A_151 = tpu.memref_squeeze %dma_wait3A_150 : memref<1x2x1x128xf32, #tpu.memory_space<hbm>> -> memref<2x128xf32, #tpu.memory_space<hbm>>
          tpu.wait_dma2 semaphore(%run_scoped3A_123 : memref<!tpu.dma_semaphore, #tpu.memory_space<semaphore_mem>>) src(%dma_wait3A_151 : memref<2x128xf32, #tpu.memory_space<hbm>>) dst(%dma_wait3A_148 : memref<2x128xf32, #tpu.memory_space<vmem>>)
          tpu.yield
        }) : () -> ()
        %run_scoped3A_98 = arith.constant 1 : i32
        %run_scoped3A_99 = arith.constant 1 : i32
        "tpu.region"() ({
          %run_scoped3A_123 = tpu.sem_alloc : memref<!tpu.dma_semaphore, #tpu.memory_space<semaphore_mem>>
          %dma_start3A_124 = arith.constant 0 : i32
          %dma_start3A_125 = arith.constant 0 : i32
          %dma_start3A_126 = tpu.memref_slice %arg5[%run_scoped3A_99, %dma_start3A_124, %dma_start3A_125] : memref<3x2x128xf32, #tpu.memory_space<vmem>> -> memref<1x2x128xf32, #tpu.memory_space<vmem>>
          %dma_start3A_127 = tpu.memref_squeeze %dma_start3A_126 : memref<1x2x128xf32, #tpu.memory_space<vmem>> -> memref<2x128xf32, #tpu.memory_space<vmem>>
          %dma_start3A_128 = arith.constant 0 : i32
          %dma_start3A_129 = tpu.memref_slice %arg2[%run_scoped3A_98, %add3A_96, %select_n3A, %dma_start3A_128] : memref<3x512x4x128xf32, #tpu.memory_space<hbm>> -> memref<1x2x1x128xf32, #tpu.memory_space<hbm>>
          %dma_start3A_130 = tpu.memref_squeeze %dma_start3A_129 : memref<1x2x1x128xf32, #tpu.memory_space<hbm>> -> memref<2x128xf32, #tpu.memory_space<hbm>>
          %dma_start3A_131 = arith.constant 0 : i32
          %dma_start3A_132 = arith.constant 0 : i32
          %dma_start3A_133 = tpu.memref_slice %arg5[%run_scoped3A_99, %dma_start3A_131, %dma_start3A_132] : memref<3x2x128xf32, #tpu.memory_space<vmem>> -> memref<1x2x128xf32, #tpu.memory_space<vmem>>
          %dma_start3A_134 = tpu.memref_squeeze %dma_start3A_133 : memref<1x2x128xf32, #tpu.memory_space<vmem>> -> memref<2x128xf32, #tpu.memory_space<vmem>>
          %dma_start3A_135 = arith.constant 0 : i32
          %dma_start3A_136 = tpu.memref_slice %arg2[%run_scoped3A_98, %add3A_96, %select_n3A, %dma_start3A_135] : memref<3x512x4x128xf32, #tpu.memory_space<hbm>> -> memref<1x2x1x128xf32, #tpu.memory_space<hbm>>
          %dma_start3A_137 = tpu.memref_squeeze %dma_start3A_136 : memref<1x2x1x128xf32, #tpu.memory_space<hbm>> -> memref<2x128xf32, #tpu.memory_space<hbm>>
          tpu.enqueue_dma source(%dma_start3A_137 : memref<2x128xf32, #tpu.memory_space<hbm>>) target(%dma_start3A_134 : memref<2x128xf32, #tpu.memory_space<vmem>>) target_semaphore(%run_scoped3A_123 : memref<!tpu.dma_semaphore, #tpu.memory_space<semaphore_mem>>)
          %dma_wait3A_138 = arith.constant 0 : i32
          %dma_wait3A_139 = arith.constant 0 : i32
          %dma_wait3A_140 = tpu.memref_slice %arg5[%run_scoped3A_99, %dma_wait3A_138, %dma_wait3A_139] : memref<3x2x128xf32, #tpu.memory_space<vmem>> -> memref<1x2x128xf32, #tpu.memory_space<vmem>>
          %dma_wait3A_141 = tpu.memref_squeeze %dma_wait3A_140 : memref<1x2x128xf32, #tpu.memory_space<vmem>> -> memref<2x128xf32, #tpu.memory_space<vmem>>
          %dma_wait3A_142 = arith.constant 0 : i32
          %dma_wait3A_143 = tpu.memref_slice %arg2[%run_scoped3A_98, %add3A_96, %select_n3A, %dma_wait3A_142] : memref<3x512x4x128xf32, #tpu.memory_space<hbm>> -> memref<1x2x1x128xf32, #tpu.memory_space<hbm>>
          %dma_wait3A_144 = tpu.memref_squeeze %dma_wait3A_143 : memref<1x2x1x128xf32, #tpu.memory_space<hbm>> -> memref<2x128xf32, #tpu.memory_space<hbm>>
          %dma_wait3A_145 = arith.constant 0 : i32
          %dma_wait3A_146 = arith.constant 0 : i32
          %dma_wait3A_147 = tpu.memref_slice %arg5[%run_scoped3A_99, %dma_wait3A_145, %dma_wait3A_146] : memref<3x2x128xf32, #tpu.memory_space<vmem>> -> memref<1x2x128xf32, #tpu.memory_space<vmem>>
          %dma_wait3A_148 = tpu.memref_squeeze %dma_wait3A_147 : memref<1x2x128xf32, #tpu.memory_space<vmem>> -> memref<2x128xf32, #tpu.memory_space<vmem>>
          %dma_wait3A_149 = arith.constant 0 : i32
          %dma_wait3A_150 = tpu.memref_slice %arg2[%run_scoped3A_98, %add3A_96, %select_n3A, %dma_wait3A_149] : memref<3x512x4x128xf32, #tpu.memory_space<hbm>> -> memref<1x2x1x128xf32, #tpu.memory_space<hbm>>
          %dma_wait3A_151 = tpu.memref_squeeze %dma_wait3A_150 : memref<1x2x1x128xf32, #tpu.memory_space<hbm>> -> memref<2x128xf32, #tpu.memory_space<hbm>>
          tpu.wait_dma2 semaphore(%run_scoped3A_123 : memref<!tpu.dma_semaphore, #tpu.memory_space<semaphore_mem>>) src(%dma_wait3A_151 : memref<2x128xf32, #tpu.memory_space<hbm>>) dst(%dma_wait3A_148 : memref<2x128xf32, #tpu.memory_space<vmem>>)
          tpu.yield
        }) : () -> ()
        %run_scoped3A_100 = arith.constant 2 : i32
        %run_scoped3A_101 = arith.constant 2 : i32
        "tpu.region"() ({
          %run_scoped3A_123 = tpu.sem_alloc : memref<!tpu.dma_semaphore, #tpu.memory_space<semaphore_mem>>
          %dma_start3A_124 = arith.constant 0 : i32
          %dma_start3A_125 = arith.constant 0 : i32
          %dma_start3A_126 = tpu.memref_slice %arg5[%run_scoped3A_101, %dma_start3A_124, %dma_start3A_125] : memref<3x2x128xf32, #tpu.memory_space<vmem>> -> memref<1x2x128xf32, #tpu.memory_space<vmem>>
          %dma_start3A_127 = tpu.memref_squeeze %dma_start3A_126 : memref<1x2x128xf32, #tpu.memory_space<vmem>> -> memref<2x128xf32, #tpu.memory_space<vmem>>
          %dma_start3A_128 = arith.constant 0 : i32
          %dma_start3A_129 = tpu.memref_slice %arg2[%run_scoped3A_100, %add3A_96, %select_n3A, %dma_start3A_128] : memref<3x512x4x128xf32, #tpu.memory_space<hbm>> -> memref<1x2x1x128xf32, #tpu.memory_space<hbm>>
          %dma_start3A_130 = tpu.memref_squeeze %dma_start3A_129 : memref<1x2x1x128xf32, #tpu.memory_space<hbm>> -> memref<2x128xf32, #tpu.memory_space<hbm>>
          %dma_start3A_131 = arith.constant 0 : i32
          %dma_start3A_132 = arith.constant 0 : i32
          %dma_start3A_133 = tpu.memref_slice %arg5[%run_scoped3A_101, %dma_start3A_131, %dma_start3A_132] : memref<3x2x128xf32, #tpu.memory_space<vmem>> -> memref<1x2x128xf32, #tpu.memory_space<vmem>>
          %dma_start3A_134 = tpu.memref_squeeze %dma_start3A_133 : memref<1x2x128xf32, #tpu.memory_space<vmem>> -> memref<2x128xf32, #tpu.memory_space<vmem>>
          %dma_start3A_135 = arith.constant 0 : i32
          %dma_start3A_136 = tpu.memref_slice %arg2[%run_scoped3A_100, %add3A_96, %select_n3A, %dma_start3A_135] : memref<3x512x4x128xf32, #tpu.memory_space<hbm>> -> memref<1x2x1x128xf32, #tpu.memory_space<hbm>>
          %dma_start3A_137 = tpu.memref_squeeze %dma_start3A_136 : memref<1x2x1x128xf32, #tpu.memory_space<hbm>> -> memref<2x128xf32, #tpu.memory_space<hbm>>
          tpu.enqueue_dma source(%dma_start3A_137 : memref<2x128xf32, #tpu.memory_space<hbm>>) target(%dma_start3A_134 : memref<2x128xf32, #tpu.memory_space<vmem>>) target_semaphore(%run_scoped3A_123 : memref<!tpu.dma_semaphore, #tpu.memory_space<semaphore_mem>>)
          %dma_wait3A_138 = arith.constant 0 : i32
          %dma_wait3A_139 = arith.constant 0 : i32
          %dma_wait3A_140 = tpu.memref_slice %arg5[%run_scoped3A_101, %dma_wait3A_138, %dma_wait3A_139] : memref<3x2x128xf32, #tpu.memory_space<vmem>> -> memref<1x2x128xf32, #tpu.memory_space<vmem>>
          %dma_wait3A_141 = tpu.memref_squeeze %dma_wait3A_140 : memref<1x2x128xf32, #tpu.memory_space<vmem>> -> memref<2x128xf32, #tpu.memory_space<vmem>>
          %dma_wait3A_142 = arith.constant 0 : i32
          %dma_wait3A_143 = tpu.memref_slice %arg2[%run_scoped3A_100, %add3A_96, %select_n3A, %dma_wait3A_142] : memref<3x512x4x128xf32, #tpu.memory_space<hbm>> -> memref<1x2x1x128xf32, #tpu.memory_space<hbm>>
          %dma_wait3A_144 = tpu.memref_squeeze %dma_wait3A_143 : memref<1x2x1x128xf32, #tpu.memory_space<hbm>> -> memref<2x128xf32, #tpu.memory_space<hbm>>
          %dma_wait3A_145 = arith.constant 0 : i32
          %dma_wait3A_146 = arith.constant 0 : i32
          %dma_wait3A_147 = tpu.memref_slice %arg5[%run_scoped3A_101, %dma_wait3A_145, %dma_wait3A_146] : memref<3x2x128xf32, #tpu.memory_space<vmem>> -> memref<1x2x128xf32, #tpu.memory_space<vmem>>
          %dma_wait3A_148 = tpu.memref_squeeze %dma_wait3A_147 : memref<1x2x128xf32, #tpu.memory_space<vmem>> -> memref<2x128xf32, #tpu.memory_space<vmem>>
          %dma_wait3A_149 = arith.constant 0 : i32
          %dma_wait3A_150 = tpu.memref_slice %arg2[%run_scoped3A_100, %add3A_96, %select_n3A, %dma_wait3A_149] : memref<3x512x4x128xf32, #tpu.memory_space<hbm>> -> memref<1x2x1x128xf32, #tpu.memory_space<hbm>>
          %dma_wait3A_151 = tpu.memref_squeeze %dma_wait3A_150 : memref<1x2x1x128xf32, #tpu.memory_space<hbm>> -> memref<2x128xf32, #tpu.memory_space<hbm>>
          tpu.wait_dma2 semaphore(%run_scoped3A_123 : memref<!tpu.dma_semaphore, #tpu.memory_space<semaphore_mem>>) src(%dma_wait3A_151 : memref<2x128xf32, #tpu.memory_space<hbm>>) dst(%dma_wait3A_148 : memref<2x128xf32, #tpu.memory_space<vmem>>)
          tpu.yield
        }) : () -> ()
        %scan3A_102 = arith.constant 0 : i32
        %scan3A_103 = arith.constant 0 : i32
        %scan3A_104 = arith.constant 8 : i32
        %scan3A_105 = arith.addi %scan3A_103, %scan3A_104 : i32
        %scan3A_106 = arith.constant 1 : i32
        %scan3A_107 = scf.for %scan3A_123 = %scan3A_103 to %scan3A_105 step %scan3A_106 iter_args(%scan3A_124 = %scan3A_102) -> (i32)  : i32 {
          %mul3A_125 = arith.constant 16 : i32
          %mul3A_126 = arith.muli %scan3A_123, %mul3A_125 : i32
          %get3A = arith.constant 0 : i32
          %get3A_127 = arith.constant 0 : i32
          %get3A_128 = arith.index_cast %get3A : i32 to index
          %get3A_129 = arith.index_cast %get3A_127 : i32 to index
          %get3A_130 = arith.index_cast %mul3A_126 : i32 to index
          %get3A_131 = tpu.vector_load %arg5[%get3A_128, %get3A_129, %get3A_130] {strides = array<i32>} : memref<3x2x128xf32, #tpu.memory_space<vmem>>, vector<16xf32>,
          %get3A_132 = arith.constant 1 : i32
          %get3A_133 = arith.constant 0 : i32
          %get3A_134 = arith.index_cast %get3A_132 : i32 to index
          %get3A_135 = arith.index_cast %get3A_133 : i32 to index
          %get3A_136 = arith.index_cast %mul3A_126 : i32 to index
          %get3A_137 = tpu.vector_load %arg5[%get3A_134, %get3A_135, %get3A_136] {strides = array<i32>} : memref<3x2x128xf32, #tpu.memory_space<vmem>>, vector<16xf32>,
          %get3A_138 = arith.constant 2 : i32
          %get3A_139 = arith.constant 0 : i32
          %get3A_140 = arith.index_cast %get3A_138 : i32 to index
          %get3A_141 = arith.index_cast %get3A_139 : i32 to index
          %get3A_142 = arith.index_cast %mul3A_126 : i32 to index
          %get3A_143 = tpu.vector_load %arg5[%get3A_140, %get3A_141, %get3A_142] {strides = array<i32>} : memref<3x2x128xf32, #tpu.memory_space<vmem>>, vector<16xf32>,
          %mul3A_144 = arith.constant 1.600000e+01 : f32
          %mul3A_145 = vector.broadcast %mul3A_144 : f32 to vector<16xf32>
          %mul3A_146 = arith.mulf %get3A_131, %mul3A_145 : vector<16xf32>
          %convert_element_type3A_147 = arith.fptosi %mul3A_146 : vector<16xf32> to vector<16xi32>
          %mul3A_148 = arith.constant 1.600000e+01 : f32
          %mul3A_149 = vector.broadcast %mul3A_148 : f32 to vector<16xf32>
          %mul3A_150 = arith.mulf %get3A_137, %mul3A_149 : vector<16xf32>
          %convert_element_type3A_151 = arith.fptosi %mul3A_150 : vector<16xf32> to vector<16xi32>
          %mul3A_152 = arith.constant 1.600000e+01 : f32
          %mul3A_153 = vector.broadcast %mul3A_152 : f32 to vector<16xf32>
          %mul3A_154 = arith.mulf %get3A_143, %mul3A_153 : vector<16xf32>
          %convert_element_type3A_155 = arith.fptosi %mul3A_154 : vector<16xf32> to vector<16xi32>
          %ge3A = arith.constant 16 : i32
          %ge3A_156 = vector.broadcast %ge3A : i32 to vector<16xi32>
          %ge3A_157 = arith.cmpi sge, %convert_element_type3A_147, %ge3A_156 : vector<16xi32>
          %sub3A_158 = arith.constant 16 : i32
          %sub3A_159 = vector.broadcast %sub3A_158 : i32 to vector<16xi32>
          %sub3A_160 = arith.subi %convert_element_type3A_147, %sub3A_159 : vector<16xi32>
          %select_n3A_161 = arith.select %ge3A_157, %sub3A_160, %convert_element_type3A_147 : vector<16xi1>, vector<16xi32>
          %ge3A_162 = arith.constant 16 : i32
          %ge3A_163 = vector.broadcast %ge3A_162 : i32 to vector<16xi32>
          %ge3A_164 = arith.cmpi sge, %convert_element_type3A_151, %ge3A_163 : vector<16xi32>
          %sub3A_165 = arith.constant 16 : i32
          %sub3A_166 = vector.broadcast %sub3A_165 : i32 to vector<16xi32>
          %sub3A_167 = arith.subi %convert_element_type3A_151, %sub3A_166 : vector<16xi32>
          %select_n3A_168 = arith.select %ge3A_164, %sub3A_167, %convert_element_type3A_151 : vector<16xi1>, vector<16xi32>
          %ge3A_169 = arith.constant 16 : i32
          %ge3A_170 = vector.broadcast %ge3A_169 : i32 to vector<16xi32>
          %ge3A_171 = arith.cmpi sge, %convert_element_type3A_155, %ge3A_170 : vector<16xi32>
          %sub3A_172 = arith.constant 16 : i32
          %sub3A_173 = vector.broadcast %sub3A_172 : i32 to vector<16xi32>
          %sub3A_174 = arith.subi %convert_element_type3A_155, %sub3A_173 : vector<16xi32>
          %select_n3A_175 = arith.select %ge3A_171, %sub3A_174, %convert_element_type3A_155 : vector<16xi1>, vector<16xi32>
          %mul3A_176 = arith.constant 16 : i32
          %mul3A_177 = vector.broadcast %mul3A_176 : i32 to vector<16xi32>
          %mul3A_178 = arith.muli %select_n3A_168, %mul3A_177 : vector<16xi32>
          %add3A_179 = arith.addi %select_n3A_161, %mul3A_178 : vector<16xi32>
          %mul3A_180 = arith.constant 256 : i32
          %mul3A_181 = vector.broadcast %mul3A_180 : i32 to vector<16xi32>
          %mul3A_182 = arith.muli %select_n3A_175, %mul3A_181 : vector<16xi32>
          %add3A_183 = arith.addi %add3A_179, %mul3A_182 : vector<16xi32>
          %shift_right_arithmetic3A = arith.constant 7 : i32
          %shift_right_arithmetic3A_184 = vector.broadcast %shift_right_arithmetic3A : i32 to vector<16xi32>
          %shift_right_arithmetic3A_185 = arith.shrsi %add3A_183, %shift_right_arithmetic3A_184 : vector<16xi32>
          %shift_left3A = arith.constant 8 : i32
          %shift_left3A_186 = vector.broadcast %shift_left3A : i32 to vector<16xi32>
          %shift_left3A_187 = arith.shli %shift_right_arithmetic3A_185, %shift_left3A_186 : vector<16xi32>
          %and3A_188 = arith.constant 127 : i32
          %and3A_189 = vector.broadcast %and3A_188 : i32 to vector<16xi32>
          %and3A_190 = arith.andi %add3A_183, %and3A_189 : vector<16xi32>
          %or3A = arith.ori %shift_left3A_187, %and3A_190 : vector<16xi32>
          %or3A_191 = arith.constant 128 : i32
          %or3A_192 = vector.broadcast %or3A_191 : i32 to vector<16xi32>
          %or3A_193 = arith.ori %or3A, %or3A_192 : vector<16xi32>
          %gather3A = tpu.vector_load_idx %arg17[%or3A] : memref<8192xf32, #tpu.memory_space<vmem>>[vector<16xi32>], vector<16xf32>,
          %gather3A_194 = tpu.vector_load_idx %arg17[%or3A_193] : memref<8192xf32, #tpu.memory_space<vmem>>[vector<16xi32>], vector<16xf32>,
          %mul3A_195 = arith.constant 16 : i32
          %mul3A_196 = arith.muli %scan3A_123, %mul3A_195 : i32
          %add3A_197 = arith.constant 0 : i32
          %add3A_198 = arith.addi %add3A_197, %mul3A_196 : i32
          %swap3A = arith.index_cast %add3A_198 : i32 to index
          %swap3A_199 = tpu.vector_load %arg15[%swap3A] {strides = array<i32>} : memref<1536xf32, #tpu.memory_space<vmem>>, vector<16xf32>,
          tpu.vector_store %arg15[%swap3A], %gather3A {strides = array<i32>} : memref<1536xf32, #tpu.memory_space<vmem>>, vector<16xf32>,
          %add3A_200 = arith.constant 128 : i32
          %add3A_201 = arith.addi %add3A_198, %add3A_200 : i32
          %swap3A_202 = arith.index_cast %add3A_201 : i32 to index
          %swap3A_203 = tpu.vector_load %arg15[%swap3A_202] {strides = array<i32>} : memref<1536xf32, #tpu.memory_space<vmem>>, vector<16xf32>,
          tpu.vector_store %arg15[%swap3A_202], %gather3A_194 {strides = array<i32>} : memref<1536xf32, #tpu.memory_space<vmem>>, vector<16xf32>,
          %mul3A_204 = arith.constant 2.200000e+01 : f32
          %mul3A_205 = vector.broadcast %mul3A_204 : f32 to vector<16xf32>
          %mul3A_206 = arith.mulf %get3A_131, %mul3A_205 : vector<16xf32>
          %convert_element_type3A_207 = arith.fptosi %mul3A_206 : vector<16xf32> to vector<16xi32>
          %mul3A_208 = arith.constant 2.200000e+01 : f32
          %mul3A_209 = vector.broadcast %mul3A_208 : f32 to vector<16xf32>
          %mul3A_210 = arith.mulf %get3A_137, %mul3A_209 : vector<16xf32>
          %convert_element_type3A_211 = arith.fptosi %mul3A_210 : vector<16xf32> to vector<16xi32>
          %mul3A_212 = arith.constant 2.200000e+01 : f32
          %mul3A_213 = vector.broadcast %mul3A_212 : f32 to vector<16xf32>
          %mul3A_214 = arith.mulf %get3A_143, %mul3A_213 : vector<16xf32>
          %convert_element_type3A_215 = arith.fptosi %mul3A_214 : vector<16xf32> to vector<16xi32>
          %ge3A_216 = arith.constant 22 : i32
          %ge3A_217 = vector.broadcast %ge3A_216 : i32 to vector<16xi32>
          %ge3A_218 = arith.cmpi sge, %convert_element_type3A_207, %ge3A_217 : vector<16xi32>
          %sub3A_219 = arith.constant 22 : i32
          %sub3A_220 = vector.broadcast %sub3A_219 : i32 to vector<16xi32>
          %sub3A_221 = arith.subi %convert_element_type3A_207, %sub3A_220 : vector<16xi32>
          %select_n3A_222 = arith.select %ge3A_218, %sub3A_221, %convert_element_type3A_207 : vector<16xi1>, vector<16xi32>
          %ge3A_223 = arith.constant 22 : i32
          %ge3A_224 = vector.broadcast %ge3A_223 : i32 to vector<16xi32>
          %ge3A_225 = arith.cmpi sge, %convert_element_type3A_211, %ge3A_224 : vector<16xi32>
          %sub3A_226 = arith.constant 22 : i32
          %sub3A_227 = vector.broadcast %sub3A_226 : i32 to vector<16xi32>
          %sub3A_228 = arith.subi %convert_element_type3A_211, %sub3A_227 : vector<16xi32>
          %select_n3A_229 = arith.select %ge3A_225, %sub3A_228, %convert_element_type3A_211 : vector<16xi1>, vector<16xi32>
          %ge3A_230 = arith.constant 22 : i32
          %ge3A_231 = vector.broadcast %ge3A_230 : i32 to vector<16xi32>
          %ge3A_232 = arith.cmpi sge, %convert_element_type3A_215, %ge3A_231 : vector<16xi32>
          %sub3A_233 = arith.constant 22 : i32
          %sub3A_234 = vector.broadcast %sub3A_233 : i32 to vector<16xi32>
          %sub3A_235 = arith.subi %convert_element_type3A_215, %sub3A_234 : vector<16xi32>
          %select_n3A_236 = arith.select %ge3A_232, %sub3A_235, %convert_element_type3A_215 : vector<16xi1>, vector<16xi32>
          %mul3A_237 = arith.constant 22 : i32
          %mul3A_238 = vector.broadcast %mul3A_237 : i32 to vector<16xi32>
          %mul3A_239 = arith.muli %select_n3A_229, %mul3A_238 : vector<16xi32>
          %add3A_240 = arith.addi %select_n3A_222, %mul3A_239 : vector<16xi32>
          %mul3A_241 = arith.constant 484 : i32
          %mul3A_242 = vector.broadcast %mul3A_241 : i32 to vector<16xi32>
          %mul3A_243 = arith.muli %select_n3A_236, %mul3A_242 : vector<16xi32>
          %add3A_244 = arith.addi %add3A_240, %mul3A_243 : vector<16xi32>
          %shift_right_arithmetic3A_245 = arith.constant 7 : i32
          %shift_right_arithmetic3A_246 = vector.broadcast %shift_right_arithmetic3A_245 : i32 to vector<16xi32>
          %shift_right_arithmetic3A_247 = arith.shrsi %add3A_244, %shift_right_arithmetic3A_246 : vector<16xi32>
          %shift_left3A_248 = arith.constant 8 : i32
          %shift_left3A_249 = vector.broadcast %shift_left3A_248 : i32 to vector<16xi32>
          %shift_left3A_250 = arith.shli %shift_right_arithmetic3A_247, %shift_left3A_249 : vector<16xi32>
          %and3A_251 = arith.constant 127 : i32
          %and3A_252 = vector.broadcast %and3A_251 : i32 to vector<16xi32>
          %and3A_253 = arith.andi %add3A_244, %and3A_252 : vector<16xi32>
          %or3A_254 = arith.ori %shift_left3A_250, %and3A_253 : vector<16xi32>
          %or3A_255 = arith.constant 128 : i32
          %or3A_256 = vector.broadcast %or3A_255 : i32 to vector<16xi32>
          %or3A_257 = arith.ori %or3A_254, %or3A_256 : vector<16xi32>
          %gather3A_258 = tpu.vector_load_idx %arg18[%or3A_254] : memref<21504xf32, #tpu.memory_space<vmem>>[vector<16xi32>], vector<16xf32>,
          %gather3A_259 = tpu.vector_load_idx %arg18[%or3A_257] : memref<21504xf32, #tpu.memory_space<vmem>>[vector<16xi32>], vector<16xf32>,
          %mul3A_260 = arith.constant 16 : i32
          %mul3A_261 = arith.muli %scan3A_123, %mul3A_260 : i32
          %add3A_262 = arith.constant 256 : i32
          %add3A_263 = arith.addi %add3A_262, %mul3A_261 : i32
          %swap3A_264 = arith.index_cast %add3A_263 : i32 to index
          %swap3A_265 = tpu.vector_load %arg15[%swap3A_264] {strides = array<i32>} : memref<1536xf32, #tpu.memory_space<vmem>>, vector<16xf32>,
          tpu.vector_store %arg15[%swap3A_264], %gather3A_258 {strides = array<i32>} : memref<1536xf32, #tpu.memory_space<vmem>>, vector<16xf32>,
          %add3A_266 = arith.constant 128 : i32
          %add3A_267 = arith.addi %add3A_263, %add3A_266 : i32
          %swap3A_268 = arith.index_cast %add3A_267 : i32 to index
          %swap3A_269 = tpu.vector_load %arg15[%swap3A_268] {strides = array<i32>} : memref<1536xf32, #tpu.memory_space<vmem>>, vector<16xf32>,
          tpu.vector_store %arg15[%swap3A_268], %gather3A_259 {strides = array<i32>} : memref<1536xf32, #tpu.memory_space<vmem>>, vector<16xf32>,
          %mul3A_270 = arith.constant 3.000000e+01 : f32
          %mul3A_271 = vector.broadcast %mul3A_270 : f32 to vector<16xf32>
          %mul3A_272 = arith.mulf %get3A_131, %mul3A_271 : vector<16xf32>
          %convert_element_type3A_273 = arith.fptosi %mul3A_272 : vector<16xf32> to vector<16xi32>
          %mul3A_274 = arith.constant 3.000000e+01 : f32
          %mul3A_275 = vector.broadcast %mul3A_274 : f32 to vector<16xf32>
          %mul3A_276 = arith.mulf %get3A_137, %mul3A_275 : vector<16xf32>
          %convert_element_type3A_277 = arith.fptosi %mul3A_276 : vector<16xf32> to vector<16xi32>
          %mul3A_278 = arith.constant 3.000000e+01 : f32
          %mul3A_279 = vector.broadcast %mul3A_278 : f32 to vector<16xf32>
          %mul3A_280 = arith.mulf %get3A_143, %mul3A_279 : vector<16xf32>
          %convert_element_type3A_281 = arith.fptosi %mul3A_280 : vector<16xf32> to vector<16xi32>
          %ge3A_282 = arith.constant 30 : i32
          %ge3A_283 = vector.broadcast %ge3A_282 : i32 to vector<16xi32>
          %ge3A_284 = arith.cmpi sge, %convert_element_type3A_273, %ge3A_283 : vector<16xi32>
          %sub3A_285 = arith.constant 30 : i32
          %sub3A_286 = vector.broadcast %sub3A_285 : i32 to vector<16xi32>
          %sub3A_287 = arith.subi %convert_element_type3A_273, %sub3A_286 : vector<16xi32>
          %select_n3A_288 = arith.select %ge3A_284, %sub3A_287, %convert_element_type3A_273 : vector<16xi1>, vector<16xi32>
          %ge3A_289 = arith.constant 30 : i32
          %ge3A_290 = vector.broadcast %ge3A_289 : i32 to vector<16xi32>
          %ge3A_291 = arith.cmpi sge, %convert_element_type3A_277, %ge3A_290 : vector<16xi32>
          %sub3A_292 = arith.constant 30 : i32
          %sub3A_293 = vector.broadcast %sub3A_292 : i32 to vector<16xi32>
          %sub3A_294 = arith.subi %convert_element_type3A_277, %sub3A_293 : vector<16xi32>
          %select_n3A_295 = arith.select %ge3A_291, %sub3A_294, %convert_element_type3A_277 : vector<16xi1>, vector<16xi32>
          %ge3A_296 = arith.constant 30 : i32
          %ge3A_297 = vector.broadcast %ge3A_296 : i32 to vector<16xi32>
          %ge3A_298 = arith.cmpi sge, %convert_element_type3A_281, %ge3A_297 : vector<16xi32>
          %sub3A_299 = arith.constant 30 : i32
          %sub3A_300 = vector.broadcast %sub3A_299 : i32 to vector<16xi32>
          %sub3A_301 = arith.subi %convert_element_type3A_281, %sub3A_300 : vector<16xi32>
          %select_n3A_302 = arith.select %ge3A_298, %sub3A_301, %convert_element_type3A_281 : vector<16xi1>, vector<16xi32>
          %mul3A_303 = arith.constant 30 : i32
          %mul3A_304 = vector.broadcast %mul3A_303 : i32 to vector<16xi32>
          %mul3A_305 = arith.muli %select_n3A_295, %mul3A_304 : vector<16xi32>
          %add3A_306 = arith.addi %select_n3A_288, %mul3A_305 : vector<16xi32>
          %mul3A_307 = arith.constant 900 : i32
          %mul3A_308 = vector.broadcast %mul3A_307 : i32 to vector<16xi32>
          %mul3A_309 = arith.muli %select_n3A_302, %mul3A_308 : vector<16xi32>
          %add3A_310 = arith.addi %add3A_306, %mul3A_309 : vector<16xi32>
          %shift_right_arithmetic3A_311 = arith.constant 7 : i32
          %shift_right_arithmetic3A_312 = vector.broadcast %shift_right_arithmetic3A_311 : i32 to vector<16xi32>
          %shift_right_arithmetic3A_313 = arith.shrsi %add3A_310, %shift_right_arithmetic3A_312 : vector<16xi32>
          %shift_left3A_314 = arith.constant 8 : i32
          %shift_left3A_315 = vector.broadcast %shift_left3A_314 : i32 to vector<16xi32>
          %shift_left3A_316 = arith.shli %shift_right_arithmetic3A_313, %shift_left3A_315 : vector<16xi32>
          %and3A_317 = arith.constant 127 : i32
          %and3A_318 = vector.broadcast %and3A_317 : i32 to vector<16xi32>
          %and3A_319 = arith.andi %add3A_310, %and3A_318 : vector<16xi32>
          %or3A_320 = arith.ori %shift_left3A_316, %and3A_319 : vector<16xi32>
          %or3A_321 = arith.constant 128 : i32
          %or3A_322 = vector.broadcast %or3A_321 : i32 to vector<16xi32>
          %or3A_323 = arith.ori %or3A_320, %or3A_322 : vector<16xi32>
          %gather3A_324 = tpu.vector_load_idx %arg19[%or3A_320] : memref<54016xf32, #tpu.memory_space<vmem>>[vector<16xi32>], vector<16xf32>,
          %gather3A_325 = tpu.vector_load_idx %arg19[%or3A_323] : memref<54016xf32, #tpu.memory_space<vmem>>[vector<16xi32>], vector<16xf32>,
          %mul3A_326 = arith.constant 16 : i32
          %mul3A_327 = arith.muli %scan3A_123, %mul3A_326 : i32
          %add3A_328 = arith.constant 512 : i32
          %add3A_329 = arith.addi %add3A_328, %mul3A_327 : i32
          %swap3A_330 = arith.index_cast %add3A_329 : i32 to index
          %swap3A_331 = tpu.vector_load %arg15[%swap3A_330] {strides = array<i32>} : memref<1536xf32, #tpu.memory_space<vmem>>, vector<16xf32>,
          tpu.vector_store %arg15[%swap3A_330], %gather3A_324 {strides = array<i32>} : memref<1536xf32, #tpu.memory_space<vmem>>, vector<16xf32>,
          %add3A_332 = arith.constant 128 : i32
          %add3A_333 = arith.addi %add3A_329, %add3A_332 : i32
          %swap3A_334 = arith.index_cast %add3A_333 : i32 to index
          %swap3A_335 = tpu.vector_load %arg15[%swap3A_334] {strides = array<i32>} : memref<1536xf32, #tpu.memory_space<vmem>>, vector<16xf32>,
          tpu.vector_store %arg15[%swap3A_334], %gather3A_325 {strides = array<i32>} : memref<1536xf32, #tpu.memory_space<vmem>>, vector<16xf32>,
          %mul3A_336 = arith.constant 4.200000e+01 : f32
          %mul3A_337 = vector.broadcast %mul3A_336 : f32 to vector<16xf32>
          %mul3A_338 = arith.mulf %get3A_131, %mul3A_337 : vector<16xf32>
          %convert_element_type3A_339 = arith.fptosi %mul3A_338 : vector<16xf32> to vector<16xi32>
          %mul3A_340 = arith.constant 4.200000e+01 : f32
          %mul3A_341 = vector.broadcast %mul3A_340 : f32 to vector<16xf32>
          %mul3A_342 = arith.mulf %get3A_137, %mul3A_341 : vector<16xf32>
          %convert_element_type3A_343 = arith.fptosi %mul3A_342 : vector<16xf32> to vector<16xi32>
          %mul3A_344 = arith.constant 4.200000e+01 : f32
          %mul3A_345 = vector.broadcast %mul3A_344 : f32 to vector<16xf32>
          %mul3A_346 = arith.mulf %get3A_143, %mul3A_345 : vector<16xf32>
          %convert_element_type3A_347 = arith.fptosi %mul3A_346 : vector<16xf32> to vector<16xi32>
          %ge3A_348 = arith.constant 42 : i32
          %ge3A_349 = vector.broadcast %ge3A_348 : i32 to vector<16xi32>
          %ge3A_350 = arith.cmpi sge, %convert_element_type3A_339, %ge3A_349 : vector<16xi32>
          %sub3A_351 = arith.constant 42 : i32
          %sub3A_352 = vector.broadcast %sub3A_351 : i32 to vector<16xi32>
          %sub3A_353 = arith.subi %convert_element_type3A_339, %sub3A_352 : vector<16xi32>
          %select_n3A_354 = arith.select %ge3A_350, %sub3A_353, %convert_element_type3A_339 : vector<16xi1>, vector<16xi32>
          %ge3A_355 = arith.constant 42 : i32
          %ge3A_356 = vector.broadcast %ge3A_355 : i32 to vector<16xi32>
          %ge3A_357 = arith.cmpi sge, %convert_element_type3A_343, %ge3A_356 : vector<16xi32>
          %sub3A_358 = arith.constant 42 : i32
          %sub3A_359 = vector.broadcast %sub3A_358 : i32 to vector<16xi32>
          %sub3A_360 = arith.subi %convert_element_type3A_343, %sub3A_359 : vector<16xi32>
          %select_n3A_361 = arith.select %ge3A_357, %sub3A_360, %convert_element_type3A_343 : vector<16xi1>, vector<16xi32>
          %ge3A_362 = arith.constant 42 : i32
          %ge3A_363 = vector.broadcast %ge3A_362 : i32 to vector<16xi32>
          %ge3A_364 = arith.cmpi sge, %convert_element_type3A_347, %ge3A_363 : vector<16xi32>
          %sub3A_365 = arith.constant 42 : i32
          %sub3A_366 = vector.broadcast %sub3A_365 : i32 to vector<16xi32>
          %sub3A_367 = arith.subi %convert_element_type3A_347, %sub3A_366 : vector<16xi32>
          %select_n3A_368 = arith.select %ge3A_364, %sub3A_367, %convert_element_type3A_347 : vector<16xi1>, vector<16xi32>
          %mul3A_369 = arith.constant 42 : i32
          %mul3A_370 = vector.broadcast %mul3A_369 : i32 to vector<16xi32>
          %mul3A_371 = arith.muli %select_n3A_361, %mul3A_370 : vector<16xi32>
          %add3A_372 = arith.addi %select_n3A_354, %mul3A_371 : vector<16xi32>
          %mul3A_373 = arith.constant 1764 : i32
          %mul3A_374 = vector.broadcast %mul3A_373 : i32 to vector<16xi32>
          %mul3A_375 = arith.muli %select_n3A_368, %mul3A_374 : vector<16xi32>
          %add3A_376 = arith.addi %add3A_372, %mul3A_375 : vector<16xi32>
          %and3A_377 = arith.constant 524287 : i32
          %and3A_378 = vector.broadcast %and3A_377 : i32 to vector<16xi32>
          %and3A_379 = arith.andi %add3A_376, %and3A_378 : vector<16xi32>
          %or3A_380 = arith.constant 1572864 : i32
          %or3A_381 = vector.broadcast %or3A_380 : i32 to vector<16xi32>
          %or3A_382 = arith.ori %and3A_379, %or3A_381 : vector<16xi32>
          %shift_right_arithmetic3A_383 = arith.constant 7 : i32
          %shift_right_arithmetic3A_384 = vector.broadcast %shift_right_arithmetic3A_383 : i32 to vector<16xi32>
          %shift_right_arithmetic3A_385 = arith.shrsi %or3A_382, %shift_right_arithmetic3A_384 : vector<16xi32>
          %shift_left3A_386 = arith.constant 8 : i32
          %shift_left3A_387 = vector.broadcast %shift_left3A_386 : i32 to vector<16xi32>
          %shift_left3A_388 = arith.shli %shift_right_arithmetic3A_385, %shift_left3A_387 : vector<16xi32>
          %and3A_389 = arith.constant 127 : i32
          %and3A_390 = vector.broadcast %and3A_389 : i32 to vector<16xi32>
          %and3A_391 = arith.andi %or3A_382, %and3A_390 : vector<16xi32>
          %or3A_392 = arith.ori %shift_left3A_388, %and3A_391 : vector<16xi32>
          %or3A_393 = arith.constant 128 : i32
          %or3A_394 = vector.broadcast %or3A_393 : i32 to vector<16xi32>
          %or3A_395 = arith.ori %or3A_392, %or3A_394 : vector<16xi32>
          %mul3A_396 = arith.constant 16 : i32
          %mul3A_397 = arith.muli %scan3A_123, %mul3A_396 : i32
          %add3A_398 = arith.constant 0 : i32
          %add3A_399 = arith.addi %add3A_398, %mul3A_397 : i32
          %swap3A_400 = arith.index_cast %add3A_399 : i32 to index
          %swap3A_401 = tpu.vector_load %arg7[%swap3A_400] {strides = array<i32>} : memref<2560xi32, #tpu.memory_space<vmem>>, vector<16xi32>,
          tpu.vector_store %arg7[%swap3A_400], %or3A_392 {strides = array<i32>} : memref<2560xi32, #tpu.memory_space<vmem>>, vector<16xi32>,
          %mul3A_402 = arith.constant 16 : i32
          %mul3A_403 = arith.muli %scan3A_123, %mul3A_402 : i32
          %add3A_404 = arith.constant 128 : i32
          %add3A_405 = arith.addi %add3A_404, %mul3A_403 : i32
          %swap3A_406 = arith.index_cast %add3A_405 : i32 to index
          %swap3A_407 = tpu.vector_load %arg7[%swap3A_406] {strides = array<i32>} : memref<2560xi32, #tpu.memory_space<vmem>>, vector<16xi32>,
          tpu.vector_store %arg7[%swap3A_406], %or3A_395 {strides = array<i32>} : memref<2560xi32, #tpu.memory_space<vmem>>, vector<16xi32>,
          %mul3A_408 = arith.constant 5.800000e+01 : f32
          %mul3A_409 = vector.broadcast %mul3A_408 : f32 to vector<16xf32>
          %mul3A_410 = arith.mulf %get3A_131, %mul3A_409 : vector<16xf32>
          %convert_element_type3A_411 = arith.fptosi %mul3A_410 : vector<16xf32> to vector<16xi32>
          %mul3A_412 = arith.constant 5.800000e+01 : f32
          %mul3A_413 = vector.broadcast %mul3A_412 : f32 to vector<16xf32>
          %mul3A_414 = arith.mulf %get3A_137, %mul3A_413 : vector<16xf32>
          %convert_element_type3A_415 = arith.fptosi %mul3A_414 : vector<16xf32> to vector<16xi32>
          %mul3A_416 = arith.constant 5.800000e+01 : f32
          %mul3A_417 = vector.broadcast %mul3A_416 : f32 to vector<16xf32>
          %mul3A_418 = arith.mulf %get3A_143, %mul3A_417 : vector<16xf32>
          %convert_element_type3A_419 = arith.fptosi %mul3A_418 : vector<16xf32> to vector<16xi32>
          %ge3A_420 = arith.constant 58 : i32
          %ge3A_421 = vector.broadcast %ge3A_420 : i32 to vector<16xi32>
          %ge3A_422 = arith.cmpi sge, %convert_element_type3A_411, %ge3A_421 : vector<16xi32>
          %sub3A_423 = arith.constant 58 : i32
          %sub3A_424 = vector.broadcast %sub3A_423 : i32 to vector<16xi32>
          %sub3A_425 = arith.subi %convert_element_type3A_411, %sub3A_424 : vector<16xi32>
          %select_n3A_426 = arith.select %ge3A_422, %sub3A_425, %convert_element_type3A_411 : vector<16xi1>, vector<16xi32>
          %ge3A_427 = arith.constant 58 : i32
          %ge3A_428 = vector.broadcast %ge3A_427 : i32 to vector<16xi32>
          %ge3A_429 = arith.cmpi sge, %convert_element_type3A_415, %ge3A_428 : vector<16xi32>
          %sub3A_430 = arith.constant 58 : i32
          %sub3A_431 = vector.broadcast %sub3A_430 : i32 to vector<16xi32>
          %sub3A_432 = arith.subi %convert_element_type3A_415, %sub3A_431 : vector<16xi32>
          %select_n3A_433 = arith.select %ge3A_429, %sub3A_432, %convert_element_type3A_415 : vector<16xi1>, vector<16xi32>
          %ge3A_434 = arith.constant 58 : i32
          %ge3A_435 = vector.broadcast %ge3A_434 : i32 to vector<16xi32>
          %ge3A_436 = arith.cmpi sge, %convert_element_type3A_419, %ge3A_435 : vector<16xi32>
          %sub3A_437 = arith.constant 58 : i32
          %sub3A_438 = vector.broadcast %sub3A_437 : i32 to vector<16xi32>
          %sub3A_439 = arith.subi %convert_element_type3A_419, %sub3A_438 : vector<16xi32>
          %select_n3A_440 = arith.select %ge3A_436, %sub3A_439, %convert_element_type3A_419 : vector<16xi1>, vector<16xi32>
          %mul3A_441 = arith.constant 58 : i32
          %mul3A_442 = vector.broadcast %mul3A_441 : i32 to vector<16xi32>
          %mul3A_443 = arith.muli %select_n3A_433, %mul3A_442 : vector<16xi32>
          %add3A_444 = arith.addi %select_n3A_426, %mul3A_443 : vector<16xi32>
          %mul3A_445 = arith.constant 3364 : i32
          %mul3A_446 = vector.broadcast %mul3A_445 : i32 to vector<16xi32>
          %mul3A_447 = arith.muli %select_n3A_440, %mul3A_446 : vector<16xi32>
          %add3A_448 = arith.addi %add3A_444, %mul3A_447 : vector<16xi32>
          %and3A_449 = arith.constant 524287 : i32
          %and3A_450 = vector.broadcast %and3A_449 : i32 to vector<16xi32>
          %and3A_451 = arith.andi %add3A_448, %and3A_450 : vector<16xi32>
          %or3A_452 = arith.constant 2097152 : i32
          %or3A_453 = vector.broadcast %or3A_452 : i32 to vector<16xi32>
          %or3A_454 = arith.ori %and3A_451, %or3A_453 : vector<16xi32>
          %shift_right_arithmetic3A_455 = arith.constant 7 : i32
          %shift_right_arithmetic3A_456 = vector.broadcast %shift_right_arithmetic3A_455 : i32 to vector<16xi32>
          %shift_right_arithmetic3A_457 = arith.shrsi %or3A_454, %shift_right_arithmetic3A_456 : vector<16xi32>
          %shift_left3A_458 = arith.constant 8 : i32
          %shift_left3A_459 = vector.broadcast %shift_left3A_458 : i32 to vector<16xi32>
          %shift_left3A_460 = arith.shli %shift_right_arithmetic3A_457, %shift_left3A_459 : vector<16xi32>
          %and3A_461 = arith.constant 127 : i32
          %and3A_462 = vector.broadcast %and3A_461 : i32 to vector<16xi32>
          %and3A_463 = arith.andi %or3A_454, %and3A_462 : vector<16xi32>
          %or3A_464 = arith.ori %shift_left3A_460, %and3A_463 : vector<16xi32>
          %or3A_465 = arith.constant 128 : i32
          %or3A_466 = vector.broadcast %or3A_465 : i32 to vector<16xi32>
          %or3A_467 = arith.ori %or3A_464, %or3A_466 : vector<16xi32>
          %mul3A_468 = arith.constant 16 : i32
          %mul3A_469 = arith.muli %scan3A_123, %mul3A_468 : i32
          %add3A_470 = arith.constant 512 : i32
          %add3A_471 = arith.addi %add3A_470, %mul3A_469 : i32
          %swap3A_472 = arith.index_cast %add3A_471 : i32 to index
          %swap3A_473 = tpu.vector_load %arg7[%swap3A_472] {strides = array<i32>} : memref<2560xi32, #tpu.memory_space<vmem>>, vector<16xi32>,
          tpu.vector_store %arg7[%swap3A_472], %or3A_464 {strides = array<i32>} : memref<2560xi32, #tpu.memory_space<vmem>>, vector<16xi32>,
          %mul3A_474 = arith.constant 16 : i32
          %mul3A_475 = arith.muli %scan3A_123, %mul3A_474 : i32
          %add3A_476 = arith.constant 640 : i32
          %add3A_477 = arith.addi %add3A_476, %mul3A_475 : i32
          %swap3A_478 = arith.index_cast %add3A_477 : i32 to index
          %swap3A_479 = tpu.vector_load %arg7[%swap3A_478] {strides = array<i32>} : memref<2560xi32, #tpu.memory_space<vmem>>, vector<16xi32>,
          tpu.vector_store %arg7[%swap3A_478], %or3A_467 {strides = array<i32>} : memref<2560xi32, #tpu.memory_space<vmem>>, vector<16xi32>,
          %mul3A_480 = arith.constant 8.000000e+01 : f32
          %mul3A_481 = vector.broadcast %mul3A_480 : f32 to vector<16xf32>
          %mul3A_482 = arith.mulf %get3A_131, %mul3A_481 : vector<16xf32>
          %convert_element_type3A_483 = arith.fptosi %mul3A_482 : vector<16xf32> to vector<16xi32>
          %mul3A_484 = arith.constant 8.000000e+01 : f32
          %mul3A_485 = vector.broadcast %mul3A_484 : f32 to vector<16xf32>
          %mul3A_486 = arith.mulf %get3A_137, %mul3A_485 : vector<16xf32>
          %convert_element_type3A_487 = arith.fptosi %mul3A_486 : vector<16xf32> to vector<16xi32>
          %mul3A_488 = arith.constant 8.000000e+01 : f32
          %mul3A_489 = vector.broadcast %mul3A_488 : f32 to vector<16xf32>
          %mul3A_490 = arith.mulf %get3A_143, %mul3A_489 : vector<16xf32>
          %convert_element_type3A_491 = arith.fptosi %mul3A_490 : vector<16xf32> to vector<16xi32>
          %ge3A_492 = arith.constant 80 : i32
          %ge3A_493 = vector.broadcast %ge3A_492 : i32 to vector<16xi32>
          %ge3A_494 = arith.cmpi sge, %convert_element_type3A_483, %ge3A_493 : vector<16xi32>
          %sub3A_495 = arith.constant 80 : i32
          %sub3A_496 = vector.broadcast %sub3A_495 : i32 to vector<16xi32>
          %sub3A_497 = arith.subi %convert_element_type3A_483, %sub3A_496 : vector<16xi32>
          %select_n3A_498 = arith.select %ge3A_494, %sub3A_497, %convert_element_type3A_483 : vector<16xi1>, vector<16xi32>
          %ge3A_499 = arith.constant 80 : i32
          %ge3A_500 = vector.broadcast %ge3A_499 : i32 to vector<16xi32>
          %ge3A_501 = arith.cmpi sge, %convert_element_type3A_487, %ge3A_500 : vector<16xi32>
          %sub3A_502 = arith.constant 80 : i32
          %sub3A_503 = vector.broadcast %sub3A_502 : i32 to vector<16xi32>
          %sub3A_504 = arith.subi %convert_element_type3A_487, %sub3A_503 : vector<16xi32>
          %select_n3A_505 = arith.select %ge3A_501, %sub3A_504, %convert_element_type3A_487 : vector<16xi1>, vector<16xi32>
          %ge3A_506 = arith.constant 80 : i32
          %ge3A_507 = vector.broadcast %ge3A_506 : i32 to vector<16xi32>
          %ge3A_508 = arith.cmpi sge, %convert_element_type3A_491, %ge3A_507 : vector<16xi32>
          %sub3A_509 = arith.constant 80 : i32
          %sub3A_510 = vector.broadcast %sub3A_509 : i32 to vector<16xi32>
          %sub3A_511 = arith.subi %convert_element_type3A_491, %sub3A_510 : vector<16xi32>
          %select_n3A_512 = arith.select %ge3A_508, %sub3A_511, %convert_element_type3A_491 : vector<16xi1>, vector<16xi32>
          %mul3A_513 = arith.constant 80 : i32
          %mul3A_514 = vector.broadcast %mul3A_513 : i32 to vector<16xi32>
          %mul3A_515 = arith.muli %select_n3A_505, %mul3A_514 : vector<16xi32>
          %add3A_516 = arith.addi %select_n3A_498, %mul3A_515 : vector<16xi32>
          %mul3A_517 = arith.constant 6400 : i32
          %mul3A_518 = vector.broadcast %mul3A_517 : i32 to vector<16xi32>
          %mul3A_519 = arith.muli %select_n3A_512, %mul3A_518 : vector<16xi32>
          %add3A_520 = arith.addi %add3A_516, %mul3A_519 : vector<16xi32>
          %and3A_521 = arith.constant 524287 : i32
          %and3A_522 = vector.broadcast %and3A_521 : i32 to vector<16xi32>
          %and3A_523 = arith.andi %add3A_520, %and3A_522 : vector<16xi32>
          %or3A_524 = arith.constant 2621440 : i32
          %or3A_525 = vector.broadcast %or3A_524 : i32 to vector<16xi32>
          %or3A_526 = arith.ori %and3A_523, %or3A_525 : vector<16xi32>
          %shift_right_arithmetic3A_527 = arith.constant 7 : i32
          %shift_right_arithmetic3A_528 = vector.broadcast %shift_right_arithmetic3A_527 : i32 to vector<16xi32>
          %shift_right_arithmetic3A_529 = arith.shrsi %or3A_526, %shift_right_arithmetic3A_528 : vector<16xi32>
          %shift_left3A_530 = arith.constant 8 : i32
          %shift_left3A_531 = vector.broadcast %shift_left3A_530 : i32 to vector<16xi32>
          %shift_left3A_532 = arith.shli %shift_right_arithmetic3A_529, %shift_left3A_531 : vector<16xi32>
          %and3A_533 = arith.constant 127 : i32
          %and3A_534 = vector.broadcast %and3A_533 : i32 to vector<16xi32>
          %and3A_535 = arith.andi %or3A_526, %and3A_534 : vector<16xi32>
          %or3A_536 = arith.ori %shift_left3A_532, %and3A_535 : vector<16xi32>
          %or3A_537 = arith.constant 128 : i32
          %or3A_538 = vector.broadcast %or3A_537 : i32 to vector<16xi32>
          %or3A_539 = arith.ori %or3A_536, %or3A_538 : vector<16xi32>
          %mul3A_540 = arith.constant 16 : i32
          %mul3A_541 = arith.muli %scan3A_123, %mul3A_540 : i32
          %add3A_542 = arith.constant 768 : i32
          %add3A_543 = arith.addi %add3A_542, %mul3A_541 : i32
          %swap3A_544 = arith.index_cast %add3A_543 : i32 to index
          %swap3A_545 = tpu.vector_load %arg7[%swap3A_544] {strides = array<i32>} : memref<2560xi32, #tpu.memory_space<vmem>>, vector<16xi32>,
          tpu.vector_store %arg7[%swap3A_544], %or3A_536 {strides = array<i32>} : memref<2560xi32, #tpu.memory_space<vmem>>, vector<16xi32>,
          %mul3A_546 = arith.constant 16 : i32
          %mul3A_547 = arith.muli %scan3A_123, %mul3A_546 : i32
          %add3A_548 = arith.constant 896 : i32
          %add3A_549 = arith.addi %add3A_548, %mul3A_547 : i32
          %swap3A_550 = arith.index_cast %add3A_549 : i32 to index
          %swap3A_551 = tpu.vector_load %arg7[%swap3A_550] {strides = array<i32>} : memref<2560xi32, #tpu.memory_space<vmem>>, vector<16xi32>,
          tpu.vector_store %arg7[%swap3A_550], %or3A_539 {strides = array<i32>} : memref<2560xi32, #tpu.memory_space<vmem>>, vector<16xi32>,
          %mul3A_552 = arith.constant 1.110000e+02 : f32
          %mul3A_553 = vector.broadcast %mul3A_552 : f32 to vector<16xf32>
          %mul3A_554 = arith.mulf %get3A_131, %mul3A_553 : vector<16xf32>
          %convert_element_type3A_555 = arith.fptosi %mul3A_554 : vector<16xf32> to vector<16xi32>
          %mul3A_556 = arith.constant 1.110000e+02 : f32
          %mul3A_557 = vector.broadcast %mul3A_556 : f32 to vector<16xf32>
          %mul3A_558 = arith.mulf %get3A_137, %mul3A_557 : vector<16xf32>
          %convert_element_type3A_559 = arith.fptosi %mul3A_558 : vector<16xf32> to vector<16xi32>
          %mul3A_560 = arith.constant 1.110000e+02 : f32
          %mul3A_561 = vector.broadcast %mul3A_560 : f32 to vector<16xf32>
          %mul3A_562 = arith.mulf %get3A_143, %mul3A_561 : vector<16xf32>
          %convert_element_type3A_563 = arith.fptosi %mul3A_562 : vector<16xf32> to vector<16xi32>
          %ge3A_564 = arith.constant 111 : i32
          %ge3A_565 = vector.broadcast %ge3A_564 : i32 to vector<16xi32>
          %ge3A_566 = arith.cmpi sge, %convert_element_type3A_555, %ge3A_565 : vector<16xi32>
          %sub3A_567 = arith.constant 111 : i32
          %sub3A_568 = vector.broadcast %sub3A_567 : i32 to vector<16xi32>
          %sub3A_569 = arith.subi %convert_element_type3A_555, %sub3A_568 : vector<16xi32>
          %select_n3A_570 = arith.select %ge3A_566, %sub3A_569, %convert_element_type3A_555 : vector<16xi1>, vector<16xi32>
          %ge3A_571 = arith.constant 111 : i32
          %ge3A_572 = vector.broadcast %ge3A_571 : i32 to vector<16xi32>
          %ge3A_573 = arith.cmpi sge, %convert_element_type3A_559, %ge3A_572 : vector<16xi32>
          %sub3A_574 = arith.constant 111 : i32
          %sub3A_575 = vector.broadcast %sub3A_574 : i32 to vector<16xi32>
          %sub3A_576 = arith.subi %convert_element_type3A_559, %sub3A_575 : vector<16xi32>
          %select_n3A_577 = arith.select %ge3A_573, %sub3A_576, %convert_element_type3A_559 : vector<16xi1>, vector<16xi32>
          %ge3A_578 = arith.constant 111 : i32
          %ge3A_579 = vector.broadcast %ge3A_578 : i32 to vector<16xi32>
          %ge3A_580 = arith.cmpi sge, %convert_element_type3A_563, %ge3A_579 : vector<16xi32>
          %sub3A_581 = arith.constant 111 : i32
          %sub3A_582 = vector.broadcast %sub3A_581 : i32 to vector<16xi32>
          %sub3A_583 = arith.subi %convert_element_type3A_563, %sub3A_582 : vector<16xi32>
          %select_n3A_584 = arith.select %ge3A_580, %sub3A_583, %convert_element_type3A_563 : vector<16xi1>, vector<16xi32>
          %mul3A_585 = arith.constant 111 : i32
          %mul3A_586 = vector.broadcast %mul3A_585 : i32 to vector<16xi32>
          %mul3A_587 = arith.muli %select_n3A_577, %mul3A_586 : vector<16xi32>
          %add3A_588 = arith.addi %select_n3A_570, %mul3A_587 : vector<16xi32>
          %mul3A_589 = arith.constant 12321 : i32
          %mul3A_590 = vector.broadcast %mul3A_589 : i32 to vector<16xi32>
          %mul3A_591 = arith.muli %select_n3A_584, %mul3A_590 : vector<16xi32>
          %add3A_592 = arith.addi %add3A_588, %mul3A_591 : vector<16xi32>
          %and3A_593 = arith.constant 524287 : i32
          %and3A_594 = vector.broadcast %and3A_593 : i32 to vector<16xi32>
          %and3A_595 = arith.andi %add3A_592, %and3A_594 : vector<16xi32>
          %or3A_596 = arith.constant 3145728 : i32
          %or3A_597 = vector.broadcast %or3A_596 : i32 to vector<16xi32>
          %or3A_598 = arith.ori %and3A_595, %or3A_597 : vector<16xi32>
          %shift_right_arithmetic3A_599 = arith.constant 7 : i32
          %shift_right_arithmetic3A_600 = vector.broadcast %shift_right_arithmetic3A_599 : i32 to vector<16xi32>
          %shift_right_arithmetic3A_601 = arith.shrsi %or3A_598, %shift_right_arithmetic3A_600 : vector<16xi32>
          %shift_left3A_602 = arith.constant 8 : i32
          %shift_left3A_603 = vector.broadcast %shift_left3A_602 : i32 to vector<16xi32>
          %shift_left3A_604 = arith.shli %shift_right_arithmetic3A_601, %shift_left3A_603 : vector<16xi32>
          %and3A_605 = arith.constant 127 : i32
          %and3A_606 = vector.broadcast %and3A_605 : i32 to vector<16xi32>
          %and3A_607 = arith.andi %or3A_598, %and3A_606 : vector<16xi32>
          %or3A_608 = arith.ori %shift_left3A_604, %and3A_607 : vector<16xi32>
          %or3A_609 = arith.constant 128 : i32
          %or3A_610 = vector.broadcast %or3A_609 : i32 to vector<16xi32>
          %or3A_611 = arith.ori %or3A_608, %or3A_610 : vector<16xi32>
          %mul3A_612 = arith.constant 16 : i32
          %mul3A_613 = arith.muli %scan3A_123, %mul3A_612 : i32
          %add3A_614 = arith.constant 1024 : i32
          %add3A_615 = arith.addi %add3A_614, %mul3A_613 : i32
          %swap3A_616 = arith.index_cast %add3A_615 : i32 to index
          %swap3A_617 = tpu.vector_load %arg7[%swap3A_616] {strides = array<i32>} : memref<2560xi32, #tpu.memory_space<vmem>>, vector<16xi32>,
          tpu.vector_store %arg7[%swap3A_616], %or3A_608 {strides = array<i32>} : memref<2560xi32, #tpu.memory_space<vmem>>, vector<16xi32>,
          %mul3A_618 = arith.constant 16 : i32
          %mul3A_619 = arith.muli %scan3A_123, %mul3A_618 : i32
          %add3A_620 = arith.constant 1152 : i32
          %add3A_621 = arith.addi %add3A_620, %mul3A_619 : i32
          %swap3A_622 = arith.index_cast %add3A_621 : i32 to index
          %swap3A_623 = tpu.vector_load %arg7[%swap3A_622] {strides = array<i32>} : memref<2560xi32, #tpu.memory_space<vmem>>, vector<16xi32>,
          tpu.vector_store %arg7[%swap3A_622], %or3A_611 {strides = array<i32>} : memref<2560xi32, #tpu.memory_space<vmem>>, vector<16xi32>,
          %mul3A_624 = arith.constant 1.530000e+02 : f32
          %mul3A_625 = vector.broadcast %mul3A_624 : f32 to vector<16xf32>
          %mul3A_626 = arith.mulf %get3A_131, %mul3A_625 : vector<16xf32>
          %convert_element_type3A_627 = arith.fptosi %mul3A_626 : vector<16xf32> to vector<16xi32>
          %mul3A_628 = arith.constant 1.530000e+02 : f32
          %mul3A_629 = vector.broadcast %mul3A_628 : f32 to vector<16xf32>
          %mul3A_630 = arith.mulf %get3A_137, %mul3A_629 : vector<16xf32>
          %convert_element_type3A_631 = arith.fptosi %mul3A_630 : vector<16xf32> to vector<16xi32>
          %mul3A_632 = arith.constant 1.530000e+02 : f32
          %mul3A_633 = vector.broadcast %mul3A_632 : f32 to vector<16xf32>
          %mul3A_634 = arith.mulf %get3A_143, %mul3A_633 : vector<16xf32>
          %convert_element_type3A_635 = arith.fptosi %mul3A_634 : vector<16xf32> to vector<16xi32>
          %ge3A_636 = arith.constant 153 : i32
          %ge3A_637 = vector.broadcast %ge3A_636 : i32 to vector<16xi32>
          %ge3A_638 = arith.cmpi sge, %convert_element_type3A_627, %ge3A_637 : vector<16xi32>
          %sub3A_639 = arith.constant 153 : i32
          %sub3A_640 = vector.broadcast %sub3A_639 : i32 to vector<16xi32>
          %sub3A_641 = arith.subi %convert_element_type3A_627, %sub3A_640 : vector<16xi32>
          %select_n3A_642 = arith.select %ge3A_638, %sub3A_641, %convert_element_type3A_627 : vector<16xi1>, vector<16xi32>
          %ge3A_643 = arith.constant 153 : i32
          %ge3A_644 = vector.broadcast %ge3A_643 : i32 to vector<16xi32>
          %ge3A_645 = arith.cmpi sge, %convert_element_type3A_631, %ge3A_644 : vector<16xi32>
          %sub3A_646 = arith.constant 153 : i32
          %sub3A_647 = vector.broadcast %sub3A_646 : i32 to vector<16xi32>
          %sub3A_648 = arith.subi %convert_element_type3A_631, %sub3A_647 : vector<16xi32>
          %select_n3A_649 = arith.select %ge3A_645, %sub3A_648, %convert_element_type3A_631 : vector<16xi1>, vector<16xi32>
          %ge3A_650 = arith.constant 153 : i32
          %ge3A_651 = vector.broadcast %ge3A_650 : i32 to vector<16xi32>
          %ge3A_652 = arith.cmpi sge, %convert_element_type3A_635, %ge3A_651 : vector<16xi32>
          %sub3A_653 = arith.constant 153 : i32
          %sub3A_654 = vector.broadcast %sub3A_653 : i32 to vector<16xi32>
          %sub3A_655 = arith.subi %convert_element_type3A_635, %sub3A_654 : vector<16xi32>
          %select_n3A_656 = arith.select %ge3A_652, %sub3A_655, %convert_element_type3A_635 : vector<16xi1>, vector<16xi32>
          %mul3A_657 = arith.constant 153 : i32
          %mul3A_658 = vector.broadcast %mul3A_657 : i32 to vector<16xi32>
          %mul3A_659 = arith.muli %select_n3A_649, %mul3A_658 : vector<16xi32>
          %add3A_660 = arith.addi %select_n3A_642, %mul3A_659 : vector<16xi32>
          %mul3A_661 = arith.constant 23409 : i32
          %mul3A_662 = vector.broadcast %mul3A_661 : i32 to vector<16xi32>
          %mul3A_663 = arith.muli %select_n3A_656, %mul3A_662 : vector<16xi32>
          %add3A_664 = arith.addi %add3A_660, %mul3A_663 : vector<16xi32>
          %and3A_665 = arith.constant 524287 : i32
          %and3A_666 = vector.broadcast %and3A_665 : i32 to vector<16xi32>
          %and3A_667 = arith.andi %add3A_664, %and3A_666 : vector<16xi32>
          %or3A_668 = arith.constant 3670016 : i32
          %or3A_669 = vector.broadcast %or3A_668 : i32 to vector<16xi32>
          %or3A_670 = arith.ori %and3A_667, %or3A_669 : vector<16xi32>
          %shift_right_arithmetic3A_671 = arith.constant 7 : i32
          %shift_right_arithmetic3A_672 = vector.broadcast %shift_right_arithmetic3A_671 : i32 to vector<16xi32>
          %shift_right_arithmetic3A_673 = arith.shrsi %or3A_670, %shift_right_arithmetic3A_672 : vector<16xi32>
          %shift_left3A_674 = arith.constant 8 : i32
          %shift_left3A_675 = vector.broadcast %shift_left3A_674 : i32 to vector<16xi32>
          %shift_left3A_676 = arith.shli %shift_right_arithmetic3A_673, %shift_left3A_675 : vector<16xi32>
          %and3A_677 = arith.constant 127 : i32
          %and3A_678 = vector.broadcast %and3A_677 : i32 to vector<16xi32>
          %and3A_679 = arith.andi %or3A_670, %and3A_678 : vector<16xi32>
          %or3A_680 = arith.ori %shift_left3A_676, %and3A_679 : vector<16xi32>
          %or3A_681 = arith.constant 128 : i32
          %or3A_682 = vector.broadcast %or3A_681 : i32 to vector<16xi32>
          %or3A_683 = arith.ori %or3A_680, %or3A_682 : vector<16xi32>
          %mul3A_684 = arith.constant 16 : i32
          %mul3A_685 = arith.muli %scan3A_123, %mul3A_684 : i32
          %add3A_686 = arith.constant 1280 : i32
          %add3A_687 = arith.addi %add3A_686, %mul3A_685 : i32
          %swap3A_688 = arith.index_cast %add3A_687 : i32 to index
          %swap3A_689 = tpu.vector_load %arg7[%swap3A_688] {strides = array<i32>} : memref<2560xi32, #tpu.memory_space<vmem>>, vector<16xi32>,
          tpu.vector_store %arg7[%swap3A_688], %or3A_680 {strides = array<i32>} : memref<2560xi32, #tpu.memory_space<vmem>>, vector<16xi32>,
          %mul3A_690 = arith.constant 16 : i32
          %mul3A_691 = arith.muli %scan3A_123, %mul3A_690 : i32
          %add3A_692 = arith.constant 1408 : i32
          %add3A_693 = arith.addi %add3A_692, %mul3A_691 : i32
          %swap3A_694 = arith.index_cast %add3A_693 : i32 to index
          %swap3A_695 = tpu.vector_load %arg7[%swap3A_694] {strides = array<i32>} : memref<2560xi32, #tpu.memory_space<vmem>>, vector<16xi32>,
          tpu.vector_store %arg7[%swap3A_694], %or3A_683 {strides = array<i32>} : memref<2560xi32, #tpu.memory_space<vmem>>, vector<16xi32>,
          %mul3A_696 = arith.constant 2.120000e+02 : f32
          %mul3A_697 = vector.broadcast %mul3A_696 : f32 to vector<16xf32>
          %mul3A_698 = arith.mulf %get3A_131, %mul3A_697 : vector<16xf32>
          %convert_element_type3A_699 = arith.fptosi %mul3A_698 : vector<16xf32> to vector<16xi32>
          %mul3A_700 = arith.constant 2.120000e+02 : f32
          %mul3A_701 = vector.broadcast %mul3A_700 : f32 to vector<16xf32>
          %mul3A_702 = arith.mulf %get3A_137, %mul3A_701 : vector<16xf32>
          %convert_element_type3A_703 = arith.fptosi %mul3A_702 : vector<16xf32> to vector<16xi32>
          %mul3A_704 = arith.constant 2.120000e+02 : f32
          %mul3A_705 = vector.broadcast %mul3A_704 : f32 to vector<16xf32>
          %mul3A_706 = arith.mulf %get3A_143, %mul3A_705 : vector<16xf32>
          %convert_element_type3A_707 = arith.fptosi %mul3A_706 : vector<16xf32> to vector<16xi32>
          %ge3A_708 = arith.constant 212 : i32
          %ge3A_709 = vector.broadcast %ge3A_708 : i32 to vector<16xi32>
          %ge3A_710 = arith.cmpi sge, %convert_element_type3A_699, %ge3A_709 : vector<16xi32>
          %sub3A_711 = arith.constant 212 : i32
          %sub3A_712 = vector.broadcast %sub3A_711 : i32 to vector<16xi32>
          %sub3A_713 = arith.subi %convert_element_type3A_699, %sub3A_712 : vector<16xi32>
          %select_n3A_714 = arith.select %ge3A_710, %sub3A_713, %convert_element_type3A_699 : vector<16xi1>, vector<16xi32>
          %ge3A_715 = arith.constant 212 : i32
          %ge3A_716 = vector.broadcast %ge3A_715 : i32 to vector<16xi32>
          %ge3A_717 = arith.cmpi sge, %convert_element_type3A_703, %ge3A_716 : vector<16xi32>
          %sub3A_718 = arith.constant 212 : i32
          %sub3A_719 = vector.broadcast %sub3A_718 : i32 to vector<16xi32>
          %sub3A_720 = arith.subi %convert_element_type3A_703, %sub3A_719 : vector<16xi32>
          %select_n3A_721 = arith.select %ge3A_717, %sub3A_720, %convert_element_type3A_703 : vector<16xi1>, vector<16xi32>
          %ge3A_722 = arith.constant 212 : i32
          %ge3A_723 = vector.broadcast %ge3A_722 : i32 to vector<16xi32>
          %ge3A_724 = arith.cmpi sge, %convert_element_type3A_707, %ge3A_723 : vector<16xi32>
          %sub3A_725 = arith.constant 212 : i32
          %sub3A_726 = vector.broadcast %sub3A_725 : i32 to vector<16xi32>
          %sub3A_727 = arith.subi %convert_element_type3A_707, %sub3A_726 : vector<16xi32>
          %select_n3A_728 = arith.select %ge3A_724, %sub3A_727, %convert_element_type3A_707 : vector<16xi1>, vector<16xi32>
          %mul3A_729 = arith.constant 212 : i32
          %mul3A_730 = vector.broadcast %mul3A_729 : i32 to vector<16xi32>
          %mul3A_731 = arith.muli %select_n3A_721, %mul3A_730 : vector<16xi32>
          %add3A_732 = arith.addi %select_n3A_714, %mul3A_731 : vector<16xi32>
          %mul3A_733 = arith.constant 44944 : i32
          %mul3A_734 = vector.broadcast %mul3A_733 : i32 to vector<16xi32>
          %mul3A_735 = arith.muli %select_n3A_728, %mul3A_734 : vector<16xi32>
          %add3A_736 = arith.addi %add3A_732, %mul3A_735 : vector<16xi32>
          %and3A_737 = arith.constant 524287 : i32
          %and3A_738 = vector.broadcast %and3A_737 : i32 to vector<16xi32>
          %and3A_739 = arith.andi %add3A_736, %and3A_738 : vector<16xi32>
          %or3A_740 = arith.constant 4194304 : i32
          %or3A_741 = vector.broadcast %or3A_740 : i32 to vector<16xi32>
          %or3A_742 = arith.ori %and3A_739, %or3A_741 : vector<16xi32>
          %shift_right_arithmetic3A_743 = arith.constant 7 : i32
          %shift_right_arithmetic3A_744 = vector.broadcast %shift_right_arithmetic3A_743 : i32 to vector<16xi32>
          %shift_right_arithmetic3A_745 = arith.shrsi %or3A_742, %shift_right_arithmetic3A_744 : vector<16xi32>
          %shift_left3A_746 = arith.constant 8 : i32
          %shift_left3A_747 = vector.broadcast %shift_left3A_746 : i32 to vector<16xi32>
          %shift_left3A_748 = arith.shli %shift_right_arithmetic3A_745, %shift_left3A_747 : vector<16xi32>
          %and3A_749 = arith.constant 127 : i32
          %and3A_750 = vector.broadcast %and3A_749 : i32 to vector<16xi32>
          %and3A_751 = arith.andi %or3A_742, %and3A_750 : vector<16xi32>
          %or3A_752 = arith.ori %shift_left3A_748, %and3A_751 : vector<16xi32>
          %or3A_753 = arith.constant 128 : i32
          %or3A_754 = vector.broadcast %or3A_753 : i32 to vector<16xi32>
          %or3A_755 = arith.ori %or3A_752, %or3A_754 : vector<16xi32>
          %mul3A_756 = arith.constant 16 : i32
          %mul3A_757 = arith.muli %scan3A_123, %mul3A_756 : i32
          %add3A_758 = arith.constant 0 : i32
          %add3A_759 = arith.addi %add3A_758, %mul3A_757 : i32
          %swap3A_760 = arith.index_cast %add3A_759 : i32 to index
          %swap3A_761 = tpu.vector_load %arg8[%swap3A_760] {strides = array<i32>} : memref<4096xi32, #tpu.memory_space<vmem>>, vector<16xi32>,
          tpu.vector_store %arg8[%swap3A_760], %or3A_752 {strides = array<i32>} : memref<4096xi32, #tpu.memory_space<vmem>>, vector<16xi32>,
          %mul3A_762 = arith.constant 16 : i32
          %mul3A_763 = arith.muli %scan3A_123, %mul3A_762 : i32
          %add3A_764 = arith.constant 128 : i32
          %add3A_765 = arith.addi %add3A_764, %mul3A_763 : i32
          %swap3A_766 = arith.index_cast %add3A_765 : i32 to index
          %swap3A_767 = tpu.vector_load %arg8[%swap3A_766] {strides = array<i32>} : memref<4096xi32, #tpu.memory_space<vmem>>, vector<16xi32>,
          tpu.vector_store %arg8[%swap3A_766], %or3A_755 {strides = array<i32>} : memref<4096xi32, #tpu.memory_space<vmem>>, vector<16xi32>,
          %mul3A_768 = arith.constant 2.940000e+02 : f32
          %mul3A_769 = vector.broadcast %mul3A_768 : f32 to vector<16xf32>
          %mul3A_770 = arith.mulf %get3A_131, %mul3A_769 : vector<16xf32>
          %convert_element_type3A_771 = arith.fptosi %mul3A_770 : vector<16xf32> to vector<16xi32>
          %mul3A_772 = arith.constant 2.940000e+02 : f32
          %mul3A_773 = vector.broadcast %mul3A_772 : f32 to vector<16xf32>
          %mul3A_774 = arith.mulf %get3A_137, %mul3A_773 : vector<16xf32>
          %convert_element_type3A_775 = arith.fptosi %mul3A_774 : vector<16xf32> to vector<16xi32>
          %mul3A_776 = arith.constant 2.940000e+02 : f32
          %mul3A_777 = vector.broadcast %mul3A_776 : f32 to vector<16xf32>
          %mul3A_778 = arith.mulf %get3A_143, %mul3A_777 : vector<16xf32>
          %convert_element_type3A_779 = arith.fptosi %mul3A_778 : vector<16xf32> to vector<16xi32>
          %ge3A_780 = arith.constant 294 : i32
          %ge3A_781 = vector.broadcast %ge3A_780 : i32 to vector<16xi32>
          %ge3A_782 = arith.cmpi sge, %convert_element_type3A_771, %ge3A_781 : vector<16xi32>
          %sub3A_783 = arith.constant 294 : i32
          %sub3A_784 = vector.broadcast %sub3A_783 : i32 to vector<16xi32>
          %sub3A_785 = arith.subi %convert_element_type3A_771, %sub3A_784 : vector<16xi32>
          %select_n3A_786 = arith.select %ge3A_782, %sub3A_785, %convert_element_type3A_771 : vector<16xi1>, vector<16xi32>
          %ge3A_787 = arith.constant 294 : i32
          %ge3A_788 = vector.broadcast %ge3A_787 : i32 to vector<16xi32>
          %ge3A_789 = arith.cmpi sge, %convert_element_type3A_775, %ge3A_788 : vector<16xi32>
          %sub3A_790 = arith.constant 294 : i32
          %sub3A_791 = vector.broadcast %sub3A_790 : i32 to vector<16xi32>
          %sub3A_792 = arith.subi %convert_element_type3A_775, %sub3A_791 : vector<16xi32>
          %select_n3A_793 = arith.select %ge3A_789, %sub3A_792, %convert_element_type3A_775 : vector<16xi1>, vector<16xi32>
          %ge3A_794 = arith.constant 294 : i32
          %ge3A_795 = vector.broadcast %ge3A_794 : i32 to vector<16xi32>
          %ge3A_796 = arith.cmpi sge, %convert_element_type3A_779, %ge3A_795 : vector<16xi32>
          %sub3A_797 = arith.constant 294 : i32
          %sub3A_798 = vector.broadcast %sub3A_797 : i32 to vector<16xi32>
          %sub3A_799 = arith.subi %convert_element_type3A_779, %sub3A_798 : vector<16xi32>
          %select_n3A_800 = arith.select %ge3A_796, %sub3A_799, %convert_element_type3A_779 : vector<16xi1>, vector<16xi32>
          %mul3A_801 = arith.constant 294 : i32
          %mul3A_802 = vector.broadcast %mul3A_801 : i32 to vector<16xi32>
          %mul3A_803 = arith.muli %select_n3A_793, %mul3A_802 : vector<16xi32>
          %add3A_804 = arith.addi %select_n3A_786, %mul3A_803 : vector<16xi32>
          %mul3A_805 = arith.constant 86436 : i32
          %mul3A_806 = vector.broadcast %mul3A_805 : i32 to vector<16xi32>
          %mul3A_807 = arith.muli %select_n3A_800, %mul3A_806 : vector<16xi32>
          %add3A_808 = arith.addi %add3A_804, %mul3A_807 : vector<16xi32>
          %and3A_809 = arith.constant 524287 : i32
          %and3A_810 = vector.broadcast %and3A_809 : i32 to vector<16xi32>
          %and3A_811 = arith.andi %add3A_808, %and3A_810 : vector<16xi32>
          %or3A_812 = arith.constant 4718592 : i32
          %or3A_813 = vector.broadcast %or3A_812 : i32 to vector<16xi32>
          %or3A_814 = arith.ori %and3A_811, %or3A_813 : vector<16xi32>
          %shift_right_arithmetic3A_815 = arith.constant 7 : i32
          %shift_right_arithmetic3A_816 = vector.broadcast %shift_right_arithmetic3A_815 : i32 to vector<16xi32>
          %shift_right_arithmetic3A_817 = arith.shrsi %or3A_814, %shift_right_arithmetic3A_816 : vector<16xi32>
          %shift_left3A_818 = arith.constant 8 : i32
          %shift_left3A_819 = vector.broadcast %shift_left3A_818 : i32 to vector<16xi32>
          %shift_left3A_820 = arith.shli %shift_right_arithmetic3A_817, %shift_left3A_819 : vector<16xi32>
          %and3A_821 = arith.constant 127 : i32
          %and3A_822 = vector.broadcast %and3A_821 : i32 to vector<16xi32>
          %and3A_823 = arith.andi %or3A_814, %and3A_822 : vector<16xi32>
          %or3A_824 = arith.ori %shift_left3A_820, %and3A_823 : vector<16xi32>
          %or3A_825 = arith.constant 128 : i32
          %or3A_826 = vector.broadcast %or3A_825 : i32 to vector<16xi32>
          %or3A_827 = arith.ori %or3A_824, %or3A_826 : vector<16xi32>
          %mul3A_828 = arith.constant 16 : i32
          %mul3A_829 = arith.muli %scan3A_123, %mul3A_828 : i32
          %add3A_830 = arith.constant 256 : i32
          %add3A_831 = arith.addi %add3A_830, %mul3A_829 : i32
          %swap3A_832 = arith.index_cast %add3A_831 : i32 to index
          %swap3A_833 = tpu.vector_load %arg8[%swap3A_832] {strides = array<i32>} : memref<4096xi32, #tpu.memory_space<vmem>>, vector<16xi32>,
          tpu.vector_store %arg8[%swap3A_832], %or3A_824 {strides = array<i32>} : memref<4096xi32, #tpu.memory_space<vmem>>, vector<16xi32>,
          %mul3A_834 = arith.constant 16 : i32
          %mul3A_835 = arith.muli %scan3A_123, %mul3A_834 : i32
          %add3A_836 = arith.constant 384 : i32
          %add3A_837 = arith.addi %add3A_836, %mul3A_835 : i32
          %swap3A_838 = arith.index_cast %add3A_837 : i32 to index
          %swap3A_839 = tpu.vector_load %arg8[%swap3A_838] {strides = array<i32>} : memref<4096xi32, #tpu.memory_space<vmem>>, vector<16xi32>,
          tpu.vector_store %arg8[%swap3A_838], %or3A_827 {strides = array<i32>} : memref<4096xi32, #tpu.memory_space<vmem>>, vector<16xi32>,
          %mul3A_840 = arith.constant 4.060000e+02 : f32
          %mul3A_841 = vector.broadcast %mul3A_840 : f32 to vector<16xf32>
          %mul3A_842 = arith.mulf %get3A_131, %mul3A_841 : vector<16xf32>
          %convert_element_type3A_843 = arith.fptosi %mul3A_842 : vector<16xf32> to vector<16xi32>
          %mul3A_844 = arith.constant 4.060000e+02 : f32
          %mul3A_845 = vector.broadcast %mul3A_844 : f32 to vector<16xf32>
          %mul3A_846 = arith.mulf %get3A_137, %mul3A_845 : vector<16xf32>
          %convert_element_type3A_847 = arith.fptosi %mul3A_846 : vector<16xf32> to vector<16xi32>
          %mul3A_848 = arith.constant 4.060000e+02 : f32
          %mul3A_849 = vector.broadcast %mul3A_848 : f32 to vector<16xf32>
          %mul3A_850 = arith.mulf %get3A_143, %mul3A_849 : vector<16xf32>
          %convert_element_type3A_851 = arith.fptosi %mul3A_850 : vector<16xf32> to vector<16xi32>
          %ge3A_852 = arith.constant 406 : i32
          %ge3A_853 = vector.broadcast %ge3A_852 : i32 to vector<16xi32>
          %ge3A_854 = arith.cmpi sge, %convert_element_type3A_843, %ge3A_853 : vector<16xi32>
          %sub3A_855 = arith.constant 406 : i32
          %sub3A_856 = vector.broadcast %sub3A_855 : i32 to vector<16xi32>
          %sub3A_857 = arith.subi %convert_element_type3A_843, %sub3A_856 : vector<16xi32>
          %select_n3A_858 = arith.select %ge3A_854, %sub3A_857, %convert_element_type3A_843 : vector<16xi1>, vector<16xi32>
          %ge3A_859 = arith.constant 406 : i32
          %ge3A_860 = vector.broadcast %ge3A_859 : i32 to vector<16xi32>
          %ge3A_861 = arith.cmpi sge, %convert_element_type3A_847, %ge3A_860 : vector<16xi32>
          %sub3A_862 = arith.constant 406 : i32
          %sub3A_863 = vector.broadcast %sub3A_862 : i32 to vector<16xi32>
          %sub3A_864 = arith.subi %convert_element_type3A_847, %sub3A_863 : vector<16xi32>
          %select_n3A_865 = arith.select %ge3A_861, %sub3A_864, %convert_element_type3A_847 : vector<16xi1>, vector<16xi32>
          %ge3A_866 = arith.constant 406 : i32
          %ge3A_867 = vector.broadcast %ge3A_866 : i32 to vector<16xi32>
          %ge3A_868 = arith.cmpi sge, %convert_element_type3A_851, %ge3A_867 : vector<16xi32>
          %sub3A_869 = arith.constant 406 : i32
          %sub3A_870 = vector.broadcast %sub3A_869 : i32 to vector<16xi32>
          %sub3A_871 = arith.subi %convert_element_type3A_851, %sub3A_870 : vector<16xi32>
          %select_n3A_872 = arith.select %ge3A_868, %sub3A_871, %convert_element_type3A_851 : vector<16xi1>, vector<16xi32>
          %mul3A_873 = arith.constant 406 : i32
          %mul3A_874 = vector.broadcast %mul3A_873 : i32 to vector<16xi32>
          %mul3A_875 = arith.muli %select_n3A_865, %mul3A_874 : vector<16xi32>
          %add3A_876 = arith.addi %select_n3A_858, %mul3A_875 : vector<16xi32>
          %mul3A_877 = arith.constant 164836 : i32
          %mul3A_878 = vector.broadcast %mul3A_877 : i32 to vector<16xi32>
          %mul3A_879 = arith.muli %select_n3A_872, %mul3A_878 : vector<16xi32>
          %add3A_880 = arith.addi %add3A_876, %mul3A_879 : vector<16xi32>
          %and3A_881 = arith.constant 524287 : i32
          %and3A_882 = vector.broadcast %and3A_881 : i32 to vector<16xi32>
          %and3A_883 = arith.andi %add3A_880, %and3A_882 : vector<16xi32>
          %or3A_884 = arith.constant 5242880 : i32
          %or3A_885 = vector.broadcast %or3A_884 : i32 to vector<16xi32>
          %or3A_886 = arith.ori %and3A_883, %or3A_885 : vector<16xi32>
          %shift_right_arithmetic3A_887 = arith.constant 7 : i32
          %shift_right_arithmetic3A_888 = vector.broadcast %shift_right_arithmetic3A_887 : i32 to vector<16xi32>
          %shift_right_arithmetic3A_889 = arith.shrsi %or3A_886, %shift_right_arithmetic3A_888 : vector<16xi32>
          %shift_left3A_890 = arith.constant 8 : i32
          %shift_left3A_891 = vector.broadcast %shift_left3A_890 : i32 to vector<16xi32>
          %shift_left3A_892 = arith.shli %shift_right_arithmetic3A_889, %shift_left3A_891 : vector<16xi32>
          %and3A_893 = arith.constant 127 : i32
          %and3A_894 = vector.broadcast %and3A_893 : i32 to vector<16xi32>
          %and3A_895 = arith.andi %or3A_886, %and3A_894 : vector<16xi32>
          %or3A_896 = arith.ori %shift_left3A_892, %and3A_895 : vector<16xi32>
          %or3A_897 = arith.constant 128 : i32
          %or3A_898 = vector.broadcast %or3A_897 : i32 to vector<16xi32>
          %or3A_899 = arith.ori %or3A_896, %or3A_898 : vector<16xi32>
          %mul3A_900 = arith.constant 16 : i32
          %mul3A_901 = arith.muli %scan3A_123, %mul3A_900 : i32
          %add3A_902 = arith.constant 512 : i32
          %add3A_903 = arith.addi %add3A_902, %mul3A_901 : i32
          %swap3A_904 = arith.index_cast %add3A_903 : i32 to index
          %swap3A_905 = tpu.vector_load %arg8[%swap3A_904] {strides = array<i32>} : memref<4096xi32, #tpu.memory_space<vmem>>, vector<16xi32>,
          tpu.vector_store %arg8[%swap3A_904], %or3A_896 {strides = array<i32>} : memref<4096xi32, #tpu.memory_space<vmem>>, vector<16xi32>,
          %mul3A_906 = arith.constant 16 : i32
          %mul3A_907 = arith.muli %scan3A_123, %mul3A_906 : i32
          %add3A_908 = arith.constant 640 : i32
          %add3A_909 = arith.addi %add3A_908, %mul3A_907 : i32
          %swap3A_910 = arith.index_cast %add3A_909 : i32 to index
          %swap3A_911 = tpu.vector_load %arg8[%swap3A_910] {strides = array<i32>} : memref<4096xi32, #tpu.memory_space<vmem>>, vector<16xi32>,
          tpu.vector_store %arg8[%swap3A_910], %or3A_899 {strides = array<i32>} : memref<4096xi32, #tpu.memory_space<vmem>>, vector<16xi32>,
          %mul3A_912 = arith.constant 5.610000e+02 : f32
          %mul3A_913 = vector.broadcast %mul3A_912 : f32 to vector<16xf32>
          %mul3A_914 = arith.mulf %get3A_131, %mul3A_913 : vector<16xf32>
          %convert_element_type3A_915 = arith.fptosi %mul3A_914 : vector<16xf32> to vector<16xi32>
          %mul3A_916 = arith.constant 5.610000e+02 : f32
          %mul3A_917 = vector.broadcast %mul3A_916 : f32 to vector<16xf32>
          %mul3A_918 = arith.mulf %get3A_137, %mul3A_917 : vector<16xf32>
          %convert_element_type3A_919 = arith.fptosi %mul3A_918 : vector<16xf32> to vector<16xi32>
          %mul3A_920 = arith.constant 5.610000e+02 : f32
          %mul3A_921 = vector.broadcast %mul3A_920 : f32 to vector<16xf32>
          %mul3A_922 = arith.mulf %get3A_143, %mul3A_921 : vector<16xf32>
          %convert_element_type3A_923 = arith.fptosi %mul3A_922 : vector<16xf32> to vector<16xi32>
          %ge3A_924 = arith.constant 561 : i32
          %ge3A_925 = vector.broadcast %ge3A_924 : i32 to vector<16xi32>
          %ge3A_926 = arith.cmpi sge, %convert_element_type3A_915, %ge3A_925 : vector<16xi32>
          %sub3A_927 = arith.constant 561 : i32
          %sub3A_928 = vector.broadcast %sub3A_927 : i32 to vector<16xi32>
          %sub3A_929 = arith.subi %convert_element_type3A_915, %sub3A_928 : vector<16xi32>
          %select_n3A_930 = arith.select %ge3A_926, %sub3A_929, %convert_element_type3A_915 : vector<16xi1>, vector<16xi32>
          %ge3A_931 = arith.constant 561 : i32
          %ge3A_932 = vector.broadcast %ge3A_931 : i32 to vector<16xi32>
          %ge3A_933 = arith.cmpi sge, %convert_element_type3A_919, %ge3A_932 : vector<16xi32>
          %sub3A_934 = arith.constant 561 : i32
          %sub3A_935 = vector.broadcast %sub3A_934 : i32 to vector<16xi32>
          %sub3A_936 = arith.subi %convert_element_type3A_919, %sub3A_935 : vector<16xi32>
          %select_n3A_937 = arith.select %ge3A_933, %sub3A_936, %convert_element_type3A_919 : vector<16xi1>, vector<16xi32>
          %ge3A_938 = arith.constant 561 : i32
          %ge3A_939 = vector.broadcast %ge3A_938 : i32 to vector<16xi32>
          %ge3A_940 = arith.cmpi sge, %convert_element_type3A_923, %ge3A_939 : vector<16xi32>
          %sub3A_941 = arith.constant 561 : i32
          %sub3A_942 = vector.broadcast %sub3A_941 : i32 to vector<16xi32>
          %sub3A_943 = arith.subi %convert_element_type3A_923, %sub3A_942 : vector<16xi32>
          %select_n3A_944 = arith.select %ge3A_940, %sub3A_943, %convert_element_type3A_923 : vector<16xi1>, vector<16xi32>
          %mul3A_945 = arith.constant 561 : i32
          %mul3A_946 = vector.broadcast %mul3A_945 : i32 to vector<16xi32>
          %mul3A_947 = arith.muli %select_n3A_937, %mul3A_946 : vector<16xi32>
          %add3A_948 = arith.addi %select_n3A_930, %mul3A_947 : vector<16xi32>
          %mul3A_949 = arith.constant 314721 : i32
          %mul3A_950 = vector.broadcast %mul3A_949 : i32 to vector<16xi32>
          %mul3A_951 = arith.muli %select_n3A_944, %mul3A_950 : vector<16xi32>
          %add3A_952 = arith.addi %add3A_948, %mul3A_951 : vector<16xi32>
          %and3A_953 = arith.constant 524287 : i32
          %and3A_954 = vector.broadcast %and3A_953 : i32 to vector<16xi32>
          %and3A_955 = arith.andi %add3A_952, %and3A_954 : vector<16xi32>
          %or3A_956 = arith.constant 5767168 : i32
          %or3A_957 = vector.broadcast %or3A_956 : i32 to vector<16xi32>
          %or3A_958 = arith.ori %and3A_955, %or3A_957 : vector<16xi32>
          %shift_right_arithmetic3A_959 = arith.constant 7 : i32
          %shift_right_arithmetic3A_960 = vector.broadcast %shift_right_arithmetic3A_959 : i32 to vector<16xi32>
          %shift_right_arithmetic3A_961 = arith.shrsi %or3A_958, %shift_right_arithmetic3A_960 : vector<16xi32>
          %shift_left3A_962 = arith.constant 8 : i32
          %shift_left3A_963 = vector.broadcast %shift_left3A_962 : i32 to vector<16xi32>
          %shift_left3A_964 = arith.shli %shift_right_arithmetic3A_961, %shift_left3A_963 : vector<16xi32>
          %and3A_965 = arith.constant 127 : i32
          %and3A_966 = vector.broadcast %and3A_965 : i32 to vector<16xi32>
          %and3A_967 = arith.andi %or3A_958, %and3A_966 : vector<16xi32>
          %or3A_968 = arith.ori %shift_left3A_964, %and3A_967 : vector<16xi32>
          %or3A_969 = arith.constant 128 : i32
          %or3A_970 = vector.broadcast %or3A_969 : i32 to vector<16xi32>
          %or3A_971 = arith.ori %or3A_968, %or3A_970 : vector<16xi32>
          %mul3A_972 = arith.constant 16 : i32
          %mul3A_973 = arith.muli %scan3A_123, %mul3A_972 : i32
          %add3A_974 = arith.constant 768 : i32
          %add3A_975 = arith.addi %add3A_974, %mul3A_973 : i32
          %swap3A_976 = arith.index_cast %add3A_975 : i32 to index
          %swap3A_977 = tpu.vector_load %arg8[%swap3A_976] {strides = array<i32>} : memref<4096xi32, #tpu.memory_space<vmem>>, vector<16xi32>,
          tpu.vector_store %arg8[%swap3A_976], %or3A_968 {strides = array<i32>} : memref<4096xi32, #tpu.memory_space<vmem>>, vector<16xi32>,
          %mul3A_978 = arith.constant 16 : i32
          %mul3A_979 = arith.muli %scan3A_123, %mul3A_978 : i32
          %add3A_980 = arith.constant 896 : i32
          %add3A_981 = arith.addi %add3A_980, %mul3A_979 : i32
          %swap3A_982 = arith.index_cast %add3A_981 : i32 to index
          %swap3A_983 = tpu.vector_load %arg8[%swap3A_982] {strides = array<i32>} : memref<4096xi32, #tpu.memory_space<vmem>>, vector<16xi32>,
          tpu.vector_store %arg8[%swap3A_982], %or3A_971 {strides = array<i32>} : memref<4096xi32, #tpu.memory_space<vmem>>, vector<16xi32>,
          %mul3A_984 = arith.constant 7.760000e+02 : f32
          %mul3A_985 = vector.broadcast %mul3A_984 : f32 to vector<16xf32>
          %mul3A_986 = arith.mulf %get3A_131, %mul3A_985 : vector<16xf32>
          %convert_element_type3A_987 = arith.fptosi %mul3A_986 : vector<16xf32> to vector<16xi32>
          %mul3A_988 = arith.constant 7.760000e+02 : f32
          %mul3A_989 = vector.broadcast %mul3A_988 : f32 to vector<16xf32>
          %mul3A_990 = arith.mulf %get3A_137, %mul3A_989 : vector<16xf32>
          %convert_element_type3A_991 = arith.fptosi %mul3A_990 : vector<16xf32> to vector<16xi32>
          %mul3A_992 = arith.constant 7.760000e+02 : f32
          %mul3A_993 = vector.broadcast %mul3A_992 : f32 to vector<16xf32>
          %mul3A_994 = arith.mulf %get3A_143, %mul3A_993 : vector<16xf32>
          %convert_element_type3A_995 = arith.fptosi %mul3A_994 : vector<16xf32> to vector<16xi32>
          %ge3A_996 = arith.constant 776 : i32
          %ge3A_997 = vector.broadcast %ge3A_996 : i32 to vector<16xi32>
          %ge3A_998 = arith.cmpi sge, %convert_element_type3A_987, %ge3A_997 : vector<16xi32>
          %sub3A_999 = arith.constant 776 : i32
          %sub3A_1000 = vector.broadcast %sub3A_999 : i32 to vector<16xi32>
          %sub3A_1001 = arith.subi %convert_element_type3A_987, %sub3A_1000 : vector<16xi32>
          %select_n3A_1002 = arith.select %ge3A_998, %sub3A_1001, %convert_element_type3A_987 : vector<16xi1>, vector<16xi32>
          %ge3A_1003 = arith.constant 776 : i32
          %ge3A_1004 = vector.broadcast %ge3A_1003 : i32 to vector<16xi32>
          %ge3A_1005 = arith.cmpi sge, %convert_element_type3A_991, %ge3A_1004 : vector<16xi32>
          %sub3A_1006 = arith.constant 776 : i32
          %sub3A_1007 = vector.broadcast %sub3A_1006 : i32 to vector<16xi32>
          %sub3A_1008 = arith.subi %convert_element_type3A_991, %sub3A_1007 : vector<16xi32>
          %select_n3A_1009 = arith.select %ge3A_1005, %sub3A_1008, %convert_element_type3A_991 : vector<16xi1>, vector<16xi32>
          %ge3A_1010 = arith.constant 776 : i32
          %ge3A_1011 = vector.broadcast %ge3A_1010 : i32 to vector<16xi32>
          %ge3A_1012 = arith.cmpi sge, %convert_element_type3A_995, %ge3A_1011 : vector<16xi32>
          %sub3A_1013 = arith.constant 776 : i32
          %sub3A_1014 = vector.broadcast %sub3A_1013 : i32 to vector<16xi32>
          %sub3A_1015 = arith.subi %convert_element_type3A_995, %sub3A_1014 : vector<16xi32>
          %select_n3A_1016 = arith.select %ge3A_1012, %sub3A_1015, %convert_element_type3A_995 : vector<16xi1>, vector<16xi32>
          %mul3A_1017 = arith.constant 776 : i32
          %mul3A_1018 = vector.broadcast %mul3A_1017 : i32 to vector<16xi32>
          %mul3A_1019 = arith.muli %select_n3A_1009, %mul3A_1018 : vector<16xi32>
          %add3A_1020 = arith.addi %select_n3A_1002, %mul3A_1019 : vector<16xi32>
          %mul3A_1021 = arith.constant 77888 : i32
          %mul3A_1022 = vector.broadcast %mul3A_1021 : i32 to vector<16xi32>
          %mul3A_1023 = arith.muli %select_n3A_1016, %mul3A_1022 : vector<16xi32>
          %add3A_1024 = arith.addi %add3A_1020, %mul3A_1023 : vector<16xi32>
          %and3A_1025 = arith.constant 524287 : i32
          %and3A_1026 = vector.broadcast %and3A_1025 : i32 to vector<16xi32>
          %and3A_1027 = arith.andi %add3A_1024, %and3A_1026 : vector<16xi32>
          %or3A_1028 = arith.constant 6291456 : i32
          %or3A_1029 = vector.broadcast %or3A_1028 : i32 to vector<16xi32>
          %or3A_1030 = arith.ori %and3A_1027, %or3A_1029 : vector<16xi32>
          %shift_right_arithmetic3A_1031 = arith.constant 7 : i32
          %shift_right_arithmetic3A_1032 = vector.broadcast %shift_right_arithmetic3A_1031 : i32 to vector<16xi32>
          %shift_right_arithmetic3A_1033 = arith.shrsi %or3A_1030, %shift_right_arithmetic3A_1032 : vector<16xi32>
          %shift_left3A_1034 = arith.constant 8 : i32
          %shift_left3A_1035 = vector.broadcast %shift_left3A_1034 : i32 to vector<16xi32>
          %shift_left3A_1036 = arith.shli %shift_right_arithmetic3A_1033, %shift_left3A_1035 : vector<16xi32>
          %and3A_1037 = arith.constant 127 : i32
          %and3A_1038 = vector.broadcast %and3A_1037 : i32 to vector<16xi32>
          %and3A_1039 = arith.andi %or3A_1030, %and3A_1038 : vector<16xi32>
          %or3A_1040 = arith.ori %shift_left3A_1036, %and3A_1039 : vector<16xi32>
          %or3A_1041 = arith.constant 128 : i32
          %or3A_1042 = vector.broadcast %or3A_1041 : i32 to vector<16xi32>
          %or3A_1043 = arith.ori %or3A_1040, %or3A_1042 : vector<16xi32>
          %mul3A_1044 = arith.constant 16 : i32
          %mul3A_1045 = arith.muli %scan3A_123, %mul3A_1044 : i32
          %add3A_1046 = arith.constant 2048 : i32
          %add3A_1047 = arith.addi %add3A_1046, %mul3A_1045 : i32
          %swap3A_1048 = arith.index_cast %add3A_1047 : i32 to index
          %swap3A_1049 = tpu.vector_load %arg8[%swap3A_1048] {strides = array<i32>} : memref<4096xi32, #tpu.memory_space<vmem>>, vector<16xi32>,
          tpu.vector_store %arg8[%swap3A_1048], %or3A_1040 {strides = array<i32>} : memref<4096xi32, #tpu.memory_space<vmem>>, vector<16xi32>,
          %mul3A_1050 = arith.constant 16 : i32
          %mul3A_1051 = arith.muli %scan3A_123, %mul3A_1050 : i32
          %add3A_1052 = arith.constant 2176 : i32
          %add3A_1053 = arith.addi %add3A_1052, %mul3A_1051 : i32
          %swap3A_1054 = arith.index_cast %add3A_1053 : i32 to index
          %swap3A_1055 = tpu.vector_load %arg8[%swap3A_1054] {strides = array<i32>} : memref<4096xi32, #tpu.memory_space<vmem>>, vector<16xi32>,
          tpu.vector_store %arg8[%swap3A_1054], %or3A_1043 {strides = array<i32>} : memref<4096xi32, #tpu.memory_space<vmem>>, vector<16xi32>,
          %mul3A_1056 = arith.constant 1.072000e+03 : f32
          %mul3A_1057 = vector.broadcast %mul3A_1056 : f32 to vector<16xf32>
          %mul3A_1058 = arith.mulf %get3A_131, %mul3A_1057 : vector<16xf32>
          %convert_element_type3A_1059 = arith.fptosi %mul3A_1058 : vector<16xf32> to vector<16xi32>
          %mul3A_1060 = arith.constant 1.072000e+03 : f32
          %mul3A_1061 = vector.broadcast %mul3A_1060 : f32 to vector<16xf32>
          %mul3A_1062 = arith.mulf %get3A_137, %mul3A_1061 : vector<16xf32>
          %convert_element_type3A_1063 = arith.fptosi %mul3A_1062 : vector<16xf32> to vector<16xi32>
          %mul3A_1064 = arith.constant 1.072000e+03 : f32
          %mul3A_1065 = vector.broadcast %mul3A_1064 : f32 to vector<16xf32>
          %mul3A_1066 = arith.mulf %get3A_143, %mul3A_1065 : vector<16xf32>
          %convert_element_type3A_1067 = arith.fptosi %mul3A_1066 : vector<16xf32> to vector<16xi32>
          %ge3A_1068 = arith.constant 1072 : i32
          %ge3A_1069 = vector.broadcast %ge3A_1068 : i32 to vector<16xi32>
          %ge3A_1070 = arith.cmpi sge, %convert_element_type3A_1059, %ge3A_1069 : vector<16xi32>
          %sub3A_1071 = arith.constant 1072 : i32
          %sub3A_1072 = vector.broadcast %sub3A_1071 : i32 to vector<16xi32>
          %sub3A_1073 = arith.subi %convert_element_type3A_1059, %sub3A_1072 : vector<16xi32>
          %select_n3A_1074 = arith.select %ge3A_1070, %sub3A_1073, %convert_element_type3A_1059 : vector<16xi1>, vector<16xi32>
          %ge3A_1075 = arith.constant 1072 : i32
          %ge3A_1076 = vector.broadcast %ge3A_1075 : i32 to vector<16xi32>
          %ge3A_1077 = arith.cmpi sge, %convert_element_type3A_1063, %ge3A_1076 : vector<16xi32>
          %sub3A_1078 = arith.constant 1072 : i32
          %sub3A_1079 = vector.broadcast %sub3A_1078 : i32 to vector<16xi32>
          %sub3A_1080 = arith.subi %convert_element_type3A_1063, %sub3A_1079 : vector<16xi32>
          %select_n3A_1081 = arith.select %ge3A_1077, %sub3A_1080, %convert_element_type3A_1063 : vector<16xi1>, vector<16xi32>
          %ge3A_1082 = arith.constant 1072 : i32
          %ge3A_1083 = vector.broadcast %ge3A_1082 : i32 to vector<16xi32>
          %ge3A_1084 = arith.cmpi sge, %convert_element_type3A_1067, %ge3A_1083 : vector<16xi32>
          %sub3A_1085 = arith.constant 1072 : i32
          %sub3A_1086 = vector.broadcast %sub3A_1085 : i32 to vector<16xi32>
          %sub3A_1087 = arith.subi %convert_element_type3A_1067, %sub3A_1086 : vector<16xi32>
          %select_n3A_1088 = arith.select %ge3A_1084, %sub3A_1087, %convert_element_type3A_1067 : vector<16xi1>, vector<16xi32>
          %mul3A_1089 = arith.constant 1072 : i32
          %mul3A_1090 = vector.broadcast %mul3A_1089 : i32 to vector<16xi32>
          %mul3A_1091 = arith.muli %select_n3A_1081, %mul3A_1090 : vector<16xi32>
          %add3A_1092 = arith.addi %select_n3A_1074, %mul3A_1091 : vector<16xi32>
          %mul3A_1093 = arith.constant 100608 : i32
          %mul3A_1094 = vector.broadcast %mul3A_1093 : i32 to vector<16xi32>
          %mul3A_1095 = arith.muli %select_n3A_1088, %mul3A_1094 : vector<16xi32>
          %add3A_1096 = arith.addi %add3A_1092, %mul3A_1095 : vector<16xi32>
          %and3A_1097 = arith.constant 524287 : i32
          %and3A_1098 = vector.broadcast %and3A_1097 : i32 to vector<16xi32>
          %and3A_1099 = arith.andi %add3A_1096, %and3A_1098 : vector<16xi32>
          %or3A_1100 = arith.constant 6815744 : i32
          %or3A_1101 = vector.broadcast %or3A_1100 : i32 to vector<16xi32>
          %or3A_1102 = arith.ori %and3A_1099, %or3A_1101 : vector<16xi32>
          %shift_right_arithmetic3A_1103 = arith.constant 7 : i32
          %shift_right_arithmetic3A_1104 = vector.broadcast %shift_right_arithmetic3A_1103 : i32 to vector<16xi32>
          %shift_right_arithmetic3A_1105 = arith.shrsi %or3A_1102, %shift_right_arithmetic3A_1104 : vector<16xi32>
          %shift_left3A_1106 = arith.constant 8 : i32
          %shift_left3A_1107 = vector.broadcast %shift_left3A_1106 : i32 to vector<16xi32>
          %shift_left3A_1108 = arith.shli %shift_right_arithmetic3A_1105, %shift_left3A_1107 : vector<16xi32>
          %and3A_1109 = arith.constant 127 : i32
          %and3A_1110 = vector.broadcast %and3A_1109 : i32 to vector<16xi32>
          %and3A_1111 = arith.andi %or3A_1102, %and3A_1110 : vector<16xi32>
          %or3A_1112 = arith.ori %shift_left3A_1108, %and3A_1111 : vector<16xi32>
          %or3A_1113 = arith.constant 128 : i32
          %or3A_1114 = vector.broadcast %or3A_1113 : i32 to vector<16xi32>
          %or3A_1115 = arith.ori %or3A_1112, %or3A_1114 : vector<16xi32>
          %mul3A_1116 = arith.constant 16 : i32
          %mul3A_1117 = arith.muli %scan3A_123, %mul3A_1116 : i32
          %add3A_1118 = arith.constant 2304 : i32
          %add3A_1119 = arith.addi %add3A_1118, %mul3A_1117 : i32
          %swap3A_1120 = arith.index_cast %add3A_1119 : i32 to index
          %swap3A_1121 = tpu.vector_load %arg8[%swap3A_1120] {strides = array<i32>} : memref<4096xi32, #tpu.memory_space<vmem>>, vector<16xi32>,
          tpu.vector_store %arg8[%swap3A_1120], %or3A_1112 {strides = array<i32>} : memref<4096xi32, #tpu.memory_space<vmem>>, vector<16xi32>,
          %mul3A_1122 = arith.constant 16 : i32
          %mul3A_1123 = arith.muli %scan3A_123, %mul3A_1122 : i32
          %add3A_1124 = arith.constant 2432 : i32
          %add3A_1125 = arith.addi %add3A_1124, %mul3A_1123 : i32
          %swap3A_1126 = arith.index_cast %add3A_1125 : i32 to index
          %swap3A_1127 = tpu.vector_load %arg8[%swap3A_1126] {strides = array<i32>} : memref<4096xi32, #tpu.memory_space<vmem>>, vector<16xi32>,
          tpu.vector_store %arg8[%swap3A_1126], %or3A_1115 {strides = array<i32>} : memref<4096xi32, #tpu.memory_space<vmem>>, vector<16xi32>,
          %mul3A_1128 = arith.constant 1.482000e+03 : f32
          %mul3A_1129 = vector.broadcast %mul3A_1128 : f32 to vector<16xf32>
          %mul3A_1130 = arith.mulf %get3A_131, %mul3A_1129 : vector<16xf32>
          %convert_element_type3A_1131 = arith.fptosi %mul3A_1130 : vector<16xf32> to vector<16xi32>
          %mul3A_1132 = arith.constant 1.482000e+03 : f32
          %mul3A_1133 = vector.broadcast %mul3A_1132 : f32 to vector<16xf32>
          %mul3A_1134 = arith.mulf %get3A_137, %mul3A_1133 : vector<16xf32>
          %convert_element_type3A_1135 = arith.fptosi %mul3A_1134 : vector<16xf32> to vector<16xi32>
          %mul3A_1136 = arith.constant 1.482000e+03 : f32
          %mul3A_1137 = vector.broadcast %mul3A_1136 : f32 to vector<16xf32>
          %mul3A_1138 = arith.mulf %get3A_143, %mul3A_1137 : vector<16xf32>
          %convert_element_type3A_1139 = arith.fptosi %mul3A_1138 : vector<16xf32> to vector<16xi32>
          %ge3A_1140 = arith.constant 1482 : i32
          %ge3A_1141 = vector.broadcast %ge3A_1140 : i32 to vector<16xi32>
          %ge3A_1142 = arith.cmpi sge, %convert_element_type3A_1131, %ge3A_1141 : vector<16xi32>
          %sub3A_1143 = arith.constant 1482 : i32
          %sub3A_1144 = vector.broadcast %sub3A_1143 : i32 to vector<16xi32>
          %sub3A_1145 = arith.subi %convert_element_type3A_1131, %sub3A_1144 : vector<16xi32>
          %select_n3A_1146 = arith.select %ge3A_1142, %sub3A_1145, %convert_element_type3A_1131 : vector<16xi1>, vector<16xi32>
          %ge3A_1147 = arith.constant 1482 : i32
          %ge3A_1148 = vector.broadcast %ge3A_1147 : i32 to vector<16xi32>
          %ge3A_1149 = arith.cmpi sge, %convert_element_type3A_1135, %ge3A_1148 : vector<16xi32>
          %sub3A_1150 = arith.constant 1482 : i32
          %sub3A_1151 = vector.broadcast %sub3A_1150 : i32 to vector<16xi32>
          %sub3A_1152 = arith.subi %convert_element_type3A_1135, %sub3A_1151 : vector<16xi32>
          %select_n3A_1153 = arith.select %ge3A_1149, %sub3A_1152, %convert_element_type3A_1135 : vector<16xi1>, vector<16xi32>
          %ge3A_1154 = arith.constant 1482 : i32
          %ge3A_1155 = vector.broadcast %ge3A_1154 : i32 to vector<16xi32>
          %ge3A_1156 = arith.cmpi sge, %convert_element_type3A_1139, %ge3A_1155 : vector<16xi32>
          %sub3A_1157 = arith.constant 1482 : i32
          %sub3A_1158 = vector.broadcast %sub3A_1157 : i32 to vector<16xi32>
          %sub3A_1159 = arith.subi %convert_element_type3A_1139, %sub3A_1158 : vector<16xi32>
          %select_n3A_1160 = arith.select %ge3A_1156, %sub3A_1159, %convert_element_type3A_1139 : vector<16xi1>, vector<16xi32>
          %mul3A_1161 = arith.constant 1482 : i32
          %mul3A_1162 = vector.broadcast %mul3A_1161 : i32 to vector<16xi32>
          %mul3A_1163 = arith.muli %select_n3A_1153, %mul3A_1162 : vector<16xi32>
          %add3A_1164 = arith.addi %select_n3A_1146, %mul3A_1163 : vector<16xi32>
          %mul3A_1165 = arith.constant 99172 : i32
          %mul3A_1166 = vector.broadcast %mul3A_1165 : i32 to vector<16xi32>
          %mul3A_1167 = arith.muli %select_n3A_1160, %mul3A_1166 : vector<16xi32>
          %add3A_1168 = arith.addi %add3A_1164, %mul3A_1167 : vector<16xi32>
          %and3A_1169 = arith.constant 524287 : i32
          %and3A_1170 = vector.broadcast %and3A_1169 : i32 to vector<16xi32>
          %and3A_1171 = arith.andi %add3A_1168, %and3A_1170 : vector<16xi32>
          %or3A_1172 = arith.constant 7340032 : i32
          %or3A_1173 = vector.broadcast %or3A_1172 : i32 to vector<16xi32>
          %or3A_1174 = arith.ori %and3A_1171, %or3A_1173 : vector<16xi32>
          %shift_right_arithmetic3A_1175 = arith.constant 7 : i32
          %shift_right_arithmetic3A_1176 = vector.broadcast %shift_right_arithmetic3A_1175 : i32 to vector<16xi32>
          %shift_right_arithmetic3A_1177 = arith.shrsi %or3A_1174, %shift_right_arithmetic3A_1176 : vector<16xi32>
          %shift_left3A_1178 = arith.constant 8 : i32
          %shift_left3A_1179 = vector.broadcast %shift_left3A_1178 : i32 to vector<16xi32>
          %shift_left3A_1180 = arith.shli %shift_right_arithmetic3A_1177, %shift_left3A_1179 : vector<16xi32>
          %and3A_1181 = arith.constant 127 : i32
          %and3A_1182 = vector.broadcast %and3A_1181 : i32 to vector<16xi32>
          %and3A_1183 = arith.andi %or3A_1174, %and3A_1182 : vector<16xi32>
          %or3A_1184 = arith.ori %shift_left3A_1180, %and3A_1183 : vector<16xi32>
          %or3A_1185 = arith.constant 128 : i32
          %or3A_1186 = vector.broadcast %or3A_1185 : i32 to vector<16xi32>
          %or3A_1187 = arith.ori %or3A_1184, %or3A_1186 : vector<16xi32>
          %mul3A_1188 = arith.constant 16 : i32
          %mul3A_1189 = arith.muli %scan3A_123, %mul3A_1188 : i32
          %add3A_1190 = arith.constant 2560 : i32
          %add3A_1191 = arith.addi %add3A_1190, %mul3A_1189 : i32
          %swap3A_1192 = arith.index_cast %add3A_1191 : i32 to index
          %swap3A_1193 = tpu.vector_load %arg8[%swap3A_1192] {strides = array<i32>} : memref<4096xi32, #tpu.memory_space<vmem>>, vector<16xi32>,
          tpu.vector_store %arg8[%swap3A_1192], %or3A_1184 {strides = array<i32>} : memref<4096xi32, #tpu.memory_space<vmem>>, vector<16xi32>,
          %mul3A_1194 = arith.constant 16 : i32
          %mul3A_1195 = arith.muli %scan3A_123, %mul3A_1194 : i32
          %add3A_1196 = arith.constant 2688 : i32
          %add3A_1197 = arith.addi %add3A_1196, %mul3A_1195 : i32
          %swap3A_1198 = arith.index_cast %add3A_1197 : i32 to index
          %swap3A_1199 = tpu.vector_load %arg8[%swap3A_1198] {strides = array<i32>} : memref<4096xi32, #tpu.memory_space<vmem>>, vector<16xi32>,
          tpu.vector_store %arg8[%swap3A_1198], %or3A_1187 {strides = array<i32>} : memref<4096xi32, #tpu.memory_space<vmem>>, vector<16xi32>,
          %mul3A_1200 = arith.constant 2.048000e+03 : f32
          %mul3A_1201 = vector.broadcast %mul3A_1200 : f32 to vector<16xf32>
          %mul3A_1202 = arith.mulf %get3A_131, %mul3A_1201 : vector<16xf32>
          %convert_element_type3A_1203 = arith.fptosi %mul3A_1202 : vector<16xf32> to vector<16xi32>
          %mul3A_1204 = arith.constant 2.048000e+03 : f32
          %mul3A_1205 = vector.broadcast %mul3A_1204 : f32 to vector<16xf32>
          %mul3A_1206 = arith.mulf %get3A_137, %mul3A_1205 : vector<16xf32>
          %convert_element_type3A_1207 = arith.fptosi %mul3A_1206 : vector<16xf32> to vector<16xi32>
          %mul3A_1208 = arith.constant 2.048000e+03 : f32
          %mul3A_1209 = vector.broadcast %mul3A_1208 : f32 to vector<16xf32>
          %mul3A_1210 = arith.mulf %get3A_143, %mul3A_1209 : vector<16xf32>
          %convert_element_type3A_1211 = arith.fptosi %mul3A_1210 : vector<16xf32> to vector<16xi32>
          %ge3A_1212 = arith.constant 2048 : i32
          %ge3A_1213 = vector.broadcast %ge3A_1212 : i32 to vector<16xi32>
          %ge3A_1214 = arith.cmpi sge, %convert_element_type3A_1203, %ge3A_1213 : vector<16xi32>
          %sub3A_1215 = arith.constant 2048 : i32
          %sub3A_1216 = vector.broadcast %sub3A_1215 : i32 to vector<16xi32>
          %sub3A_1217 = arith.subi %convert_element_type3A_1203, %sub3A_1216 : vector<16xi32>
          %select_n3A_1218 = arith.select %ge3A_1214, %sub3A_1217, %convert_element_type3A_1203 : vector<16xi1>, vector<16xi32>
          %ge3A_1219 = arith.constant 2048 : i32
          %ge3A_1220 = vector.broadcast %ge3A_1219 : i32 to vector<16xi32>
          %ge3A_1221 = arith.cmpi sge, %convert_element_type3A_1207, %ge3A_1220 : vector<16xi32>
          %sub3A_1222 = arith.constant 2048 : i32
          %sub3A_1223 = vector.broadcast %sub3A_1222 : i32 to vector<16xi32>
          %sub3A_1224 = arith.subi %convert_element_type3A_1207, %sub3A_1223 : vector<16xi32>
          %select_n3A_1225 = arith.select %ge3A_1221, %sub3A_1224, %convert_element_type3A_1207 : vector<16xi1>, vector<16xi32>
          %ge3A_1226 = arith.constant 2048 : i32
          %ge3A_1227 = vector.broadcast %ge3A_1226 : i32 to vector<16xi32>
          %ge3A_1228 = arith.cmpi sge, %convert_element_type3A_1211, %ge3A_1227 : vector<16xi32>
          %sub3A_1229 = arith.constant 2048 : i32
          %sub3A_1230 = vector.broadcast %sub3A_1229 : i32 to vector<16xi32>
          %sub3A_1231 = arith.subi %convert_element_type3A_1211, %sub3A_1230 : vector<16xi32>
          %select_n3A_1232 = arith.select %ge3A_1228, %sub3A_1231, %convert_element_type3A_1211 : vector<16xi1>, vector<16xi32>
          %mul3A_1233 = arith.constant 2048 : i32
          %mul3A_1234 = vector.broadcast %mul3A_1233 : i32 to vector<16xi32>
          %mul3A_1235 = arith.muli %select_n3A_1225, %mul3A_1234 : vector<16xi32>
          %add3A_1236 = arith.addi %select_n3A_1218, %mul3A_1235 : vector<16xi32>
          %mul3A_1237 = arith.constant 0 : i32
          %mul3A_1238 = vector.broadcast %mul3A_1237 : i32 to vector<16xi32>
          %mul3A_1239 = arith.muli %select_n3A_1232, %mul3A_1238 : vector<16xi32>
          %add3A_1240 = arith.addi %add3A_1236, %mul3A_1239 : vector<16xi32>
          %and3A_1241 = arith.constant 524287 : i32
          %and3A_1242 = vector.broadcast %and3A_1241 : i32 to vector<16xi32>
          %and3A_1243 = arith.andi %add3A_1240, %and3A_1242 : vector<16xi32>
          %or3A_1244 = arith.constant 7864320 : i32
          %or3A_1245 = vector.broadcast %or3A_1244 : i32 to vector<16xi32>
          %or3A_1246 = arith.ori %and3A_1243, %or3A_1245 : vector<16xi32>
          %shift_right_arithmetic3A_1247 = arith.constant 7 : i32
          %shift_right_arithmetic3A_1248 = vector.broadcast %shift_right_arithmetic3A_1247 : i32 to vector<16xi32>
          %shift_right_arithmetic3A_1249 = arith.shrsi %or3A_1246, %shift_right_arithmetic3A_1248 : vector<16xi32>
          %shift_left3A_1250 = arith.constant 8 : i32
          %shift_left3A_1251 = vector.broadcast %shift_left3A_1250 : i32 to vector<16xi32>
          %shift_left3A_1252 = arith.shli %shift_right_arithmetic3A_1249, %shift_left3A_1251 : vector<16xi32>
          %and3A_1253 = arith.constant 127 : i32
          %and3A_1254 = vector.broadcast %and3A_1253 : i32 to vector<16xi32>
          %and3A_1255 = arith.andi %or3A_1246, %and3A_1254 : vector<16xi32>
          %or3A_1256 = arith.ori %shift_left3A_1252, %and3A_1255 : vector<16xi32>
          %or3A_1257 = arith.constant 128 : i32
          %or3A_1258 = vector.broadcast %or3A_1257 : i32 to vector<16xi32>
          %or3A_1259 = arith.ori %or3A_1256, %or3A_1258 : vector<16xi32>
          %mul3A_1260 = arith.constant 16 : i32
          %mul3A_1261 = arith.muli %scan3A_123, %mul3A_1260 : i32
          %add3A_1262 = arith.constant 2816 : i32
          %add3A_1263 = arith.addi %add3A_1262, %mul3A_1261 : i32
          %swap3A_1264 = arith.index_cast %add3A_1263 : i32 to index
          %swap3A_1265 = tpu.vector_load %arg8[%swap3A_1264] {strides = array<i32>} : memref<4096xi32, #tpu.memory_space<vmem>>, vector<16xi32>,
          tpu.vector_store %arg8[%swap3A_1264], %or3A_1256 {strides = array<i32>} : memref<4096xi32, #tpu.memory_space<vmem>>, vector<16xi32>,
          %mul3A_1266 = arith.constant 16 : i32
          %mul3A_1267 = arith.muli %scan3A_123, %mul3A_1266 : i32
          %add3A_1268 = arith.constant 2944 : i32
          %add3A_1269 = arith.addi %add3A_1268, %mul3A_1267 : i32
          %swap3A_1270 = arith.index_cast %add3A_1269 : i32 to index
          %swap3A_1271 = tpu.vector_load %arg8[%swap3A_1270] {strides = array<i32>} : memref<4096xi32, #tpu.memory_space<vmem>>, vector<16xi32>,
          tpu.vector_store %arg8[%swap3A_1270], %or3A_1259 {strides = array<i32>} : memref<4096xi32, #tpu.memory_space<vmem>>, vector<16xi32>,
          %scan3A_1272 = arith.constant 0 : i32
          scf.yield %scan3A_1272 : i32
        }
        %scan3A_108 = arith.constant 8 : i32
        %scan3A_109 = arith.constant 0 : i32
        %scan3A_110 = arith.constant 0 : i32
        %scan3A_111 = arith.constant 8 : i32
        %scan3A_112 = arith.addi %scan3A_110, %scan3A_111 : i32
        %scan3A_113 = arith.constant 1 : i32
        %scan3A_114 = scf.for %scan3A_123 = %scan3A_110 to %scan3A_112 step %scan3A_113 iter_args(%scan3A_124 = %scan3A_109) -> (i32)  : i32 {
          %mul3A_125 = arith.constant 16 : i32
          %mul3A_126 = arith.muli %scan3A_123, %mul3A_125 : i32
          %get3A = arith.constant 0 : i32
          %get3A_127 = arith.constant 1 : i32
          %get3A_128 = arith.index_cast %get3A : i32 to index
          %get3A_129 = arith.index_cast %get3A_127 : i32 to index
          %get3A_130 = arith.index_cast %mul3A_126 : i32 to index
          %get3A_131 = tpu.vector_load %arg5[%get3A_128, %get3A_129, %get3A_130] {strides = array<i32>} : memref<3x2x128xf32, #tpu.memory_space<vmem>>, vector<16xf32>,
          %get3A_132 = arith.constant 1 : i32
          %get3A_133 = arith.constant 1 : i32
          %get3A_134 = arith.index_cast %get3A_132 : i32 to index
          %get3A_135 = arith.index_cast %get3A_133 : i32 to index
          %get3A_136 = arith.index_cast %mul3A_126 : i32 to index
          %get3A_137 = tpu.vector_load %arg5[%get3A_134, %get3A_135, %get3A_136] {strides = array<i32>} : memref<3x2x128xf32, #tpu.memory_space<vmem>>, vector<16xf32>,
          %get3A_138 = arith.constant 2 : i32
          %get3A_139 = arith.constant 1 : i32
          %get3A_140 = arith.index_cast %get3A_138 : i32 to index
          %get3A_141 = arith.index_cast %get3A_139 : i32 to index
          %get3A_142 = arith.index_cast %mul3A_126 : i32 to index
          %get3A_143 = tpu.vector_load %arg5[%get3A_140, %get3A_141, %get3A_142] {strides = array<i32>} : memref<3x2x128xf32, #tpu.memory_space<vmem>>, vector<16xf32>,
          %mul3A_144 = arith.constant 1.600000e+01 : f32
          %mul3A_145 = vector.broadcast %mul3A_144 : f32 to vector<16xf32>
          %mul3A_146 = arith.mulf %get3A_131, %mul3A_145 : vector<16xf32>
          %convert_element_type3A_147 = arith.fptosi %mul3A_146 : vector<16xf32> to vector<16xi32>
          %mul3A_148 = arith.constant 1.600000e+01 : f32
          %mul3A_149 = vector.broadcast %mul3A_148 : f32 to vector<16xf32>
          %mul3A_150 = arith.mulf %get3A_137, %mul3A_149 : vector<16xf32>
          %convert_element_type3A_151 = arith.fptosi %mul3A_150 : vector<16xf32> to vector<16xi32>
          %mul3A_152 = arith.constant 1.600000e+01 : f32
          %mul3A_153 = vector.broadcast %mul3A_152 : f32 to vector<16xf32>
          %mul3A_154 = arith.mulf %get3A_143, %mul3A_153 : vector<16xf32>
          %convert_element_type3A_155 = arith.fptosi %mul3A_154 : vector<16xf32> to vector<16xi32>
          %ge3A = arith.constant 16 : i32
          %ge3A_156 = vector.broadcast %ge3A : i32 to vector<16xi32>
          %ge3A_157 = arith.cmpi sge, %convert_element_type3A_147, %ge3A_156 : vector<16xi32>
          %sub3A_158 = arith.constant 16 : i32
          %sub3A_159 = vector.broadcast %sub3A_158 : i32 to vector<16xi32>
          %sub3A_160 = arith.subi %convert_element_type3A_147, %sub3A_159 : vector<16xi32>
          %select_n3A_161 = arith.select %ge3A_157, %sub3A_160, %convert_element_type3A_147 : vector<16xi1>, vector<16xi32>
          %ge3A_162 = arith.constant 16 : i32
          %ge3A_163 = vector.broadcast %ge3A_162 : i32 to vector<16xi32>
          %ge3A_164 = arith.cmpi sge, %convert_element_type3A_151, %ge3A_163 : vector<16xi32>
          %sub3A_165 = arith.constant 16 : i32
          %sub3A_166 = vector.broadcast %sub3A_165 : i32 to vector<16xi32>
          %sub3A_167 = arith.subi %convert_element_type3A_151, %sub3A_166 : vector<16xi32>
          %select_n3A_168 = arith.select %ge3A_164, %sub3A_167, %convert_element_type3A_151 : vector<16xi1>, vector<16xi32>
          %ge3A_169 = arith.constant 16 : i32
          %ge3A_170 = vector.broadcast %ge3A_169 : i32 to vector<16xi32>
          %ge3A_171 = arith.cmpi sge, %convert_element_type3A_155, %ge3A_170 : vector<16xi32>
          %sub3A_172 = arith.constant 16 : i32
          %sub3A_173 = vector.broadcast %sub3A_172 : i32 to vector<16xi32>
          %sub3A_174 = arith.subi %convert_element_type3A_155, %sub3A_173 : vector<16xi32>
          %select_n3A_175 = arith.select %ge3A_171, %sub3A_174, %convert_element_type3A_155 : vector<16xi1>, vector<16xi32>
          %mul3A_176 = arith.constant 16 : i32
          %mul3A_177 = vector.broadcast %mul3A_176 : i32 to vector<16xi32>
          %mul3A_178 = arith.muli %select_n3A_168, %mul3A_177 : vector<16xi32>
          %add3A_179 = arith.addi %select_n3A_161, %mul3A_178 : vector<16xi32>
          %mul3A_180 = arith.constant 256 : i32
          %mul3A_181 = vector.broadcast %mul3A_180 : i32 to vector<16xi32>
          %mul3A_182 = arith.muli %select_n3A_175, %mul3A_181 : vector<16xi32>
          %add3A_183 = arith.addi %add3A_179, %mul3A_182 : vector<16xi32>
          %shift_right_arithmetic3A = arith.constant 7 : i32
          %shift_right_arithmetic3A_184 = vector.broadcast %shift_right_arithmetic3A : i32 to vector<16xi32>
          %shift_right_arithmetic3A_185 = arith.shrsi %add3A_183, %shift_right_arithmetic3A_184 : vector<16xi32>
          %shift_left3A = arith.constant 8 : i32
          %shift_left3A_186 = vector.broadcast %shift_left3A : i32 to vector<16xi32>
          %shift_left3A_187 = arith.shli %shift_right_arithmetic3A_185, %shift_left3A_186 : vector<16xi32>
          %and3A_188 = arith.constant 127 : i32
          %and3A_189 = vector.broadcast %and3A_188 : i32 to vector<16xi32>
          %and3A_190 = arith.andi %add3A_183, %and3A_189 : vector<16xi32>
          %or3A = arith.ori %shift_left3A_187, %and3A_190 : vector<16xi32>
          %or3A_191 = arith.constant 128 : i32
          %or3A_192 = vector.broadcast %or3A_191 : i32 to vector<16xi32>
          %or3A_193 = arith.ori %or3A, %or3A_192 : vector<16xi32>
          %gather3A = tpu.vector_load_idx %arg17[%or3A] : memref<8192xf32, #tpu.memory_space<vmem>>[vector<16xi32>], vector<16xf32>,
          %gather3A_194 = tpu.vector_load_idx %arg17[%or3A_193] : memref<8192xf32, #tpu.memory_space<vmem>>[vector<16xi32>], vector<16xf32>,
          %mul3A_195 = arith.constant 16 : i32
          %mul3A_196 = arith.muli %scan3A_123, %mul3A_195 : i32
          %add3A_197 = arith.constant 768 : i32
          %add3A_198 = arith.addi %add3A_197, %mul3A_196 : i32
          %swap3A = arith.index_cast %add3A_198 : i32 to index
          %swap3A_199 = tpu.vector_load %arg15[%swap3A] {strides = array<i32>} : memref<1536xf32, #tpu.memory_space<vmem>>, vector<16xf32>,
          tpu.vector_store %arg15[%swap3A], %gather3A {strides = array<i32>} : memref<1536xf32, #tpu.memory_space<vmem>>, vector<16xf32>,
          %add3A_200 = arith.constant 128 : i32
          %add3A_201 = arith.addi %add3A_198, %add3A_200 : i32
          %swap3A_202 = arith.index_cast %add3A_201 : i32 to index
          %swap3A_203 = tpu.vector_load %arg15[%swap3A_202] {strides = array<i32>} : memref<1536xf32, #tpu.memory_space<vmem>>, vector<16xf32>,
          tpu.vector_store %arg15[%swap3A_202], %gather3A_194 {strides = array<i32>} : memref<1536xf32, #tpu.memory_space<vmem>>, vector<16xf32>,
          %mul3A_204 = arith.constant 2.200000e+01 : f32
          %mul3A_205 = vector.broadcast %mul3A_204 : f32 to vector<16xf32>
          %mul3A_206 = arith.mulf %get3A_131, %mul3A_205 : vector<16xf32>
          %convert_element_type3A_207 = arith.fptosi %mul3A_206 : vector<16xf32> to vector<16xi32>
          %mul3A_208 = arith.constant 2.200000e+01 : f32
          %mul3A_209 = vector.broadcast %mul3A_208 : f32 to vector<16xf32>
          %mul3A_210 = arith.mulf %get3A_137, %mul3A_209 : vector<16xf32>
          %convert_element_type3A_211 = arith.fptosi %mul3A_210 : vector<16xf32> to vector<16xi32>
          %mul3A_212 = arith.constant 2.200000e+01 : f32
          %mul3A_213 = vector.broadcast %mul3A_212 : f32 to vector<16xf32>
          %mul3A_214 = arith.mulf %get3A_143, %mul3A_213 : vector<16xf32>
          %convert_element_type3A_215 = arith.fptosi %mul3A_214 : vector<16xf32> to vector<16xi32>
          %ge3A_216 = arith.constant 22 : i32
          %ge3A_217 = vector.broadcast %ge3A_216 : i32 to vector<16xi32>
          %ge3A_218 = arith.cmpi sge, %convert_element_type3A_207, %ge3A_217 : vector<16xi32>
          %sub3A_219 = arith.constant 22 : i32
          %sub3A_220 = vector.broadcast %sub3A_219 : i32 to vector<16xi32>
          %sub3A_221 = arith.subi %convert_element_type3A_207, %sub3A_220 : vector<16xi32>
          %select_n3A_222 = arith.select %ge3A_218, %sub3A_221, %convert_element_type3A_207 : vector<16xi1>, vector<16xi32>
          %ge3A_223 = arith.constant 22 : i32
          %ge3A_224 = vector.broadcast %ge3A_223 : i32 to vector<16xi32>
          %ge3A_225 = arith.cmpi sge, %convert_element_type3A_211, %ge3A_224 : vector<16xi32>
          %sub3A_226 = arith.constant 22 : i32
          %sub3A_227 = vector.broadcast %sub3A_226 : i32 to vector<16xi32>
          %sub3A_228 = arith.subi %convert_element_type3A_211, %sub3A_227 : vector<16xi32>
          %select_n3A_229 = arith.select %ge3A_225, %sub3A_228, %convert_element_type3A_211 : vector<16xi1>, vector<16xi32>
          %ge3A_230 = arith.constant 22 : i32
          %ge3A_231 = vector.broadcast %ge3A_230 : i32 to vector<16xi32>
          %ge3A_232 = arith.cmpi sge, %convert_element_type3A_215, %ge3A_231 : vector<16xi32>
          %sub3A_233 = arith.constant 22 : i32
          %sub3A_234 = vector.broadcast %sub3A_233 : i32 to vector<16xi32>
          %sub3A_235 = arith.subi %convert_element_type3A_215, %sub3A_234 : vector<16xi32>
          %select_n3A_236 = arith.select %ge3A_232, %sub3A_235, %convert_element_type3A_215 : vector<16xi1>, vector<16xi32>
          %mul3A_237 = arith.constant 22 : i32
          %mul3A_238 = vector.broadcast %mul3A_237 : i32 to vector<16xi32>
          %mul3A_239 = arith.muli %select_n3A_229, %mul3A_238 : vector<16xi32>
          %add3A_240 = arith.addi %select_n3A_222, %mul3A_239 : vector<16xi32>
          %mul3A_241 = arith.constant 484 : i32
          %mul3A_242 = vector.broadcast %mul3A_241 : i32 to vector<16xi32>
          %mul3A_243 = arith.muli %select_n3A_236, %mul3A_242 : vector<16xi32>
          %add3A_244 = arith.addi %add3A_240, %mul3A_243 : vector<16xi32>
          %shift_right_arithmetic3A_245 = arith.constant 7 : i32
          %shift_right_arithmetic3A_246 = vector.broadcast %shift_right_arithmetic3A_245 : i32 to vector<16xi32>
          %shift_right_arithmetic3A_247 = arith.shrsi %add3A_244, %shift_right_arithmetic3A_246 : vector<16xi32>
          %shift_left3A_248 = arith.constant 8 : i32
          %shift_left3A_249 = vector.broadcast %shift_left3A_248 : i32 to vector<16xi32>
          %shift_left3A_250 = arith.shli %shift_right_arithmetic3A_247, %shift_left3A_249 : vector<16xi32>
          %and3A_251 = arith.constant 127 : i32
          %and3A_252 = vector.broadcast %and3A_251 : i32 to vector<16xi32>
          %and3A_253 = arith.andi %add3A_244, %and3A_252 : vector<16xi32>
          %or3A_254 = arith.ori %shift_left3A_250, %and3A_253 : vector<16xi32>
          %or3A_255 = arith.constant 128 : i32
          %or3A_256 = vector.broadcast %or3A_255 : i32 to vector<16xi32>
          %or3A_257 = arith.ori %or3A_254, %or3A_256 : vector<16xi32>
          %gather3A_258 = tpu.vector_load_idx %arg18[%or3A_254] : memref<21504xf32, #tpu.memory_space<vmem>>[vector<16xi32>], vector<16xf32>,
          %gather3A_259 = tpu.vector_load_idx %arg18[%or3A_257] : memref<21504xf32, #tpu.memory_space<vmem>>[vector<16xi32>], vector<16xf32>,
          %mul3A_260 = arith.constant 16 : i32
          %mul3A_261 = arith.muli %scan3A_123, %mul3A_260 : i32
          %add3A_262 = arith.constant 1024 : i32
          %add3A_263 = arith.addi %add3A_262, %mul3A_261 : i32
          %swap3A_264 = arith.index_cast %add3A_263 : i32 to index
          %swap3A_265 = tpu.vector_load %arg15[%swap3A_264] {strides = array<i32>} : memref<1536xf32, #tpu.memory_space<vmem>>, vector<16xf32>,
          tpu.vector_store %arg15[%swap3A_264], %gather3A_258 {strides = array<i32>} : memref<1536xf32, #tpu.memory_space<vmem>>, vector<16xf32>,
          %add3A_266 = arith.constant 128 : i32
          %add3A_267 = arith.addi %add3A_263, %add3A_266 : i32
          %swap3A_268 = arith.index_cast %add3A_267 : i32 to index
          %swap3A_269 = tpu.vector_load %arg15[%swap3A_268] {strides = array<i32>} : memref<1536xf32, #tpu.memory_space<vmem>>, vector<16xf32>,
          tpu.vector_store %arg15[%swap3A_268], %gather3A_259 {strides = array<i32>} : memref<1536xf32, #tpu.memory_space<vmem>>, vector<16xf32>,
          %mul3A_270 = arith.constant 3.000000e+01 : f32
          %mul3A_271 = vector.broadcast %mul3A_270 : f32 to vector<16xf32>
          %mul3A_272 = arith.mulf %get3A_131, %mul3A_271 : vector<16xf32>
          %convert_element_type3A_273 = arith.fptosi %mul3A_272 : vector<16xf32> to vector<16xi32>
          %mul3A_274 = arith.constant 3.000000e+01 : f32
          %mul3A_275 = vector.broadcast %mul3A_274 : f32 to vector<16xf32>
          %mul3A_276 = arith.mulf %get3A_137, %mul3A_275 : vector<16xf32>
          %convert_element_type3A_277 = arith.fptosi %mul3A_276 : vector<16xf32> to vector<16xi32>
          %mul3A_278 = arith.constant 3.000000e+01 : f32
          %mul3A_279 = vector.broadcast %mul3A_278 : f32 to vector<16xf32>
          %mul3A_280 = arith.mulf %get3A_143, %mul3A_279 : vector<16xf32>
          %convert_element_type3A_281 = arith.fptosi %mul3A_280 : vector<16xf32> to vector<16xi32>
          %ge3A_282 = arith.constant 30 : i32
          %ge3A_283 = vector.broadcast %ge3A_282 : i32 to vector<16xi32>
          %ge3A_284 = arith.cmpi sge, %convert_element_type3A_273, %ge3A_283 : vector<16xi32>
          %sub3A_285 = arith.constant 30 : i32
          %sub3A_286 = vector.broadcast %sub3A_285 : i32 to vector<16xi32>
          %sub3A_287 = arith.subi %convert_element_type3A_273, %sub3A_286 : vector<16xi32>
          %select_n3A_288 = arith.select %ge3A_284, %sub3A_287, %convert_element_type3A_273 : vector<16xi1>, vector<16xi32>
          %ge3A_289 = arith.constant 30 : i32
          %ge3A_290 = vector.broadcast %ge3A_289 : i32 to vector<16xi32>
          %ge3A_291 = arith.cmpi sge, %convert_element_type3A_277, %ge3A_290 : vector<16xi32>
          %sub3A_292 = arith.constant 30 : i32
          %sub3A_293 = vector.broadcast %sub3A_292 : i32 to vector<16xi32>
          %sub3A_294 = arith.subi %convert_element_type3A_277, %sub3A_293 : vector<16xi32>
          %select_n3A_295 = arith.select %ge3A_291, %sub3A_294, %convert_element_type3A_277 : vector<16xi1>, vector<16xi32>
          %ge3A_296 = arith.constant 30 : i32
          %ge3A_297 = vector.broadcast %ge3A_296 : i32 to vector<16xi32>
          %ge3A_298 = arith.cmpi sge, %convert_element_type3A_281, %ge3A_297 : vector<16xi32>
          %sub3A_299 = arith.constant 30 : i32
          %sub3A_300 = vector.broadcast %sub3A_299 : i32 to vector<16xi32>
          %sub3A_301 = arith.subi %convert_element_type3A_281, %sub3A_300 : vector<16xi32>
          %select_n3A_302 = arith.select %ge3A_298, %sub3A_301, %convert_element_type3A_281 : vector<16xi1>, vector<16xi32>
          %mul3A_303 = arith.constant 30 : i32
          %mul3A_304 = vector.broadcast %mul3A_303 : i32 to vector<16xi32>
          %mul3A_305 = arith.muli %select_n3A_295, %mul3A_304 : vector<16xi32>
          %add3A_306 = arith.addi %select_n3A_288, %mul3A_305 : vector<16xi32>
          %mul3A_307 = arith.constant 900 : i32
          %mul3A_308 = vector.broadcast %mul3A_307 : i32 to vector<16xi32>
          %mul3A_309 = arith.muli %select_n3A_302, %mul3A_308 : vector<16xi32>
          %add3A_310 = arith.addi %add3A_306, %mul3A_309 : vector<16xi32>
          %shift_right_arithmetic3A_311 = arith.constant 7 : i32
          %shift_right_arithmetic3A_312 = vector.broadcast %shift_right_arithmetic3A_311 : i32 to vector<16xi32>
          %shift_right_arithmetic3A_313 = arith.shrsi %add3A_310, %shift_right_arithmetic3A_312 : vector<16xi32>
          %shift_left3A_314 = arith.constant 8 : i32
          %shift_left3A_315 = vector.broadcast %shift_left3A_314 : i32 to vector<16xi32>
          %shift_left3A_316 = arith.shli %shift_right_arithmetic3A_313, %shift_left3A_315 : vector<16xi32>
          %and3A_317 = arith.constant 127 : i32
          %and3A_318 = vector.broadcast %and3A_317 : i32 to vector<16xi32>
          %and3A_319 = arith.andi %add3A_310, %and3A_318 : vector<16xi32>
          %or3A_320 = arith.ori %shift_left3A_316, %and3A_319 : vector<16xi32>
          %or3A_321 = arith.constant 128 : i32
          %or3A_322 = vector.broadcast %or3A_321 : i32 to vector<16xi32>
          %or3A_323 = arith.ori %or3A_320, %or3A_322 : vector<16xi32>
          %gather3A_324 = tpu.vector_load_idx %arg19[%or3A_320] : memref<54016xf32, #tpu.memory_space<vmem>>[vector<16xi32>], vector<16xf32>,
          %gather3A_325 = tpu.vector_load_idx %arg19[%or3A_323] : memref<54016xf32, #tpu.memory_space<vmem>>[vector<16xi32>], vector<16xf32>,
          %mul3A_326 = arith.constant 16 : i32
          %mul3A_327 = arith.muli %scan3A_123, %mul3A_326 : i32
          %add3A_328 = arith.constant 1280 : i32
          %add3A_329 = arith.addi %add3A_328, %mul3A_327 : i32
          %swap3A_330 = arith.index_cast %add3A_329 : i32 to index
          %swap3A_331 = tpu.vector_load %arg15[%swap3A_330] {strides = array<i32>} : memref<1536xf32, #tpu.memory_space<vmem>>, vector<16xf32>,
          tpu.vector_store %arg15[%swap3A_330], %gather3A_324 {strides = array<i32>} : memref<1536xf32, #tpu.memory_space<vmem>>, vector<16xf32>,
          %add3A_332 = arith.constant 128 : i32
          %add3A_333 = arith.addi %add3A_329, %add3A_332 : i32
          %swap3A_334 = arith.index_cast %add3A_333 : i32 to index
          %swap3A_335 = tpu.vector_load %arg15[%swap3A_334] {strides = array<i32>} : memref<1536xf32, #tpu.memory_space<vmem>>, vector<16xf32>,
          tpu.vector_store %arg15[%swap3A_334], %gather3A_325 {strides = array<i32>} : memref<1536xf32, #tpu.memory_space<vmem>>, vector<16xf32>,
          %mul3A_336 = arith.constant 4.200000e+01 : f32
          %mul3A_337 = vector.broadcast %mul3A_336 : f32 to vector<16xf32>
          %mul3A_338 = arith.mulf %get3A_131, %mul3A_337 : vector<16xf32>
          %convert_element_type3A_339 = arith.fptosi %mul3A_338 : vector<16xf32> to vector<16xi32>
          %mul3A_340 = arith.constant 4.200000e+01 : f32
          %mul3A_341 = vector.broadcast %mul3A_340 : f32 to vector<16xf32>
          %mul3A_342 = arith.mulf %get3A_137, %mul3A_341 : vector<16xf32>
          %convert_element_type3A_343 = arith.fptosi %mul3A_342 : vector<16xf32> to vector<16xi32>
          %mul3A_344 = arith.constant 4.200000e+01 : f32
          %mul3A_345 = vector.broadcast %mul3A_344 : f32 to vector<16xf32>
          %mul3A_346 = arith.mulf %get3A_143, %mul3A_345 : vector<16xf32>
          %convert_element_type3A_347 = arith.fptosi %mul3A_346 : vector<16xf32> to vector<16xi32>
          %ge3A_348 = arith.constant 42 : i32
          %ge3A_349 = vector.broadcast %ge3A_348 : i32 to vector<16xi32>
          %ge3A_350 = arith.cmpi sge, %convert_element_type3A_339, %ge3A_349 : vector<16xi32>
          %sub3A_351 = arith.constant 42 : i32
          %sub3A_352 = vector.broadcast %sub3A_351 : i32 to vector<16xi32>
          %sub3A_353 = arith.subi %convert_element_type3A_339, %sub3A_352 : vector<16xi32>
          %select_n3A_354 = arith.select %ge3A_350, %sub3A_353, %convert_element_type3A_339 : vector<16xi1>, vector<16xi32>
          %ge3A_355 = arith.constant 42 : i32
          %ge3A_356 = vector.broadcast %ge3A_355 : i32 to vector<16xi32>
          %ge3A_357 = arith.cmpi sge, %convert_element_type3A_343, %ge3A_356 : vector<16xi32>
          %sub3A_358 = arith.constant 42 : i32
          %sub3A_359 = vector.broadcast %sub3A_358 : i32 to vector<16xi32>
          %sub3A_360 = arith.subi %convert_element_type3A_343, %sub3A_359 : vector<16xi32>
          %select_n3A_361 = arith.select %ge3A_357, %sub3A_360, %convert_element_type3A_343 : vector<16xi1>, vector<16xi32>
          %ge3A_362 = arith.constant 42 : i32
          %ge3A_363 = vector.broadcast %ge3A_362 : i32 to vector<16xi32>
          %ge3A_364 = arith.cmpi sge, %convert_element_type3A_347, %ge3A_363 : vector<16xi32>
          %sub3A_365 = arith.constant 42 : i32
          %sub3A_366 = vector.broadcast %sub3A_365 : i32 to vector<16xi32>
          %sub3A_367 = arith.subi %convert_element_type3A_347, %sub3A_366 : vector<16xi32>
          %select_n3A_368 = arith.select %ge3A_364, %sub3A_367, %convert_element_type3A_347 : vector<16xi1>, vector<16xi32>
          %mul3A_369 = arith.constant 42 : i32
          %mul3A_370 = vector.broadcast %mul3A_369 : i32 to vector<16xi32>
          %mul3A_371 = arith.muli %select_n3A_361, %mul3A_370 : vector<16xi32>
          %add3A_372 = arith.addi %select_n3A_354, %mul3A_371 : vector<16xi32>
          %mul3A_373 = arith.constant 1764 : i32
          %mul3A_374 = vector.broadcast %mul3A_373 : i32 to vector<16xi32>
          %mul3A_375 = arith.muli %select_n3A_368, %mul3A_374 : vector<16xi32>
          %add3A_376 = arith.addi %add3A_372, %mul3A_375 : vector<16xi32>
          %and3A_377 = arith.constant 524287 : i32
          %and3A_378 = vector.broadcast %and3A_377 : i32 to vector<16xi32>
          %and3A_379 = arith.andi %add3A_376, %and3A_378 : vector<16xi32>
          %or3A_380 = arith.constant 1572864 : i32
          %or3A_381 = vector.broadcast %or3A_380 : i32 to vector<16xi32>
          %or3A_382 = arith.ori %and3A_379, %or3A_381 : vector<16xi32>
          %shift_right_arithmetic3A_383 = arith.constant 7 : i32
          %shift_right_arithmetic3A_384 = vector.broadcast %shift_right_arithmetic3A_383 : i32 to vector<16xi32>
          %shift_right_arithmetic3A_385 = arith.shrsi %or3A_382, %shift_right_arithmetic3A_384 : vector<16xi32>
          %shift_left3A_386 = arith.constant 8 : i32
          %shift_left3A_387 = vector.broadcast %shift_left3A_386 : i32 to vector<16xi32>
          %shift_left3A_388 = arith.shli %shift_right_arithmetic3A_385, %shift_left3A_387 : vector<16xi32>
          %and3A_389 = arith.constant 127 : i32
          %and3A_390 = vector.broadcast %and3A_389 : i32 to vector<16xi32>
          %and3A_391 = arith.andi %or3A_382, %and3A_390 : vector<16xi32>
          %or3A_392 = arith.ori %shift_left3A_388, %and3A_391 : vector<16xi32>
          %or3A_393 = arith.constant 128 : i32
          %or3A_394 = vector.broadcast %or3A_393 : i32 to vector<16xi32>
          %or3A_395 = arith.ori %or3A_392, %or3A_394 : vector<16xi32>
          %mul3A_396 = arith.constant 16 : i32
          %mul3A_397 = arith.muli %scan3A_123, %mul3A_396 : i32
          %add3A_398 = arith.constant 256 : i32
          %add3A_399 = arith.addi %add3A_398, %mul3A_397 : i32
          %swap3A_400 = arith.index_cast %add3A_399 : i32 to index
          %swap3A_401 = tpu.vector_load %arg7[%swap3A_400] {strides = array<i32>} : memref<2560xi32, #tpu.memory_space<vmem>>, vector<16xi32>,
          tpu.vector_store %arg7[%swap3A_400], %or3A_392 {strides = array<i32>} : memref<2560xi32, #tpu.memory_space<vmem>>, vector<16xi32>,
          %mul3A_402 = arith.constant 16 : i32
          %mul3A_403 = arith.muli %scan3A_123, %mul3A_402 : i32
          %add3A_404 = arith.constant 384 : i32
          %add3A_405 = arith.addi %add3A_404, %mul3A_403 : i32
          %swap3A_406 = arith.index_cast %add3A_405 : i32 to index
          %swap3A_407 = tpu.vector_load %arg7[%swap3A_406] {strides = array<i32>} : memref<2560xi32, #tpu.memory_space<vmem>>, vector<16xi32>,
          tpu.vector_store %arg7[%swap3A_406], %or3A_395 {strides = array<i32>} : memref<2560xi32, #tpu.memory_space<vmem>>, vector<16xi32>,
          %mul3A_408 = arith.constant 5.800000e+01 : f32
          %mul3A_409 = vector.broadcast %mul3A_408 : f32 to vector<16xf32>
          %mul3A_410 = arith.mulf %get3A_131, %mul3A_409 : vector<16xf32>
          %convert_element_type3A_411 = arith.fptosi %mul3A_410 : vector<16xf32> to vector<16xi32>
          %mul3A_412 = arith.constant 5.800000e+01 : f32
          %mul3A_413 = vector.broadcast %mul3A_412 : f32 to vector<16xf32>
          %mul3A_414 = arith.mulf %get3A_137, %mul3A_413 : vector<16xf32>
          %convert_element_type3A_415 = arith.fptosi %mul3A_414 : vector<16xf32> to vector<16xi32>
          %mul3A_416 = arith.constant 5.800000e+01 : f32
          %mul3A_417 = vector.broadcast %mul3A_416 : f32 to vector<16xf32>
          %mul3A_418 = arith.mulf %get3A_143, %mul3A_417 : vector<16xf32>
          %convert_element_type3A_419 = arith.fptosi %mul3A_418 : vector<16xf32> to vector<16xi32>
          %ge3A_420 = arith.constant 58 : i32
          %ge3A_421 = vector.broadcast %ge3A_420 : i32 to vector<16xi32>
          %ge3A_422 = arith.cmpi sge, %convert_element_type3A_411, %ge3A_421 : vector<16xi32>
          %sub3A_423 = arith.constant 58 : i32
          %sub3A_424 = vector.broadcast %sub3A_423 : i32 to vector<16xi32>
          %sub3A_425 = arith.subi %convert_element_type3A_411, %sub3A_424 : vector<16xi32>
          %select_n3A_426 = arith.select %ge3A_422, %sub3A_425, %convert_element_type3A_411 : vector<16xi1>, vector<16xi32>
          %ge3A_427 = arith.constant 58 : i32
          %ge3A_428 = vector.broadcast %ge3A_427 : i32 to vector<16xi32>
          %ge3A_429 = arith.cmpi sge, %convert_element_type3A_415, %ge3A_428 : vector<16xi32>
          %sub3A_430 = arith.constant 58 : i32
          %sub3A_431 = vector.broadcast %sub3A_430 : i32 to vector<16xi32>
          %sub3A_432 = arith.subi %convert_element_type3A_415, %sub3A_431 : vector<16xi32>
          %select_n3A_433 = arith.select %ge3A_429, %sub3A_432, %convert_element_type3A_415 : vector<16xi1>, vector<16xi32>
          %ge3A_434 = arith.constant 58 : i32
          %ge3A_435 = vector.broadcast %ge3A_434 : i32 to vector<16xi32>
          %ge3A_436 = arith.cmpi sge, %convert_element_type3A_419, %ge3A_435 : vector<16xi32>
          %sub3A_437 = arith.constant 58 : i32
          %sub3A_438 = vector.broadcast %sub3A_437 : i32 to vector<16xi32>
          %sub3A_439 = arith.subi %convert_element_type3A_419, %sub3A_438 : vector<16xi32>
          %select_n3A_440 = arith.select %ge3A_436, %sub3A_439, %convert_element_type3A_419 : vector<16xi1>, vector<16xi32>
          %mul3A_441 = arith.constant 58 : i32
          %mul3A_442 = vector.broadcast %mul3A_441 : i32 to vector<16xi32>
          %mul3A_443 = arith.muli %select_n3A_433, %mul3A_442 : vector<16xi32>
          %add3A_444 = arith.addi %select_n3A_426, %mul3A_443 : vector<16xi32>
          %mul3A_445 = arith.constant 3364 : i32
          %mul3A_446 = vector.broadcast %mul3A_445 : i32 to vector<16xi32>
          %mul3A_447 = arith.muli %select_n3A_440, %mul3A_446 : vector<16xi32>
          %add3A_448 = arith.addi %add3A_444, %mul3A_447 : vector<16xi32>
          %and3A_449 = arith.constant 524287 : i32
          %and3A_450 = vector.broadcast %and3A_449 : i32 to vector<16xi32>
          %and3A_451 = arith.andi %add3A_448, %and3A_450 : vector<16xi32>
          %or3A_452 = arith.constant 2097152 : i32
          %or3A_453 = vector.broadcast %or3A_452 : i32 to vector<16xi32>
          %or3A_454 = arith.ori %and3A_451, %or3A_453 : vector<16xi32>
          %shift_right_arithmetic3A_455 = arith.constant 7 : i32
          %shift_right_arithmetic3A_456 = vector.broadcast %shift_right_arithmetic3A_455 : i32 to vector<16xi32>
          %shift_right_arithmetic3A_457 = arith.shrsi %or3A_454, %shift_right_arithmetic3A_456 : vector<16xi32>
          %shift_left3A_458 = arith.constant 8 : i32
          %shift_left3A_459 = vector.broadcast %shift_left3A_458 : i32 to vector<16xi32>
          %shift_left3A_460 = arith.shli %shift_right_arithmetic3A_457, %shift_left3A_459 : vector<16xi32>
          %and3A_461 = arith.constant 127 : i32
          %and3A_462 = vector.broadcast %and3A_461 : i32 to vector<16xi32>
          %and3A_463 = arith.andi %or3A_454, %and3A_462 : vector<16xi32>
          %or3A_464 = arith.ori %shift_left3A_460, %and3A_463 : vector<16xi32>
          %or3A_465 = arith.constant 128 : i32
          %or3A_466 = vector.broadcast %or3A_465 : i32 to vector<16xi32>
          %or3A_467 = arith.ori %or3A_464, %or3A_466 : vector<16xi32>
          %mul3A_468 = arith.constant 16 : i32
          %mul3A_469 = arith.muli %scan3A_123, %mul3A_468 : i32
          %add3A_470 = arith.constant 1536 : i32
          %add3A_471 = arith.addi %add3A_470, %mul3A_469 : i32
          %swap3A_472 = arith.index_cast %add3A_471 : i32 to index
          %swap3A_473 = tpu.vector_load %arg7[%swap3A_472] {strides = array<i32>} : memref<2560xi32, #tpu.memory_space<vmem>>, vector<16xi32>,
          tpu.vector_store %arg7[%swap3A_472], %or3A_464 {strides = array<i32>} : memref<2560xi32, #tpu.memory_space<vmem>>, vector<16xi32>,
          %mul3A_474 = arith.constant 16 : i32
          %mul3A_475 = arith.muli %scan3A_123, %mul3A_474 : i32
          %add3A_476 = arith.constant 1664 : i32
          %add3A_477 = arith.addi %add3A_476, %mul3A_475 : i32
          %swap3A_478 = arith.index_cast %add3A_477 : i32 to index
          %swap3A_479 = tpu.vector_load %arg7[%swap3A_478] {strides = array<i32>} : memref<2560xi32, #tpu.memory_space<vmem>>, vector<16xi32>,
          tpu.vector_store %arg7[%swap3A_478], %or3A_467 {strides = array<i32>} : memref<2560xi32, #tpu.memory_space<vmem>>, vector<16xi32>,
          %mul3A_480 = arith.constant 8.000000e+01 : f32
          %mul3A_481 = vector.broadcast %mul3A_480 : f32 to vector<16xf32>
          %mul3A_482 = arith.mulf %get3A_131, %mul3A_481 : vector<16xf32>
          %convert_element_type3A_483 = arith.fptosi %mul3A_482 : vector<16xf32> to vector<16xi32>
          %mul3A_484 = arith.constant 8.000000e+01 : f32
          %mul3A_485 = vector.broadcast %mul3A_484 : f32 to vector<16xf32>
          %mul3A_486 = arith.mulf %get3A_137, %mul3A_485 : vector<16xf32>
          %convert_element_type3A_487 = arith.fptosi %mul3A_486 : vector<16xf32> to vector<16xi32>
          %mul3A_488 = arith.constant 8.000000e+01 : f32
          %mul3A_489 = vector.broadcast %mul3A_488 : f32 to vector<16xf32>
          %mul3A_490 = arith.mulf %get3A_143, %mul3A_489 : vector<16xf32>
          %convert_element_type3A_491 = arith.fptosi %mul3A_490 : vector<16xf32> to vector<16xi32>
          %ge3A_492 = arith.constant 80 : i32
          %ge3A_493 = vector.broadcast %ge3A_492 : i32 to vector<16xi32>
          %ge3A_494 = arith.cmpi sge, %convert_element_type3A_483, %ge3A_493 : vector<16xi32>
          %sub3A_495 = arith.constant 80 : i32
          %sub3A_496 = vector.broadcast %sub3A_495 : i32 to vector<16xi32>
          %sub3A_497 = arith.subi %convert_element_type3A_483, %sub3A_496 : vector<16xi32>
          %select_n3A_498 = arith.select %ge3A_494, %sub3A_497, %convert_element_type3A_483 : vector<16xi1>, vector<16xi32>
          %ge3A_499 = arith.constant 80 : i32
          %ge3A_500 = vector.broadcast %ge3A_499 : i32 to vector<16xi32>
          %ge3A_501 = arith.cmpi sge, %convert_element_type3A_487, %ge3A_500 : vector<16xi32>
          %sub3A_502 = arith.constant 80 : i32
          %sub3A_503 = vector.broadcast %sub3A_502 : i32 to vector<16xi32>
          %sub3A_504 = arith.subi %convert_element_type3A_487, %sub3A_503 : vector<16xi32>
          %select_n3A_505 = arith.select %ge3A_501, %sub3A_504, %convert_element_type3A_487 : vector<16xi1>, vector<16xi32>
          %ge3A_506 = arith.constant 80 : i32
          %ge3A_507 = vector.broadcast %ge3A_506 : i32 to vector<16xi32>
          %ge3A_508 = arith.cmpi sge, %convert_element_type3A_491, %ge3A_507 : vector<16xi32>
          %sub3A_509 = arith.constant 80 : i32
          %sub3A_510 = vector.broadcast %sub3A_509 : i32 to vector<16xi32>
          %sub3A_511 = arith.subi %convert_element_type3A_491, %sub3A_510 : vector<16xi32>
          %select_n3A_512 = arith.select %ge3A_508, %sub3A_511, %convert_element_type3A_491 : vector<16xi1>, vector<16xi32>
          %mul3A_513 = arith.constant 80 : i32
          %mul3A_514 = vector.broadcast %mul3A_513 : i32 to vector<16xi32>
          %mul3A_515 = arith.muli %select_n3A_505, %mul3A_514 : vector<16xi32>
          %add3A_516 = arith.addi %select_n3A_498, %mul3A_515 : vector<16xi32>
          %mul3A_517 = arith.constant 6400 : i32
          %mul3A_518 = vector.broadcast %mul3A_517 : i32 to vector<16xi32>
          %mul3A_519 = arith.muli %select_n3A_512, %mul3A_518 : vector<16xi32>
          %add3A_520 = arith.addi %add3A_516, %mul3A_519 : vector<16xi32>
          %and3A_521 = arith.constant 524287 : i32
          %and3A_522 = vector.broadcast %and3A_521 : i32 to vector<16xi32>
          %and3A_523 = arith.andi %add3A_520, %and3A_522 : vector<16xi32>
          %or3A_524 = arith.constant 2621440 : i32
          %or3A_525 = vector.broadcast %or3A_524 : i32 to vector<16xi32>
          %or3A_526 = arith.ori %and3A_523, %or3A_525 : vector<16xi32>
          %shift_right_arithmetic3A_527 = arith.constant 7 : i32
          %shift_right_arithmetic3A_528 = vector.broadcast %shift_right_arithmetic3A_527 : i32 to vector<16xi32>
          %shift_right_arithmetic3A_529 = arith.shrsi %or3A_526, %shift_right_arithmetic3A_528 : vector<16xi32>
          %shift_left3A_530 = arith.constant 8 : i32
          %shift_left3A_531 = vector.broadcast %shift_left3A_530 : i32 to vector<16xi32>
          %shift_left3A_532 = arith.shli %shift_right_arithmetic3A_529, %shift_left3A_531 : vector<16xi32>
          %and3A_533 = arith.constant 127 : i32
          %and3A_534 = vector.broadcast %and3A_533 : i32 to vector<16xi32>
          %and3A_535 = arith.andi %or3A_526, %and3A_534 : vector<16xi32>
          %or3A_536 = arith.ori %shift_left3A_532, %and3A_535 : vector<16xi32>
          %or3A_537 = arith.constant 128 : i32
          %or3A_538 = vector.broadcast %or3A_537 : i32 to vector<16xi32>
          %or3A_539 = arith.ori %or3A_536, %or3A_538 : vector<16xi32>
          %mul3A_540 = arith.constant 16 : i32
          %mul3A_541 = arith.muli %scan3A_123, %mul3A_540 : i32
          %add3A_542 = arith.constant 1792 : i32
          %add3A_543 = arith.addi %add3A_542, %mul3A_541 : i32
          %swap3A_544 = arith.index_cast %add3A_543 : i32 to index
          %swap3A_545 = tpu.vector_load %arg7[%swap3A_544] {strides = array<i32>} : memref<2560xi32, #tpu.memory_space<vmem>>, vector<16xi32>,
          tpu.vector_store %arg7[%swap3A_544], %or3A_536 {strides = array<i32>} : memref<2560xi32, #tpu.memory_space<vmem>>, vector<16xi32>,
          %mul3A_546 = arith.constant 16 : i32
          %mul3A_547 = arith.muli %scan3A_123, %mul3A_546 : i32
          %add3A_548 = arith.constant 1920 : i32
          %add3A_549 = arith.addi %add3A_548, %mul3A_547 : i32
          %swap3A_550 = arith.index_cast %add3A_549 : i32 to index
          %swap3A_551 = tpu.vector_load %arg7[%swap3A_550] {strides = array<i32>} : memref<2560xi32, #tpu.memory_space<vmem>>, vector<16xi32>,
          tpu.vector_store %arg7[%swap3A_550], %or3A_539 {strides = array<i32>} : memref<2560xi32, #tpu.memory_space<vmem>>, vector<16xi32>,
          %mul3A_552 = arith.constant 1.110000e+02 : f32
          %mul3A_553 = vector.broadcast %mul3A_552 : f32 to vector<16xf32>
          %mul3A_554 = arith.mulf %get3A_131, %mul3A_553 : vector<16xf32>
          %convert_element_type3A_555 = arith.fptosi %mul3A_554 : vector<16xf32> to vector<16xi32>
          %mul3A_556 = arith.constant 1.110000e+02 : f32
          %mul3A_557 = vector.broadcast %mul3A_556 : f32 to vector<16xf32>
          %mul3A_558 = arith.mulf %get3A_137, %mul3A_557 : vector<16xf32>
          %convert_element_type3A_559 = arith.fptosi %mul3A_558 : vector<16xf32> to vector<16xi32>
          %mul3A_560 = arith.constant 1.110000e+02 : f32
          %mul3A_561 = vector.broadcast %mul3A_560 : f32 to vector<16xf32>
          %mul3A_562 = arith.mulf %get3A_143, %mul3A_561 : vector<16xf32>
          %convert_element_type3A_563 = arith.fptosi %mul3A_562 : vector<16xf32> to vector<16xi32>
          %ge3A_564 = arith.constant 111 : i32
          %ge3A_565 = vector.broadcast %ge3A_564 : i32 to vector<16xi32>
          %ge3A_566 = arith.cmpi sge, %convert_element_type3A_555, %ge3A_565 : vector<16xi32>
          %sub3A_567 = arith.constant 111 : i32
          %sub3A_568 = vector.broadcast %sub3A_567 : i32 to vector<16xi32>
          %sub3A_569 = arith.subi %convert_element_type3A_555, %sub3A_568 : vector<16xi32>
          %select_n3A_570 = arith.select %ge3A_566, %sub3A_569, %convert_element_type3A_555 : vector<16xi1>, vector<16xi32>
          %ge3A_571 = arith.constant 111 : i32
          %ge3A_572 = vector.broadcast %ge3A_571 : i32 to vector<16xi32>
          %ge3A_573 = arith.cmpi sge, %convert_element_type3A_559, %ge3A_572 : vector<16xi32>
          %sub3A_574 = arith.constant 111 : i32
          %sub3A_575 = vector.broadcast %sub3A_574 : i32 to vector<16xi32>
          %sub3A_576 = arith.subi %convert_element_type3A_559, %sub3A_575 : vector<16xi32>
          %select_n3A_577 = arith.select %ge3A_573, %sub3A_576, %convert_element_type3A_559 : vector<16xi1>, vector<16xi32>
          %ge3A_578 = arith.constant 111 : i32
          %ge3A_579 = vector.broadcast %ge3A_578 : i32 to vector<16xi32>
          %ge3A_580 = arith.cmpi sge, %convert_element_type3A_563, %ge3A_579 : vector<16xi32>
          %sub3A_581 = arith.constant 111 : i32
          %sub3A_582 = vector.broadcast %sub3A_581 : i32 to vector<16xi32>
          %sub3A_583 = arith.subi %convert_element_type3A_563, %sub3A_582 : vector<16xi32>
          %select_n3A_584 = arith.select %ge3A_580, %sub3A_583, %convert_element_type3A_563 : vector<16xi1>, vector<16xi32>
          %mul3A_585 = arith.constant 111 : i32
          %mul3A_586 = vector.broadcast %mul3A_585 : i32 to vector<16xi32>
          %mul3A_587 = arith.muli %select_n3A_577, %mul3A_586 : vector<16xi32>
          %add3A_588 = arith.addi %select_n3A_570, %mul3A_587 : vector<16xi32>
          %mul3A_589 = arith.constant 12321 : i32
          %mul3A_590 = vector.broadcast %mul3A_589 : i32 to vector<16xi32>
          %mul3A_591 = arith.muli %select_n3A_584, %mul3A_590 : vector<16xi32>
          %add3A_592 = arith.addi %add3A_588, %mul3A_591 : vector<16xi32>
          %and3A_593 = arith.constant 524287 : i32
          %and3A_594 = vector.broadcast %and3A_593 : i32 to vector<16xi32>
          %and3A_595 = arith.andi %add3A_592, %and3A_594 : vector<16xi32>
          %or3A_596 = arith.constant 3145728 : i32
          %or3A_597 = vector.broadcast %or3A_596 : i32 to vector<16xi32>
          %or3A_598 = arith.ori %and3A_595, %or3A_597 : vector<16xi32>
          %shift_right_arithmetic3A_599 = arith.constant 7 : i32
          %shift_right_arithmetic3A_600 = vector.broadcast %shift_right_arithmetic3A_599 : i32 to vector<16xi32>
          %shift_right_arithmetic3A_601 = arith.shrsi %or3A_598, %shift_right_arithmetic3A_600 : vector<16xi32>
          %shift_left3A_602 = arith.constant 8 : i32
          %shift_left3A_603 = vector.broadcast %shift_left3A_602 : i32 to vector<16xi32>
          %shift_left3A_604 = arith.shli %shift_right_arithmetic3A_601, %shift_left3A_603 : vector<16xi32>
          %and3A_605 = arith.constant 127 : i32
          %and3A_606 = vector.broadcast %and3A_605 : i32 to vector<16xi32>
          %and3A_607 = arith.andi %or3A_598, %and3A_606 : vector<16xi32>
          %or3A_608 = arith.ori %shift_left3A_604, %and3A_607 : vector<16xi32>
          %or3A_609 = arith.constant 128 : i32
          %or3A_610 = vector.broadcast %or3A_609 : i32 to vector<16xi32>
          %or3A_611 = arith.ori %or3A_608, %or3A_610 : vector<16xi32>
          %mul3A_612 = arith.constant 16 : i32
          %mul3A_613 = arith.muli %scan3A_123, %mul3A_612 : i32
          %add3A_614 = arith.constant 2048 : i32
          %add3A_615 = arith.addi %add3A_614, %mul3A_613 : i32
          %swap3A_616 = arith.index_cast %add3A_615 : i32 to index
          %swap3A_617 = tpu.vector_load %arg7[%swap3A_616] {strides = array<i32>} : memref<2560xi32, #tpu.memory_space<vmem>>, vector<16xi32>,
          tpu.vector_store %arg7[%swap3A_616], %or3A_608 {strides = array<i32>} : memref<2560xi32, #tpu.memory_space<vmem>>, vector<16xi32>,
          %mul3A_618 = arith.constant 16 : i32
          %mul3A_619 = arith.muli %scan3A_123, %mul3A_618 : i32
          %add3A_620 = arith.constant 2176 : i32
          %add3A_621 = arith.addi %add3A_620, %mul3A_619 : i32
          %swap3A_622 = arith.index_cast %add3A_621 : i32 to index
          %swap3A_623 = tpu.vector_load %arg7[%swap3A_622] {strides = array<i32>} : memref<2560xi32, #tpu.memory_space<vmem>>, vector<16xi32>,
          tpu.vector_store %arg7[%swap3A_622], %or3A_611 {strides = array<i32>} : memref<2560xi32, #tpu.memory_space<vmem>>, vector<16xi32>,
          %mul3A_624 = arith.constant 1.530000e+02 : f32
          %mul3A_625 = vector.broadcast %mul3A_624 : f32 to vector<16xf32>
          %mul3A_626 = arith.mulf %get3A_131, %mul3A_625 : vector<16xf32>
          %convert_element_type3A_627 = arith.fptosi %mul3A_626 : vector<16xf32> to vector<16xi32>
          %mul3A_628 = arith.constant 1.530000e+02 : f32
          %mul3A_629 = vector.broadcast %mul3A_628 : f32 to vector<16xf32>
          %mul3A_630 = arith.mulf %get3A_137, %mul3A_629 : vector<16xf32>
          %convert_element_type3A_631 = arith.fptosi %mul3A_630 : vector<16xf32> to vector<16xi32>
          %mul3A_632 = arith.constant 1.530000e+02 : f32
          %mul3A_633 = vector.broadcast %mul3A_632 : f32 to vector<16xf32>
          %mul3A_634 = arith.mulf %get3A_143, %mul3A_633 : vector<16xf32>
          %convert_element_type3A_635 = arith.fptosi %mul3A_634 : vector<16xf32> to vector<16xi32>
          %ge3A_636 = arith.constant 153 : i32
          %ge3A_637 = vector.broadcast %ge3A_636 : i32 to vector<16xi32>
          %ge3A_638 = arith.cmpi sge, %convert_element_type3A_627, %ge3A_637 : vector<16xi32>
          %sub3A_639 = arith.constant 153 : i32
          %sub3A_640 = vector.broadcast %sub3A_639 : i32 to vector<16xi32>
          %sub3A_641 = arith.subi %convert_element_type3A_627, %sub3A_640 : vector<16xi32>
          %select_n3A_642 = arith.select %ge3A_638, %sub3A_641, %convert_element_type3A_627 : vector<16xi1>, vector<16xi32>
          %ge3A_643 = arith.constant 153 : i32
          %ge3A_644 = vector.broadcast %ge3A_643 : i32 to vector<16xi32>
          %ge3A_645 = arith.cmpi sge, %convert_element_type3A_631, %ge3A_644 : vector<16xi32>
          %sub3A_646 = arith.constant 153 : i32
          %sub3A_647 = vector.broadcast %sub3A_646 : i32 to vector<16xi32>
          %sub3A_648 = arith.subi %convert_element_type3A_631, %sub3A_647 : vector<16xi32>
          %select_n3A_649 = arith.select %ge3A_645, %sub3A_648, %convert_element_type3A_631 : vector<16xi1>, vector<16xi32>
          %ge3A_650 = arith.constant 153 : i32
          %ge3A_651 = vector.broadcast %ge3A_650 : i32 to vector<16xi32>
          %ge3A_652 = arith.cmpi sge, %convert_element_type3A_635, %ge3A_651 : vector<16xi32>
          %sub3A_653 = arith.constant 153 : i32
          %sub3A_654 = vector.broadcast %sub3A_653 : i32 to vector<16xi32>
          %sub3A_655 = arith.subi %convert_element_type3A_635, %sub3A_654 : vector<16xi32>
          %select_n3A_656 = arith.select %ge3A_652, %sub3A_655, %convert_element_type3A_635 : vector<16xi1>, vector<16xi32>
          %mul3A_657 = arith.constant 153 : i32
          %mul3A_658 = vector.broadcast %mul3A_657 : i32 to vector<16xi32>
          %mul3A_659 = arith.muli %select_n3A_649, %mul3A_658 : vector<16xi32>
          %add3A_660 = arith.addi %select_n3A_642, %mul3A_659 : vector<16xi32>
          %mul3A_661 = arith.constant 23409 : i32
          %mul3A_662 = vector.broadcast %mul3A_661 : i32 to vector<16xi32>
          %mul3A_663 = arith.muli %select_n3A_656, %mul3A_662 : vector<16xi32>
          %add3A_664 = arith.addi %add3A_660, %mul3A_663 : vector<16xi32>
          %and3A_665 = arith.constant 524287 : i32
          %and3A_666 = vector.broadcast %and3A_665 : i32 to vector<16xi32>
          %and3A_667 = arith.andi %add3A_664, %and3A_666 : vector<16xi32>
          %or3A_668 = arith.constant 3670016 : i32
          %or3A_669 = vector.broadcast %or3A_668 : i32 to vector<16xi32>
          %or3A_670 = arith.ori %and3A_667, %or3A_669 : vector<16xi32>
          %shift_right_arithmetic3A_671 = arith.constant 7 : i32
          %shift_right_arithmetic3A_672 = vector.broadcast %shift_right_arithmetic3A_671 : i32 to vector<16xi32>
          %shift_right_arithmetic3A_673 = arith.shrsi %or3A_670, %shift_right_arithmetic3A_672 : vector<16xi32>
          %shift_left3A_674 = arith.constant 8 : i32
          %shift_left3A_675 = vector.broadcast %shift_left3A_674 : i32 to vector<16xi32>
          %shift_left3A_676 = arith.shli %shift_right_arithmetic3A_673, %shift_left3A_675 : vector<16xi32>
          %and3A_677 = arith.constant 127 : i32
          %and3A_678 = vector.broadcast %and3A_677 : i32 to vector<16xi32>
          %and3A_679 = arith.andi %or3A_670, %and3A_678 : vector<16xi32>
          %or3A_680 = arith.ori %shift_left3A_676, %and3A_679 : vector<16xi32>
          %or3A_681 = arith.constant 128 : i32
          %or3A_682 = vector.broadcast %or3A_681 : i32 to vector<16xi32>
          %or3A_683 = arith.ori %or3A_680, %or3A_682 : vector<16xi32>
          %mul3A_684 = arith.constant 16 : i32
          %mul3A_685 = arith.muli %scan3A_123, %mul3A_684 : i32
          %add3A_686 = arith.constant 2304 : i32
          %add3A_687 = arith.addi %add3A_686, %mul3A_685 : i32
          %swap3A_688 = arith.index_cast %add3A_687 : i32 to index
          %swap3A_689 = tpu.vector_load %arg7[%swap3A_688] {strides = array<i32>} : memref<2560xi32, #tpu.memory_space<vmem>>, vector<16xi32>,
          tpu.vector_store %arg7[%swap3A_688], %or3A_680 {strides = array<i32>} : memref<2560xi32, #tpu.memory_space<vmem>>, vector<16xi32>,
          %mul3A_690 = arith.constant 16 : i32
          %mul3A_691 = arith.muli %scan3A_123, %mul3A_690 : i32
          %add3A_692 = arith.constant 2432 : i32
          %add3A_693 = arith.addi %add3A_692, %mul3A_691 : i32
          %swap3A_694 = arith.index_cast %add3A_693 : i32 to index
          %swap3A_695 = tpu.vector_load %arg7[%swap3A_694] {strides = array<i32>} : memref<2560xi32, #tpu.memory_space<vmem>>, vector<16xi32>,
          tpu.vector_store %arg7[%swap3A_694], %or3A_683 {strides = array<i32>} : memref<2560xi32, #tpu.memory_space<vmem>>, vector<16xi32>,
          %mul3A_696 = arith.constant 2.120000e+02 : f32
          %mul3A_697 = vector.broadcast %mul3A_696 : f32 to vector<16xf32>
          %mul3A_698 = arith.mulf %get3A_131, %mul3A_697 : vector<16xf32>
          %convert_element_type3A_699 = arith.fptosi %mul3A_698 : vector<16xf32> to vector<16xi32>
          %mul3A_700 = arith.constant 2.120000e+02 : f32
          %mul3A_701 = vector.broadcast %mul3A_700 : f32 to vector<16xf32>
          %mul3A_702 = arith.mulf %get3A_137, %mul3A_701 : vector<16xf32>
          %convert_element_type3A_703 = arith.fptosi %mul3A_702 : vector<16xf32> to vector<16xi32>
          %mul3A_704 = arith.constant 2.120000e+02 : f32
          %mul3A_705 = vector.broadcast %mul3A_704 : f32 to vector<16xf32>
          %mul3A_706 = arith.mulf %get3A_143, %mul3A_705 : vector<16xf32>
          %convert_element_type3A_707 = arith.fptosi %mul3A_706 : vector<16xf32> to vector<16xi32>
          %ge3A_708 = arith.constant 212 : i32
          %ge3A_709 = vector.broadcast %ge3A_708 : i32 to vector<16xi32>
          %ge3A_710 = arith.cmpi sge, %convert_element_type3A_699, %ge3A_709 : vector<16xi32>
          %sub3A_711 = arith.constant 212 : i32
          %sub3A_712 = vector.broadcast %sub3A_711 : i32 to vector<16xi32>
          %sub3A_713 = arith.subi %convert_element_type3A_699, %sub3A_712 : vector<16xi32>
          %select_n3A_714 = arith.select %ge3A_710, %sub3A_713, %convert_element_type3A_699 : vector<16xi1>, vector<16xi32>
          %ge3A_715 = arith.constant 212 : i32
          %ge3A_716 = vector.broadcast %ge3A_715 : i32 to vector<16xi32>
          %ge3A_717 = arith.cmpi sge, %convert_element_type3A_703, %ge3A_716 : vector<16xi32>
          %sub3A_718 = arith.constant 212 : i32
          %sub3A_719 = vector.broadcast %sub3A_718 : i32 to vector<16xi32>
          %sub3A_720 = arith.subi %convert_element_type3A_703, %sub3A_719 : vector<16xi32>
          %select_n3A_721 = arith.select %ge3A_717, %sub3A_720, %convert_element_type3A_703 : vector<16xi1>, vector<16xi32>
          %ge3A_722 = arith.constant 212 : i32
          %ge3A_723 = vector.broadcast %ge3A_722 : i32 to vector<16xi32>
          %ge3A_724 = arith.cmpi sge, %convert_element_type3A_707, %ge3A_723 : vector<16xi32>
          %sub3A_725 = arith.constant 212 : i32
          %sub3A_726 = vector.broadcast %sub3A_725 : i32 to vector<16xi32>
          %sub3A_727 = arith.subi %convert_element_type3A_707, %sub3A_726 : vector<16xi32>
          %select_n3A_728 = arith.select %ge3A_724, %sub3A_727, %convert_element_type3A_707 : vector<16xi1>, vector<16xi32>
          %mul3A_729 = arith.constant 212 : i32
          %mul3A_730 = vector.broadcast %mul3A_729 : i32 to vector<16xi32>
          %mul3A_731 = arith.muli %select_n3A_721, %mul3A_730 : vector<16xi32>
          %add3A_732 = arith.addi %select_n3A_714, %mul3A_731 : vector<16xi32>
          %mul3A_733 = arith.constant 44944 : i32
          %mul3A_734 = vector.broadcast %mul3A_733 : i32 to vector<16xi32>
          %mul3A_735 = arith.muli %select_n3A_728, %mul3A_734 : vector<16xi32>
          %add3A_736 = arith.addi %add3A_732, %mul3A_735 : vector<16xi32>
          %and3A_737 = arith.constant 524287 : i32
          %and3A_738 = vector.broadcast %and3A_737 : i32 to vector<16xi32>
          %and3A_739 = arith.andi %add3A_736, %and3A_738 : vector<16xi32>
          %or3A_740 = arith.constant 4194304 : i32
          %or3A_741 = vector.broadcast %or3A_740 : i32 to vector<16xi32>
          %or3A_742 = arith.ori %and3A_739, %or3A_741 : vector<16xi32>
          %shift_right_arithmetic3A_743 = arith.constant 7 : i32
          %shift_right_arithmetic3A_744 = vector.broadcast %shift_right_arithmetic3A_743 : i32 to vector<16xi32>
          %shift_right_arithmetic3A_745 = arith.shrsi %or3A_742, %shift_right_arithmetic3A_744 : vector<16xi32>
          %shift_left3A_746 = arith.constant 8 : i32
          %shift_left3A_747 = vector.broadcast %shift_left3A_746 : i32 to vector<16xi32>
          %shift_left3A_748 = arith.shli %shift_right_arithmetic3A_745, %shift_left3A_747 : vector<16xi32>
          %and3A_749 = arith.constant 127 : i32
          %and3A_750 = vector.broadcast %and3A_749 : i32 to vector<16xi32>
          %and3A_751 = arith.andi %or3A_742, %and3A_750 : vector<16xi32>
          %or3A_752 = arith.ori %shift_left3A_748, %and3A_751 : vector<16xi32>
          %or3A_753 = arith.constant 128 : i32
          %or3A_754 = vector.broadcast %or3A_753 : i32 to vector<16xi32>
          %or3A_755 = arith.ori %or3A_752, %or3A_754 : vector<16xi32>
          %mul3A_756 = arith.constant 16 : i32
          %mul3A_757 = arith.muli %scan3A_123, %mul3A_756 : i32
          %add3A_758 = arith.constant 1024 : i32
          %add3A_759 = arith.addi %add3A_758, %mul3A_757 : i32
          %swap3A_760 = arith.index_cast %add3A_759 : i32 to index
          %swap3A_761 = tpu.vector_load %arg8[%swap3A_760] {strides = array<i32>} : memref<4096xi32, #tpu.memory_space<vmem>>, vector<16xi32>,
          tpu.vector_store %arg8[%swap3A_760], %or3A_752 {strides = array<i32>} : memref<4096xi32, #tpu.memory_space<vmem>>, vector<16xi32>,
          %mul3A_762 = arith.constant 16 : i32
          %mul3A_763 = arith.muli %scan3A_123, %mul3A_762 : i32
          %add3A_764 = arith.constant 1152 : i32
          %add3A_765 = arith.addi %add3A_764, %mul3A_763 : i32
          %swap3A_766 = arith.index_cast %add3A_765 : i32 to index
          %swap3A_767 = tpu.vector_load %arg8[%swap3A_766] {strides = array<i32>} : memref<4096xi32, #tpu.memory_space<vmem>>, vector<16xi32>,
          tpu.vector_store %arg8[%swap3A_766], %or3A_755 {strides = array<i32>} : memref<4096xi32, #tpu.memory_space<vmem>>, vector<16xi32>,
          %mul3A_768 = arith.constant 2.940000e+02 : f32
          %mul3A_769 = vector.broadcast %mul3A_768 : f32 to vector<16xf32>
          %mul3A_770 = arith.mulf %get3A_131, %mul3A_769 : vector<16xf32>
          %convert_element_type3A_771 = arith.fptosi %mul3A_770 : vector<16xf32> to vector<16xi32>
          %mul3A_772 = arith.constant 2.940000e+02 : f32
          %mul3A_773 = vector.broadcast %mul3A_772 : f32 to vector<16xf32>
          %mul3A_774 = arith.mulf %get3A_137, %mul3A_773 : vector<16xf32>
          %convert_element_type3A_775 = arith.fptosi %mul3A_774 : vector<16xf32> to vector<16xi32>
          %mul3A_776 = arith.constant 2.940000e+02 : f32
          %mul3A_777 = vector.broadcast %mul3A_776 : f32 to vector<16xf32>
          %mul3A_778 = arith.mulf %get3A_143, %mul3A_777 : vector<16xf32>
          %convert_element_type3A_779 = arith.fptosi %mul3A_778 : vector<16xf32> to vector<16xi32>
          %ge3A_780 = arith.constant 294 : i32
          %ge3A_781 = vector.broadcast %ge3A_780 : i32 to vector<16xi32>
          %ge3A_782 = arith.cmpi sge, %convert_element_type3A_771, %ge3A_781 : vector<16xi32>
          %sub3A_783 = arith.constant 294 : i32
          %sub3A_784 = vector.broadcast %sub3A_783 : i32 to vector<16xi32>
          %sub3A_785 = arith.subi %convert_element_type3A_771, %sub3A_784 : vector<16xi32>
          %select_n3A_786 = arith.select %ge3A_782, %sub3A_785, %convert_element_type3A_771 : vector<16xi1>, vector<16xi32>
          %ge3A_787 = arith.constant 294 : i32
          %ge3A_788 = vector.broadcast %ge3A_787 : i32 to vector<16xi32>
          %ge3A_789 = arith.cmpi sge, %convert_element_type3A_775, %ge3A_788 : vector<16xi32>
          %sub3A_790 = arith.constant 294 : i32
          %sub3A_791 = vector.broadcast %sub3A_790 : i32 to vector<16xi32>
          %sub3A_792 = arith.subi %convert_element_type3A_775, %sub3A_791 : vector<16xi32>
          %select_n3A_793 = arith.select %ge3A_789, %sub3A_792, %convert_element_type3A_775 : vector<16xi1>, vector<16xi32>
          %ge3A_794 = arith.constant 294 : i32
          %ge3A_795 = vector.broadcast %ge3A_794 : i32 to vector<16xi32>
          %ge3A_796 = arith.cmpi sge, %convert_element_type3A_779, %ge3A_795 : vector<16xi32>
          %sub3A_797 = arith.constant 294 : i32
          %sub3A_798 = vector.broadcast %sub3A_797 : i32 to vector<16xi32>
          %sub3A_799 = arith.subi %convert_element_type3A_779, %sub3A_798 : vector<16xi32>
          %select_n3A_800 = arith.select %ge3A_796, %sub3A_799, %convert_element_type3A_779 : vector<16xi1>, vector<16xi32>
          %mul3A_801 = arith.constant 294 : i32
          %mul3A_802 = vector.broadcast %mul3A_801 : i32 to vector<16xi32>
          %mul3A_803 = arith.muli %select_n3A_793, %mul3A_802 : vector<16xi32>
          %add3A_804 = arith.addi %select_n3A_786, %mul3A_803 : vector<16xi32>
          %mul3A_805 = arith.constant 86436 : i32
          %mul3A_806 = vector.broadcast %mul3A_805 : i32 to vector<16xi32>
          %mul3A_807 = arith.muli %select_n3A_800, %mul3A_806 : vector<16xi32>
          %add3A_808 = arith.addi %add3A_804, %mul3A_807 : vector<16xi32>
          %and3A_809 = arith.constant 524287 : i32
          %and3A_810 = vector.broadcast %and3A_809 : i32 to vector<16xi32>
          %and3A_811 = arith.andi %add3A_808, %and3A_810 : vector<16xi32>
          %or3A_812 = arith.constant 4718592 : i32
          %or3A_813 = vector.broadcast %or3A_812 : i32 to vector<16xi32>
          %or3A_814 = arith.ori %and3A_811, %or3A_813 : vector<16xi32>
          %shift_right_arithmetic3A_815 = arith.constant 7 : i32
          %shift_right_arithmetic3A_816 = vector.broadcast %shift_right_arithmetic3A_815 : i32 to vector<16xi32>
          %shift_right_arithmetic3A_817 = arith.shrsi %or3A_814, %shift_right_arithmetic3A_816 : vector<16xi32>
          %shift_left3A_818 = arith.constant 8 : i32
          %shift_left3A_819 = vector.broadcast %shift_left3A_818 : i32 to vector<16xi32>
          %shift_left3A_820 = arith.shli %shift_right_arithmetic3A_817, %shift_left3A_819 : vector<16xi32>
          %and3A_821 = arith.constant 127 : i32
          %and3A_822 = vector.broadcast %and3A_821 : i32 to vector<16xi32>
          %and3A_823 = arith.andi %or3A_814, %and3A_822 : vector<16xi32>
          %or3A_824 = arith.ori %shift_left3A_820, %and3A_823 : vector<16xi32>
          %or3A_825 = arith.constant 128 : i32
          %or3A_826 = vector.broadcast %or3A_825 : i32 to vector<16xi32>
          %or3A_827 = arith.ori %or3A_824, %or3A_826 : vector<16xi32>
          %mul3A_828 = arith.constant 16 : i32
          %mul3A_829 = arith.muli %scan3A_123, %mul3A_828 : i32
          %add3A_830 = arith.constant 1280 : i32
          %add3A_831 = arith.addi %add3A_830, %mul3A_829 : i32
          %swap3A_832 = arith.index_cast %add3A_831 : i32 to index
          %swap3A_833 = tpu.vector_load %arg8[%swap3A_832] {strides = array<i32>} : memref<4096xi32, #tpu.memory_space<vmem>>, vector<16xi32>,
          tpu.vector_store %arg8[%swap3A_832], %or3A_824 {strides = array<i32>} : memref<4096xi32, #tpu.memory_space<vmem>>, vector<16xi32>,
          %mul3A_834 = arith.constant 16 : i32
          %mul3A_835 = arith.muli %scan3A_123, %mul3A_834 : i32
          %add3A_836 = arith.constant 1408 : i32
          %add3A_837 = arith.addi %add3A_836, %mul3A_835 : i32
          %swap3A_838 = arith.index_cast %add3A_837 : i32 to index
          %swap3A_839 = tpu.vector_load %arg8[%swap3A_838] {strides = array<i32>} : memref<4096xi32, #tpu.memory_space<vmem>>, vector<16xi32>,
          tpu.vector_store %arg8[%swap3A_838], %or3A_827 {strides = array<i32>} : memref<4096xi32, #tpu.memory_space<vmem>>, vector<16xi32>,
          %mul3A_840 = arith.constant 4.060000e+02 : f32
          %mul3A_841 = vector.broadcast %mul3A_840 : f32 to vector<16xf32>
          %mul3A_842 = arith.mulf %get3A_131, %mul3A_841 : vector<16xf32>
          %convert_element_type3A_843 = arith.fptosi %mul3A_842 : vector<16xf32> to vector<16xi32>
          %mul3A_844 = arith.constant 4.060000e+02 : f32
          %mul3A_845 = vector.broadcast %mul3A_844 : f32 to vector<16xf32>
          %mul3A_846 = arith.mulf %get3A_137, %mul3A_845 : vector<16xf32>
          %convert_element_type3A_847 = arith.fptosi %mul3A_846 : vector<16xf32> to vector<16xi32>
          %mul3A_848 = arith.constant 4.060000e+02 : f32
          %mul3A_849 = vector.broadcast %mul3A_848 : f32 to vector<16xf32>
          %mul3A_850 = arith.mulf %get3A_143, %mul3A_849 : vector<16xf32>
          %convert_element_type3A_851 = arith.fptosi %mul3A_850 : vector<16xf32> to vector<16xi32>
          %ge3A_852 = arith.constant 406 : i32
          %ge3A_853 = vector.broadcast %ge3A_852 : i32 to vector<16xi32>
          %ge3A_854 = arith.cmpi sge, %convert_element_type3A_843, %ge3A_853 : vector<16xi32>
          %sub3A_855 = arith.constant 406 : i32
          %sub3A_856 = vector.broadcast %sub3A_855 : i32 to vector<16xi32>
          %sub3A_857 = arith.subi %convert_element_type3A_843, %sub3A_856 : vector<16xi32>
          %select_n3A_858 = arith.select %ge3A_854, %sub3A_857, %convert_element_type3A_843 : vector<16xi1>, vector<16xi32>
          %ge3A_859 = arith.constant 406 : i32
          %ge3A_860 = vector.broadcast %ge3A_859 : i32 to vector<16xi32>
          %ge3A_861 = arith.cmpi sge, %convert_element_type3A_847, %ge3A_860 : vector<16xi32>
          %sub3A_862 = arith.constant 406 : i32
          %sub3A_863 = vector.broadcast %sub3A_862 : i32 to vector<16xi32>
          %sub3A_864 = arith.subi %convert_element_type3A_847, %sub3A_863 : vector<16xi32>
          %select_n3A_865 = arith.select %ge3A_861, %sub3A_864, %convert_element_type3A_847 : vector<16xi1>, vector<16xi32>
          %ge3A_866 = arith.constant 406 : i32
          %ge3A_867 = vector.broadcast %ge3A_866 : i32 to vector<16xi32>
          %ge3A_868 = arith.cmpi sge, %convert_element_type3A_851, %ge3A_867 : vector<16xi32>
          %sub3A_869 = arith.constant 406 : i32
          %sub3A_870 = vector.broadcast %sub3A_869 : i32 to vector<16xi32>
          %sub3A_871 = arith.subi %convert_element_type3A_851, %sub3A_870 : vector<16xi32>
          %select_n3A_872 = arith.select %ge3A_868, %sub3A_871, %convert_element_type3A_851 : vector<16xi1>, vector<16xi32>
          %mul3A_873 = arith.constant 406 : i32
          %mul3A_874 = vector.broadcast %mul3A_873 : i32 to vector<16xi32>
          %mul3A_875 = arith.muli %select_n3A_865, %mul3A_874 : vector<16xi32>
          %add3A_876 = arith.addi %select_n3A_858, %mul3A_875 : vector<16xi32>
          %mul3A_877 = arith.constant 164836 : i32
          %mul3A_878 = vector.broadcast %mul3A_877 : i32 to vector<16xi32>
          %mul3A_879 = arith.muli %select_n3A_872, %mul3A_878 : vector<16xi32>
          %add3A_880 = arith.addi %add3A_876, %mul3A_879 : vector<16xi32>
          %and3A_881 = arith.constant 524287 : i32
          %and3A_882 = vector.broadcast %and3A_881 : i32 to vector<16xi32>
          %and3A_883 = arith.andi %add3A_880, %and3A_882 : vector<16xi32>
          %or3A_884 = arith.constant 5242880 : i32
          %or3A_885 = vector.broadcast %or3A_884 : i32 to vector<16xi32>
          %or3A_886 = arith.ori %and3A_883, %or3A_885 : vector<16xi32>
          %shift_right_arithmetic3A_887 = arith.constant 7 : i32
          %shift_right_arithmetic3A_888 = vector.broadcast %shift_right_arithmetic3A_887 : i32 to vector<16xi32>
          %shift_right_arithmetic3A_889 = arith.shrsi %or3A_886, %shift_right_arithmetic3A_888 : vector<16xi32>
          %shift_left3A_890 = arith.constant 8 : i32
          %shift_left3A_891 = vector.broadcast %shift_left3A_890 : i32 to vector<16xi32>
          %shift_left3A_892 = arith.shli %shift_right_arithmetic3A_889, %shift_left3A_891 : vector<16xi32>
          %and3A_893 = arith.constant 127 : i32
          %and3A_894 = vector.broadcast %and3A_893 : i32 to vector<16xi32>
          %and3A_895 = arith.andi %or3A_886, %and3A_894 : vector<16xi32>
          %or3A_896 = arith.ori %shift_left3A_892, %and3A_895 : vector<16xi32>
          %or3A_897 = arith.constant 128 : i32
          %or3A_898 = vector.broadcast %or3A_897 : i32 to vector<16xi32>
          %or3A_899 = arith.ori %or3A_896, %or3A_898 : vector<16xi32>
          %mul3A_900 = arith.constant 16 : i32
          %mul3A_901 = arith.muli %scan3A_123, %mul3A_900 : i32
          %add3A_902 = arith.constant 1536 : i32
          %add3A_903 = arith.addi %add3A_902, %mul3A_901 : i32
          %swap3A_904 = arith.index_cast %add3A_903 : i32 to index
          %swap3A_905 = tpu.vector_load %arg8[%swap3A_904] {strides = array<i32>} : memref<4096xi32, #tpu.memory_space<vmem>>, vector<16xi32>,
          tpu.vector_store %arg8[%swap3A_904], %or3A_896 {strides = array<i32>} : memref<4096xi32, #tpu.memory_space<vmem>>, vector<16xi32>,
          %mul3A_906 = arith.constant 16 : i32
          %mul3A_907 = arith.muli %scan3A_123, %mul3A_906 : i32
          %add3A_908 = arith.constant 1664 : i32
          %add3A_909 = arith.addi %add3A_908, %mul3A_907 : i32
          %swap3A_910 = arith.index_cast %add3A_909 : i32 to index
          %swap3A_911 = tpu.vector_load %arg8[%swap3A_910] {strides = array<i32>} : memref<4096xi32, #tpu.memory_space<vmem>>, vector<16xi32>,
          tpu.vector_store %arg8[%swap3A_910], %or3A_899 {strides = array<i32>} : memref<4096xi32, #tpu.memory_space<vmem>>, vector<16xi32>,
          %mul3A_912 = arith.constant 5.610000e+02 : f32
          %mul3A_913 = vector.broadcast %mul3A_912 : f32 to vector<16xf32>
          %mul3A_914 = arith.mulf %get3A_131, %mul3A_913 : vector<16xf32>
          %convert_element_type3A_915 = arith.fptosi %mul3A_914 : vector<16xf32> to vector<16xi32>
          %mul3A_916 = arith.constant 5.610000e+02 : f32
          %mul3A_917 = vector.broadcast %mul3A_916 : f32 to vector<16xf32>
          %mul3A_918 = arith.mulf %get3A_137, %mul3A_917 : vector<16xf32>
          %convert_element_type3A_919 = arith.fptosi %mul3A_918 : vector<16xf32> to vector<16xi32>
          %mul3A_920 = arith.constant 5.610000e+02 : f32
          %mul3A_921 = vector.broadcast %mul3A_920 : f32 to vector<16xf32>
          %mul3A_922 = arith.mulf %get3A_143, %mul3A_921 : vector<16xf32>
          %convert_element_type3A_923 = arith.fptosi %mul3A_922 : vector<16xf32> to vector<16xi32>
          %ge3A_924 = arith.constant 561 : i32
          %ge3A_925 = vector.broadcast %ge3A_924 : i32 to vector<16xi32>
          %ge3A_926 = arith.cmpi sge, %convert_element_type3A_915, %ge3A_925 : vector<16xi32>
          %sub3A_927 = arith.constant 561 : i32
          %sub3A_928 = vector.broadcast %sub3A_927 : i32 to vector<16xi32>
          %sub3A_929 = arith.subi %convert_element_type3A_915, %sub3A_928 : vector<16xi32>
          %select_n3A_930 = arith.select %ge3A_926, %sub3A_929, %convert_element_type3A_915 : vector<16xi1>, vector<16xi32>
          %ge3A_931 = arith.constant 561 : i32
          %ge3A_932 = vector.broadcast %ge3A_931 : i32 to vector<16xi32>
          %ge3A_933 = arith.cmpi sge, %convert_element_type3A_919, %ge3A_932 : vector<16xi32>
          %sub3A_934 = arith.constant 561 : i32
          %sub3A_935 = vector.broadcast %sub3A_934 : i32 to vector<16xi32>
          %sub3A_936 = arith.subi %convert_element_type3A_919, %sub3A_935 : vector<16xi32>
          %select_n3A_937 = arith.select %ge3A_933, %sub3A_936, %convert_element_type3A_919 : vector<16xi1>, vector<16xi32>
          %ge3A_938 = arith.constant 561 : i32
          %ge3A_939 = vector.broadcast %ge3A_938 : i32 to vector<16xi32>
          %ge3A_940 = arith.cmpi sge, %convert_element_type3A_923, %ge3A_939 : vector<16xi32>
          %sub3A_941 = arith.constant 561 : i32
          %sub3A_942 = vector.broadcast %sub3A_941 : i32 to vector<16xi32>
          %sub3A_943 = arith.subi %convert_element_type3A_923, %sub3A_942 : vector<16xi32>
          %select_n3A_944 = arith.select %ge3A_940, %sub3A_943, %convert_element_type3A_923 : vector<16xi1>, vector<16xi32>
          %mul3A_945 = arith.constant 561 : i32
          %mul3A_946 = vector.broadcast %mul3A_945 : i32 to vector<16xi32>
          %mul3A_947 = arith.muli %select_n3A_937, %mul3A_946 : vector<16xi32>
          %add3A_948 = arith.addi %select_n3A_930, %mul3A_947 : vector<16xi32>
          %mul3A_949 = arith.constant 314721 : i32
          %mul3A_950 = vector.broadcast %mul3A_949 : i32 to vector<16xi32>
          %mul3A_951 = arith.muli %select_n3A_944, %mul3A_950 : vector<16xi32>
          %add3A_952 = arith.addi %add3A_948, %mul3A_951 : vector<16xi32>
          %and3A_953 = arith.constant 524287 : i32
          %and3A_954 = vector.broadcast %and3A_953 : i32 to vector<16xi32>
          %and3A_955 = arith.andi %add3A_952, %and3A_954 : vector<16xi32>
          %or3A_956 = arith.constant 5767168 : i32
          %or3A_957 = vector.broadcast %or3A_956 : i32 to vector<16xi32>
          %or3A_958 = arith.ori %and3A_955, %or3A_957 : vector<16xi32>
          %shift_right_arithmetic3A_959 = arith.constant 7 : i32
          %shift_right_arithmetic3A_960 = vector.broadcast %shift_right_arithmetic3A_959 : i32 to vector<16xi32>
          %shift_right_arithmetic3A_961 = arith.shrsi %or3A_958, %shift_right_arithmetic3A_960 : vector<16xi32>
          %shift_left3A_962 = arith.constant 8 : i32
          %shift_left3A_963 = vector.broadcast %shift_left3A_962 : i32 to vector<16xi32>
          %shift_left3A_964 = arith.shli %shift_right_arithmetic3A_961, %shift_left3A_963 : vector<16xi32>
          %and3A_965 = arith.constant 127 : i32
          %and3A_966 = vector.broadcast %and3A_965 : i32 to vector<16xi32>
          %and3A_967 = arith.andi %or3A_958, %and3A_966 : vector<16xi32>
          %or3A_968 = arith.ori %shift_left3A_964, %and3A_967 : vector<16xi32>
          %or3A_969 = arith.constant 128 : i32
          %or3A_970 = vector.broadcast %or3A_969 : i32 to vector<16xi32>
          %or3A_971 = arith.ori %or3A_968, %or3A_970 : vector<16xi32>
          %mul3A_972 = arith.constant 16 : i32
          %mul3A_973 = arith.muli %scan3A_123, %mul3A_972 : i32
          %add3A_974 = arith.constant 1792 : i32
          %add3A_975 = arith.addi %add3A_974, %mul3A_973 : i32
          %swap3A_976 = arith.index_cast %add3A_975 : i32 to index
          %swap3A_977 = tpu.vector_load %arg8[%swap3A_976] {strides = array<i32>} : memref<4096xi32, #tpu.memory_space<vmem>>, vector<16xi32>,
          tpu.vector_store %arg8[%swap3A_976], %or3A_968 {strides = array<i32>} : memref<4096xi32, #tpu.memory_space<vmem>>, vector<16xi32>,
          %mul3A_978 = arith.constant 16 : i32
          %mul3A_979 = arith.muli %scan3A_123, %mul3A_978 : i32
          %add3A_980 = arith.constant 1920 : i32
          %add3A_981 = arith.addi %add3A_980, %mul3A_979 : i32
          %swap3A_982 = arith.index_cast %add3A_981 : i32 to index
          %swap3A_983 = tpu.vector_load %arg8[%swap3A_982] {strides = array<i32>} : memref<4096xi32, #tpu.memory_space<vmem>>, vector<16xi32>,
          tpu.vector_store %arg8[%swap3A_982], %or3A_971 {strides = array<i32>} : memref<4096xi32, #tpu.memory_space<vmem>>, vector<16xi32>,
          %mul3A_984 = arith.constant 7.760000e+02 : f32
          %mul3A_985 = vector.broadcast %mul3A_984 : f32 to vector<16xf32>
          %mul3A_986 = arith.mulf %get3A_131, %mul3A_985 : vector<16xf32>
          %convert_element_type3A_987 = arith.fptosi %mul3A_986 : vector<16xf32> to vector<16xi32>
          %mul3A_988 = arith.constant 7.760000e+02 : f32
          %mul3A_989 = vector.broadcast %mul3A_988 : f32 to vector<16xf32>
          %mul3A_990 = arith.mulf %get3A_137, %mul3A_989 : vector<16xf32>
          %convert_element_type3A_991 = arith.fptosi %mul3A_990 : vector<16xf32> to vector<16xi32>
          %mul3A_992 = arith.constant 7.760000e+02 : f32
          %mul3A_993 = vector.broadcast %mul3A_992 : f32 to vector<16xf32>
          %mul3A_994 = arith.mulf %get3A_143, %mul3A_993 : vector<16xf32>
          %convert_element_type3A_995 = arith.fptosi %mul3A_994 : vector<16xf32> to vector<16xi32>
          %ge3A_996 = arith.constant 776 : i32
          %ge3A_997 = vector.broadcast %ge3A_996 : i32 to vector<16xi32>
          %ge3A_998 = arith.cmpi sge, %convert_element_type3A_987, %ge3A_997 : vector<16xi32>
          %sub3A_999 = arith.constant 776 : i32
          %sub3A_1000 = vector.broadcast %sub3A_999 : i32 to vector<16xi32>
          %sub3A_1001 = arith.subi %convert_element_type3A_987, %sub3A_1000 : vector<16xi32>
          %select_n3A_1002 = arith.select %ge3A_998, %sub3A_1001, %convert_element_type3A_987 : vector<16xi1>, vector<16xi32>
          %ge3A_1003 = arith.constant 776 : i32
          %ge3A_1004 = vector.broadcast %ge3A_1003 : i32 to vector<16xi32>
          %ge3A_1005 = arith.cmpi sge, %convert_element_type3A_991, %ge3A_1004 : vector<16xi32>
          %sub3A_1006 = arith.constant 776 : i32
          %sub3A_1007 = vector.broadcast %sub3A_1006 : i32 to vector<16xi32>
          %sub3A_1008 = arith.subi %convert_element_type3A_991, %sub3A_1007 : vector<16xi32>
          %select_n3A_1009 = arith.select %ge3A_1005, %sub3A_1008, %convert_element_type3A_991 : vector<16xi1>, vector<16xi32>
          %ge3A_1010 = arith.constant 776 : i32
          %ge3A_1011 = vector.broadcast %ge3A_1010 : i32 to vector<16xi32>
          %ge3A_1012 = arith.cmpi sge, %convert_element_type3A_995, %ge3A_1011 : vector<16xi32>
          %sub3A_1013 = arith.constant 776 : i32
          %sub3A_1014 = vector.broadcast %sub3A_1013 : i32 to vector<16xi32>
          %sub3A_1015 = arith.subi %convert_element_type3A_995, %sub3A_1014 : vector<16xi32>
          %select_n3A_1016 = arith.select %ge3A_1012, %sub3A_1015, %convert_element_type3A_995 : vector<16xi1>, vector<16xi32>
          %mul3A_1017 = arith.constant 776 : i32
          %mul3A_1018 = vector.broadcast %mul3A_1017 : i32 to vector<16xi32>
          %mul3A_1019 = arith.muli %select_n3A_1009, %mul3A_1018 : vector<16xi32>
          %add3A_1020 = arith.addi %select_n3A_1002, %mul3A_1019 : vector<16xi32>
          %mul3A_1021 = arith.constant 77888 : i32
          %mul3A_1022 = vector.broadcast %mul3A_1021 : i32 to vector<16xi32>
          %mul3A_1023 = arith.muli %select_n3A_1016, %mul3A_1022 : vector<16xi32>
          %add3A_1024 = arith.addi %add3A_1020, %mul3A_1023 : vector<16xi32>
          %and3A_1025 = arith.constant 524287 : i32
          %and3A_1026 = vector.broadcast %and3A_1025 : i32 to vector<16xi32>
          %and3A_1027 = arith.andi %add3A_1024, %and3A_1026 : vector<16xi32>
          %or3A_1028 = arith.constant 6291456 : i32
          %or3A_1029 = vector.broadcast %or3A_1028 : i32 to vector<16xi32>
          %or3A_1030 = arith.ori %and3A_1027, %or3A_1029 : vector<16xi32>
          %shift_right_arithmetic3A_1031 = arith.constant 7 : i32
          %shift_right_arithmetic3A_1032 = vector.broadcast %shift_right_arithmetic3A_1031 : i32 to vector<16xi32>
          %shift_right_arithmetic3A_1033 = arith.shrsi %or3A_1030, %shift_right_arithmetic3A_1032 : vector<16xi32>
          %shift_left3A_1034 = arith.constant 8 : i32
          %shift_left3A_1035 = vector.broadcast %shift_left3A_1034 : i32 to vector<16xi32>
          %shift_left3A_1036 = arith.shli %shift_right_arithmetic3A_1033, %shift_left3A_1035 : vector<16xi32>
          %and3A_1037 = arith.constant 127 : i32
          %and3A_1038 = vector.broadcast %and3A_1037 : i32 to vector<16xi32>
          %and3A_1039 = arith.andi %or3A_1030, %and3A_1038 : vector<16xi32>
          %or3A_1040 = arith.ori %shift_left3A_1036, %and3A_1039 : vector<16xi32>
          %or3A_1041 = arith.constant 128 : i32
          %or3A_1042 = vector.broadcast %or3A_1041 : i32 to vector<16xi32>
          %or3A_1043 = arith.ori %or3A_1040, %or3A_1042 : vector<16xi32>
          %mul3A_1044 = arith.constant 16 : i32
          %mul3A_1045 = arith.muli %scan3A_123, %mul3A_1044 : i32
          %add3A_1046 = arith.constant 3072 : i32
          %add3A_1047 = arith.addi %add3A_1046, %mul3A_1045 : i32
          %swap3A_1048 = arith.index_cast %add3A_1047 : i32 to index
          %swap3A_1049 = tpu.vector_load %arg8[%swap3A_1048] {strides = array<i32>} : memref<4096xi32, #tpu.memory_space<vmem>>, vector<16xi32>,
          tpu.vector_store %arg8[%swap3A_1048], %or3A_1040 {strides = array<i32>} : memref<4096xi32, #tpu.memory_space<vmem>>, vector<16xi32>,
          %mul3A_1050 = arith.constant 16 : i32
          %mul3A_1051 = arith.muli %scan3A_123, %mul3A_1050 : i32
          %add3A_1052 = arith.constant 3200 : i32
          %add3A_1053 = arith.addi %add3A_1052, %mul3A_1051 : i32
          %swap3A_1054 = arith.index_cast %add3A_1053 : i32 to index
          %swap3A_1055 = tpu.vector_load %arg8[%swap3A_1054] {strides = array<i32>} : memref<4096xi32, #tpu.memory_space<vmem>>, vector<16xi32>,
          tpu.vector_store %arg8[%swap3A_1054], %or3A_1043 {strides = array<i32>} : memref<4096xi32, #tpu.memory_space<vmem>>, vector<16xi32>,
          %mul3A_1056 = arith.constant 1.072000e+03 : f32
          %mul3A_1057 = vector.broadcast %mul3A_1056 : f32 to vector<16xf32>
          %mul3A_1058 = arith.mulf %get3A_131, %mul3A_1057 : vector<16xf32>
          %convert_element_type3A_1059 = arith.fptosi %mul3A_1058 : vector<16xf32> to vector<16xi32>
          %mul3A_1060 = arith.constant 1.072000e+03 : f32
          %mul3A_1061 = vector.broadcast %mul3A_1060 : f32 to vector<16xf32>
          %mul3A_1062 = arith.mulf %get3A_137, %mul3A_1061 : vector<16xf32>
          %convert_element_type3A_1063 = arith.fptosi %mul3A_1062 : vector<16xf32> to vector<16xi32>
          %mul3A_1064 = arith.constant 1.072000e+03 : f32
          %mul3A_1065 = vector.broadcast %mul3A_1064 : f32 to vector<16xf32>
          %mul3A_1066 = arith.mulf %get3A_143, %mul3A_1065 : vector<16xf32>
          %convert_element_type3A_1067 = arith.fptosi %mul3A_1066 : vector<16xf32> to vector<16xi32>
          %ge3A_1068 = arith.constant 1072 : i32
          %ge3A_1069 = vector.broadcast %ge3A_1068 : i32 to vector<16xi32>
          %ge3A_1070 = arith.cmpi sge, %convert_element_type3A_1059, %ge3A_1069 : vector<16xi32>
          %sub3A_1071 = arith.constant 1072 : i32
          %sub3A_1072 = vector.broadcast %sub3A_1071 : i32 to vector<16xi32>
          %sub3A_1073 = arith.subi %convert_element_type3A_1059, %sub3A_1072 : vector<16xi32>
          %select_n3A_1074 = arith.select %ge3A_1070, %sub3A_1073, %convert_element_type3A_1059 : vector<16xi1>, vector<16xi32>
          %ge3A_1075 = arith.constant 1072 : i32
          %ge3A_1076 = vector.broadcast %ge3A_1075 : i32 to vector<16xi32>
          %ge3A_1077 = arith.cmpi sge, %convert_element_type3A_1063, %ge3A_1076 : vector<16xi32>
          %sub3A_1078 = arith.constant 1072 : i32
          %sub3A_1079 = vector.broadcast %sub3A_1078 : i32 to vector<16xi32>
          %sub3A_1080 = arith.subi %convert_element_type3A_1063, %sub3A_1079 : vector<16xi32>
          %select_n3A_1081 = arith.select %ge3A_1077, %sub3A_1080, %convert_element_type3A_1063 : vector<16xi1>, vector<16xi32>
          %ge3A_1082 = arith.constant 1072 : i32
          %ge3A_1083 = vector.broadcast %ge3A_1082 : i32 to vector<16xi32>
          %ge3A_1084 = arith.cmpi sge, %convert_element_type3A_1067, %ge3A_1083 : vector<16xi32>
          %sub3A_1085 = arith.constant 1072 : i32
          %sub3A_1086 = vector.broadcast %sub3A_1085 : i32 to vector<16xi32>
          %sub3A_1087 = arith.subi %convert_element_type3A_1067, %sub3A_1086 : vector<16xi32>
          %select_n3A_1088 = arith.select %ge3A_1084, %sub3A_1087, %convert_element_type3A_1067 : vector<16xi1>, vector<16xi32>
          %mul3A_1089 = arith.constant 1072 : i32
          %mul3A_1090 = vector.broadcast %mul3A_1089 : i32 to vector<16xi32>
          %mul3A_1091 = arith.muli %select_n3A_1081, %mul3A_1090 : vector<16xi32>
          %add3A_1092 = arith.addi %select_n3A_1074, %mul3A_1091 : vector<16xi32>
          %mul3A_1093 = arith.constant 100608 : i32
          %mul3A_1094 = vector.broadcast %mul3A_1093 : i32 to vector<16xi32>
          %mul3A_1095 = arith.muli %select_n3A_1088, %mul3A_1094 : vector<16xi32>
          %add3A_1096 = arith.addi %add3A_1092, %mul3A_1095 : vector<16xi32>
          %and3A_1097 = arith.constant 524287 : i32
          %and3A_1098 = vector.broadcast %and3A_1097 : i32 to vector<16xi32>
          %and3A_1099 = arith.andi %add3A_1096, %and3A_1098 : vector<16xi32>
          %or3A_1100 = arith.constant 6815744 : i32
          %or3A_1101 = vector.broadcast %or3A_1100 : i32 to vector<16xi32>
          %or3A_1102 = arith.ori %and3A_1099, %or3A_1101 : vector<16xi32>
          %shift_right_arithmetic3A_1103 = arith.constant 7 : i32
          %shift_right_arithmetic3A_1104 = vector.broadcast %shift_right_arithmetic3A_1103 : i32 to vector<16xi32>
          %shift_right_arithmetic3A_1105 = arith.shrsi %or3A_1102, %shift_right_arithmetic3A_1104 : vector<16xi32>
          %shift_left3A_1106 = arith.constant 8 : i32
          %shift_left3A_1107 = vector.broadcast %shift_left3A_1106 : i32 to vector<16xi32>
          %shift_left3A_1108 = arith.shli %shift_right_arithmetic3A_1105, %shift_left3A_1107 : vector<16xi32>
          %and3A_1109 = arith.constant 127 : i32
          %and3A_1110 = vector.broadcast %and3A_1109 : i32 to vector<16xi32>
          %and3A_1111 = arith.andi %or3A_1102, %and3A_1110 : vector<16xi32>
          %or3A_1112 = arith.ori %shift_left3A_1108, %and3A_1111 : vector<16xi32>
          %or3A_1113 = arith.constant 128 : i32
          %or3A_1114 = vector.broadcast %or3A_1113 : i32 to vector<16xi32>
          %or3A_1115 = arith.ori %or3A_1112, %or3A_1114 : vector<16xi32>
          %mul3A_1116 = arith.constant 16 : i32
          %mul3A_1117 = arith.muli %scan3A_123, %mul3A_1116 : i32
          %add3A_1118 = arith.constant 3328 : i32
          %add3A_1119 = arith.addi %add3A_1118, %mul3A_1117 : i32
          %swap3A_1120 = arith.index_cast %add3A_1119 : i32 to index
          %swap3A_1121 = tpu.vector_load %arg8[%swap3A_1120] {strides = array<i32>} : memref<4096xi32, #tpu.memory_space<vmem>>, vector<16xi32>,
          tpu.vector_store %arg8[%swap3A_1120], %or3A_1112 {strides = array<i32>} : memref<4096xi32, #tpu.memory_space<vmem>>, vector<16xi32>,
          %mul3A_1122 = arith.constant 16 : i32
          %mul3A_1123 = arith.muli %scan3A_123, %mul3A_1122 : i32
          %add3A_1124 = arith.constant 3456 : i32
          %add3A_1125 = arith.addi %add3A_1124, %mul3A_1123 : i32
          %swap3A_1126 = arith.index_cast %add3A_1125 : i32 to index
          %swap3A_1127 = tpu.vector_load %arg8[%swap3A_1126] {strides = array<i32>} : memref<4096xi32, #tpu.memory_space<vmem>>, vector<16xi32>,
          tpu.vector_store %arg8[%swap3A_1126], %or3A_1115 {strides = array<i32>} : memref<4096xi32, #tpu.memory_space<vmem>>, vector<16xi32>,
          %mul3A_1128 = arith.constant 1.482000e+03 : f32
          %mul3A_1129 = vector.broadcast %mul3A_1128 : f32 to vector<16xf32>
          %mul3A_1130 = arith.mulf %get3A_131, %mul3A_1129 : vector<16xf32>
          %convert_element_type3A_1131 = arith.fptosi %mul3A_1130 : vector<16xf32> to vector<16xi32>
          %mul3A_1132 = arith.constant 1.482000e+03 : f32
          %mul3A_1133 = vector.broadcast %mul3A_1132 : f32 to vector<16xf32>
          %mul3A_1134 = arith.mulf %get3A_137, %mul3A_1133 : vector<16xf32>
          %convert_element_type3A_1135 = arith.fptosi %mul3A_1134 : vector<16xf32> to vector<16xi32>
          %mul3A_1136 = arith.constant 1.482000e+03 : f32
          %mul3A_1137 = vector.broadcast %mul3A_1136 : f32 to vector<16xf32>
          %mul3A_1138 = arith.mulf %get3A_143, %mul3A_1137 : vector<16xf32>
          %convert_element_type3A_1139 = arith.fptosi %mul3A_1138 : vector<16xf32> to vector<16xi32>
          %ge3A_1140 = arith.constant 1482 : i32
          %ge3A_1141 = vector.broadcast %ge3A_1140 : i32 to vector<16xi32>
          %ge3A_1142 = arith.cmpi sge, %convert_element_type3A_1131, %ge3A_1141 : vector<16xi32>
          %sub3A_1143 = arith.constant 1482 : i32
          %sub3A_1144 = vector.broadcast %sub3A_1143 : i32 to vector<16xi32>
          %sub3A_1145 = arith.subi %convert_element_type3A_1131, %sub3A_1144 : vector<16xi32>
          %select_n3A_1146 = arith.select %ge3A_1142, %sub3A_1145, %convert_element_type3A_1131 : vector<16xi1>, vector<16xi32>
          %ge3A_1147 = arith.constant 1482 : i32
          %ge3A_1148 = vector.broadcast %ge3A_1147 : i32 to vector<16xi32>
          %ge3A_1149 = arith.cmpi sge, %convert_element_type3A_1135, %ge3A_1148 : vector<16xi32>
          %sub3A_1150 = arith.constant 1482 : i32
          %sub3A_1151 = vector.broadcast %sub3A_1150 : i32 to vector<16xi32>
          %sub3A_1152 = arith.subi %convert_element_type3A_1135, %sub3A_1151 : vector<16xi32>
          %select_n3A_1153 = arith.select %ge3A_1149, %sub3A_1152, %convert_element_type3A_1135 : vector<16xi1>, vector<16xi32>
          %ge3A_1154 = arith.constant 1482 : i32
          %ge3A_1155 = vector.broadcast %ge3A_1154 : i32 to vector<16xi32>
          %ge3A_1156 = arith.cmpi sge, %convert_element_type3A_1139, %ge3A_1155 : vector<16xi32>
          %sub3A_1157 = arith.constant 1482 : i32
          %sub3A_1158 = vector.broadcast %sub3A_1157 : i32 to vector<16xi32>
          %sub3A_1159 = arith.subi %convert_element_type3A_1139, %sub3A_1158 : vector<16xi32>
          %select_n3A_1160 = arith.select %ge3A_1156, %sub3A_1159, %convert_element_type3A_1139 : vector<16xi1>, vector<16xi32>
          %mul3A_1161 = arith.constant 1482 : i32
          %mul3A_1162 = vector.broadcast %mul3A_1161 : i32 to vector<16xi32>
          %mul3A_1163 = arith.muli %select_n3A_1153, %mul3A_1162 : vector<16xi32>
          %add3A_1164 = arith.addi %select_n3A_1146, %mul3A_1163 : vector<16xi32>
          %mul3A_1165 = arith.constant 99172 : i32
          %mul3A_1166 = vector.broadcast %mul3A_1165 : i32 to vector<16xi32>
          %mul3A_1167 = arith.muli %select_n3A_1160, %mul3A_1166 : vector<16xi32>
          %add3A_1168 = arith.addi %add3A_1164, %mul3A_1167 : vector<16xi32>
          %and3A_1169 = arith.constant 524287 : i32
          %and3A_1170 = vector.broadcast %and3A_1169 : i32 to vector<16xi32>
          %and3A_1171 = arith.andi %add3A_1168, %and3A_1170 : vector<16xi32>
          %or3A_1172 = arith.constant 7340032 : i32
          %or3A_1173 = vector.broadcast %or3A_1172 : i32 to vector<16xi32>
          %or3A_1174 = arith.ori %and3A_1171, %or3A_1173 : vector<16xi32>
          %shift_right_arithmetic3A_1175 = arith.constant 7 : i32
          %shift_right_arithmetic3A_1176 = vector.broadcast %shift_right_arithmetic3A_1175 : i32 to vector<16xi32>
          %shift_right_arithmetic3A_1177 = arith.shrsi %or3A_1174, %shift_right_arithmetic3A_1176 : vector<16xi32>
          %shift_left3A_1178 = arith.constant 8 : i32
          %shift_left3A_1179 = vector.broadcast %shift_left3A_1178 : i32 to vector<16xi32>
          %shift_left3A_1180 = arith.shli %shift_right_arithmetic3A_1177, %shift_left3A_1179 : vector<16xi32>
          %and3A_1181 = arith.constant 127 : i32
          %and3A_1182 = vector.broadcast %and3A_1181 : i32 to vector<16xi32>
          %and3A_1183 = arith.andi %or3A_1174, %and3A_1182 : vector<16xi32>
          %or3A_1184 = arith.ori %shift_left3A_1180, %and3A_1183 : vector<16xi32>
          %or3A_1185 = arith.constant 128 : i32
          %or3A_1186 = vector.broadcast %or3A_1185 : i32 to vector<16xi32>
          %or3A_1187 = arith.ori %or3A_1184, %or3A_1186 : vector<16xi32>
          %mul3A_1188 = arith.constant 16 : i32
          %mul3A_1189 = arith.muli %scan3A_123, %mul3A_1188 : i32
          %add3A_1190 = arith.constant 3584 : i32
          %add3A_1191 = arith.addi %add3A_1190, %mul3A_1189 : i32
          %swap3A_1192 = arith.index_cast %add3A_1191 : i32 to index
          %swap3A_1193 = tpu.vector_load %arg8[%swap3A_1192] {strides = array<i32>} : memref<4096xi32, #tpu.memory_space<vmem>>, vector<16xi32>,
          tpu.vector_store %arg8[%swap3A_1192], %or3A_1184 {strides = array<i32>} : memref<4096xi32, #tpu.memory_space<vmem>>, vector<16xi32>,
          %mul3A_1194 = arith.constant 16 : i32
          %mul3A_1195 = arith.muli %scan3A_123, %mul3A_1194 : i32
          %add3A_1196 = arith.constant 3712 : i32
          %add3A_1197 = arith.addi %add3A_1196, %mul3A_1195 : i32
          %swap3A_1198 = arith.index_cast %add3A_1197 : i32 to index
          %swap3A_1199 = tpu.vector_load %arg8[%swap3A_1198] {strides = array<i32>} : memref<4096xi32, #tpu.memory_space<vmem>>, vector<16xi32>,
          tpu.vector_store %arg8[%swap3A_1198], %or3A_1187 {strides = array<i32>} : memref<4096xi32, #tpu.memory_space<vmem>>, vector<16xi32>,
          %mul3A_1200 = arith.constant 2.048000e+03 : f32
          %mul3A_1201 = vector.broadcast %mul3A_1200 : f32 to vector<16xf32>
          %mul3A_1202 = arith.mulf %get3A_131, %mul3A_1201 : vector<16xf32>
          %convert_element_type3A_1203 = arith.fptosi %mul3A_1202 : vector<16xf32> to vector<16xi32>
          %mul3A_1204 = arith.constant 2.048000e+03 : f32
          %mul3A_1205 = vector.broadcast %mul3A_1204 : f32 to vector<16xf32>
          %mul3A_1206 = arith.mulf %get3A_137, %mul3A_1205 : vector<16xf32>
          %convert_element_type3A_1207 = arith.fptosi %mul3A_1206 : vector<16xf32> to vector<16xi32>
          %mul3A_1208 = arith.constant 2.048000e+03 : f32
          %mul3A_1209 = vector.broadcast %mul3A_1208 : f32 to vector<16xf32>
          %mul3A_1210 = arith.mulf %get3A_143, %mul3A_1209 : vector<16xf32>
          %convert_element_type3A_1211 = arith.fptosi %mul3A_1210 : vector<16xf32> to vector<16xi32>
          %ge3A_1212 = arith.constant 2048 : i32
          %ge3A_1213 = vector.broadcast %ge3A_1212 : i32 to vector<16xi32>
          %ge3A_1214 = arith.cmpi sge, %convert_element_type3A_1203, %ge3A_1213 : vector<16xi32>
          %sub3A_1215 = arith.constant 2048 : i32
          %sub3A_1216 = vector.broadcast %sub3A_1215 : i32 to vector<16xi32>
          %sub3A_1217 = arith.subi %convert_element_type3A_1203, %sub3A_1216 : vector<16xi32>
          %select_n3A_1218 = arith.select %ge3A_1214, %sub3A_1217, %convert_element_type3A_1203 : vector<16xi1>, vector<16xi32>
          %ge3A_1219 = arith.constant 2048 : i32
          %ge3A_1220 = vector.broadcast %ge3A_1219 : i32 to vector<16xi32>
          %ge3A_1221 = arith.cmpi sge, %convert_element_type3A_1207, %ge3A_1220 : vector<16xi32>
          %sub3A_1222 = arith.constant 2048 : i32
          %sub3A_1223 = vector.broadcast %sub3A_1222 : i32 to vector<16xi32>
          %sub3A_1224 = arith.subi %convert_element_type3A_1207, %sub3A_1223 : vector<16xi32>
          %select_n3A_1225 = arith.select %ge3A_1221, %sub3A_1224, %convert_element_type3A_1207 : vector<16xi1>, vector<16xi32>
          %ge3A_1226 = arith.constant 2048 : i32
          %ge3A_1227 = vector.broadcast %ge3A_1226 : i32 to vector<16xi32>
          %ge3A_1228 = arith.cmpi sge, %convert_element_type3A_1211, %ge3A_1227 : vector<16xi32>
          %sub3A_1229 = arith.constant 2048 : i32
          %sub3A_1230 = vector.broadcast %sub3A_1229 : i32 to vector<16xi32>
          %sub3A_1231 = arith.subi %convert_element_type3A_1211, %sub3A_1230 : vector<16xi32>
          %select_n3A_1232 = arith.select %ge3A_1228, %sub3A_1231, %convert_element_type3A_1211 : vector<16xi1>, vector<16xi32>
          %mul3A_1233 = arith.constant 2048 : i32
          %mul3A_1234 = vector.broadcast %mul3A_1233 : i32 to vector<16xi32>
          %mul3A_1235 = arith.muli %select_n3A_1225, %mul3A_1234 : vector<16xi32>
          %add3A_1236 = arith.addi %select_n3A_1218, %mul3A_1235 : vector<16xi32>
          %mul3A_1237 = arith.constant 0 : i32
          %mul3A_1238 = vector.broadcast %mul3A_1237 : i32 to vector<16xi32>
          %mul3A_1239 = arith.muli %select_n3A_1232, %mul3A_1238 : vector<16xi32>
          %add3A_1240 = arith.addi %add3A_1236, %mul3A_1239 : vector<16xi32>
          %and3A_1241 = arith.constant 524287 : i32
          %and3A_1242 = vector.broadcast %and3A_1241 : i32 to vector<16xi32>
          %and3A_1243 = arith.andi %add3A_1240, %and3A_1242 : vector<16xi32>
          %or3A_1244 = arith.constant 7864320 : i32
          %or3A_1245 = vector.broadcast %or3A_1244 : i32 to vector<16xi32>
          %or3A_1246 = arith.ori %and3A_1243, %or3A_1245 : vector<16xi32>
          %shift_right_arithmetic3A_1247 = arith.constant 7 : i32
          %shift_right_arithmetic3A_1248 = vector.broadcast %shift_right_arithmetic3A_1247 : i32 to vector<16xi32>
          %shift_right_arithmetic3A_1249 = arith.shrsi %or3A_1246, %shift_right_arithmetic3A_1248 : vector<16xi32>
          %shift_left3A_1250 = arith.constant 8 : i32
          %shift_left3A_1251 = vector.broadcast %shift_left3A_1250 : i32 to vector<16xi32>
          %shift_left3A_1252 = arith.shli %shift_right_arithmetic3A_1249, %shift_left3A_1251 : vector<16xi32>
          %and3A_1253 = arith.constant 127 : i32
          %and3A_1254 = vector.broadcast %and3A_1253 : i32 to vector<16xi32>
          %and3A_1255 = arith.andi %or3A_1246, %and3A_1254 : vector<16xi32>
          %or3A_1256 = arith.ori %shift_left3A_1252, %and3A_1255 : vector<16xi32>
          %or3A_1257 = arith.constant 128 : i32
          %or3A_1258 = vector.broadcast %or3A_1257 : i32 to vector<16xi32>
          %or3A_1259 = arith.ori %or3A_1256, %or3A_1258 : vector<16xi32>
          %mul3A_1260 = arith.constant 16 : i32
          %mul3A_1261 = arith.muli %scan3A_123, %mul3A_1260 : i32
          %add3A_1262 = arith.constant 3840 : i32
          %add3A_1263 = arith.addi %add3A_1262, %mul3A_1261 : i32
          %swap3A_1264 = arith.index_cast %add3A_1263 : i32 to index
          %swap3A_1265 = tpu.vector_load %arg8[%swap3A_1264] {strides = array<i32>} : memref<4096xi32, #tpu.memory_space<vmem>>, vector<16xi32>,
          tpu.vector_store %arg8[%swap3A_1264], %or3A_1256 {strides = array<i32>} : memref<4096xi32, #tpu.memory_space<vmem>>, vector<16xi32>,
          %mul3A_1266 = arith.constant 16 : i32
          %mul3A_1267 = arith.muli %scan3A_123, %mul3A_1266 : i32
          %add3A_1268 = arith.constant 3968 : i32
          %add3A_1269 = arith.addi %add3A_1268, %mul3A_1267 : i32
          %swap3A_1270 = arith.index_cast %add3A_1269 : i32 to index
          %swap3A_1271 = tpu.vector_load %arg8[%swap3A_1270] {strides = array<i32>} : memref<4096xi32, #tpu.memory_space<vmem>>, vector<16xi32>,
          tpu.vector_store %arg8[%swap3A_1270], %or3A_1259 {strides = array<i32>} : memref<4096xi32, #tpu.memory_space<vmem>>, vector<16xi32>,
          %scan3A_1272 = arith.constant 0 : i32
          scf.yield %scan3A_1272 : i32
        }
        %scan3A_115 = arith.constant 8 : i32
        %dma_start3A = arith.constant 0 : i32
        %dma_start3A_116 = tpu.memref_slice %arg3[%dma_start3A] : memref<16777216xf32, #tpu.memory_space<hbm>> -> memref<16777216xf32, #tpu.memory_space<hbm>>
        tpu.enqueue_indirect_dma source(%dma_start3A_116 : memref<16777216xf32, #tpu.memory_space<hbm>>) target(%arg11 : memref<2560xf32, #tpu.memory_space<vmem>>) offsets(%arg7 : memref<2560xi32, #tpu.memory_space<vmem>>) semaphore(%arg20 : memref<!tpu.dma_semaphore, #tpu.memory_space<semaphore_mem>>)
        %dma_start3A_117 = arith.constant 0 : i32
        %dma_start3A_118 = tpu.memref_slice %arg3[%dma_start3A_117] : memref<16777216xf32, #tpu.memory_space<hbm>> -> memref<16777216xf32, #tpu.memory_space<hbm>>
        tpu.enqueue_indirect_dma source(%dma_start3A_118 : memref<16777216xf32, #tpu.memory_space<hbm>>) target(%arg12 : memref<4096xf32, #tpu.memory_space<vmem>>) offsets(%arg8 : memref<4096xi32, #tpu.memory_space<vmem>>) semaphore(%arg21 : memref<!tpu.dma_semaphore, #tpu.memory_space<semaphore_mem>>)
        %gt3A = arith.constant 0 : i32
        %gt3A_119 = arith.cmpi sgt, %scan3A_79, %gt3A : i32
        %convert_element_type3A_120 = arith.extui %gt3A_119 : i1 to i32
        %cond3A_121 = arith.constant 0 : i32
        %cond3A_122 = arith.cmpi ne, %convert_element_type3A_120, %cond3A_121 : i32
        scf.if %cond3A_122 {
          %dma_wait3A_123 = arith.constant 0 : i32
          %dma_wait3A_124 = tpu.memref_slice %arg3[%dma_wait3A_123] : memref<16777216xf32, #tpu.memory_space<hbm>> -> memref<2560xf32, #tpu.memory_space<hbm>>
          %dma_wait3A_125 = arith.constant 0 : i32
          %dma_wait3A_126 = tpu.memref_slice %arg3[%dma_wait3A_125] : memref<16777216xf32, #tpu.memory_space<hbm>> -> memref<2560xf32, #tpu.memory_space<hbm>>
          tpu.wait_dma2 semaphore(%arg22 : memref<!tpu.dma_semaphore, #tpu.memory_space<semaphore_mem>>) src(%dma_wait3A_126 : memref<2560xf32, #tpu.memory_space<hbm>>) dst(%arg13 : memref<2560xf32, #tpu.memory_space<vmem>>)
          %dma_wait3A_127 = arith.constant 0 : i32
          %dma_wait3A_128 = tpu.memref_slice %arg3[%dma_wait3A_127] : memref<16777216xf32, #tpu.memory_space<hbm>> -> memref<4096xf32, #tpu.memory_space<hbm>>
          %dma_wait3A_129 = arith.constant 0 : i32
          %dma_wait3A_130 = tpu.memref_slice %arg3[%dma_wait3A_129] : memref<16777216xf32, #tpu.memory_space<hbm>> -> memref<4096xf32, #tpu.memory_space<hbm>>
          tpu.wait_dma2 semaphore(%arg23 : memref<!tpu.dma_semaphore, #tpu.memory_space<semaphore_mem>>) src(%dma_wait3A_130 : memref<4096xf32, #tpu.memory_space<hbm>>) dst(%arg14 : memref<4096xf32, #tpu.memory_space<vmem>>)
          %sub3A_131 = arith.constant 1 : i32
          %sub3A_132 = arith.subi %scan3A_79, %sub3A_131 : i32
          %mul3A_133 = arith.constant 2 : i32
          %mul3A_134 = arith.muli %sub3A_132, %mul3A_133 : i32
          %add3A_135 = arith.addi %mul3A_32, %mul3A_134 : i32
          %add3A_136 = arith.constant 0 : i32
          %add3A_137 = arith.addi %add3A_135, %add3A_136 : i32
          %mul3A_138 = arith.constant 1024 : i32
          %mul3A_139 = arith.muli %add3A_137, %mul3A_138 : i32
          %add3A_140 = arith.addi %mul3A_34, %mul3A_139 : i32
          "tpu.region"() ({
            %run_scoped3A_165 = tpu.sem_alloc : memref<!tpu.dma_semaphore, #tpu.memory_space<semaphore_mem>>
            %dma_start3A_166 = arith.constant 0 : i32
            %dma_start3A_167 = tpu.memref_slice %arg16[%dma_start3A_166] : memref<1536xf32, #tpu.memory_space<vmem>> -> memref<768xf32, #tpu.memory_space<vmem>>
            %dma_start3A_168 = tpu.memref_slice %arg4[%add3A_140] : memref<8388608xf32, #tpu.memory_space<hbm>> -> memref<768xf32, #tpu.memory_space<hbm>>
            %dma_start3A_169 = tpu.memref_slice %arg4[%add3A_140] : memref<8388608xf32, #tpu.memory_space<hbm>> -> memref<768xf32, #tpu.memory_space<hbm>>
            %dma_start3A_170 = arith.constant 0 : i32
            %dma_start3A_171 = tpu.memref_slice %arg16[%dma_start3A_170] : memref<1536xf32, #tpu.memory_space<vmem>> -> memref<768xf32, #tpu.memory_space<vmem>>
            tpu.enqueue_dma source(%dma_start3A_171 : memref<768xf32, #tpu.memory_space<vmem>>) target(%dma_start3A_169 : memref<768xf32, #tpu.memory_space<hbm>>) target_semaphore(%run_scoped3A_165 : memref<!tpu.dma_semaphore, #tpu.memory_space<semaphore_mem>>)
            %dma_wait3A_172 = arith.constant 0 : i32
            %dma_wait3A_173 = tpu.memref_slice %arg16[%dma_wait3A_172] : memref<1536xf32, #tpu.memory_space<vmem>> -> memref<768xf32, #tpu.memory_space<vmem>>
            %dma_wait3A_174 = tpu.memref_slice %arg4[%add3A_140] : memref<8388608xf32, #tpu.memory_space<hbm>> -> memref<768xf32, #tpu.memory_space<hbm>>
            %dma_wait3A_175 = tpu.memref_slice %arg4[%add3A_140] : memref<8388608xf32, #tpu.memory_space<hbm>> -> memref<768xf32, #tpu.memory_space<hbm>>
            %dma_wait3A_176 = arith.constant 0 : i32
            %dma_wait3A_177 = tpu.memref_slice %arg16[%dma_wait3A_176] : memref<1536xf32, #tpu.memory_space<vmem>> -> memref<768xf32, #tpu.memory_space<vmem>>
            tpu.wait_dma2 semaphore(%run_scoped3A_165 : memref<!tpu.dma_semaphore, #tpu.memory_space<semaphore_mem>>) src(%dma_wait3A_177 : memref<768xf32, #tpu.memory_space<vmem>>) dst(%dma_wait3A_175 : memref<768xf32, #tpu.memory_space<hbm>>)
            tpu.yield
          }) : () -> ()
          %add3A_141 = arith.constant 768 : i32
          %add3A_142 = arith.addi %add3A_140, %add3A_141 : i32
          "tpu.region"() ({
            %run_scoped3A_165 = tpu.sem_alloc : memref<!tpu.dma_semaphore, #tpu.memory_space<semaphore_mem>>
            %dma_start3A_166 = arith.constant 0 : i32
            %dma_start3A_167 = tpu.memref_slice %arg13[%dma_start3A_166] : memref<2560xf32, #tpu.memory_space<vmem>> -> memref<256xf32, #tpu.memory_space<vmem>>
            %dma_start3A_168 = tpu.memref_slice %arg4[%add3A_142] : memref<8388608xf32, #tpu.memory_space<hbm>> -> memref<256xf32, #tpu.memory_space<hbm>>
            %dma_start3A_169 = tpu.memref_slice %arg4[%add3A_142] : memref<8388608xf32, #tpu.memory_space<hbm>> -> memref<256xf32, #tpu.memory_space<hbm>>
            %dma_start3A_170 = arith.constant 0 : i32
            %dma_start3A_171 = tpu.memref_slice %arg13[%dma_start3A_170] : memref<2560xf32, #tpu.memory_space<vmem>> -> memref<256xf32, #tpu.memory_space<vmem>>
            tpu.enqueue_dma source(%dma_start3A_171 : memref<256xf32, #tpu.memory_space<vmem>>) target(%dma_start3A_169 : memref<256xf32, #tpu.memory_space<hbm>>) target_semaphore(%run_scoped3A_165 : memref<!tpu.dma_semaphore, #tpu.memory_space<semaphore_mem>>)
            %dma_wait3A_172 = arith.constant 0 : i32
            %dma_wait3A_173 = tpu.memref_slice %arg13[%dma_wait3A_172] : memref<2560xf32, #tpu.memory_space<vmem>> -> memref<256xf32, #tpu.memory_space<vmem>>
            %dma_wait3A_174 = tpu.memref_slice %arg4[%add3A_142] : memref<8388608xf32, #tpu.memory_space<hbm>> -> memref<256xf32, #tpu.memory_space<hbm>>
            %dma_wait3A_175 = tpu.memref_slice %arg4[%add3A_142] : memref<8388608xf32, #tpu.memory_space<hbm>> -> memref<256xf32, #tpu.memory_space<hbm>>
            %dma_wait3A_176 = arith.constant 0 : i32
            %dma_wait3A_177 = tpu.memref_slice %arg13[%dma_wait3A_176] : memref<2560xf32, #tpu.memory_space<vmem>> -> memref<256xf32, #tpu.memory_space<vmem>>
            tpu.wait_dma2 semaphore(%run_scoped3A_165 : memref<!tpu.dma_semaphore, #tpu.memory_space<semaphore_mem>>) src(%dma_wait3A_177 : memref<256xf32, #tpu.memory_space<vmem>>) dst(%dma_wait3A_175 : memref<256xf32, #tpu.memory_space<hbm>>)
            tpu.yield
          }) : () -> ()
          %add3A_143 = arith.constant 1 : i32
          %add3A_144 = arith.addi %add3A_135, %add3A_143 : i32
          %mul3A_145 = arith.constant 1024 : i32
          %mul3A_146 = arith.muli %add3A_144, %mul3A_145 : i32
          %add3A_147 = arith.addi %mul3A_34, %mul3A_146 : i32
          "tpu.region"() ({
            %run_scoped3A_165 = tpu.sem_alloc : memref<!tpu.dma_semaphore, #tpu.memory_space<semaphore_mem>>
            %dma_start3A_166 = arith.constant 768 : i32
            %dma_start3A_167 = tpu.memref_slice %arg16[%dma_start3A_166] : memref<1536xf32, #tpu.memory_space<vmem>> -> memref<768xf32, #tpu.memory_space<vmem>>
            %dma_start3A_168 = tpu.memref_slice %arg4[%add3A_147] : memref<8388608xf32, #tpu.memory_space<hbm>> -> memref<768xf32, #tpu.memory_space<hbm>>
            %dma_start3A_169 = tpu.memref_slice %arg4[%add3A_147] : memref<8388608xf32, #tpu.memory_space<hbm>> -> memref<768xf32, #tpu.memory_space<hbm>>
            %dma_start3A_170 = arith.constant 768 : i32
            %dma_start3A_171 = tpu.memref_slice %arg16[%dma_start3A_170] : memref<1536xf32, #tpu.memory_space<vmem>> -> memref<768xf32, #tpu.memory_space<vmem>>
            tpu.enqueue_dma source(%dma_start3A_171 : memref<768xf32, #tpu.memory_space<vmem>>) target(%dma_start3A_169 : memref<768xf32, #tpu.memory_space<hbm>>) target_semaphore(%run_scoped3A_165 : memref<!tpu.dma_semaphore, #tpu.memory_space<semaphore_mem>>)
            %dma_wait3A_172 = arith.constant 768 : i32
            %dma_wait3A_173 = tpu.memref_slice %arg16[%dma_wait3A_172] : memref<1536xf32, #tpu.memory_space<vmem>> -> memref<768xf32, #tpu.memory_space<vmem>>
            %dma_wait3A_174 = tpu.memref_slice %arg4[%add3A_147] : memref<8388608xf32, #tpu.memory_space<hbm>> -> memref<768xf32, #tpu.memory_space<hbm>>
            %dma_wait3A_175 = tpu.memref_slice %arg4[%add3A_147] : memref<8388608xf32, #tpu.memory_space<hbm>> -> memref<768xf32, #tpu.memory_space<hbm>>
            %dma_wait3A_176 = arith.constant 768 : i32
            %dma_wait3A_177 = tpu.memref_slice %arg16[%dma_wait3A_176] : memref<1536xf32, #tpu.memory_space<vmem>> -> memref<768xf32, #tpu.memory_space<vmem>>
            tpu.wait_dma2 semaphore(%run_scoped3A_165 : memref<!tpu.dma_semaphore, #tpu.memory_space<semaphore_mem>>) src(%dma_wait3A_177 : memref<768xf32, #tpu.memory_space<vmem>>) dst(%dma_wait3A_175 : memref<768xf32, #tpu.memory_space<hbm>>)
            tpu.yield
          }) : () -> ()
          %add3A_148 = arith.constant 768 : i32
          %add3A_149 = arith.addi %add3A_147, %add3A_148 : i32
          "tpu.region"() ({
            %run_scoped3A_165 = tpu.sem_alloc : memref<!tpu.dma_semaphore, #tpu.memory_space<semaphore_mem>>
            %dma_start3A_166 = arith.constant 256 : i32
            %dma_start3A_167 = tpu.memref_slice %arg13[%dma_start3A_166] : memref<2560xf32, #tpu.memory_space<vmem>> -> memref<256xf32, #tpu.memory_space<vmem>>
            %dma_start3A_168 = tpu.memref_slice %arg4[%add3A_149] : memref<8388608xf32, #tpu.memory_space<hbm>> -> memref<256xf32, #tpu.memory_space<hbm>>
            %dma_start3A_169 = tpu.memref_slice %arg4[%add3A_149] : memref<8388608xf32, #tpu.memory_space<hbm>> -> memref<256xf32, #tpu.memory_space<hbm>>
            %dma_start3A_170 = arith.constant 256 : i32
            %dma_start3A_171 = tpu.memref_slice %arg13[%dma_start3A_170] : memref<2560xf32, #tpu.memory_space<vmem>> -> memref<256xf32, #tpu.memory_space<vmem>>
            tpu.enqueue_dma source(%dma_start3A_171 : memref<256xf32, #tpu.memory_space<vmem>>) target(%dma_start3A_169 : memref<256xf32, #tpu.memory_space<hbm>>) target_semaphore(%run_scoped3A_165 : memref<!tpu.dma_semaphore, #tpu.memory_space<semaphore_mem>>)
            %dma_wait3A_172 = arith.constant 256 : i32
            %dma_wait3A_173 = tpu.memref_slice %arg13[%dma_wait3A_172] : memref<2560xf32, #tpu.memory_space<vmem>> -> memref<256xf32, #tpu.memory_space<vmem>>
            %dma_wait3A_174 = tpu.memref_slice %arg4[%add3A_149] : memref<8388608xf32, #tpu.memory_space<hbm>> -> memref<256xf32, #tpu.memory_space<hbm>>
            %dma_wait3A_175 = tpu.memref_slice %arg4[%add3A_149] : memref<8388608xf32, #tpu.memory_space<hbm>> -> memref<256xf32, #tpu.memory_space<hbm>>
            %dma_wait3A_176 = arith.constant 256 : i32
            %dma_wait3A_177 = tpu.memref_slice %arg13[%dma_wait3A_176] : memref<2560xf32, #tpu.memory_space<vmem>> -> memref<256xf32, #tpu.memory_space<vmem>>
            tpu.wait_dma2 semaphore(%run_scoped3A_165 : memref<!tpu.dma_semaphore, #tpu.memory_space<semaphore_mem>>) src(%dma_wait3A_177 : memref<256xf32, #tpu.memory_space<vmem>>) dst(%dma_wait3A_175 : memref<256xf32, #tpu.memory_space<hbm>>)
            tpu.yield
          }) : () -> ()
          %add3A_150 = arith.constant 524288 : i32
          %add3A_151 = arith.addi %mul3A_34, %add3A_150 : i32
          %mul3A_152 = arith.constant 1024 : i32
          %mul3A_153 = arith.muli %add3A_135, %mul3A_152 : i32
          %add3A_154 = arith.addi %add3A_151, %mul3A_153 : i32
          "tpu.region"() ({
            %run_scoped3A_165 = tpu.sem_alloc : memref<!tpu.dma_semaphore, #tpu.memory_space<semaphore_mem>>
            %dma_start3A_166 = arith.constant 512 : i32
            %dma_start3A_167 = tpu.memref_slice %arg13[%dma_start3A_166] : memref<2560xf32, #tpu.memory_space<vmem>> -> memref<2048xf32, #tpu.memory_space<vmem>>
            %dma_start3A_168 = tpu.memref_slice %arg4[%add3A_154] : memref<8388608xf32, #tpu.memory_space<hbm>> -> memref<2048xf32, #tpu.memory_space<hbm>>
            %dma_start3A_169 = tpu.memref_slice %arg4[%add3A_154] : memref<8388608xf32, #tpu.memory_space<hbm>> -> memref<2048xf32, #tpu.memory_space<hbm>>
            %dma_start3A_170 = arith.constant 512 : i32
            %dma_start3A_171 = tpu.memref_slice %arg13[%dma_start3A_170] : memref<2560xf32, #tpu.memory_space<vmem>> -> memref<2048xf32, #tpu.memory_space<vmem>>
            tpu.enqueue_dma source(%dma_start3A_171 : memref<2048xf32, #tpu.memory_space<vmem>>) target(%dma_start3A_169 : memref<2048xf32, #tpu.memory_space<hbm>>) target_semaphore(%run_scoped3A_165 : memref<!tpu.dma_semaphore, #tpu.memory_space<semaphore_mem>>)
            %dma_wait3A_172 = arith.constant 512 : i32
            %dma_wait3A_173 = tpu.memref_slice %arg13[%dma_wait3A_172] : memref<2560xf32, #tpu.memory_space<vmem>> -> memref<2048xf32, #tpu.memory_space<vmem>>
            %dma_wait3A_174 = tpu.memref_slice %arg4[%add3A_154] : memref<8388608xf32, #tpu.memory_space<hbm>> -> memref<2048xf32, #tpu.memory_space<hbm>>
            %dma_wait3A_175 = tpu.memref_slice %arg4[%add3A_154] : memref<8388608xf32, #tpu.memory_space<hbm>> -> memref<2048xf32, #tpu.memory_space<hbm>>
            %dma_wait3A_176 = arith.constant 512 : i32
            %dma_wait3A_177 = tpu.memref_slice %arg13[%dma_wait3A_176] : memref<2560xf32, #tpu.memory_space<vmem>> -> memref<2048xf32, #tpu.memory_space<vmem>>
            tpu.wait_dma2 semaphore(%run_scoped3A_165 : memref<!tpu.dma_semaphore, #tpu.memory_space<semaphore_mem>>) src(%dma_wait3A_177 : memref<2048xf32, #tpu.memory_space<vmem>>) dst(%dma_wait3A_175 : memref<2048xf32, #tpu.memory_space<hbm>>)
            tpu.yield
          }) : () -> ()
          %add3A_155 = arith.constant 1048576 : i32
          %add3A_156 = arith.addi %mul3A_34, %add3A_155 : i32
          %mul3A_157 = arith.constant 1024 : i32
          %mul3A_158 = arith.muli %add3A_135, %mul3A_157 : i32
          %add3A_159 = arith.addi %add3A_156, %mul3A_158 : i32
          "tpu.region"() ({
            %run_scoped3A_165 = tpu.sem_alloc : memref<!tpu.dma_semaphore, #tpu.memory_space<semaphore_mem>>
            %dma_start3A_166 = arith.constant 0 : i32
            %dma_start3A_167 = tpu.memref_slice %arg14[%dma_start3A_166] : memref<4096xf32, #tpu.memory_space<vmem>> -> memref<2048xf32, #tpu.memory_space<vmem>>
            %dma_start3A_168 = tpu.memref_slice %arg4[%add3A_159] : memref<8388608xf32, #tpu.memory_space<hbm>> -> memref<2048xf32, #tpu.memory_space<hbm>>
            %dma_start3A_169 = tpu.memref_slice %arg4[%add3A_159] : memref<8388608xf32, #tpu.memory_space<hbm>> -> memref<2048xf32, #tpu.memory_space<hbm>>
            %dma_start3A_170 = arith.constant 0 : i32
            %dma_start3A_171 = tpu.memref_slice %arg14[%dma_start3A_170] : memref<4096xf32, #tpu.memory_space<vmem>> -> memref<2048xf32, #tpu.memory_space<vmem>>
            tpu.enqueue_dma source(%dma_start3A_171 : memref<2048xf32, #tpu.memory_space<vmem>>) target(%dma_start3A_169 : memref<2048xf32, #tpu.memory_space<hbm>>) target_semaphore(%run_scoped3A_165 : memref<!tpu.dma_semaphore, #tpu.memory_space<semaphore_mem>>)
            %dma_wait3A_172 = arith.constant 0 : i32
            %dma_wait3A_173 = tpu.memref_slice %arg14[%dma_wait3A_172] : memref<4096xf32, #tpu.memory_space<vmem>> -> memref<2048xf32, #tpu.memory_space<vmem>>
            %dma_wait3A_174 = tpu.memref_slice %arg4[%add3A_159] : memref<8388608xf32, #tpu.memory_space<hbm>> -> memref<2048xf32, #tpu.memory_space<hbm>>
            %dma_wait3A_175 = tpu.memref_slice %arg4[%add3A_159] : memref<8388608xf32, #tpu.memory_space<hbm>> -> memref<2048xf32, #tpu.memory_space<hbm>>
            %dma_wait3A_176 = arith.constant 0 : i32
            %dma_wait3A_177 = tpu.memref_slice %arg14[%dma_wait3A_176] : memref<4096xf32, #tpu.memory_space<vmem>> -> memref<2048xf32, #tpu.memory_space<vmem>>
            tpu.wait_dma2 semaphore(%run_scoped3A_165 : memref<!tpu.dma_semaphore, #tpu.memory_space<semaphore_mem>>) src(%dma_wait3A_177 : memref<2048xf32, #tpu.memory_space<vmem>>) dst(%dma_wait3A_175 : memref<2048xf32, #tpu.memory_space<hbm>>)
            tpu.yield
          }) : () -> ()
          %add3A_160 = arith.constant 1572864 : i32
          %add3A_161 = arith.addi %mul3A_34, %add3A_160 : i32
          %mul3A_162 = arith.constant 1024 : i32
          %mul3A_163 = arith.muli %add3A_135, %mul3A_162 : i32
          %add3A_164 = arith.addi %add3A_161, %mul3A_163 : i32
          "tpu.region"() ({
            %run_scoped3A_165 = tpu.sem_alloc : memref<!tpu.dma_semaphore, #tpu.memory_space<semaphore_mem>>
            %dma_start3A_166 = arith.constant 2048 : i32
            %dma_start3A_167 = tpu.memref_slice %arg14[%dma_start3A_166] : memref<4096xf32, #tpu.memory_space<vmem>> -> memref<2048xf32, #tpu.memory_space<vmem>>
            %dma_start3A_168 = tpu.memref_slice %arg4[%add3A_164] : memref<8388608xf32, #tpu.memory_space<hbm>> -> memref<2048xf32, #tpu.memory_space<hbm>>
            %dma_start3A_169 = tpu.memref_slice %arg4[%add3A_164] : memref<8388608xf32, #tpu.memory_space<hbm>> -> memref<2048xf32, #tpu.memory_space<hbm>>
            %dma_start3A_170 = arith.constant 2048 : i32
            %dma_start3A_171 = tpu.memref_slice %arg14[%dma_start3A_170] : memref<4096xf32, #tpu.memory_space<vmem>> -> memref<2048xf32, #tpu.memory_space<vmem>>
            tpu.enqueue_dma source(%dma_start3A_171 : memref<2048xf32, #tpu.memory_space<vmem>>) target(%dma_start3A_169 : memref<2048xf32, #tpu.memory_space<hbm>>) target_semaphore(%run_scoped3A_165 : memref<!tpu.dma_semaphore, #tpu.memory_space<semaphore_mem>>)
            %dma_wait3A_172 = arith.constant 2048 : i32
            %dma_wait3A_173 = tpu.memref_slice %arg14[%dma_wait3A_172] : memref<4096xf32, #tpu.memory_space<vmem>> -> memref<2048xf32, #tpu.memory_space<vmem>>
            %dma_wait3A_174 = tpu.memref_slice %arg4[%add3A_164] : memref<8388608xf32, #tpu.memory_space<hbm>> -> memref<2048xf32, #tpu.memory_space<hbm>>
            %dma_wait3A_175 = tpu.memref_slice %arg4[%add3A_164] : memref<8388608xf32, #tpu.memory_space<hbm>> -> memref<2048xf32, #tpu.memory_space<hbm>>
            %dma_wait3A_176 = arith.constant 2048 : i32
            %dma_wait3A_177 = tpu.memref_slice %arg14[%dma_wait3A_176] : memref<4096xf32, #tpu.memory_space<vmem>> -> memref<2048xf32, #tpu.memory_space<vmem>>
            tpu.wait_dma2 semaphore(%run_scoped3A_165 : memref<!tpu.dma_semaphore, #tpu.memory_space<semaphore_mem>>) src(%dma_wait3A_177 : memref<2048xf32, #tpu.memory_space<vmem>>) dst(%dma_wait3A_175 : memref<2048xf32, #tpu.memory_space<hbm>>)
            tpu.yield
          }) : () -> ()
        } else {
        }
      } else {
      }
      %and3A_86 = arith.constant 1 : i32
      %and3A_87 = arith.andi %scan3A_79, %and3A_86 : i32
      %eq3A_88 = arith.constant 1 : i32
      %eq3A_89 = arith.cmpi eq, %and3A_87, %eq3A_88 : i32
      %convert_element_type3A_90 = arith.extui %eq3A_89 : i1 to i32
      %cond3A_91 = arith.constant 0 : i32
      %cond3A_92 = arith.cmpi ne, %convert_element_type3A_90, %cond3A_91 : i32
      scf.if %cond3A_92 {
        %mul3A_94 = arith.constant 2 : i32
        %mul3A_95 = arith.muli %scan3A_79, %mul3A_94 : i32
        %add3A_96 = arith.addi %mul3A_32, %mul3A_95 : i32
        %run_scoped3A = arith.constant 0 : i32
        %run_scoped3A_97 = arith.constant 0 : i32
        "tpu.region"() ({
          %run_scoped3A_123 = tpu.sem_alloc : memref<!tpu.dma_semaphore, #tpu.memory_space<semaphore_mem>>
          %dma_start3A_124 = arith.constant 0 : i32
          %dma_start3A_125 = arith.constant 0 : i32
          %dma_start3A_126 = tpu.memref_slice %arg6[%run_scoped3A_97, %dma_start3A_124, %dma_start3A_125] : memref<3x2x128xf32, #tpu.memory_space<vmem>> -> memref<1x2x128xf32, #tpu.memory_space<vmem>>
          %dma_start3A_127 = tpu.memref_squeeze %dma_start3A_126 : memref<1x2x128xf32, #tpu.memory_space<vmem>> -> memref<2x128xf32, #tpu.memory_space<vmem>>
          %dma_start3A_128 = arith.constant 0 : i32
          %dma_start3A_129 = tpu.memref_slice %arg2[%run_scoped3A, %add3A_96, %select_n3A, %dma_start3A_128] : memref<3x512x4x128xf32, #tpu.memory_space<hbm>> -> memref<1x2x1x128xf32, #tpu.memory_space<hbm>>
          %dma_start3A_130 = tpu.memref_squeeze %dma_start3A_129 : memref<1x2x1x128xf32, #tpu.memory_space<hbm>> -> memref<2x128xf32, #tpu.memory_space<hbm>>
          %dma_start3A_131 = arith.constant 0 : i32
          %dma_start3A_132 = arith.constant 0 : i32
          %dma_start3A_133 = tpu.memref_slice %arg6[%run_scoped3A_97, %dma_start3A_131, %dma_start3A_132] : memref<3x2x128xf32, #tpu.memory_space<vmem>> -> memref<1x2x128xf32, #tpu.memory_space<vmem>>
          %dma_start3A_134 = tpu.memref_squeeze %dma_start3A_133 : memref<1x2x128xf32, #tpu.memory_space<vmem>> -> memref<2x128xf32, #tpu.memory_space<vmem>>
          %dma_start3A_135 = arith.constant 0 : i32
          %dma_start3A_136 = tpu.memref_slice %arg2[%run_scoped3A, %add3A_96, %select_n3A, %dma_start3A_135] : memref<3x512x4x128xf32, #tpu.memory_space<hbm>> -> memref<1x2x1x128xf32, #tpu.memory_space<hbm>>
          %dma_start3A_137 = tpu.memref_squeeze %dma_start3A_136 : memref<1x2x1x128xf32, #tpu.memory_space<hbm>> -> memref<2x128xf32, #tpu.memory_space<hbm>>
          tpu.enqueue_dma source(%dma_start3A_137 : memref<2x128xf32, #tpu.memory_space<hbm>>) target(%dma_start3A_134 : memref<2x128xf32, #tpu.memory_space<vmem>>) target_semaphore(%run_scoped3A_123 : memref<!tpu.dma_semaphore, #tpu.memory_space<semaphore_mem>>)
          %dma_wait3A_138 = arith.constant 0 : i32
          %dma_wait3A_139 = arith.constant 0 : i32
          %dma_wait3A_140 = tpu.memref_slice %arg6[%run_scoped3A_97, %dma_wait3A_138, %dma_wait3A_139] : memref<3x2x128xf32, #tpu.memory_space<vmem>> -> memref<1x2x128xf32, #tpu.memory_space<vmem>>
          %dma_wait3A_141 = tpu.memref_squeeze %dma_wait3A_140 : memref<1x2x128xf32, #tpu.memory_space<vmem>> -> memref<2x128xf32, #tpu.memory_space<vmem>>
          %dma_wait3A_142 = arith.constant 0 : i32
          %dma_wait3A_143 = tpu.memref_slice %arg2[%run_scoped3A, %add3A_96, %select_n3A, %dma_wait3A_142] : memref<3x512x4x128xf32, #tpu.memory_space<hbm>> -> memref<1x2x1x128xf32, #tpu.memory_space<hbm>>
          %dma_wait3A_144 = tpu.memref_squeeze %dma_wait3A_143 : memref<1x2x1x128xf32, #tpu.memory_space<hbm>> -> memref<2x128xf32, #tpu.memory_space<hbm>>
          %dma_wait3A_145 = arith.constant 0 : i32
          %dma_wait3A_146 = arith.constant 0 : i32
          %dma_wait3A_147 = tpu.memref_slice %arg6[%run_scoped3A_97, %dma_wait3A_145, %dma_wait3A_146] : memref<3x2x128xf32, #tpu.memory_space<vmem>> -> memref<1x2x128xf32, #tpu.memory_space<vmem>>
          %dma_wait3A_148 = tpu.memref_squeeze %dma_wait3A_147 : memref<1x2x128xf32, #tpu.memory_space<vmem>> -> memref<2x128xf32, #tpu.memory_space<vmem>>
          %dma_wait3A_149 = arith.constant 0 : i32
          %dma_wait3A_150 = tpu.memref_slice %arg2[%run_scoped3A, %add3A_96, %select_n3A, %dma_wait3A_149] : memref<3x512x4x128xf32, #tpu.memory_space<hbm>> -> memref<1x2x1x128xf32, #tpu.memory_space<hbm>>
          %dma_wait3A_151 = tpu.memref_squeeze %dma_wait3A_150 : memref<1x2x1x128xf32, #tpu.memory_space<hbm>> -> memref<2x128xf32, #tpu.memory_space<hbm>>
          tpu.wait_dma2 semaphore(%run_scoped3A_123 : memref<!tpu.dma_semaphore, #tpu.memory_space<semaphore_mem>>) src(%dma_wait3A_151 : memref<2x128xf32, #tpu.memory_space<hbm>>) dst(%dma_wait3A_148 : memref<2x128xf32, #tpu.memory_space<vmem>>)
          tpu.yield
        }) : () -> ()
        %run_scoped3A_98 = arith.constant 1 : i32
        %run_scoped3A_99 = arith.constant 1 : i32
        "tpu.region"() ({
          %run_scoped3A_123 = tpu.sem_alloc : memref<!tpu.dma_semaphore, #tpu.memory_space<semaphore_mem>>
          %dma_start3A_124 = arith.constant 0 : i32
          %dma_start3A_125 = arith.constant 0 : i32
          %dma_start3A_126 = tpu.memref_slice %arg6[%run_scoped3A_99, %dma_start3A_124, %dma_start3A_125] : memref<3x2x128xf32, #tpu.memory_space<vmem>> -> memref<1x2x128xf32, #tpu.memory_space<vmem>>
          %dma_start3A_127 = tpu.memref_squeeze %dma_start3A_126 : memref<1x2x128xf32, #tpu.memory_space<vmem>> -> memref<2x128xf32, #tpu.memory_space<vmem>>
          %dma_start3A_128 = arith.constant 0 : i32
          %dma_start3A_129 = tpu.memref_slice %arg2[%run_scoped3A_98, %add3A_96, %select_n3A, %dma_start3A_128] : memref<3x512x4x128xf32, #tpu.memory_space<hbm>> -> memref<1x2x1x128xf32, #tpu.memory_space<hbm>>
          %dma_start3A_130 = tpu.memref_squeeze %dma_start3A_129 : memref<1x2x1x128xf32, #tpu.memory_space<hbm>> -> memref<2x128xf32, #tpu.memory_space<hbm>>
          %dma_start3A_131 = arith.constant 0 : i32
          %dma_start3A_132 = arith.constant 0 : i32
          %dma_start3A_133 = tpu.memref_slice %arg6[%run_scoped3A_99, %dma_start3A_131, %dma_start3A_132] : memref<3x2x128xf32, #tpu.memory_space<vmem>> -> memref<1x2x128xf32, #tpu.memory_space<vmem>>
          %dma_start3A_134 = tpu.memref_squeeze %dma_start3A_133 : memref<1x2x128xf32, #tpu.memory_space<vmem>> -> memref<2x128xf32, #tpu.memory_space<vmem>>
          %dma_start3A_135 = arith.constant 0 : i32
          %dma_start3A_136 = tpu.memref_slice %arg2[%run_scoped3A_98, %add3A_96, %select_n3A, %dma_start3A_135] : memref<3x512x4x128xf32, #tpu.memory_space<hbm>> -> memref<1x2x1x128xf32, #tpu.memory_space<hbm>>
          %dma_start3A_137 = tpu.memref_squeeze %dma_start3A_136 : memref<1x2x1x128xf32, #tpu.memory_space<hbm>> -> memref<2x128xf32, #tpu.memory_space<hbm>>
          tpu.enqueue_dma source(%dma_start3A_137 : memref<2x128xf32, #tpu.memory_space<hbm>>) target(%dma_start3A_134 : memref<2x128xf32, #tpu.memory_space<vmem>>) target_semaphore(%run_scoped3A_123 : memref<!tpu.dma_semaphore, #tpu.memory_space<semaphore_mem>>)
          %dma_wait3A_138 = arith.constant 0 : i32
          %dma_wait3A_139 = arith.constant 0 : i32
          %dma_wait3A_140 = tpu.memref_slice %arg6[%run_scoped3A_99, %dma_wait3A_138, %dma_wait3A_139] : memref<3x2x128xf32, #tpu.memory_space<vmem>> -> memref<1x2x128xf32, #tpu.memory_space<vmem>>
          %dma_wait3A_141 = tpu.memref_squeeze %dma_wait3A_140 : memref<1x2x128xf32, #tpu.memory_space<vmem>> -> memref<2x128xf32, #tpu.memory_space<vmem>>
          %dma_wait3A_142 = arith.constant 0 : i32
          %dma_wait3A_143 = tpu.memref_slice %arg2[%run_scoped3A_98, %add3A_96, %select_n3A, %dma_wait3A_142] : memref<3x512x4x128xf32, #tpu.memory_space<hbm>> -> memref<1x2x1x128xf32, #tpu.memory_space<hbm>>
          %dma_wait3A_144 = tpu.memref_squeeze %dma_wait3A_143 : memref<1x2x1x128xf32, #tpu.memory_space<hbm>> -> memref<2x128xf32, #tpu.memory_space<hbm>>
          %dma_wait3A_145 = arith.constant 0 : i32
          %dma_wait3A_146 = arith.constant 0 : i32
          %dma_wait3A_147 = tpu.memref_slice %arg6[%run_scoped3A_99, %dma_wait3A_145, %dma_wait3A_146] : memref<3x2x128xf32, #tpu.memory_space<vmem>> -> memref<1x2x128xf32, #tpu.memory_space<vmem>>
          %dma_wait3A_148 = tpu.memref_squeeze %dma_wait3A_147 : memref<1x2x128xf32, #tpu.memory_space<vmem>> -> memref<2x128xf32, #tpu.memory_space<vmem>>
          %dma_wait3A_149 = arith.constant 0 : i32
          %dma_wait3A_150 = tpu.memref_slice %arg2[%run_scoped3A_98, %add3A_96, %select_n3A, %dma_wait3A_149] : memref<3x512x4x128xf32, #tpu.memory_space<hbm>> -> memref<1x2x1x128xf32, #tpu.memory_space<hbm>>
          %dma_wait3A_151 = tpu.memref_squeeze %dma_wait3A_150 : memref<1x2x1x128xf32, #tpu.memory_space<hbm>> -> memref<2x128xf32, #tpu.memory_space<hbm>>
          tpu.wait_dma2 semaphore(%run_scoped3A_123 : memref<!tpu.dma_semaphore, #tpu.memory_space<semaphore_mem>>) src(%dma_wait3A_151 : memref<2x128xf32, #tpu.memory_space<hbm>>) dst(%dma_wait3A_148 : memref<2x128xf32, #tpu.memory_space<vmem>>)
          tpu.yield
        }) : () -> ()
        %run_scoped3A_100 = arith.constant 2 : i32
        %run_scoped3A_101 = arith.constant 2 : i32
        "tpu.region"() ({
          %run_scoped3A_123 = tpu.sem_alloc : memref<!tpu.dma_semaphore, #tpu.memory_space<semaphore_mem>>
          %dma_start3A_124 = arith.constant 0 : i32
          %dma_start3A_125 = arith.constant 0 : i32
          %dma_start3A_126 = tpu.memref_slice %arg6[%run_scoped3A_101, %dma_start3A_124, %dma_start3A_125] : memref<3x2x128xf32, #tpu.memory_space<vmem>> -> memref<1x2x128xf32, #tpu.memory_space<vmem>>
          %dma_start3A_127 = tpu.memref_squeeze %dma_start3A_126 : memref<1x2x128xf32, #tpu.memory_space<vmem>> -> memref<2x128xf32, #tpu.memory_space<vmem>>
          %dma_start3A_128 = arith.constant 0 : i32
          %dma_start3A_129 = tpu.memref_slice %arg2[%run_scoped3A_100, %add3A_96, %select_n3A, %dma_start3A_128] : memref<3x512x4x128xf32, #tpu.memory_space<hbm>> -> memref<1x2x1x128xf32, #tpu.memory_space<hbm>>
          %dma_start3A_130 = tpu.memref_squeeze %dma_start3A_129 : memref<1x2x1x128xf32, #tpu.memory_space<hbm>> -> memref<2x128xf32, #tpu.memory_space<hbm>>
          %dma_start3A_131 = arith.constant 0 : i32
          %dma_start3A_132 = arith.constant 0 : i32
          %dma_start3A_133 = tpu.memref_slice %arg6[%run_scoped3A_101, %dma_start3A_131, %dma_start3A_132] : memref<3x2x128xf32, #tpu.memory_space<vmem>> -> memref<1x2x128xf32, #tpu.memory_space<vmem>>
          %dma_start3A_134 = tpu.memref_squeeze %dma_start3A_133 : memref<1x2x128xf32, #tpu.memory_space<vmem>> -> memref<2x128xf32, #tpu.memory_space<vmem>>
          %dma_start3A_135 = arith.constant 0 : i32
          %dma_start3A_136 = tpu.memref_slice %arg2[%run_scoped3A_100, %add3A_96, %select_n3A, %dma_start3A_135] : memref<3x512x4x128xf32, #tpu.memory_space<hbm>> -> memref<1x2x1x128xf32, #tpu.memory_space<hbm>>
          %dma_start3A_137 = tpu.memref_squeeze %dma_start3A_136 : memref<1x2x1x128xf32, #tpu.memory_space<hbm>> -> memref<2x128xf32, #tpu.memory_space<hbm>>
          tpu.enqueue_dma source(%dma_start3A_137 : memref<2x128xf32, #tpu.memory_space<hbm>>) target(%dma_start3A_134 : memref<2x128xf32, #tpu.memory_space<vmem>>) target_semaphore(%run_scoped3A_123 : memref<!tpu.dma_semaphore, #tpu.memory_space<semaphore_mem>>)
          %dma_wait3A_138 = arith.constant 0 : i32
          %dma_wait3A_139 = arith.constant 0 : i32
          %dma_wait3A_140 = tpu.memref_slice %arg6[%run_scoped3A_101, %dma_wait3A_138, %dma_wait3A_139] : memref<3x2x128xf32, #tpu.memory_space<vmem>> -> memref<1x2x128xf32, #tpu.memory_space<vmem>>
          %dma_wait3A_141 = tpu.memref_squeeze %dma_wait3A_140 : memref<1x2x128xf32, #tpu.memory_space<vmem>> -> memref<2x128xf32, #tpu.memory_space<vmem>>
          %dma_wait3A_142 = arith.constant 0 : i32
          %dma_wait3A_143 = tpu.memref_slice %arg2[%run_scoped3A_100, %add3A_96, %select_n3A, %dma_wait3A_142] : memref<3x512x4x128xf32, #tpu.memory_space<hbm>> -> memref<1x2x1x128xf32, #tpu.memory_space<hbm>>
          %dma_wait3A_144 = tpu.memref_squeeze %dma_wait3A_143 : memref<1x2x1x128xf32, #tpu.memory_space<hbm>> -> memref<2x128xf32, #tpu.memory_space<hbm>>
          %dma_wait3A_145 = arith.constant 0 : i32
          %dma_wait3A_146 = arith.constant 0 : i32
          %dma_wait3A_147 = tpu.memref_slice %arg6[%run_scoped3A_101, %dma_wait3A_145, %dma_wait3A_146] : memref<3x2x128xf32, #tpu.memory_space<vmem>> -> memref<1x2x128xf32, #tpu.memory_space<vmem>>
          %dma_wait3A_148 = tpu.memref_squeeze %dma_wait3A_147 : memref<1x2x128xf32, #tpu.memory_space<vmem>> -> memref<2x128xf32, #tpu.memory_space<vmem>>
          %dma_wait3A_149 = arith.constant 0 : i32
          %dma_wait3A_150 = tpu.memref_slice %arg2[%run_scoped3A_100, %add3A_96, %select_n3A, %dma_wait3A_149] : memref<3x512x4x128xf32, #tpu.memory_space<hbm>> -> memref<1x2x1x128xf32, #tpu.memory_space<hbm>>
          %dma_wait3A_151 = tpu.memref_squeeze %dma_wait3A_150 : memref<1x2x1x128xf32, #tpu.memory_space<hbm>> -> memref<2x128xf32, #tpu.memory_space<hbm>>
          tpu.wait_dma2 semaphore(%run_scoped3A_123 : memref<!tpu.dma_semaphore, #tpu.memory_space<semaphore_mem>>) src(%dma_wait3A_151 : memref<2x128xf32, #tpu.memory_space<hbm>>) dst(%dma_wait3A_148 : memref<2x128xf32, #tpu.memory_space<vmem>>)
          tpu.yield
        }) : () -> ()
        %scan3A_102 = arith.constant 0 : i32
        %scan3A_103 = arith.constant 0 : i32
        %scan3A_104 = arith.constant 8 : i32
        %scan3A_105 = arith.addi %scan3A_103, %scan3A_104 : i32
        %scan3A_106 = arith.constant 1 : i32
        %scan3A_107 = scf.for %scan3A_123 = %scan3A_103 to %scan3A_105 step %scan3A_106 iter_args(%scan3A_124 = %scan3A_102) -> (i32)  : i32 {
          %mul3A_125 = arith.constant 16 : i32
          %mul3A_126 = arith.muli %scan3A_123, %mul3A_125 : i32
          %get3A = arith.constant 0 : i32
          %get3A_127 = arith.constant 0 : i32
          %get3A_128 = arith.index_cast %get3A : i32 to index
          %get3A_129 = arith.index_cast %get3A_127 : i32 to index
          %get3A_130 = arith.index_cast %mul3A_126 : i32 to index
          %get3A_131 = tpu.vector_load %arg6[%get3A_128, %get3A_129, %get3A_130] {strides = array<i32>} : memref<3x2x128xf32, #tpu.memory_space<vmem>>, vector<16xf32>,
          %get3A_132 = arith.constant 1 : i32
          %get3A_133 = arith.constant 0 : i32
          %get3A_134 = arith.index_cast %get3A_132 : i32 to index
          %get3A_135 = arith.index_cast %get3A_133 : i32 to index
          %get3A_136 = arith.index_cast %mul3A_126 : i32 to index
          %get3A_137 = tpu.vector_load %arg6[%get3A_134, %get3A_135, %get3A_136] {strides = array<i32>} : memref<3x2x128xf32, #tpu.memory_space<vmem>>, vector<16xf32>,
          %get3A_138 = arith.constant 2 : i32
          %get3A_139 = arith.constant 0 : i32
          %get3A_140 = arith.index_cast %get3A_138 : i32 to index
          %get3A_141 = arith.index_cast %get3A_139 : i32 to index
          %get3A_142 = arith.index_cast %mul3A_126 : i32 to index
          %get3A_143 = tpu.vector_load %arg6[%get3A_140, %get3A_141, %get3A_142] {strides = array<i32>} : memref<3x2x128xf32, #tpu.memory_space<vmem>>, vector<16xf32>,
          %mul3A_144 = arith.constant 1.600000e+01 : f32
          %mul3A_145 = vector.broadcast %mul3A_144 : f32 to vector<16xf32>
          %mul3A_146 = arith.mulf %get3A_131, %mul3A_145 : vector<16xf32>
          %convert_element_type3A_147 = arith.fptosi %mul3A_146 : vector<16xf32> to vector<16xi32>
          %mul3A_148 = arith.constant 1.600000e+01 : f32
          %mul3A_149 = vector.broadcast %mul3A_148 : f32 to vector<16xf32>
          %mul3A_150 = arith.mulf %get3A_137, %mul3A_149 : vector<16xf32>
          %convert_element_type3A_151 = arith.fptosi %mul3A_150 : vector<16xf32> to vector<16xi32>
          %mul3A_152 = arith.constant 1.600000e+01 : f32
          %mul3A_153 = vector.broadcast %mul3A_152 : f32 to vector<16xf32>
          %mul3A_154 = arith.mulf %get3A_143, %mul3A_153 : vector<16xf32>
          %convert_element_type3A_155 = arith.fptosi %mul3A_154 : vector<16xf32> to vector<16xi32>
          %ge3A = arith.constant 16 : i32
          %ge3A_156 = vector.broadcast %ge3A : i32 to vector<16xi32>
          %ge3A_157 = arith.cmpi sge, %convert_element_type3A_147, %ge3A_156 : vector<16xi32>
          %sub3A_158 = arith.constant 16 : i32
          %sub3A_159 = vector.broadcast %sub3A_158 : i32 to vector<16xi32>
          %sub3A_160 = arith.subi %convert_element_type3A_147, %sub3A_159 : vector<16xi32>
          %select_n3A_161 = arith.select %ge3A_157, %sub3A_160, %convert_element_type3A_147 : vector<16xi1>, vector<16xi32>
          %ge3A_162 = arith.constant 16 : i32
          %ge3A_163 = vector.broadcast %ge3A_162 : i32 to vector<16xi32>
          %ge3A_164 = arith.cmpi sge, %convert_element_type3A_151, %ge3A_163 : vector<16xi32>
          %sub3A_165 = arith.constant 16 : i32
          %sub3A_166 = vector.broadcast %sub3A_165 : i32 to vector<16xi32>
          %sub3A_167 = arith.subi %convert_element_type3A_151, %sub3A_166 : vector<16xi32>
          %select_n3A_168 = arith.select %ge3A_164, %sub3A_167, %convert_element_type3A_151 : vector<16xi1>, vector<16xi32>
          %ge3A_169 = arith.constant 16 : i32
          %ge3A_170 = vector.broadcast %ge3A_169 : i32 to vector<16xi32>
          %ge3A_171 = arith.cmpi sge, %convert_element_type3A_155, %ge3A_170 : vector<16xi32>
          %sub3A_172 = arith.constant 16 : i32
          %sub3A_173 = vector.broadcast %sub3A_172 : i32 to vector<16xi32>
          %sub3A_174 = arith.subi %convert_element_type3A_155, %sub3A_173 : vector<16xi32>
          %select_n3A_175 = arith.select %ge3A_171, %sub3A_174, %convert_element_type3A_155 : vector<16xi1>, vector<16xi32>
          %mul3A_176 = arith.constant 16 : i32
          %mul3A_177 = vector.broadcast %mul3A_176 : i32 to vector<16xi32>
          %mul3A_178 = arith.muli %select_n3A_168, %mul3A_177 : vector<16xi32>
          %add3A_179 = arith.addi %select_n3A_161, %mul3A_178 : vector<16xi32>
          %mul3A_180 = arith.constant 256 : i32
          %mul3A_181 = vector.broadcast %mul3A_180 : i32 to vector<16xi32>
          %mul3A_182 = arith.muli %select_n3A_175, %mul3A_181 : vector<16xi32>
          %add3A_183 = arith.addi %add3A_179, %mul3A_182 : vector<16xi32>
          %shift_right_arithmetic3A = arith.constant 7 : i32
          %shift_right_arithmetic3A_184 = vector.broadcast %shift_right_arithmetic3A : i32 to vector<16xi32>
          %shift_right_arithmetic3A_185 = arith.shrsi %add3A_183, %shift_right_arithmetic3A_184 : vector<16xi32>
          %shift_left3A = arith.constant 8 : i32
          %shift_left3A_186 = vector.broadcast %shift_left3A : i32 to vector<16xi32>
          %shift_left3A_187 = arith.shli %shift_right_arithmetic3A_185, %shift_left3A_186 : vector<16xi32>
          %and3A_188 = arith.constant 127 : i32
          %and3A_189 = vector.broadcast %and3A_188 : i32 to vector<16xi32>
          %and3A_190 = arith.andi %add3A_183, %and3A_189 : vector<16xi32>
          %or3A = arith.ori %shift_left3A_187, %and3A_190 : vector<16xi32>
          %or3A_191 = arith.constant 128 : i32
          %or3A_192 = vector.broadcast %or3A_191 : i32 to vector<16xi32>
          %or3A_193 = arith.ori %or3A, %or3A_192 : vector<16xi32>
          %gather3A = tpu.vector_load_idx %arg17[%or3A] : memref<8192xf32, #tpu.memory_space<vmem>>[vector<16xi32>], vector<16xf32>,
          %gather3A_194 = tpu.vector_load_idx %arg17[%or3A_193] : memref<8192xf32, #tpu.memory_space<vmem>>[vector<16xi32>], vector<16xf32>,
          %mul3A_195 = arith.constant 16 : i32
          %mul3A_196 = arith.muli %scan3A_123, %mul3A_195 : i32
          %add3A_197 = arith.constant 0 : i32
          %add3A_198 = arith.addi %add3A_197, %mul3A_196 : i32
          %swap3A = arith.index_cast %add3A_198 : i32 to index
          %swap3A_199 = tpu.vector_load %arg16[%swap3A] {strides = array<i32>} : memref<1536xf32, #tpu.memory_space<vmem>>, vector<16xf32>,
          tpu.vector_store %arg16[%swap3A], %gather3A {strides = array<i32>} : memref<1536xf32, #tpu.memory_space<vmem>>, vector<16xf32>,
          %add3A_200 = arith.constant 128 : i32
          %add3A_201 = arith.addi %add3A_198, %add3A_200 : i32
          %swap3A_202 = arith.index_cast %add3A_201 : i32 to index
          %swap3A_203 = tpu.vector_load %arg16[%swap3A_202] {strides = array<i32>} : memref<1536xf32, #tpu.memory_space<vmem>>, vector<16xf32>,
          tpu.vector_store %arg16[%swap3A_202], %gather3A_194 {strides = array<i32>} : memref<1536xf32, #tpu.memory_space<vmem>>, vector<16xf32>,
          %mul3A_204 = arith.constant 2.200000e+01 : f32
          %mul3A_205 = vector.broadcast %mul3A_204 : f32 to vector<16xf32>
          %mul3A_206 = arith.mulf %get3A_131, %mul3A_205 : vector<16xf32>
          %convert_element_type3A_207 = arith.fptosi %mul3A_206 : vector<16xf32> to vector<16xi32>
          %mul3A_208 = arith.constant 2.200000e+01 : f32
          %mul3A_209 = vector.broadcast %mul3A_208 : f32 to vector<16xf32>
          %mul3A_210 = arith.mulf %get3A_137, %mul3A_209 : vector<16xf32>
          %convert_element_type3A_211 = arith.fptosi %mul3A_210 : vector<16xf32> to vector<16xi32>
          %mul3A_212 = arith.constant 2.200000e+01 : f32
          %mul3A_213 = vector.broadcast %mul3A_212 : f32 to vector<16xf32>
          %mul3A_214 = arith.mulf %get3A_143, %mul3A_213 : vector<16xf32>
          %convert_element_type3A_215 = arith.fptosi %mul3A_214 : vector<16xf32> to vector<16xi32>
          %ge3A_216 = arith.constant 22 : i32
          %ge3A_217 = vector.broadcast %ge3A_216 : i32 to vector<16xi32>
          %ge3A_218 = arith.cmpi sge, %convert_element_type3A_207, %ge3A_217 : vector<16xi32>
          %sub3A_219 = arith.constant 22 : i32
          %sub3A_220 = vector.broadcast %sub3A_219 : i32 to vector<16xi32>
          %sub3A_221 = arith.subi %convert_element_type3A_207, %sub3A_220 : vector<16xi32>
          %select_n3A_222 = arith.select %ge3A_218, %sub3A_221, %convert_element_type3A_207 : vector<16xi1>, vector<16xi32>
          %ge3A_223 = arith.constant 22 : i32
          %ge3A_224 = vector.broadcast %ge3A_223 : i32 to vector<16xi32>
          %ge3A_225 = arith.cmpi sge, %convert_element_type3A_211, %ge3A_224 : vector<16xi32>
          %sub3A_226 = arith.constant 22 : i32
          %sub3A_227 = vector.broadcast %sub3A_226 : i32 to vector<16xi32>
          %sub3A_228 = arith.subi %convert_element_type3A_211, %sub3A_227 : vector<16xi32>
          %select_n3A_229 = arith.select %ge3A_225, %sub3A_228, %convert_element_type3A_211 : vector<16xi1>, vector<16xi32>
          %ge3A_230 = arith.constant 22 : i32
          %ge3A_231 = vector.broadcast %ge3A_230 : i32 to vector<16xi32>
          %ge3A_232 = arith.cmpi sge, %convert_element_type3A_215, %ge3A_231 : vector<16xi32>
          %sub3A_233 = arith.constant 22 : i32
          %sub3A_234 = vector.broadcast %sub3A_233 : i32 to vector<16xi32>
          %sub3A_235 = arith.subi %convert_element_type3A_215, %sub3A_234 : vector<16xi32>
          %select_n3A_236 = arith.select %ge3A_232, %sub3A_235, %convert_element_type3A_215 : vector<16xi1>, vector<16xi32>
          %mul3A_237 = arith.constant 22 : i32
          %mul3A_238 = vector.broadcast %mul3A_237 : i32 to vector<16xi32>
          %mul3A_239 = arith.muli %select_n3A_229, %mul3A_238 : vector<16xi32>
          %add3A_240 = arith.addi %select_n3A_222, %mul3A_239 : vector<16xi32>
          %mul3A_241 = arith.constant 484 : i32
          %mul3A_242 = vector.broadcast %mul3A_241 : i32 to vector<16xi32>
          %mul3A_243 = arith.muli %select_n3A_236, %mul3A_242 : vector<16xi32>
          %add3A_244 = arith.addi %add3A_240, %mul3A_243 : vector<16xi32>
          %shift_right_arithmetic3A_245 = arith.constant 7 : i32
          %shift_right_arithmetic3A_246 = vector.broadcast %shift_right_arithmetic3A_245 : i32 to vector<16xi32>
          %shift_right_arithmetic3A_247 = arith.shrsi %add3A_244, %shift_right_arithmetic3A_246 : vector<16xi32>
          %shift_left3A_248 = arith.constant 8 : i32
          %shift_left3A_249 = vector.broadcast %shift_left3A_248 : i32 to vector<16xi32>
          %shift_left3A_250 = arith.shli %shift_right_arithmetic3A_247, %shift_left3A_249 : vector<16xi32>
          %and3A_251 = arith.constant 127 : i32
          %and3A_252 = vector.broadcast %and3A_251 : i32 to vector<16xi32>
          %and3A_253 = arith.andi %add3A_244, %and3A_252 : vector<16xi32>
          %or3A_254 = arith.ori %shift_left3A_250, %and3A_253 : vector<16xi32>
          %or3A_255 = arith.constant 128 : i32
          %or3A_256 = vector.broadcast %or3A_255 : i32 to vector<16xi32>
          %or3A_257 = arith.ori %or3A_254, %or3A_256 : vector<16xi32>
          %gather3A_258 = tpu.vector_load_idx %arg18[%or3A_254] : memref<21504xf32, #tpu.memory_space<vmem>>[vector<16xi32>], vector<16xf32>,
          %gather3A_259 = tpu.vector_load_idx %arg18[%or3A_257] : memref<21504xf32, #tpu.memory_space<vmem>>[vector<16xi32>], vector<16xf32>,
          %mul3A_260 = arith.constant 16 : i32
          %mul3A_261 = arith.muli %scan3A_123, %mul3A_260 : i32
          %add3A_262 = arith.constant 256 : i32
          %add3A_263 = arith.addi %add3A_262, %mul3A_261 : i32
          %swap3A_264 = arith.index_cast %add3A_263 : i32 to index
          %swap3A_265 = tpu.vector_load %arg16[%swap3A_264] {strides = array<i32>} : memref<1536xf32, #tpu.memory_space<vmem>>, vector<16xf32>,
          tpu.vector_store %arg16[%swap3A_264], %gather3A_258 {strides = array<i32>} : memref<1536xf32, #tpu.memory_space<vmem>>, vector<16xf32>,
          %add3A_266 = arith.constant 128 : i32
          %add3A_267 = arith.addi %add3A_263, %add3A_266 : i32
          %swap3A_268 = arith.index_cast %add3A_267 : i32 to index
          %swap3A_269 = tpu.vector_load %arg16[%swap3A_268] {strides = array<i32>} : memref<1536xf32, #tpu.memory_space<vmem>>, vector<16xf32>,
          tpu.vector_store %arg16[%swap3A_268], %gather3A_259 {strides = array<i32>} : memref<1536xf32, #tpu.memory_space<vmem>>, vector<16xf32>,
          %mul3A_270 = arith.constant 3.000000e+01 : f32
          %mul3A_271 = vector.broadcast %mul3A_270 : f32 to vector<16xf32>
          %mul3A_272 = arith.mulf %get3A_131, %mul3A_271 : vector<16xf32>
          %convert_element_type3A_273 = arith.fptosi %mul3A_272 : vector<16xf32> to vector<16xi32>
          %mul3A_274 = arith.constant 3.000000e+01 : f32
          %mul3A_275 = vector.broadcast %mul3A_274 : f32 to vector<16xf32>
          %mul3A_276 = arith.mulf %get3A_137, %mul3A_275 : vector<16xf32>
          %convert_element_type3A_277 = arith.fptosi %mul3A_276 : vector<16xf32> to vector<16xi32>
          %mul3A_278 = arith.constant 3.000000e+01 : f32
          %mul3A_279 = vector.broadcast %mul3A_278 : f32 to vector<16xf32>
          %mul3A_280 = arith.mulf %get3A_143, %mul3A_279 : vector<16xf32>
          %convert_element_type3A_281 = arith.fptosi %mul3A_280 : vector<16xf32> to vector<16xi32>
          %ge3A_282 = arith.constant 30 : i32
          %ge3A_283 = vector.broadcast %ge3A_282 : i32 to vector<16xi32>
          %ge3A_284 = arith.cmpi sge, %convert_element_type3A_273, %ge3A_283 : vector<16xi32>
          %sub3A_285 = arith.constant 30 : i32
          %sub3A_286 = vector.broadcast %sub3A_285 : i32 to vector<16xi32>
          %sub3A_287 = arith.subi %convert_element_type3A_273, %sub3A_286 : vector<16xi32>
          %select_n3A_288 = arith.select %ge3A_284, %sub3A_287, %convert_element_type3A_273 : vector<16xi1>, vector<16xi32>
          %ge3A_289 = arith.constant 30 : i32
          %ge3A_290 = vector.broadcast %ge3A_289 : i32 to vector<16xi32>
          %ge3A_291 = arith.cmpi sge, %convert_element_type3A_277, %ge3A_290 : vector<16xi32>
          %sub3A_292 = arith.constant 30 : i32
          %sub3A_293 = vector.broadcast %sub3A_292 : i32 to vector<16xi32>
          %sub3A_294 = arith.subi %convert_element_type3A_277, %sub3A_293 : vector<16xi32>
          %select_n3A_295 = arith.select %ge3A_291, %sub3A_294, %convert_element_type3A_277 : vector<16xi1>, vector<16xi32>
          %ge3A_296 = arith.constant 30 : i32
          %ge3A_297 = vector.broadcast %ge3A_296 : i32 to vector<16xi32>
          %ge3A_298 = arith.cmpi sge, %convert_element_type3A_281, %ge3A_297 : vector<16xi32>
          %sub3A_299 = arith.constant 30 : i32
          %sub3A_300 = vector.broadcast %sub3A_299 : i32 to vector<16xi32>
          %sub3A_301 = arith.subi %convert_element_type3A_281, %sub3A_300 : vector<16xi32>
          %select_n3A_302 = arith.select %ge3A_298, %sub3A_301, %convert_element_type3A_281 : vector<16xi1>, vector<16xi32>
          %mul3A_303 = arith.constant 30 : i32
          %mul3A_304 = vector.broadcast %mul3A_303 : i32 to vector<16xi32>
          %mul3A_305 = arith.muli %select_n3A_295, %mul3A_304 : vector<16xi32>
          %add3A_306 = arith.addi %select_n3A_288, %mul3A_305 : vector<16xi32>
          %mul3A_307 = arith.constant 900 : i32
          %mul3A_308 = vector.broadcast %mul3A_307 : i32 to vector<16xi32>
          %mul3A_309 = arith.muli %select_n3A_302, %mul3A_308 : vector<16xi32>
          %add3A_310 = arith.addi %add3A_306, %mul3A_309 : vector<16xi32>
          %shift_right_arithmetic3A_311 = arith.constant 7 : i32
          %shift_right_arithmetic3A_312 = vector.broadcast %shift_right_arithmetic3A_311 : i32 to vector<16xi32>
          %shift_right_arithmetic3A_313 = arith.shrsi %add3A_310, %shift_right_arithmetic3A_312 : vector<16xi32>
          %shift_left3A_314 = arith.constant 8 : i32
          %shift_left3A_315 = vector.broadcast %shift_left3A_314 : i32 to vector<16xi32>
          %shift_left3A_316 = arith.shli %shift_right_arithmetic3A_313, %shift_left3A_315 : vector<16xi32>
          %and3A_317 = arith.constant 127 : i32
          %and3A_318 = vector.broadcast %and3A_317 : i32 to vector<16xi32>
          %and3A_319 = arith.andi %add3A_310, %and3A_318 : vector<16xi32>
          %or3A_320 = arith.ori %shift_left3A_316, %and3A_319 : vector<16xi32>
          %or3A_321 = arith.constant 128 : i32
          %or3A_322 = vector.broadcast %or3A_321 : i32 to vector<16xi32>
          %or3A_323 = arith.ori %or3A_320, %or3A_322 : vector<16xi32>
          %gather3A_324 = tpu.vector_load_idx %arg19[%or3A_320] : memref<54016xf32, #tpu.memory_space<vmem>>[vector<16xi32>], vector<16xf32>,
          %gather3A_325 = tpu.vector_load_idx %arg19[%or3A_323] : memref<54016xf32, #tpu.memory_space<vmem>>[vector<16xi32>], vector<16xf32>,
          %mul3A_326 = arith.constant 16 : i32
          %mul3A_327 = arith.muli %scan3A_123, %mul3A_326 : i32
          %add3A_328 = arith.constant 512 : i32
          %add3A_329 = arith.addi %add3A_328, %mul3A_327 : i32
          %swap3A_330 = arith.index_cast %add3A_329 : i32 to index
          %swap3A_331 = tpu.vector_load %arg16[%swap3A_330] {strides = array<i32>} : memref<1536xf32, #tpu.memory_space<vmem>>, vector<16xf32>,
          tpu.vector_store %arg16[%swap3A_330], %gather3A_324 {strides = array<i32>} : memref<1536xf32, #tpu.memory_space<vmem>>, vector<16xf32>,
          %add3A_332 = arith.constant 128 : i32
          %add3A_333 = arith.addi %add3A_329, %add3A_332 : i32
          %swap3A_334 = arith.index_cast %add3A_333 : i32 to index
          %swap3A_335 = tpu.vector_load %arg16[%swap3A_334] {strides = array<i32>} : memref<1536xf32, #tpu.memory_space<vmem>>, vector<16xf32>,
          tpu.vector_store %arg16[%swap3A_334], %gather3A_325 {strides = array<i32>} : memref<1536xf32, #tpu.memory_space<vmem>>, vector<16xf32>,
          %mul3A_336 = arith.constant 4.200000e+01 : f32
          %mul3A_337 = vector.broadcast %mul3A_336 : f32 to vector<16xf32>
          %mul3A_338 = arith.mulf %get3A_131, %mul3A_337 : vector<16xf32>
          %convert_element_type3A_339 = arith.fptosi %mul3A_338 : vector<16xf32> to vector<16xi32>
          %mul3A_340 = arith.constant 4.200000e+01 : f32
          %mul3A_341 = vector.broadcast %mul3A_340 : f32 to vector<16xf32>
          %mul3A_342 = arith.mulf %get3A_137, %mul3A_341 : vector<16xf32>
          %convert_element_type3A_343 = arith.fptosi %mul3A_342 : vector<16xf32> to vector<16xi32>
          %mul3A_344 = arith.constant 4.200000e+01 : f32
          %mul3A_345 = vector.broadcast %mul3A_344 : f32 to vector<16xf32>
          %mul3A_346 = arith.mulf %get3A_143, %mul3A_345 : vector<16xf32>
          %convert_element_type3A_347 = arith.fptosi %mul3A_346 : vector<16xf32> to vector<16xi32>
          %ge3A_348 = arith.constant 42 : i32
          %ge3A_349 = vector.broadcast %ge3A_348 : i32 to vector<16xi32>
          %ge3A_350 = arith.cmpi sge, %convert_element_type3A_339, %ge3A_349 : vector<16xi32>
          %sub3A_351 = arith.constant 42 : i32
          %sub3A_352 = vector.broadcast %sub3A_351 : i32 to vector<16xi32>
          %sub3A_353 = arith.subi %convert_element_type3A_339, %sub3A_352 : vector<16xi32>
          %select_n3A_354 = arith.select %ge3A_350, %sub3A_353, %convert_element_type3A_339 : vector<16xi1>, vector<16xi32>
          %ge3A_355 = arith.constant 42 : i32
          %ge3A_356 = vector.broadcast %ge3A_355 : i32 to vector<16xi32>
          %ge3A_357 = arith.cmpi sge, %convert_element_type3A_343, %ge3A_356 : vector<16xi32>
          %sub3A_358 = arith.constant 42 : i32
          %sub3A_359 = vector.broadcast %sub3A_358 : i32 to vector<16xi32>
          %sub3A_360 = arith.subi %convert_element_type3A_343, %sub3A_359 : vector<16xi32>
          %select_n3A_361 = arith.select %ge3A_357, %sub3A_360, %convert_element_type3A_343 : vector<16xi1>, vector<16xi32>
          %ge3A_362 = arith.constant 42 : i32
          %ge3A_363 = vector.broadcast %ge3A_362 : i32 to vector<16xi32>
          %ge3A_364 = arith.cmpi sge, %convert_element_type3A_347, %ge3A_363 : vector<16xi32>
          %sub3A_365 = arith.constant 42 : i32
          %sub3A_366 = vector.broadcast %sub3A_365 : i32 to vector<16xi32>
          %sub3A_367 = arith.subi %convert_element_type3A_347, %sub3A_366 : vector<16xi32>
          %select_n3A_368 = arith.select %ge3A_364, %sub3A_367, %convert_element_type3A_347 : vector<16xi1>, vector<16xi32>
          %mul3A_369 = arith.constant 42 : i32
          %mul3A_370 = vector.broadcast %mul3A_369 : i32 to vector<16xi32>
          %mul3A_371 = arith.muli %select_n3A_361, %mul3A_370 : vector<16xi32>
          %add3A_372 = arith.addi %select_n3A_354, %mul3A_371 : vector<16xi32>
          %mul3A_373 = arith.constant 1764 : i32
          %mul3A_374 = vector.broadcast %mul3A_373 : i32 to vector<16xi32>
          %mul3A_375 = arith.muli %select_n3A_368, %mul3A_374 : vector<16xi32>
          %add3A_376 = arith.addi %add3A_372, %mul3A_375 : vector<16xi32>
          %and3A_377 = arith.constant 524287 : i32
          %and3A_378 = vector.broadcast %and3A_377 : i32 to vector<16xi32>
          %and3A_379 = arith.andi %add3A_376, %and3A_378 : vector<16xi32>
          %or3A_380 = arith.constant 1572864 : i32
          %or3A_381 = vector.broadcast %or3A_380 : i32 to vector<16xi32>
          %or3A_382 = arith.ori %and3A_379, %or3A_381 : vector<16xi32>
          %shift_right_arithmetic3A_383 = arith.constant 7 : i32
          %shift_right_arithmetic3A_384 = vector.broadcast %shift_right_arithmetic3A_383 : i32 to vector<16xi32>
          %shift_right_arithmetic3A_385 = arith.shrsi %or3A_382, %shift_right_arithmetic3A_384 : vector<16xi32>
          %shift_left3A_386 = arith.constant 8 : i32
          %shift_left3A_387 = vector.broadcast %shift_left3A_386 : i32 to vector<16xi32>
          %shift_left3A_388 = arith.shli %shift_right_arithmetic3A_385, %shift_left3A_387 : vector<16xi32>
          %and3A_389 = arith.constant 127 : i32
          %and3A_390 = vector.broadcast %and3A_389 : i32 to vector<16xi32>
          %and3A_391 = arith.andi %or3A_382, %and3A_390 : vector<16xi32>
          %or3A_392 = arith.ori %shift_left3A_388, %and3A_391 : vector<16xi32>
          %or3A_393 = arith.constant 128 : i32
          %or3A_394 = vector.broadcast %or3A_393 : i32 to vector<16xi32>
          %or3A_395 = arith.ori %or3A_392, %or3A_394 : vector<16xi32>
          %mul3A_396 = arith.constant 16 : i32
          %mul3A_397 = arith.muli %scan3A_123, %mul3A_396 : i32
          %add3A_398 = arith.constant 0 : i32
          %add3A_399 = arith.addi %add3A_398, %mul3A_397 : i32
          %swap3A_400 = arith.index_cast %add3A_399 : i32 to index
          %swap3A_401 = tpu.vector_load %arg9[%swap3A_400] {strides = array<i32>} : memref<2560xi32, #tpu.memory_space<vmem>>, vector<16xi32>,
          tpu.vector_store %arg9[%swap3A_400], %or3A_392 {strides = array<i32>} : memref<2560xi32, #tpu.memory_space<vmem>>, vector<16xi32>,
          %mul3A_402 = arith.constant 16 : i32
          %mul3A_403 = arith.muli %scan3A_123, %mul3A_402 : i32
          %add3A_404 = arith.constant 128 : i32
          %add3A_405 = arith.addi %add3A_404, %mul3A_403 : i32
          %swap3A_406 = arith.index_cast %add3A_405 : i32 to index
          %swap3A_407 = tpu.vector_load %arg9[%swap3A_406] {strides = array<i32>} : memref<2560xi32, #tpu.memory_space<vmem>>, vector<16xi32>,
          tpu.vector_store %arg9[%swap3A_406], %or3A_395 {strides = array<i32>} : memref<2560xi32, #tpu.memory_space<vmem>>, vector<16xi32>,
          %mul3A_408 = arith.constant 5.800000e+01 : f32
          %mul3A_409 = vector.broadcast %mul3A_408 : f32 to vector<16xf32>
          %mul3A_410 = arith.mulf %get3A_131, %mul3A_409 : vector<16xf32>
          %convert_element_type3A_411 = arith.fptosi %mul3A_410 : vector<16xf32> to vector<16xi32>
          %mul3A_412 = arith.constant 5.800000e+01 : f32
          %mul3A_413 = vector.broadcast %mul3A_412 : f32 to vector<16xf32>
          %mul3A_414 = arith.mulf %get3A_137, %mul3A_413 : vector<16xf32>
          %convert_element_type3A_415 = arith.fptosi %mul3A_414 : vector<16xf32> to vector<16xi32>
          %mul3A_416 = arith.constant 5.800000e+01 : f32
          %mul3A_417 = vector.broadcast %mul3A_416 : f32 to vector<16xf32>
          %mul3A_418 = arith.mulf %get3A_143, %mul3A_417 : vector<16xf32>
          %convert_element_type3A_419 = arith.fptosi %mul3A_418 : vector<16xf32> to vector<16xi32>
          %ge3A_420 = arith.constant 58 : i32
          %ge3A_421 = vector.broadcast %ge3A_420 : i32 to vector<16xi32>
          %ge3A_422 = arith.cmpi sge, %convert_element_type3A_411, %ge3A_421 : vector<16xi32>
          %sub3A_423 = arith.constant 58 : i32
          %sub3A_424 = vector.broadcast %sub3A_423 : i32 to vector<16xi32>
          %sub3A_425 = arith.subi %convert_element_type3A_411, %sub3A_424 : vector<16xi32>
          %select_n3A_426 = arith.select %ge3A_422, %sub3A_425, %convert_element_type3A_411 : vector<16xi1>, vector<16xi32>
          %ge3A_427 = arith.constant 58 : i32
          %ge3A_428 = vector.broadcast %ge3A_427 : i32 to vector<16xi32>
          %ge3A_429 = arith.cmpi sge, %convert_element_type3A_415, %ge3A_428 : vector<16xi32>
          %sub3A_430 = arith.constant 58 : i32
          %sub3A_431 = vector.broadcast %sub3A_430 : i32 to vector<16xi32>
          %sub3A_432 = arith.subi %convert_element_type3A_415, %sub3A_431 : vector<16xi32>
          %select_n3A_433 = arith.select %ge3A_429, %sub3A_432, %convert_element_type3A_415 : vector<16xi1>, vector<16xi32>
          %ge3A_434 = arith.constant 58 : i32
          %ge3A_435 = vector.broadcast %ge3A_434 : i32 to vector<16xi32>
          %ge3A_436 = arith.cmpi sge, %convert_element_type3A_419, %ge3A_435 : vector<16xi32>
          %sub3A_437 = arith.constant 58 : i32
          %sub3A_438 = vector.broadcast %sub3A_437 : i32 to vector<16xi32>
          %sub3A_439 = arith.subi %convert_element_type3A_419, %sub3A_438 : vector<16xi32>
          %select_n3A_440 = arith.select %ge3A_436, %sub3A_439, %convert_element_type3A_419 : vector<16xi1>, vector<16xi32>
          %mul3A_441 = arith.constant 58 : i32
          %mul3A_442 = vector.broadcast %mul3A_441 : i32 to vector<16xi32>
          %mul3A_443 = arith.muli %select_n3A_433, %mul3A_442 : vector<16xi32>
          %add3A_444 = arith.addi %select_n3A_426, %mul3A_443 : vector<16xi32>
          %mul3A_445 = arith.constant 3364 : i32
          %mul3A_446 = vector.broadcast %mul3A_445 : i32 to vector<16xi32>
          %mul3A_447 = arith.muli %select_n3A_440, %mul3A_446 : vector<16xi32>
          %add3A_448 = arith.addi %add3A_444, %mul3A_447 : vector<16xi32>
          %and3A_449 = arith.constant 524287 : i32
          %and3A_450 = vector.broadcast %and3A_449 : i32 to vector<16xi32>
          %and3A_451 = arith.andi %add3A_448, %and3A_450 : vector<16xi32>
          %or3A_452 = arith.constant 2097152 : i32
          %or3A_453 = vector.broadcast %or3A_452 : i32 to vector<16xi32>
          %or3A_454 = arith.ori %and3A_451, %or3A_453 : vector<16xi32>
          %shift_right_arithmetic3A_455 = arith.constant 7 : i32
          %shift_right_arithmetic3A_456 = vector.broadcast %shift_right_arithmetic3A_455 : i32 to vector<16xi32>
          %shift_right_arithmetic3A_457 = arith.shrsi %or3A_454, %shift_right_arithmetic3A_456 : vector<16xi32>
          %shift_left3A_458 = arith.constant 8 : i32
          %shift_left3A_459 = vector.broadcast %shift_left3A_458 : i32 to vector<16xi32>
          %shift_left3A_460 = arith.shli %shift_right_arithmetic3A_457, %shift_left3A_459 : vector<16xi32>
          %and3A_461 = arith.constant 127 : i32
          %and3A_462 = vector.broadcast %and3A_461 : i32 to vector<16xi32>
          %and3A_463 = arith.andi %or3A_454, %and3A_462 : vector<16xi32>
          %or3A_464 = arith.ori %shift_left3A_460, %and3A_463 : vector<16xi32>
          %or3A_465 = arith.constant 128 : i32
          %or3A_466 = vector.broadcast %or3A_465 : i32 to vector<16xi32>
          %or3A_467 = arith.ori %or3A_464, %or3A_466 : vector<16xi32>
          %mul3A_468 = arith.constant 16 : i32
          %mul3A_469 = arith.muli %scan3A_123, %mul3A_468 : i32
          %add3A_470 = arith.constant 512 : i32
          %add3A_471 = arith.addi %add3A_470, %mul3A_469 : i32
          %swap3A_472 = arith.index_cast %add3A_471 : i32 to index
          %swap3A_473 = tpu.vector_load %arg9[%swap3A_472] {strides = array<i32>} : memref<2560xi32, #tpu.memory_space<vmem>>, vector<16xi32>,
          tpu.vector_store %arg9[%swap3A_472], %or3A_464 {strides = array<i32>} : memref<2560xi32, #tpu.memory_space<vmem>>, vector<16xi32>,
          %mul3A_474 = arith.constant 16 : i32
          %mul3A_475 = arith.muli %scan3A_123, %mul3A_474 : i32
          %add3A_476 = arith.constant 640 : i32
          %add3A_477 = arith.addi %add3A_476, %mul3A_475 : i32
          %swap3A_478 = arith.index_cast %add3A_477 : i32 to index
          %swap3A_479 = tpu.vector_load %arg9[%swap3A_478] {strides = array<i32>} : memref<2560xi32, #tpu.memory_space<vmem>>, vector<16xi32>,
          tpu.vector_store %arg9[%swap3A_478], %or3A_467 {strides = array<i32>} : memref<2560xi32, #tpu.memory_space<vmem>>, vector<16xi32>,
          %mul3A_480 = arith.constant 8.000000e+01 : f32
          %mul3A_481 = vector.broadcast %mul3A_480 : f32 to vector<16xf32>
          %mul3A_482 = arith.mulf %get3A_131, %mul3A_481 : vector<16xf32>
          %convert_element_type3A_483 = arith.fptosi %mul3A_482 : vector<16xf32> to vector<16xi32>
          %mul3A_484 = arith.constant 8.000000e+01 : f32
          %mul3A_485 = vector.broadcast %mul3A_484 : f32 to vector<16xf32>
          %mul3A_486 = arith.mulf %get3A_137, %mul3A_485 : vector<16xf32>
          %convert_element_type3A_487 = arith.fptosi %mul3A_486 : vector<16xf32> to vector<16xi32>
          %mul3A_488 = arith.constant 8.000000e+01 : f32
          %mul3A_489 = vector.broadcast %mul3A_488 : f32 to vector<16xf32>
          %mul3A_490 = arith.mulf %get3A_143, %mul3A_489 : vector<16xf32>
          %convert_element_type3A_491 = arith.fptosi %mul3A_490 : vector<16xf32> to vector<16xi32>
          %ge3A_492 = arith.constant 80 : i32
          %ge3A_493 = vector.broadcast %ge3A_492 : i32 to vector<16xi32>
          %ge3A_494 = arith.cmpi sge, %convert_element_type3A_483, %ge3A_493 : vector<16xi32>
          %sub3A_495 = arith.constant 80 : i32
          %sub3A_496 = vector.broadcast %sub3A_495 : i32 to vector<16xi32>
          %sub3A_497 = arith.subi %convert_element_type3A_483, %sub3A_496 : vector<16xi32>
          %select_n3A_498 = arith.select %ge3A_494, %sub3A_497, %convert_element_type3A_483 : vector<16xi1>, vector<16xi32>
          %ge3A_499 = arith.constant 80 : i32
          %ge3A_500 = vector.broadcast %ge3A_499 : i32 to vector<16xi32>
          %ge3A_501 = arith.cmpi sge, %convert_element_type3A_487, %ge3A_500 : vector<16xi32>
          %sub3A_502 = arith.constant 80 : i32
          %sub3A_503 = vector.broadcast %sub3A_502 : i32 to vector<16xi32>
          %sub3A_504 = arith.subi %convert_element_type3A_487, %sub3A_503 : vector<16xi32>
          %select_n3A_505 = arith.select %ge3A_501, %sub3A_504, %convert_element_type3A_487 : vector<16xi1>, vector<16xi32>
          %ge3A_506 = arith.constant 80 : i32
          %ge3A_507 = vector.broadcast %ge3A_506 : i32 to vector<16xi32>
          %ge3A_508 = arith.cmpi sge, %convert_element_type3A_491, %ge3A_507 : vector<16xi32>
          %sub3A_509 = arith.constant 80 : i32
          %sub3A_510 = vector.broadcast %sub3A_509 : i32 to vector<16xi32>
          %sub3A_511 = arith.subi %convert_element_type3A_491, %sub3A_510 : vector<16xi32>
          %select_n3A_512 = arith.select %ge3A_508, %sub3A_511, %convert_element_type3A_491 : vector<16xi1>, vector<16xi32>
          %mul3A_513 = arith.constant 80 : i32
          %mul3A_514 = vector.broadcast %mul3A_513 : i32 to vector<16xi32>
          %mul3A_515 = arith.muli %select_n3A_505, %mul3A_514 : vector<16xi32>
          %add3A_516 = arith.addi %select_n3A_498, %mul3A_515 : vector<16xi32>
          %mul3A_517 = arith.constant 6400 : i32
          %mul3A_518 = vector.broadcast %mul3A_517 : i32 to vector<16xi32>
          %mul3A_519 = arith.muli %select_n3A_512, %mul3A_518 : vector<16xi32>
          %add3A_520 = arith.addi %add3A_516, %mul3A_519 : vector<16xi32>
          %and3A_521 = arith.constant 524287 : i32
          %and3A_522 = vector.broadcast %and3A_521 : i32 to vector<16xi32>
          %and3A_523 = arith.andi %add3A_520, %and3A_522 : vector<16xi32>
          %or3A_524 = arith.constant 2621440 : i32
          %or3A_525 = vector.broadcast %or3A_524 : i32 to vector<16xi32>
          %or3A_526 = arith.ori %and3A_523, %or3A_525 : vector<16xi32>
          %shift_right_arithmetic3A_527 = arith.constant 7 : i32
          %shift_right_arithmetic3A_528 = vector.broadcast %shift_right_arithmetic3A_527 : i32 to vector<16xi32>
          %shift_right_arithmetic3A_529 = arith.shrsi %or3A_526, %shift_right_arithmetic3A_528 : vector<16xi32>
          %shift_left3A_530 = arith.constant 8 : i32
          %shift_left3A_531 = vector.broadcast %shift_left3A_530 : i32 to vector<16xi32>
          %shift_left3A_532 = arith.shli %shift_right_arithmetic3A_529, %shift_left3A_531 : vector<16xi32>
          %and3A_533 = arith.constant 127 : i32
          %and3A_534 = vector.broadcast %and3A_533 : i32 to vector<16xi32>
          %and3A_535 = arith.andi %or3A_526, %and3A_534 : vector<16xi32>
          %or3A_536 = arith.ori %shift_left3A_532, %and3A_535 : vector<16xi32>
          %or3A_537 = arith.constant 128 : i32
          %or3A_538 = vector.broadcast %or3A_537 : i32 to vector<16xi32>
          %or3A_539 = arith.ori %or3A_536, %or3A_538 : vector<16xi32>
          %mul3A_540 = arith.constant 16 : i32
          %mul3A_541 = arith.muli %scan3A_123, %mul3A_540 : i32
          %add3A_542 = arith.constant 768 : i32
          %add3A_543 = arith.addi %add3A_542, %mul3A_541 : i32
          %swap3A_544 = arith.index_cast %add3A_543 : i32 to index
          %swap3A_545 = tpu.vector_load %arg9[%swap3A_544] {strides = array<i32>} : memref<2560xi32, #tpu.memory_space<vmem>>, vector<16xi32>,
          tpu.vector_store %arg9[%swap3A_544], %or3A_536 {strides = array<i32>} : memref<2560xi32, #tpu.memory_space<vmem>>, vector<16xi32>,
          %mul3A_546 = arith.constant 16 : i32
          %mul3A_547 = arith.muli %scan3A_123, %mul3A_546 : i32
          %add3A_548 = arith.constant 896 : i32
          %add3A_549 = arith.addi %add3A_548, %mul3A_547 : i32
          %swap3A_550 = arith.index_cast %add3A_549 : i32 to index
          %swap3A_551 = tpu.vector_load %arg9[%swap3A_550] {strides = array<i32>} : memref<2560xi32, #tpu.memory_space<vmem>>, vector<16xi32>,
          tpu.vector_store %arg9[%swap3A_550], %or3A_539 {strides = array<i32>} : memref<2560xi32, #tpu.memory_space<vmem>>, vector<16xi32>,
          %mul3A_552 = arith.constant 1.110000e+02 : f32
          %mul3A_553 = vector.broadcast %mul3A_552 : f32 to vector<16xf32>
          %mul3A_554 = arith.mulf %get3A_131, %mul3A_553 : vector<16xf32>
          %convert_element_type3A_555 = arith.fptosi %mul3A_554 : vector<16xf32> to vector<16xi32>
          %mul3A_556 = arith.constant 1.110000e+02 : f32
          %mul3A_557 = vector.broadcast %mul3A_556 : f32 to vector<16xf32>
          %mul3A_558 = arith.mulf %get3A_137, %mul3A_557 : vector<16xf32>
          %convert_element_type3A_559 = arith.fptosi %mul3A_558 : vector<16xf32> to vector<16xi32>
          %mul3A_560 = arith.constant 1.110000e+02 : f32
          %mul3A_561 = vector.broadcast %mul3A_560 : f32 to vector<16xf32>
          %mul3A_562 = arith.mulf %get3A_143, %mul3A_561 : vector<16xf32>
          %convert_element_type3A_563 = arith.fptosi %mul3A_562 : vector<16xf32> to vector<16xi32>
          %ge3A_564 = arith.constant 111 : i32
          %ge3A_565 = vector.broadcast %ge3A_564 : i32 to vector<16xi32>
          %ge3A_566 = arith.cmpi sge, %convert_element_type3A_555, %ge3A_565 : vector<16xi32>
          %sub3A_567 = arith.constant 111 : i32
          %sub3A_568 = vector.broadcast %sub3A_567 : i32 to vector<16xi32>
          %sub3A_569 = arith.subi %convert_element_type3A_555, %sub3A_568 : vector<16xi32>
          %select_n3A_570 = arith.select %ge3A_566, %sub3A_569, %convert_element_type3A_555 : vector<16xi1>, vector<16xi32>
          %ge3A_571 = arith.constant 111 : i32
          %ge3A_572 = vector.broadcast %ge3A_571 : i32 to vector<16xi32>
          %ge3A_573 = arith.cmpi sge, %convert_element_type3A_559, %ge3A_572 : vector<16xi32>
          %sub3A_574 = arith.constant 111 : i32
          %sub3A_575 = vector.broadcast %sub3A_574 : i32 to vector<16xi32>
          %sub3A_576 = arith.subi %convert_element_type3A_559, %sub3A_575 : vector<16xi32>
          %select_n3A_577 = arith.select %ge3A_573, %sub3A_576, %convert_element_type3A_559 : vector<16xi1>, vector<16xi32>
          %ge3A_578 = arith.constant 111 : i32
          %ge3A_579 = vector.broadcast %ge3A_578 : i32 to vector<16xi32>
          %ge3A_580 = arith.cmpi sge, %convert_element_type3A_563, %ge3A_579 : vector<16xi32>
          %sub3A_581 = arith.constant 111 : i32
          %sub3A_582 = vector.broadcast %sub3A_581 : i32 to vector<16xi32>
          %sub3A_583 = arith.subi %convert_element_type3A_563, %sub3A_582 : vector<16xi32>
          %select_n3A_584 = arith.select %ge3A_580, %sub3A_583, %convert_element_type3A_563 : vector<16xi1>, vector<16xi32>
          %mul3A_585 = arith.constant 111 : i32
          %mul3A_586 = vector.broadcast %mul3A_585 : i32 to vector<16xi32>
          %mul3A_587 = arith.muli %select_n3A_577, %mul3A_586 : vector<16xi32>
          %add3A_588 = arith.addi %select_n3A_570, %mul3A_587 : vector<16xi32>
          %mul3A_589 = arith.constant 12321 : i32
          %mul3A_590 = vector.broadcast %mul3A_589 : i32 to vector<16xi32>
          %mul3A_591 = arith.muli %select_n3A_584, %mul3A_590 : vector<16xi32>
          %add3A_592 = arith.addi %add3A_588, %mul3A_591 : vector<16xi32>
          %and3A_593 = arith.constant 524287 : i32
          %and3A_594 = vector.broadcast %and3A_593 : i32 to vector<16xi32>
          %and3A_595 = arith.andi %add3A_592, %and3A_594 : vector<16xi32>
          %or3A_596 = arith.constant 3145728 : i32
          %or3A_597 = vector.broadcast %or3A_596 : i32 to vector<16xi32>
          %or3A_598 = arith.ori %and3A_595, %or3A_597 : vector<16xi32>
          %shift_right_arithmetic3A_599 = arith.constant 7 : i32
          %shift_right_arithmetic3A_600 = vector.broadcast %shift_right_arithmetic3A_599 : i32 to vector<16xi32>
          %shift_right_arithmetic3A_601 = arith.shrsi %or3A_598, %shift_right_arithmetic3A_600 : vector<16xi32>
          %shift_left3A_602 = arith.constant 8 : i32
          %shift_left3A_603 = vector.broadcast %shift_left3A_602 : i32 to vector<16xi32>
          %shift_left3A_604 = arith.shli %shift_right_arithmetic3A_601, %shift_left3A_603 : vector<16xi32>
          %and3A_605 = arith.constant 127 : i32
          %and3A_606 = vector.broadcast %and3A_605 : i32 to vector<16xi32>
          %and3A_607 = arith.andi %or3A_598, %and3A_606 : vector<16xi32>
          %or3A_608 = arith.ori %shift_left3A_604, %and3A_607 : vector<16xi32>
          %or3A_609 = arith.constant 128 : i32
          %or3A_610 = vector.broadcast %or3A_609 : i32 to vector<16xi32>
          %or3A_611 = arith.ori %or3A_608, %or3A_610 : vector<16xi32>
          %mul3A_612 = arith.constant 16 : i32
          %mul3A_613 = arith.muli %scan3A_123, %mul3A_612 : i32
          %add3A_614 = arith.constant 1024 : i32
          %add3A_615 = arith.addi %add3A_614, %mul3A_613 : i32
          %swap3A_616 = arith.index_cast %add3A_615 : i32 to index
          %swap3A_617 = tpu.vector_load %arg9[%swap3A_616] {strides = array<i32>} : memref<2560xi32, #tpu.memory_space<vmem>>, vector<16xi32>,
          tpu.vector_store %arg9[%swap3A_616], %or3A_608 {strides = array<i32>} : memref<2560xi32, #tpu.memory_space<vmem>>, vector<16xi32>,
          %mul3A_618 = arith.constant 16 : i32
          %mul3A_619 = arith.muli %scan3A_123, %mul3A_618 : i32
          %add3A_620 = arith.constant 1152 : i32
          %add3A_621 = arith.addi %add3A_620, %mul3A_619 : i32
          %swap3A_622 = arith.index_cast %add3A_621 : i32 to index
          %swap3A_623 = tpu.vector_load %arg9[%swap3A_622] {strides = array<i32>} : memref<2560xi32, #tpu.memory_space<vmem>>, vector<16xi32>,
          tpu.vector_store %arg9[%swap3A_622], %or3A_611 {strides = array<i32>} : memref<2560xi32, #tpu.memory_space<vmem>>, vector<16xi32>,
          %mul3A_624 = arith.constant 1.530000e+02 : f32
          %mul3A_625 = vector.broadcast %mul3A_624 : f32 to vector<16xf32>
          %mul3A_626 = arith.mulf %get3A_131, %mul3A_625 : vector<16xf32>
          %convert_element_type3A_627 = arith.fptosi %mul3A_626 : vector<16xf32> to vector<16xi32>
          %mul3A_628 = arith.constant 1.530000e+02 : f32
          %mul3A_629 = vector.broadcast %mul3A_628 : f32 to vector<16xf32>
          %mul3A_630 = arith.mulf %get3A_137, %mul3A_629 : vector<16xf32>
          %convert_element_type3A_631 = arith.fptosi %mul3A_630 : vector<16xf32> to vector<16xi32>
          %mul3A_632 = arith.constant 1.530000e+02 : f32
          %mul3A_633 = vector.broadcast %mul3A_632 : f32 to vector<16xf32>
          %mul3A_634 = arith.mulf %get3A_143, %mul3A_633 : vector<16xf32>
          %convert_element_type3A_635 = arith.fptosi %mul3A_634 : vector<16xf32> to vector<16xi32>
          %ge3A_636 = arith.constant 153 : i32
          %ge3A_637 = vector.broadcast %ge3A_636 : i32 to vector<16xi32>
          %ge3A_638 = arith.cmpi sge, %convert_element_type3A_627, %ge3A_637 : vector<16xi32>
          %sub3A_639 = arith.constant 153 : i32
          %sub3A_640 = vector.broadcast %sub3A_639 : i32 to vector<16xi32>
          %sub3A_641 = arith.subi %convert_element_type3A_627, %sub3A_640 : vector<16xi32>
          %select_n3A_642 = arith.select %ge3A_638, %sub3A_641, %convert_element_type3A_627 : vector<16xi1>, vector<16xi32>
          %ge3A_643 = arith.constant 153 : i32
          %ge3A_644 = vector.broadcast %ge3A_643 : i32 to vector<16xi32>
          %ge3A_645 = arith.cmpi sge, %convert_element_type3A_631, %ge3A_644 : vector<16xi32>
          %sub3A_646 = arith.constant 153 : i32
          %sub3A_647 = vector.broadcast %sub3A_646 : i32 to vector<16xi32>
          %sub3A_648 = arith.subi %convert_element_type3A_631, %sub3A_647 : vector<16xi32>
          %select_n3A_649 = arith.select %ge3A_645, %sub3A_648, %convert_element_type3A_631 : vector<16xi1>, vector<16xi32>
          %ge3A_650 = arith.constant 153 : i32
          %ge3A_651 = vector.broadcast %ge3A_650 : i32 to vector<16xi32>
          %ge3A_652 = arith.cmpi sge, %convert_element_type3A_635, %ge3A_651 : vector<16xi32>
          %sub3A_653 = arith.constant 153 : i32
          %sub3A_654 = vector.broadcast %sub3A_653 : i32 to vector<16xi32>
          %sub3A_655 = arith.subi %convert_element_type3A_635, %sub3A_654 : vector<16xi32>
          %select_n3A_656 = arith.select %ge3A_652, %sub3A_655, %convert_element_type3A_635 : vector<16xi1>, vector<16xi32>
          %mul3A_657 = arith.constant 153 : i32
          %mul3A_658 = vector.broadcast %mul3A_657 : i32 to vector<16xi32>
          %mul3A_659 = arith.muli %select_n3A_649, %mul3A_658 : vector<16xi32>
          %add3A_660 = arith.addi %select_n3A_642, %mul3A_659 : vector<16xi32>
          %mul3A_661 = arith.constant 23409 : i32
          %mul3A_662 = vector.broadcast %mul3A_661 : i32 to vector<16xi32>
          %mul3A_663 = arith.muli %select_n3A_656, %mul3A_662 : vector<16xi32>
          %add3A_664 = arith.addi %add3A_660, %mul3A_663 : vector<16xi32>
          %and3A_665 = arith.constant 524287 : i32
          %and3A_666 = vector.broadcast %and3A_665 : i32 to vector<16xi32>
          %and3A_667 = arith.andi %add3A_664, %and3A_666 : vector<16xi32>
          %or3A_668 = arith.constant 3670016 : i32
          %or3A_669 = vector.broadcast %or3A_668 : i32 to vector<16xi32>
          %or3A_670 = arith.ori %and3A_667, %or3A_669 : vector<16xi32>
          %shift_right_arithmetic3A_671 = arith.constant 7 : i32
          %shift_right_arithmetic3A_672 = vector.broadcast %shift_right_arithmetic3A_671 : i32 to vector<16xi32>
          %shift_right_arithmetic3A_673 = arith.shrsi %or3A_670, %shift_right_arithmetic3A_672 : vector<16xi32>
          %shift_left3A_674 = arith.constant 8 : i32
          %shift_left3A_675 = vector.broadcast %shift_left3A_674 : i32 to vector<16xi32>
          %shift_left3A_676 = arith.shli %shift_right_arithmetic3A_673, %shift_left3A_675 : vector<16xi32>
          %and3A_677 = arith.constant 127 : i32
          %and3A_678 = vector.broadcast %and3A_677 : i32 to vector<16xi32>
          %and3A_679 = arith.andi %or3A_670, %and3A_678 : vector<16xi32>
          %or3A_680 = arith.ori %shift_left3A_676, %and3A_679 : vector<16xi32>
          %or3A_681 = arith.constant 128 : i32
          %or3A_682 = vector.broadcast %or3A_681 : i32 to vector<16xi32>
          %or3A_683 = arith.ori %or3A_680, %or3A_682 : vector<16xi32>
          %mul3A_684 = arith.constant 16 : i32
          %mul3A_685 = arith.muli %scan3A_123, %mul3A_684 : i32
          %add3A_686 = arith.constant 1280 : i32
          %add3A_687 = arith.addi %add3A_686, %mul3A_685 : i32
          %swap3A_688 = arith.index_cast %add3A_687 : i32 to index
          %swap3A_689 = tpu.vector_load %arg9[%swap3A_688] {strides = array<i32>} : memref<2560xi32, #tpu.memory_space<vmem>>, vector<16xi32>,
          tpu.vector_store %arg9[%swap3A_688], %or3A_680 {strides = array<i32>} : memref<2560xi32, #tpu.memory_space<vmem>>, vector<16xi32>,
          %mul3A_690 = arith.constant 16 : i32
          %mul3A_691 = arith.muli %scan3A_123, %mul3A_690 : i32
          %add3A_692 = arith.constant 1408 : i32
          %add3A_693 = arith.addi %add3A_692, %mul3A_691 : i32
          %swap3A_694 = arith.index_cast %add3A_693 : i32 to index
          %swap3A_695 = tpu.vector_load %arg9[%swap3A_694] {strides = array<i32>} : memref<2560xi32, #tpu.memory_space<vmem>>, vector<16xi32>,
          tpu.vector_store %arg9[%swap3A_694], %or3A_683 {strides = array<i32>} : memref<2560xi32, #tpu.memory_space<vmem>>, vector<16xi32>,
          %mul3A_696 = arith.constant 2.120000e+02 : f32
          %mul3A_697 = vector.broadcast %mul3A_696 : f32 to vector<16xf32>
          %mul3A_698 = arith.mulf %get3A_131, %mul3A_697 : vector<16xf32>
          %convert_element_type3A_699 = arith.fptosi %mul3A_698 : vector<16xf32> to vector<16xi32>
          %mul3A_700 = arith.constant 2.120000e+02 : f32
          %mul3A_701 = vector.broadcast %mul3A_700 : f32 to vector<16xf32>
          %mul3A_702 = arith.mulf %get3A_137, %mul3A_701 : vector<16xf32>
          %convert_element_type3A_703 = arith.fptosi %mul3A_702 : vector<16xf32> to vector<16xi32>
          %mul3A_704 = arith.constant 2.120000e+02 : f32
          %mul3A_705 = vector.broadcast %mul3A_704 : f32 to vector<16xf32>
          %mul3A_706 = arith.mulf %get3A_143, %mul3A_705 : vector<16xf32>
          %convert_element_type3A_707 = arith.fptosi %mul3A_706 : vector<16xf32> to vector<16xi32>
          %ge3A_708 = arith.constant 212 : i32
          %ge3A_709 = vector.broadcast %ge3A_708 : i32 to vector<16xi32>
          %ge3A_710 = arith.cmpi sge, %convert_element_type3A_699, %ge3A_709 : vector<16xi32>
          %sub3A_711 = arith.constant 212 : i32
          %sub3A_712 = vector.broadcast %sub3A_711 : i32 to vector<16xi32>
          %sub3A_713 = arith.subi %convert_element_type3A_699, %sub3A_712 : vector<16xi32>
          %select_n3A_714 = arith.select %ge3A_710, %sub3A_713, %convert_element_type3A_699 : vector<16xi1>, vector<16xi32>
          %ge3A_715 = arith.constant 212 : i32
          %ge3A_716 = vector.broadcast %ge3A_715 : i32 to vector<16xi32>
          %ge3A_717 = arith.cmpi sge, %convert_element_type3A_703, %ge3A_716 : vector<16xi32>
          %sub3A_718 = arith.constant 212 : i32
          %sub3A_719 = vector.broadcast %sub3A_718 : i32 to vector<16xi32>
          %sub3A_720 = arith.subi %convert_element_type3A_703, %sub3A_719 : vector<16xi32>
          %select_n3A_721 = arith.select %ge3A_717, %sub3A_720, %convert_element_type3A_703 : vector<16xi1>, vector<16xi32>
          %ge3A_722 = arith.constant 212 : i32
          %ge3A_723 = vector.broadcast %ge3A_722 : i32 to vector<16xi32>
          %ge3A_724 = arith.cmpi sge, %convert_element_type3A_707, %ge3A_723 : vector<16xi32>
          %sub3A_725 = arith.constant 212 : i32
          %sub3A_726 = vector.broadcast %sub3A_725 : i32 to vector<16xi32>
          %sub3A_727 = arith.subi %convert_element_type3A_707, %sub3A_726 : vector<16xi32>
          %select_n3A_728 = arith.select %ge3A_724, %sub3A_727, %convert_element_type3A_707 : vector<16xi1>, vector<16xi32>
          %mul3A_729 = arith.constant 212 : i32
          %mul3A_730 = vector.broadcast %mul3A_729 : i32 to vector<16xi32>
          %mul3A_731 = arith.muli %select_n3A_721, %mul3A_730 : vector<16xi32>
          %add3A_732 = arith.addi %select_n3A_714, %mul3A_731 : vector<16xi32>
          %mul3A_733 = arith.constant 44944 : i32
          %mul3A_734 = vector.broadcast %mul3A_733 : i32 to vector<16xi32>
          %mul3A_735 = arith.muli %select_n3A_728, %mul3A_734 : vector<16xi32>
          %add3A_736 = arith.addi %add3A_732, %mul3A_735 : vector<16xi32>
          %and3A_737 = arith.constant 524287 : i32
          %and3A_738 = vector.broadcast %and3A_737 : i32 to vector<16xi32>
          %and3A_739 = arith.andi %add3A_736, %and3A_738 : vector<16xi32>
          %or3A_740 = arith.constant 4194304 : i32
          %or3A_741 = vector.broadcast %or3A_740 : i32 to vector<16xi32>
          %or3A_742 = arith.ori %and3A_739, %or3A_741 : vector<16xi32>
          %shift_right_arithmetic3A_743 = arith.constant 7 : i32
          %shift_right_arithmetic3A_744 = vector.broadcast %shift_right_arithmetic3A_743 : i32 to vector<16xi32>
          %shift_right_arithmetic3A_745 = arith.shrsi %or3A_742, %shift_right_arithmetic3A_744 : vector<16xi32>
          %shift_left3A_746 = arith.constant 8 : i32
          %shift_left3A_747 = vector.broadcast %shift_left3A_746 : i32 to vector<16xi32>
          %shift_left3A_748 = arith.shli %shift_right_arithmetic3A_745, %shift_left3A_747 : vector<16xi32>
          %and3A_749 = arith.constant 127 : i32
          %and3A_750 = vector.broadcast %and3A_749 : i32 to vector<16xi32>
          %and3A_751 = arith.andi %or3A_742, %and3A_750 : vector<16xi32>
          %or3A_752 = arith.ori %shift_left3A_748, %and3A_751 : vector<16xi32>
          %or3A_753 = arith.constant 128 : i32
          %or3A_754 = vector.broadcast %or3A_753 : i32 to vector<16xi32>
          %or3A_755 = arith.ori %or3A_752, %or3A_754 : vector<16xi32>
          %mul3A_756 = arith.constant 16 : i32
          %mul3A_757 = arith.muli %scan3A_123, %mul3A_756 : i32
          %add3A_758 = arith.constant 0 : i32
          %add3A_759 = arith.addi %add3A_758, %mul3A_757 : i32
          %swap3A_760 = arith.index_cast %add3A_759 : i32 to index
          %swap3A_761 = tpu.vector_load %arg10[%swap3A_760] {strides = array<i32>} : memref<4096xi32, #tpu.memory_space<vmem>>, vector<16xi32>,
          tpu.vector_store %arg10[%swap3A_760], %or3A_752 {strides = array<i32>} : memref<4096xi32, #tpu.memory_space<vmem>>, vector<16xi32>,
          %mul3A_762 = arith.constant 16 : i32
          %mul3A_763 = arith.muli %scan3A_123, %mul3A_762 : i32
          %add3A_764 = arith.constant 128 : i32
          %add3A_765 = arith.addi %add3A_764, %mul3A_763 : i32
          %swap3A_766 = arith.index_cast %add3A_765 : i32 to index
          %swap3A_767 = tpu.vector_load %arg10[%swap3A_766] {strides = array<i32>} : memref<4096xi32, #tpu.memory_space<vmem>>, vector<16xi32>,
          tpu.vector_store %arg10[%swap3A_766], %or3A_755 {strides = array<i32>} : memref<4096xi32, #tpu.memory_space<vmem>>, vector<16xi32>,
          %mul3A_768 = arith.constant 2.940000e+02 : f32
          %mul3A_769 = vector.broadcast %mul3A_768 : f32 to vector<16xf32>
          %mul3A_770 = arith.mulf %get3A_131, %mul3A_769 : vector<16xf32>
          %convert_element_type3A_771 = arith.fptosi %mul3A_770 : vector<16xf32> to vector<16xi32>
          %mul3A_772 = arith.constant 2.940000e+02 : f32
          %mul3A_773 = vector.broadcast %mul3A_772 : f32 to vector<16xf32>
          %mul3A_774 = arith.mulf %get3A_137, %mul3A_773 : vector<16xf32>
          %convert_element_type3A_775 = arith.fptosi %mul3A_774 : vector<16xf32> to vector<16xi32>
          %mul3A_776 = arith.constant 2.940000e+02 : f32
          %mul3A_777 = vector.broadcast %mul3A_776 : f32 to vector<16xf32>
          %mul3A_778 = arith.mulf %get3A_143, %mul3A_777 : vector<16xf32>
          %convert_element_type3A_779 = arith.fptosi %mul3A_778 : vector<16xf32> to vector<16xi32>
          %ge3A_780 = arith.constant 294 : i32
          %ge3A_781 = vector.broadcast %ge3A_780 : i32 to vector<16xi32>
          %ge3A_782 = arith.cmpi sge, %convert_element_type3A_771, %ge3A_781 : vector<16xi32>
          %sub3A_783 = arith.constant 294 : i32
          %sub3A_784 = vector.broadcast %sub3A_783 : i32 to vector<16xi32>
          %sub3A_785 = arith.subi %convert_element_type3A_771, %sub3A_784 : vector<16xi32>
          %select_n3A_786 = arith.select %ge3A_782, %sub3A_785, %convert_element_type3A_771 : vector<16xi1>, vector<16xi32>
          %ge3A_787 = arith.constant 294 : i32
          %ge3A_788 = vector.broadcast %ge3A_787 : i32 to vector<16xi32>
          %ge3A_789 = arith.cmpi sge, %convert_element_type3A_775, %ge3A_788 : vector<16xi32>
          %sub3A_790 = arith.constant 294 : i32
          %sub3A_791 = vector.broadcast %sub3A_790 : i32 to vector<16xi32>
          %sub3A_792 = arith.subi %convert_element_type3A_775, %sub3A_791 : vector<16xi32>
          %select_n3A_793 = arith.select %ge3A_789, %sub3A_792, %convert_element_type3A_775 : vector<16xi1>, vector<16xi32>
          %ge3A_794 = arith.constant 294 : i32
          %ge3A_795 = vector.broadcast %ge3A_794 : i32 to vector<16xi32>
          %ge3A_796 = arith.cmpi sge, %convert_element_type3A_779, %ge3A_795 : vector<16xi32>
          %sub3A_797 = arith.constant 294 : i32
          %sub3A_798 = vector.broadcast %sub3A_797 : i32 to vector<16xi32>
          %sub3A_799 = arith.subi %convert_element_type3A_779, %sub3A_798 : vector<16xi32>
          %select_n3A_800 = arith.select %ge3A_796, %sub3A_799, %convert_element_type3A_779 : vector<16xi1>, vector<16xi32>
          %mul3A_801 = arith.constant 294 : i32
          %mul3A_802 = vector.broadcast %mul3A_801 : i32 to vector<16xi32>
          %mul3A_803 = arith.muli %select_n3A_793, %mul3A_802 : vector<16xi32>
          %add3A_804 = arith.addi %select_n3A_786, %mul3A_803 : vector<16xi32>
          %mul3A_805 = arith.constant 86436 : i32
          %mul3A_806 = vector.broadcast %mul3A_805 : i32 to vector<16xi32>
          %mul3A_807 = arith.muli %select_n3A_800, %mul3A_806 : vector<16xi32>
          %add3A_808 = arith.addi %add3A_804, %mul3A_807 : vector<16xi32>
          %and3A_809 = arith.constant 524287 : i32
          %and3A_810 = vector.broadcast %and3A_809 : i32 to vector<16xi32>
          %and3A_811 = arith.andi %add3A_808, %and3A_810 : vector<16xi32>
          %or3A_812 = arith.constant 4718592 : i32
          %or3A_813 = vector.broadcast %or3A_812 : i32 to vector<16xi32>
          %or3A_814 = arith.ori %and3A_811, %or3A_813 : vector<16xi32>
          %shift_right_arithmetic3A_815 = arith.constant 7 : i32
          %shift_right_arithmetic3A_816 = vector.broadcast %shift_right_arithmetic3A_815 : i32 to vector<16xi32>
          %shift_right_arithmetic3A_817 = arith.shrsi %or3A_814, %shift_right_arithmetic3A_816 : vector<16xi32>
          %shift_left3A_818 = arith.constant 8 : i32
          %shift_left3A_819 = vector.broadcast %shift_left3A_818 : i32 to vector<16xi32>
          %shift_left3A_820 = arith.shli %shift_right_arithmetic3A_817, %shift_left3A_819 : vector<16xi32>
          %and3A_821 = arith.constant 127 : i32
          %and3A_822 = vector.broadcast %and3A_821 : i32 to vector<16xi32>
          %and3A_823 = arith.andi %or3A_814, %and3A_822 : vector<16xi32>
          %or3A_824 = arith.ori %shift_left3A_820, %and3A_823 : vector<16xi32>
          %or3A_825 = arith.constant 128 : i32
          %or3A_826 = vector.broadcast %or3A_825 : i32 to vector<16xi32>
          %or3A_827 = arith.ori %or3A_824, %or3A_826 : vector<16xi32>
          %mul3A_828 = arith.constant 16 : i32
          %mul3A_829 = arith.muli %scan3A_123, %mul3A_828 : i32
          %add3A_830 = arith.constant 256 : i32
          %add3A_831 = arith.addi %add3A_830, %mul3A_829 : i32
          %swap3A_832 = arith.index_cast %add3A_831 : i32 to index
          %swap3A_833 = tpu.vector_load %arg10[%swap3A_832] {strides = array<i32>} : memref<4096xi32, #tpu.memory_space<vmem>>, vector<16xi32>,
          tpu.vector_store %arg10[%swap3A_832], %or3A_824 {strides = array<i32>} : memref<4096xi32, #tpu.memory_space<vmem>>, vector<16xi32>,
          %mul3A_834 = arith.constant 16 : i32
          %mul3A_835 = arith.muli %scan3A_123, %mul3A_834 : i32
          %add3A_836 = arith.constant 384 : i32
          %add3A_837 = arith.addi %add3A_836, %mul3A_835 : i32
          %swap3A_838 = arith.index_cast %add3A_837 : i32 to index
          %swap3A_839 = tpu.vector_load %arg10[%swap3A_838] {strides = array<i32>} : memref<4096xi32, #tpu.memory_space<vmem>>, vector<16xi32>,
          tpu.vector_store %arg10[%swap3A_838], %or3A_827 {strides = array<i32>} : memref<4096xi32, #tpu.memory_space<vmem>>, vector<16xi32>,
          %mul3A_840 = arith.constant 4.060000e+02 : f32
          %mul3A_841 = vector.broadcast %mul3A_840 : f32 to vector<16xf32>
          %mul3A_842 = arith.mulf %get3A_131, %mul3A_841 : vector<16xf32>
          %convert_element_type3A_843 = arith.fptosi %mul3A_842 : vector<16xf32> to vector<16xi32>
          %mul3A_844 = arith.constant 4.060000e+02 : f32
          %mul3A_845 = vector.broadcast %mul3A_844 : f32 to vector<16xf32>
          %mul3A_846 = arith.mulf %get3A_137, %mul3A_845 : vector<16xf32>
          %convert_element_type3A_847 = arith.fptosi %mul3A_846 : vector<16xf32> to vector<16xi32>
          %mul3A_848 = arith.constant 4.060000e+02 : f32
          %mul3A_849 = vector.broadcast %mul3A_848 : f32 to vector<16xf32>
          %mul3A_850 = arith.mulf %get3A_143, %mul3A_849 : vector<16xf32>
          %convert_element_type3A_851 = arith.fptosi %mul3A_850 : vector<16xf32> to vector<16xi32>
          %ge3A_852 = arith.constant 406 : i32
          %ge3A_853 = vector.broadcast %ge3A_852 : i32 to vector<16xi32>
          %ge3A_854 = arith.cmpi sge, %convert_element_type3A_843, %ge3A_853 : vector<16xi32>
          %sub3A_855 = arith.constant 406 : i32
          %sub3A_856 = vector.broadcast %sub3A_855 : i32 to vector<16xi32>
          %sub3A_857 = arith.subi %convert_element_type3A_843, %sub3A_856 : vector<16xi32>
          %select_n3A_858 = arith.select %ge3A_854, %sub3A_857, %convert_element_type3A_843 : vector<16xi1>, vector<16xi32>
          %ge3A_859 = arith.constant 406 : i32
          %ge3A_860 = vector.broadcast %ge3A_859 : i32 to vector<16xi32>
          %ge3A_861 = arith.cmpi sge, %convert_element_type3A_847, %ge3A_860 : vector<16xi32>
          %sub3A_862 = arith.constant 406 : i32
          %sub3A_863 = vector.broadcast %sub3A_862 : i32 to vector<16xi32>
          %sub3A_864 = arith.subi %convert_element_type3A_847, %sub3A_863 : vector<16xi32>
          %select_n3A_865 = arith.select %ge3A_861, %sub3A_864, %convert_element_type3A_847 : vector<16xi1>, vector<16xi32>
          %ge3A_866 = arith.constant 406 : i32
          %ge3A_867 = vector.broadcast %ge3A_866 : i32 to vector<16xi32>
          %ge3A_868 = arith.cmpi sge, %convert_element_type3A_851, %ge3A_867 : vector<16xi32>
          %sub3A_869 = arith.constant 406 : i32
          %sub3A_870 = vector.broadcast %sub3A_869 : i32 to vector<16xi32>
          %sub3A_871 = arith.subi %convert_element_type3A_851, %sub3A_870 : vector<16xi32>
          %select_n3A_872 = arith.select %ge3A_868, %sub3A_871, %convert_element_type3A_851 : vector<16xi1>, vector<16xi32>
          %mul3A_873 = arith.constant 406 : i32
          %mul3A_874 = vector.broadcast %mul3A_873 : i32 to vector<16xi32>
          %mul3A_875 = arith.muli %select_n3A_865, %mul3A_874 : vector<16xi32>
          %add3A_876 = arith.addi %select_n3A_858, %mul3A_875 : vector<16xi32>
          %mul3A_877 = arith.constant 164836 : i32
          %mul3A_878 = vector.broadcast %mul3A_877 : i32 to vector<16xi32>
          %mul3A_879 = arith.muli %select_n3A_872, %mul3A_878 : vector<16xi32>
          %add3A_880 = arith.addi %add3A_876, %mul3A_879 : vector<16xi32>
          %and3A_881 = arith.constant 524287 : i32
          %and3A_882 = vector.broadcast %and3A_881 : i32 to vector<16xi32>
          %and3A_883 = arith.andi %add3A_880, %and3A_882 : vector<16xi32>
          %or3A_884 = arith.constant 5242880 : i32
          %or3A_885 = vector.broadcast %or3A_884 : i32 to vector<16xi32>
          %or3A_886 = arith.ori %and3A_883, %or3A_885 : vector<16xi32>
          %shift_right_arithmetic3A_887 = arith.constant 7 : i32
          %shift_right_arithmetic3A_888 = vector.broadcast %shift_right_arithmetic3A_887 : i32 to vector<16xi32>
          %shift_right_arithmetic3A_889 = arith.shrsi %or3A_886, %shift_right_arithmetic3A_888 : vector<16xi32>
          %shift_left3A_890 = arith.constant 8 : i32
          %shift_left3A_891 = vector.broadcast %shift_left3A_890 : i32 to vector<16xi32>
          %shift_left3A_892 = arith.shli %shift_right_arithmetic3A_889, %shift_left3A_891 : vector<16xi32>
          %and3A_893 = arith.constant 127 : i32
          %and3A_894 = vector.broadcast %and3A_893 : i32 to vector<16xi32>
          %and3A_895 = arith.andi %or3A_886, %and3A_894 : vector<16xi32>
          %or3A_896 = arith.ori %shift_left3A_892, %and3A_895 : vector<16xi32>
          %or3A_897 = arith.constant 128 : i32
          %or3A_898 = vector.broadcast %or3A_897 : i32 to vector<16xi32>
          %or3A_899 = arith.ori %or3A_896, %or3A_898 : vector<16xi32>
          %mul3A_900 = arith.constant 16 : i32
          %mul3A_901 = arith.muli %scan3A_123, %mul3A_900 : i32
          %add3A_902 = arith.constant 512 : i32
          %add3A_903 = arith.addi %add3A_902, %mul3A_901 : i32
          %swap3A_904 = arith.index_cast %add3A_903 : i32 to index
          %swap3A_905 = tpu.vector_load %arg10[%swap3A_904] {strides = array<i32>} : memref<4096xi32, #tpu.memory_space<vmem>>, vector<16xi32>,
          tpu.vector_store %arg10[%swap3A_904], %or3A_896 {strides = array<i32>} : memref<4096xi32, #tpu.memory_space<vmem>>, vector<16xi32>,
          %mul3A_906 = arith.constant 16 : i32
          %mul3A_907 = arith.muli %scan3A_123, %mul3A_906 : i32
          %add3A_908 = arith.constant 640 : i32
          %add3A_909 = arith.addi %add3A_908, %mul3A_907 : i32
          %swap3A_910 = arith.index_cast %add3A_909 : i32 to index
          %swap3A_911 = tpu.vector_load %arg10[%swap3A_910] {strides = array<i32>} : memref<4096xi32, #tpu.memory_space<vmem>>, vector<16xi32>,
          tpu.vector_store %arg10[%swap3A_910], %or3A_899 {strides = array<i32>} : memref<4096xi32, #tpu.memory_space<vmem>>, vector<16xi32>,
          %mul3A_912 = arith.constant 5.610000e+02 : f32
          %mul3A_913 = vector.broadcast %mul3A_912 : f32 to vector<16xf32>
          %mul3A_914 = arith.mulf %get3A_131, %mul3A_913 : vector<16xf32>
          %convert_element_type3A_915 = arith.fptosi %mul3A_914 : vector<16xf32> to vector<16xi32>
          %mul3A_916 = arith.constant 5.610000e+02 : f32
          %mul3A_917 = vector.broadcast %mul3A_916 : f32 to vector<16xf32>
          %mul3A_918 = arith.mulf %get3A_137, %mul3A_917 : vector<16xf32>
          %convert_element_type3A_919 = arith.fptosi %mul3A_918 : vector<16xf32> to vector<16xi32>
          %mul3A_920 = arith.constant 5.610000e+02 : f32
          %mul3A_921 = vector.broadcast %mul3A_920 : f32 to vector<16xf32>
          %mul3A_922 = arith.mulf %get3A_143, %mul3A_921 : vector<16xf32>
          %convert_element_type3A_923 = arith.fptosi %mul3A_922 : vector<16xf32> to vector<16xi32>
          %ge3A_924 = arith.constant 561 : i32
          %ge3A_925 = vector.broadcast %ge3A_924 : i32 to vector<16xi32>
          %ge3A_926 = arith.cmpi sge, %convert_element_type3A_915, %ge3A_925 : vector<16xi32>
          %sub3A_927 = arith.constant 561 : i32
          %sub3A_928 = vector.broadcast %sub3A_927 : i32 to vector<16xi32>
          %sub3A_929 = arith.subi %convert_element_type3A_915, %sub3A_928 : vector<16xi32>
          %select_n3A_930 = arith.select %ge3A_926, %sub3A_929, %convert_element_type3A_915 : vector<16xi1>, vector<16xi32>
          %ge3A_931 = arith.constant 561 : i32
          %ge3A_932 = vector.broadcast %ge3A_931 : i32 to vector<16xi32>
          %ge3A_933 = arith.cmpi sge, %convert_element_type3A_919, %ge3A_932 : vector<16xi32>
          %sub3A_934 = arith.constant 561 : i32
          %sub3A_935 = vector.broadcast %sub3A_934 : i32 to vector<16xi32>
          %sub3A_936 = arith.subi %convert_element_type3A_919, %sub3A_935 : vector<16xi32>
          %select_n3A_937 = arith.select %ge3A_933, %sub3A_936, %convert_element_type3A_919 : vector<16xi1>, vector<16xi32>
          %ge3A_938 = arith.constant 561 : i32
          %ge3A_939 = vector.broadcast %ge3A_938 : i32 to vector<16xi32>
          %ge3A_940 = arith.cmpi sge, %convert_element_type3A_923, %ge3A_939 : vector<16xi32>
          %sub3A_941 = arith.constant 561 : i32
          %sub3A_942 = vector.broadcast %sub3A_941 : i32 to vector<16xi32>
          %sub3A_943 = arith.subi %convert_element_type3A_923, %sub3A_942 : vector<16xi32>
          %select_n3A_944 = arith.select %ge3A_940, %sub3A_943, %convert_element_type3A_923 : vector<16xi1>, vector<16xi32>
          %mul3A_945 = arith.constant 561 : i32
          %mul3A_946 = vector.broadcast %mul3A_945 : i32 to vector<16xi32>
          %mul3A_947 = arith.muli %select_n3A_937, %mul3A_946 : vector<16xi32>
          %add3A_948 = arith.addi %select_n3A_930, %mul3A_947 : vector<16xi32>
          %mul3A_949 = arith.constant 314721 : i32
          %mul3A_950 = vector.broadcast %mul3A_949 : i32 to vector<16xi32>
          %mul3A_951 = arith.muli %select_n3A_944, %mul3A_950 : vector<16xi32>
          %add3A_952 = arith.addi %add3A_948, %mul3A_951 : vector<16xi32>
          %and3A_953 = arith.constant 524287 : i32
          %and3A_954 = vector.broadcast %and3A_953 : i32 to vector<16xi32>
          %and3A_955 = arith.andi %add3A_952, %and3A_954 : vector<16xi32>
          %or3A_956 = arith.constant 5767168 : i32
          %or3A_957 = vector.broadcast %or3A_956 : i32 to vector<16xi32>
          %or3A_958 = arith.ori %and3A_955, %or3A_957 : vector<16xi32>
          %shift_right_arithmetic3A_959 = arith.constant 7 : i32
          %shift_right_arithmetic3A_960 = vector.broadcast %shift_right_arithmetic3A_959 : i32 to vector<16xi32>
          %shift_right_arithmetic3A_961 = arith.shrsi %or3A_958, %shift_right_arithmetic3A_960 : vector<16xi32>
          %shift_left3A_962 = arith.constant 8 : i32
          %shift_left3A_963 = vector.broadcast %shift_left3A_962 : i32 to vector<16xi32>
          %shift_left3A_964 = arith.shli %shift_right_arithmetic3A_961, %shift_left3A_963 : vector<16xi32>
          %and3A_965 = arith.constant 127 : i32
          %and3A_966 = vector.broadcast %and3A_965 : i32 to vector<16xi32>
          %and3A_967 = arith.andi %or3A_958, %and3A_966 : vector<16xi32>
          %or3A_968 = arith.ori %shift_left3A_964, %and3A_967 : vector<16xi32>
          %or3A_969 = arith.constant 128 : i32
          %or3A_970 = vector.broadcast %or3A_969 : i32 to vector<16xi32>
          %or3A_971 = arith.ori %or3A_968, %or3A_970 : vector<16xi32>
          %mul3A_972 = arith.constant 16 : i32
          %mul3A_973 = arith.muli %scan3A_123, %mul3A_972 : i32
          %add3A_974 = arith.constant 768 : i32
          %add3A_975 = arith.addi %add3A_974, %mul3A_973 : i32
          %swap3A_976 = arith.index_cast %add3A_975 : i32 to index
          %swap3A_977 = tpu.vector_load %arg10[%swap3A_976] {strides = array<i32>} : memref<4096xi32, #tpu.memory_space<vmem>>, vector<16xi32>,
          tpu.vector_store %arg10[%swap3A_976], %or3A_968 {strides = array<i32>} : memref<4096xi32, #tpu.memory_space<vmem>>, vector<16xi32>,
          %mul3A_978 = arith.constant 16 : i32
          %mul3A_979 = arith.muli %scan3A_123, %mul3A_978 : i32
          %add3A_980 = arith.constant 896 : i32
          %add3A_981 = arith.addi %add3A_980, %mul3A_979 : i32
          %swap3A_982 = arith.index_cast %add3A_981 : i32 to index
          %swap3A_983 = tpu.vector_load %arg10[%swap3A_982] {strides = array<i32>} : memref<4096xi32, #tpu.memory_space<vmem>>, vector<16xi32>,
          tpu.vector_store %arg10[%swap3A_982], %or3A_971 {strides = array<i32>} : memref<4096xi32, #tpu.memory_space<vmem>>, vector<16xi32>,
          %mul3A_984 = arith.constant 7.760000e+02 : f32
          %mul3A_985 = vector.broadcast %mul3A_984 : f32 to vector<16xf32>
          %mul3A_986 = arith.mulf %get3A_131, %mul3A_985 : vector<16xf32>
          %convert_element_type3A_987 = arith.fptosi %mul3A_986 : vector<16xf32> to vector<16xi32>
          %mul3A_988 = arith.constant 7.760000e+02 : f32
          %mul3A_989 = vector.broadcast %mul3A_988 : f32 to vector<16xf32>
          %mul3A_990 = arith.mulf %get3A_137, %mul3A_989 : vector<16xf32>
          %convert_element_type3A_991 = arith.fptosi %mul3A_990 : vector<16xf32> to vector<16xi32>
          %mul3A_992 = arith.constant 7.760000e+02 : f32
          %mul3A_993 = vector.broadcast %mul3A_992 : f32 to vector<16xf32>
          %mul3A_994 = arith.mulf %get3A_143, %mul3A_993 : vector<16xf32>
          %convert_element_type3A_995 = arith.fptosi %mul3A_994 : vector<16xf32> to vector<16xi32>
          %ge3A_996 = arith.constant 776 : i32
          %ge3A_997 = vector.broadcast %ge3A_996 : i32 to vector<16xi32>
          %ge3A_998 = arith.cmpi sge, %convert_element_type3A_987, %ge3A_997 : vector<16xi32>
          %sub3A_999 = arith.constant 776 : i32
          %sub3A_1000 = vector.broadcast %sub3A_999 : i32 to vector<16xi32>
          %sub3A_1001 = arith.subi %convert_element_type3A_987, %sub3A_1000 : vector<16xi32>
          %select_n3A_1002 = arith.select %ge3A_998, %sub3A_1001, %convert_element_type3A_987 : vector<16xi1>, vector<16xi32>
          %ge3A_1003 = arith.constant 776 : i32
          %ge3A_1004 = vector.broadcast %ge3A_1003 : i32 to vector<16xi32>
          %ge3A_1005 = arith.cmpi sge, %convert_element_type3A_991, %ge3A_1004 : vector<16xi32>
          %sub3A_1006 = arith.constant 776 : i32
          %sub3A_1007 = vector.broadcast %sub3A_1006 : i32 to vector<16xi32>
          %sub3A_1008 = arith.subi %convert_element_type3A_991, %sub3A_1007 : vector<16xi32>
          %select_n3A_1009 = arith.select %ge3A_1005, %sub3A_1008, %convert_element_type3A_991 : vector<16xi1>, vector<16xi32>
          %ge3A_1010 = arith.constant 776 : i32
          %ge3A_1011 = vector.broadcast %ge3A_1010 : i32 to vector<16xi32>
          %ge3A_1012 = arith.cmpi sge, %convert_element_type3A_995, %ge3A_1011 : vector<16xi32>
          %sub3A_1013 = arith.constant 776 : i32
          %sub3A_1014 = vector.broadcast %sub3A_1013 : i32 to vector<16xi32>
          %sub3A_1015 = arith.subi %convert_element_type3A_995, %sub3A_1014 : vector<16xi32>
          %select_n3A_1016 = arith.select %ge3A_1012, %sub3A_1015, %convert_element_type3A_995 : vector<16xi1>, vector<16xi32>
          %mul3A_1017 = arith.constant 776 : i32
          %mul3A_1018 = vector.broadcast %mul3A_1017 : i32 to vector<16xi32>
          %mul3A_1019 = arith.muli %select_n3A_1009, %mul3A_1018 : vector<16xi32>
          %add3A_1020 = arith.addi %select_n3A_1002, %mul3A_1019 : vector<16xi32>
          %mul3A_1021 = arith.constant 77888 : i32
          %mul3A_1022 = vector.broadcast %mul3A_1021 : i32 to vector<16xi32>
          %mul3A_1023 = arith.muli %select_n3A_1016, %mul3A_1022 : vector<16xi32>
          %add3A_1024 = arith.addi %add3A_1020, %mul3A_1023 : vector<16xi32>
          %and3A_1025 = arith.constant 524287 : i32
          %and3A_1026 = vector.broadcast %and3A_1025 : i32 to vector<16xi32>
          %and3A_1027 = arith.andi %add3A_1024, %and3A_1026 : vector<16xi32>
          %or3A_1028 = arith.constant 6291456 : i32
          %or3A_1029 = vector.broadcast %or3A_1028 : i32 to vector<16xi32>
          %or3A_1030 = arith.ori %and3A_1027, %or3A_1029 : vector<16xi32>
          %shift_right_arithmetic3A_1031 = arith.constant 7 : i32
          %shift_right_arithmetic3A_1032 = vector.broadcast %shift_right_arithmetic3A_1031 : i32 to vector<16xi32>
          %shift_right_arithmetic3A_1033 = arith.shrsi %or3A_1030, %shift_right_arithmetic3A_1032 : vector<16xi32>
          %shift_left3A_1034 = arith.constant 8 : i32
          %shift_left3A_1035 = vector.broadcast %shift_left3A_1034 : i32 to vector<16xi32>
          %shift_left3A_1036 = arith.shli %shift_right_arithmetic3A_1033, %shift_left3A_1035 : vector<16xi32>
          %and3A_1037 = arith.constant 127 : i32
          %and3A_1038 = vector.broadcast %and3A_1037 : i32 to vector<16xi32>
          %and3A_1039 = arith.andi %or3A_1030, %and3A_1038 : vector<16xi32>
          %or3A_1040 = arith.ori %shift_left3A_1036, %and3A_1039 : vector<16xi32>
          %or3A_1041 = arith.constant 128 : i32
          %or3A_1042 = vector.broadcast %or3A_1041 : i32 to vector<16xi32>
          %or3A_1043 = arith.ori %or3A_1040, %or3A_1042 : vector<16xi32>
          %mul3A_1044 = arith.constant 16 : i32
          %mul3A_1045 = arith.muli %scan3A_123, %mul3A_1044 : i32
          %add3A_1046 = arith.constant 2048 : i32
          %add3A_1047 = arith.addi %add3A_1046, %mul3A_1045 : i32
          %swap3A_1048 = arith.index_cast %add3A_1047 : i32 to index
          %swap3A_1049 = tpu.vector_load %arg10[%swap3A_1048] {strides = array<i32>} : memref<4096xi32, #tpu.memory_space<vmem>>, vector<16xi32>,
          tpu.vector_store %arg10[%swap3A_1048], %or3A_1040 {strides = array<i32>} : memref<4096xi32, #tpu.memory_space<vmem>>, vector<16xi32>,
          %mul3A_1050 = arith.constant 16 : i32
          %mul3A_1051 = arith.muli %scan3A_123, %mul3A_1050 : i32
          %add3A_1052 = arith.constant 2176 : i32
          %add3A_1053 = arith.addi %add3A_1052, %mul3A_1051 : i32
          %swap3A_1054 = arith.index_cast %add3A_1053 : i32 to index
          %swap3A_1055 = tpu.vector_load %arg10[%swap3A_1054] {strides = array<i32>} : memref<4096xi32, #tpu.memory_space<vmem>>, vector<16xi32>,
          tpu.vector_store %arg10[%swap3A_1054], %or3A_1043 {strides = array<i32>} : memref<4096xi32, #tpu.memory_space<vmem>>, vector<16xi32>,
          %mul3A_1056 = arith.constant 1.072000e+03 : f32
          %mul3A_1057 = vector.broadcast %mul3A_1056 : f32 to vector<16xf32>
          %mul3A_1058 = arith.mulf %get3A_131, %mul3A_1057 : vector<16xf32>
          %convert_element_type3A_1059 = arith.fptosi %mul3A_1058 : vector<16xf32> to vector<16xi32>
          %mul3A_1060 = arith.constant 1.072000e+03 : f32
          %mul3A_1061 = vector.broadcast %mul3A_1060 : f32 to vector<16xf32>
          %mul3A_1062 = arith.mulf %get3A_137, %mul3A_1061 : vector<16xf32>
          %convert_element_type3A_1063 = arith.fptosi %mul3A_1062 : vector<16xf32> to vector<16xi32>
          %mul3A_1064 = arith.constant 1.072000e+03 : f32
          %mul3A_1065 = vector.broadcast %mul3A_1064 : f32 to vector<16xf32>
          %mul3A_1066 = arith.mulf %get3A_143, %mul3A_1065 : vector<16xf32>
          %convert_element_type3A_1067 = arith.fptosi %mul3A_1066 : vector<16xf32> to vector<16xi32>
          %ge3A_1068 = arith.constant 1072 : i32
          %ge3A_1069 = vector.broadcast %ge3A_1068 : i32 to vector<16xi32>
          %ge3A_1070 = arith.cmpi sge, %convert_element_type3A_1059, %ge3A_1069 : vector<16xi32>
          %sub3A_1071 = arith.constant 1072 : i32
          %sub3A_1072 = vector.broadcast %sub3A_1071 : i32 to vector<16xi32>
          %sub3A_1073 = arith.subi %convert_element_type3A_1059, %sub3A_1072 : vector<16xi32>
          %select_n3A_1074 = arith.select %ge3A_1070, %sub3A_1073, %convert_element_type3A_1059 : vector<16xi1>, vector<16xi32>
          %ge3A_1075 = arith.constant 1072 : i32
          %ge3A_1076 = vector.broadcast %ge3A_1075 : i32 to vector<16xi32>
          %ge3A_1077 = arith.cmpi sge, %convert_element_type3A_1063, %ge3A_1076 : vector<16xi32>
          %sub3A_1078 = arith.constant 1072 : i32
          %sub3A_1079 = vector.broadcast %sub3A_1078 : i32 to vector<16xi32>
          %sub3A_1080 = arith.subi %convert_element_type3A_1063, %sub3A_1079 : vector<16xi32>
          %select_n3A_1081 = arith.select %ge3A_1077, %sub3A_1080, %convert_element_type3A_1063 : vector<16xi1>, vector<16xi32>
          %ge3A_1082 = arith.constant 1072 : i32
          %ge3A_1083 = vector.broadcast %ge3A_1082 : i32 to vector<16xi32>
          %ge3A_1084 = arith.cmpi sge, %convert_element_type3A_1067, %ge3A_1083 : vector<16xi32>
          %sub3A_1085 = arith.constant 1072 : i32
          %sub3A_1086 = vector.broadcast %sub3A_1085 : i32 to vector<16xi32>
          %sub3A_1087 = arith.subi %convert_element_type3A_1067, %sub3A_1086 : vector<16xi32>
          %select_n3A_1088 = arith.select %ge3A_1084, %sub3A_1087, %convert_element_type3A_1067 : vector<16xi1>, vector<16xi32>
          %mul3A_1089 = arith.constant 1072 : i32
          %mul3A_1090 = vector.broadcast %mul3A_1089 : i32 to vector<16xi32>
          %mul3A_1091 = arith.muli %select_n3A_1081, %mul3A_1090 : vector<16xi32>
          %add3A_1092 = arith.addi %select_n3A_1074, %mul3A_1091 : vector<16xi32>
          %mul3A_1093 = arith.constant 100608 : i32
          %mul3A_1094 = vector.broadcast %mul3A_1093 : i32 to vector<16xi32>
          %mul3A_1095 = arith.muli %select_n3A_1088, %mul3A_1094 : vector<16xi32>
          %add3A_1096 = arith.addi %add3A_1092, %mul3A_1095 : vector<16xi32>
          %and3A_1097 = arith.constant 524287 : i32
          %and3A_1098 = vector.broadcast %and3A_1097 : i32 to vector<16xi32>
          %and3A_1099 = arith.andi %add3A_1096, %and3A_1098 : vector<16xi32>
          %or3A_1100 = arith.constant 6815744 : i32
          %or3A_1101 = vector.broadcast %or3A_1100 : i32 to vector<16xi32>
          %or3A_1102 = arith.ori %and3A_1099, %or3A_1101 : vector<16xi32>
          %shift_right_arithmetic3A_1103 = arith.constant 7 : i32
          %shift_right_arithmetic3A_1104 = vector.broadcast %shift_right_arithmetic3A_1103 : i32 to vector<16xi32>
          %shift_right_arithmetic3A_1105 = arith.shrsi %or3A_1102, %shift_right_arithmetic3A_1104 : vector<16xi32>
          %shift_left3A_1106 = arith.constant 8 : i32
          %shift_left3A_1107 = vector.broadcast %shift_left3A_1106 : i32 to vector<16xi32>
          %shift_left3A_1108 = arith.shli %shift_right_arithmetic3A_1105, %shift_left3A_1107 : vector<16xi32>
          %and3A_1109 = arith.constant 127 : i32
          %and3A_1110 = vector.broadcast %and3A_1109 : i32 to vector<16xi32>
          %and3A_1111 = arith.andi %or3A_1102, %and3A_1110 : vector<16xi32>
          %or3A_1112 = arith.ori %shift_left3A_1108, %and3A_1111 : vector<16xi32>
          %or3A_1113 = arith.constant 128 : i32
          %or3A_1114 = vector.broadcast %or3A_1113 : i32 to vector<16xi32>
          %or3A_1115 = arith.ori %or3A_1112, %or3A_1114 : vector<16xi32>
          %mul3A_1116 = arith.constant 16 : i32
          %mul3A_1117 = arith.muli %scan3A_123, %mul3A_1116 : i32
          %add3A_1118 = arith.constant 2304 : i32
          %add3A_1119 = arith.addi %add3A_1118, %mul3A_1117 : i32
          %swap3A_1120 = arith.index_cast %add3A_1119 : i32 to index
          %swap3A_1121 = tpu.vector_load %arg10[%swap3A_1120] {strides = array<i32>} : memref<4096xi32, #tpu.memory_space<vmem>>, vector<16xi32>,
          tpu.vector_store %arg10[%swap3A_1120], %or3A_1112 {strides = array<i32>} : memref<4096xi32, #tpu.memory_space<vmem>>, vector<16xi32>,
          %mul3A_1122 = arith.constant 16 : i32
          %mul3A_1123 = arith.muli %scan3A_123, %mul3A_1122 : i32
          %add3A_1124 = arith.constant 2432 : i32
          %add3A_1125 = arith.addi %add3A_1124, %mul3A_1123 : i32
          %swap3A_1126 = arith.index_cast %add3A_1125 : i32 to index
          %swap3A_1127 = tpu.vector_load %arg10[%swap3A_1126] {strides = array<i32>} : memref<4096xi32, #tpu.memory_space<vmem>>, vector<16xi32>,
          tpu.vector_store %arg10[%swap3A_1126], %or3A_1115 {strides = array<i32>} : memref<4096xi32, #tpu.memory_space<vmem>>, vector<16xi32>,
          %mul3A_1128 = arith.constant 1.482000e+03 : f32
          %mul3A_1129 = vector.broadcast %mul3A_1128 : f32 to vector<16xf32>
          %mul3A_1130 = arith.mulf %get3A_131, %mul3A_1129 : vector<16xf32>
          %convert_element_type3A_1131 = arith.fptosi %mul3A_1130 : vector<16xf32> to vector<16xi32>
          %mul3A_1132 = arith.constant 1.482000e+03 : f32
          %mul3A_1133 = vector.broadcast %mul3A_1132 : f32 to vector<16xf32>
          %mul3A_1134 = arith.mulf %get3A_137, %mul3A_1133 : vector<16xf32>
          %convert_element_type3A_1135 = arith.fptosi %mul3A_1134 : vector<16xf32> to vector<16xi32>
          %mul3A_1136 = arith.constant 1.482000e+03 : f32
          %mul3A_1137 = vector.broadcast %mul3A_1136 : f32 to vector<16xf32>
          %mul3A_1138 = arith.mulf %get3A_143, %mul3A_1137 : vector<16xf32>
          %convert_element_type3A_1139 = arith.fptosi %mul3A_1138 : vector<16xf32> to vector<16xi32>
          %ge3A_1140 = arith.constant 1482 : i32
          %ge3A_1141 = vector.broadcast %ge3A_1140 : i32 to vector<16xi32>
          %ge3A_1142 = arith.cmpi sge, %convert_element_type3A_1131, %ge3A_1141 : vector<16xi32>
          %sub3A_1143 = arith.constant 1482 : i32
          %sub3A_1144 = vector.broadcast %sub3A_1143 : i32 to vector<16xi32>
          %sub3A_1145 = arith.subi %convert_element_type3A_1131, %sub3A_1144 : vector<16xi32>
          %select_n3A_1146 = arith.select %ge3A_1142, %sub3A_1145, %convert_element_type3A_1131 : vector<16xi1>, vector<16xi32>
          %ge3A_1147 = arith.constant 1482 : i32
          %ge3A_1148 = vector.broadcast %ge3A_1147 : i32 to vector<16xi32>
          %ge3A_1149 = arith.cmpi sge, %convert_element_type3A_1135, %ge3A_1148 : vector<16xi32>
          %sub3A_1150 = arith.constant 1482 : i32
          %sub3A_1151 = vector.broadcast %sub3A_1150 : i32 to vector<16xi32>
          %sub3A_1152 = arith.subi %convert_element_type3A_1135, %sub3A_1151 : vector<16xi32>
          %select_n3A_1153 = arith.select %ge3A_1149, %sub3A_1152, %convert_element_type3A_1135 : vector<16xi1>, vector<16xi32>
          %ge3A_1154 = arith.constant 1482 : i32
          %ge3A_1155 = vector.broadcast %ge3A_1154 : i32 to vector<16xi32>
          %ge3A_1156 = arith.cmpi sge, %convert_element_type3A_1139, %ge3A_1155 : vector<16xi32>
          %sub3A_1157 = arith.constant 1482 : i32
          %sub3A_1158 = vector.broadcast %sub3A_1157 : i32 to vector<16xi32>
          %sub3A_1159 = arith.subi %convert_element_type3A_1139, %sub3A_1158 : vector<16xi32>
          %select_n3A_1160 = arith.select %ge3A_1156, %sub3A_1159, %convert_element_type3A_1139 : vector<16xi1>, vector<16xi32>
          %mul3A_1161 = arith.constant 1482 : i32
          %mul3A_1162 = vector.broadcast %mul3A_1161 : i32 to vector<16xi32>
          %mul3A_1163 = arith.muli %select_n3A_1153, %mul3A_1162 : vector<16xi32>
          %add3A_1164 = arith.addi %select_n3A_1146, %mul3A_1163 : vector<16xi32>
          %mul3A_1165 = arith.constant 99172 : i32
          %mul3A_1166 = vector.broadcast %mul3A_1165 : i32 to vector<16xi32>
          %mul3A_1167 = arith.muli %select_n3A_1160, %mul3A_1166 : vector<16xi32>
          %add3A_1168 = arith.addi %add3A_1164, %mul3A_1167 : vector<16xi32>
          %and3A_1169 = arith.constant 524287 : i32
          %and3A_1170 = vector.broadcast %and3A_1169 : i32 to vector<16xi32>
          %and3A_1171 = arith.andi %add3A_1168, %and3A_1170 : vector<16xi32>
          %or3A_1172 = arith.constant 7340032 : i32
          %or3A_1173 = vector.broadcast %or3A_1172 : i32 to vector<16xi32>
          %or3A_1174 = arith.ori %and3A_1171, %or3A_1173 : vector<16xi32>
          %shift_right_arithmetic3A_1175 = arith.constant 7 : i32
          %shift_right_arithmetic3A_1176 = vector.broadcast %shift_right_arithmetic3A_1175 : i32 to vector<16xi32>
          %shift_right_arithmetic3A_1177 = arith.shrsi %or3A_1174, %shift_right_arithmetic3A_1176 : vector<16xi32>
          %shift_left3A_1178 = arith.constant 8 : i32
          %shift_left3A_1179 = vector.broadcast %shift_left3A_1178 : i32 to vector<16xi32>
          %shift_left3A_1180 = arith.shli %shift_right_arithmetic3A_1177, %shift_left3A_1179 : vector<16xi32>
          %and3A_1181 = arith.constant 127 : i32
          %and3A_1182 = vector.broadcast %and3A_1181 : i32 to vector<16xi32>
          %and3A_1183 = arith.andi %or3A_1174, %and3A_1182 : vector<16xi32>
          %or3A_1184 = arith.ori %shift_left3A_1180, %and3A_1183 : vector<16xi32>
          %or3A_1185 = arith.constant 128 : i32
          %or3A_1186 = vector.broadcast %or3A_1185 : i32 to vector<16xi32>
          %or3A_1187 = arith.ori %or3A_1184, %or3A_1186 : vector<16xi32>
          %mul3A_1188 = arith.constant 16 : i32
          %mul3A_1189 = arith.muli %scan3A_123, %mul3A_1188 : i32
          %add3A_1190 = arith.constant 2560 : i32
          %add3A_1191 = arith.addi %add3A_1190, %mul3A_1189 : i32
          %swap3A_1192 = arith.index_cast %add3A_1191 : i32 to index
          %swap3A_1193 = tpu.vector_load %arg10[%swap3A_1192] {strides = array<i32>} : memref<4096xi32, #tpu.memory_space<vmem>>, vector<16xi32>,
          tpu.vector_store %arg10[%swap3A_1192], %or3A_1184 {strides = array<i32>} : memref<4096xi32, #tpu.memory_space<vmem>>, vector<16xi32>,
          %mul3A_1194 = arith.constant 16 : i32
          %mul3A_1195 = arith.muli %scan3A_123, %mul3A_1194 : i32
          %add3A_1196 = arith.constant 2688 : i32
          %add3A_1197 = arith.addi %add3A_1196, %mul3A_1195 : i32
          %swap3A_1198 = arith.index_cast %add3A_1197 : i32 to index
          %swap3A_1199 = tpu.vector_load %arg10[%swap3A_1198] {strides = array<i32>} : memref<4096xi32, #tpu.memory_space<vmem>>, vector<16xi32>,
          tpu.vector_store %arg10[%swap3A_1198], %or3A_1187 {strides = array<i32>} : memref<4096xi32, #tpu.memory_space<vmem>>, vector<16xi32>,
          %mul3A_1200 = arith.constant 2.048000e+03 : f32
          %mul3A_1201 = vector.broadcast %mul3A_1200 : f32 to vector<16xf32>
          %mul3A_1202 = arith.mulf %get3A_131, %mul3A_1201 : vector<16xf32>
          %convert_element_type3A_1203 = arith.fptosi %mul3A_1202 : vector<16xf32> to vector<16xi32>
          %mul3A_1204 = arith.constant 2.048000e+03 : f32
          %mul3A_1205 = vector.broadcast %mul3A_1204 : f32 to vector<16xf32>
          %mul3A_1206 = arith.mulf %get3A_137, %mul3A_1205 : vector<16xf32>
          %convert_element_type3A_1207 = arith.fptosi %mul3A_1206 : vector<16xf32> to vector<16xi32>
          %mul3A_1208 = arith.constant 2.048000e+03 : f32
          %mul3A_1209 = vector.broadcast %mul3A_1208 : f32 to vector<16xf32>
          %mul3A_1210 = arith.mulf %get3A_143, %mul3A_1209 : vector<16xf32>
          %convert_element_type3A_1211 = arith.fptosi %mul3A_1210 : vector<16xf32> to vector<16xi32>
          %ge3A_1212 = arith.constant 2048 : i32
          %ge3A_1213 = vector.broadcast %ge3A_1212 : i32 to vector<16xi32>
          %ge3A_1214 = arith.cmpi sge, %convert_element_type3A_1203, %ge3A_1213 : vector<16xi32>
          %sub3A_1215 = arith.constant 2048 : i32
          %sub3A_1216 = vector.broadcast %sub3A_1215 : i32 to vector<16xi32>
          %sub3A_1217 = arith.subi %convert_element_type3A_1203, %sub3A_1216 : vector<16xi32>
          %select_n3A_1218 = arith.select %ge3A_1214, %sub3A_1217, %convert_element_type3A_1203 : vector<16xi1>, vector<16xi32>
          %ge3A_1219 = arith.constant 2048 : i32
          %ge3A_1220 = vector.broadcast %ge3A_1219 : i32 to vector<16xi32>
          %ge3A_1221 = arith.cmpi sge, %convert_element_type3A_1207, %ge3A_1220 : vector<16xi32>
          %sub3A_1222 = arith.constant 2048 : i32
          %sub3A_1223 = vector.broadcast %sub3A_1222 : i32 to vector<16xi32>
          %sub3A_1224 = arith.subi %convert_element_type3A_1207, %sub3A_1223 : vector<16xi32>
          %select_n3A_1225 = arith.select %ge3A_1221, %sub3A_1224, %convert_element_type3A_1207 : vector<16xi1>, vector<16xi32>
          %ge3A_1226 = arith.constant 2048 : i32
          %ge3A_1227 = vector.broadcast %ge3A_1226 : i32 to vector<16xi32>
          %ge3A_1228 = arith.cmpi sge, %convert_element_type3A_1211, %ge3A_1227 : vector<16xi32>
          %sub3A_1229 = arith.constant 2048 : i32
          %sub3A_1230 = vector.broadcast %sub3A_1229 : i32 to vector<16xi32>
          %sub3A_1231 = arith.subi %convert_element_type3A_1211, %sub3A_1230 : vector<16xi32>
          %select_n3A_1232 = arith.select %ge3A_1228, %sub3A_1231, %convert_element_type3A_1211 : vector<16xi1>, vector<16xi32>
          %mul3A_1233 = arith.constant 2048 : i32
          %mul3A_1234 = vector.broadcast %mul3A_1233 : i32 to vector<16xi32>
          %mul3A_1235 = arith.muli %select_n3A_1225, %mul3A_1234 : vector<16xi32>
          %add3A_1236 = arith.addi %select_n3A_1218, %mul3A_1235 : vector<16xi32>
          %mul3A_1237 = arith.constant 0 : i32
          %mul3A_1238 = vector.broadcast %mul3A_1237 : i32 to vector<16xi32>
          %mul3A_1239 = arith.muli %select_n3A_1232, %mul3A_1238 : vector<16xi32>
          %add3A_1240 = arith.addi %add3A_1236, %mul3A_1239 : vector<16xi32>
          %and3A_1241 = arith.constant 524287 : i32
          %and3A_1242 = vector.broadcast %and3A_1241 : i32 to vector<16xi32>
          %and3A_1243 = arith.andi %add3A_1240, %and3A_1242 : vector<16xi32>
          %or3A_1244 = arith.constant 7864320 : i32
          %or3A_1245 = vector.broadcast %or3A_1244 : i32 to vector<16xi32>
          %or3A_1246 = arith.ori %and3A_1243, %or3A_1245 : vector<16xi32>
          %shift_right_arithmetic3A_1247 = arith.constant 7 : i32
          %shift_right_arithmetic3A_1248 = vector.broadcast %shift_right_arithmetic3A_1247 : i32 to vector<16xi32>
          %shift_right_arithmetic3A_1249 = arith.shrsi %or3A_1246, %shift_right_arithmetic3A_1248 : vector<16xi32>
          %shift_left3A_1250 = arith.constant 8 : i32
          %shift_left3A_1251 = vector.broadcast %shift_left3A_1250 : i32 to vector<16xi32>
          %shift_left3A_1252 = arith.shli %shift_right_arithmetic3A_1249, %shift_left3A_1251 : vector<16xi32>
          %and3A_1253 = arith.constant 127 : i32
          %and3A_1254 = vector.broadcast %and3A_1253 : i32 to vector<16xi32>
          %and3A_1255 = arith.andi %or3A_1246, %and3A_1254 : vector<16xi32>
          %or3A_1256 = arith.ori %shift_left3A_1252, %and3A_1255 : vector<16xi32>
          %or3A_1257 = arith.constant 128 : i32
          %or3A_1258 = vector.broadcast %or3A_1257 : i32 to vector<16xi32>
          %or3A_1259 = arith.ori %or3A_1256, %or3A_1258 : vector<16xi32>
          %mul3A_1260 = arith.constant 16 : i32
          %mul3A_1261 = arith.muli %scan3A_123, %mul3A_1260 : i32
          %add3A_1262 = arith.constant 2816 : i32
          %add3A_1263 = arith.addi %add3A_1262, %mul3A_1261 : i32
          %swap3A_1264 = arith.index_cast %add3A_1263 : i32 to index
          %swap3A_1265 = tpu.vector_load %arg10[%swap3A_1264] {strides = array<i32>} : memref<4096xi32, #tpu.memory_space<vmem>>, vector<16xi32>,
          tpu.vector_store %arg10[%swap3A_1264], %or3A_1256 {strides = array<i32>} : memref<4096xi32, #tpu.memory_space<vmem>>, vector<16xi32>,
          %mul3A_1266 = arith.constant 16 : i32
          %mul3A_1267 = arith.muli %scan3A_123, %mul3A_1266 : i32
          %add3A_1268 = arith.constant 2944 : i32
          %add3A_1269 = arith.addi %add3A_1268, %mul3A_1267 : i32
          %swap3A_1270 = arith.index_cast %add3A_1269 : i32 to index
          %swap3A_1271 = tpu.vector_load %arg10[%swap3A_1270] {strides = array<i32>} : memref<4096xi32, #tpu.memory_space<vmem>>, vector<16xi32>,
          tpu.vector_store %arg10[%swap3A_1270], %or3A_1259 {strides = array<i32>} : memref<4096xi32, #tpu.memory_space<vmem>>, vector<16xi32>,
          %scan3A_1272 = arith.constant 0 : i32
          scf.yield %scan3A_1272 : i32
        }
        %scan3A_108 = arith.constant 8 : i32
        %scan3A_109 = arith.constant 0 : i32
        %scan3A_110 = arith.constant 0 : i32
        %scan3A_111 = arith.constant 8 : i32
        %scan3A_112 = arith.addi %scan3A_110, %scan3A_111 : i32
        %scan3A_113 = arith.constant 1 : i32
        %scan3A_114 = scf.for %scan3A_123 = %scan3A_110 to %scan3A_112 step %scan3A_113 iter_args(%scan3A_124 = %scan3A_109) -> (i32)  : i32 {
          %mul3A_125 = arith.constant 16 : i32
          %mul3A_126 = arith.muli %scan3A_123, %mul3A_125 : i32
          %get3A = arith.constant 0 : i32
          %get3A_127 = arith.constant 1 : i32
          %get3A_128 = arith.index_cast %get3A : i32 to index
          %get3A_129 = arith.index_cast %get3A_127 : i32 to index
          %get3A_130 = arith.index_cast %mul3A_126 : i32 to index
          %get3A_131 = tpu.vector_load %arg6[%get3A_128, %get3A_129, %get3A_130] {strides = array<i32>} : memref<3x2x128xf32, #tpu.memory_space<vmem>>, vector<16xf32>,
          %get3A_132 = arith.constant 1 : i32
          %get3A_133 = arith.constant 1 : i32
          %get3A_134 = arith.index_cast %get3A_132 : i32 to index
          %get3A_135 = arith.index_cast %get3A_133 : i32 to index
          %get3A_136 = arith.index_cast %mul3A_126 : i32 to index
          %get3A_137 = tpu.vector_load %arg6[%get3A_134, %get3A_135, %get3A_136] {strides = array<i32>} : memref<3x2x128xf32, #tpu.memory_space<vmem>>, vector<16xf32>,
          %get3A_138 = arith.constant 2 : i32
          %get3A_139 = arith.constant 1 : i32
          %get3A_140 = arith.index_cast %get3A_138 : i32 to index
          %get3A_141 = arith.index_cast %get3A_139 : i32 to index
          %get3A_142 = arith.index_cast %mul3A_126 : i32 to index
          %get3A_143 = tpu.vector_load %arg6[%get3A_140, %get3A_141, %get3A_142] {strides = array<i32>} : memref<3x2x128xf32, #tpu.memory_space<vmem>>, vector<16xf32>,
          %mul3A_144 = arith.constant 1.600000e+01 : f32
          %mul3A_145 = vector.broadcast %mul3A_144 : f32 to vector<16xf32>
          %mul3A_146 = arith.mulf %get3A_131, %mul3A_145 : vector<16xf32>
          %convert_element_type3A_147 = arith.fptosi %mul3A_146 : vector<16xf32> to vector<16xi32>
          %mul3A_148 = arith.constant 1.600000e+01 : f32
          %mul3A_149 = vector.broadcast %mul3A_148 : f32 to vector<16xf32>
          %mul3A_150 = arith.mulf %get3A_137, %mul3A_149 : vector<16xf32>
          %convert_element_type3A_151 = arith.fptosi %mul3A_150 : vector<16xf32> to vector<16xi32>
          %mul3A_152 = arith.constant 1.600000e+01 : f32
          %mul3A_153 = vector.broadcast %mul3A_152 : f32 to vector<16xf32>
          %mul3A_154 = arith.mulf %get3A_143, %mul3A_153 : vector<16xf32>
          %convert_element_type3A_155 = arith.fptosi %mul3A_154 : vector<16xf32> to vector<16xi32>
          %ge3A = arith.constant 16 : i32
          %ge3A_156 = vector.broadcast %ge3A : i32 to vector<16xi32>
          %ge3A_157 = arith.cmpi sge, %convert_element_type3A_147, %ge3A_156 : vector<16xi32>
          %sub3A_158 = arith.constant 16 : i32
          %sub3A_159 = vector.broadcast %sub3A_158 : i32 to vector<16xi32>
          %sub3A_160 = arith.subi %convert_element_type3A_147, %sub3A_159 : vector<16xi32>
          %select_n3A_161 = arith.select %ge3A_157, %sub3A_160, %convert_element_type3A_147 : vector<16xi1>, vector<16xi32>
          %ge3A_162 = arith.constant 16 : i32
          %ge3A_163 = vector.broadcast %ge3A_162 : i32 to vector<16xi32>
          %ge3A_164 = arith.cmpi sge, %convert_element_type3A_151, %ge3A_163 : vector<16xi32>
          %sub3A_165 = arith.constant 16 : i32
          %sub3A_166 = vector.broadcast %sub3A_165 : i32 to vector<16xi32>
          %sub3A_167 = arith.subi %convert_element_type3A_151, %sub3A_166 : vector<16xi32>
          %select_n3A_168 = arith.select %ge3A_164, %sub3A_167, %convert_element_type3A_151 : vector<16xi1>, vector<16xi32>
          %ge3A_169 = arith.constant 16 : i32
          %ge3A_170 = vector.broadcast %ge3A_169 : i32 to vector<16xi32>
          %ge3A_171 = arith.cmpi sge, %convert_element_type3A_155, %ge3A_170 : vector<16xi32>
          %sub3A_172 = arith.constant 16 : i32
          %sub3A_173 = vector.broadcast %sub3A_172 : i32 to vector<16xi32>
          %sub3A_174 = arith.subi %convert_element_type3A_155, %sub3A_173 : vector<16xi32>
          %select_n3A_175 = arith.select %ge3A_171, %sub3A_174, %convert_element_type3A_155 : vector<16xi1>, vector<16xi32>
          %mul3A_176 = arith.constant 16 : i32
          %mul3A_177 = vector.broadcast %mul3A_176 : i32 to vector<16xi32>
          %mul3A_178 = arith.muli %select_n3A_168, %mul3A_177 : vector<16xi32>
          %add3A_179 = arith.addi %select_n3A_161, %mul3A_178 : vector<16xi32>
          %mul3A_180 = arith.constant 256 : i32
          %mul3A_181 = vector.broadcast %mul3A_180 : i32 to vector<16xi32>
          %mul3A_182 = arith.muli %select_n3A_175, %mul3A_181 : vector<16xi32>
          %add3A_183 = arith.addi %add3A_179, %mul3A_182 : vector<16xi32>
          %shift_right_arithmetic3A = arith.constant 7 : i32
          %shift_right_arithmetic3A_184 = vector.broadcast %shift_right_arithmetic3A : i32 to vector<16xi32>
          %shift_right_arithmetic3A_185 = arith.shrsi %add3A_183, %shift_right_arithmetic3A_184 : vector<16xi32>
          %shift_left3A = arith.constant 8 : i32
          %shift_left3A_186 = vector.broadcast %shift_left3A : i32 to vector<16xi32>
          %shift_left3A_187 = arith.shli %shift_right_arithmetic3A_185, %shift_left3A_186 : vector<16xi32>
          %and3A_188 = arith.constant 127 : i32
          %and3A_189 = vector.broadcast %and3A_188 : i32 to vector<16xi32>
          %and3A_190 = arith.andi %add3A_183, %and3A_189 : vector<16xi32>
          %or3A = arith.ori %shift_left3A_187, %and3A_190 : vector<16xi32>
          %or3A_191 = arith.constant 128 : i32
          %or3A_192 = vector.broadcast %or3A_191 : i32 to vector<16xi32>
          %or3A_193 = arith.ori %or3A, %or3A_192 : vector<16xi32>
          %gather3A = tpu.vector_load_idx %arg17[%or3A] : memref<8192xf32, #tpu.memory_space<vmem>>[vector<16xi32>], vector<16xf32>,
          %gather3A_194 = tpu.vector_load_idx %arg17[%or3A_193] : memref<8192xf32, #tpu.memory_space<vmem>>[vector<16xi32>], vector<16xf32>,
          %mul3A_195 = arith.constant 16 : i32
          %mul3A_196 = arith.muli %scan3A_123, %mul3A_195 : i32
          %add3A_197 = arith.constant 768 : i32
          %add3A_198 = arith.addi %add3A_197, %mul3A_196 : i32
          %swap3A = arith.index_cast %add3A_198 : i32 to index
          %swap3A_199 = tpu.vector_load %arg16[%swap3A] {strides = array<i32>} : memref<1536xf32, #tpu.memory_space<vmem>>, vector<16xf32>,
          tpu.vector_store %arg16[%swap3A], %gather3A {strides = array<i32>} : memref<1536xf32, #tpu.memory_space<vmem>>, vector<16xf32>,
          %add3A_200 = arith.constant 128 : i32
          %add3A_201 = arith.addi %add3A_198, %add3A_200 : i32
          %swap3A_202 = arith.index_cast %add3A_201 : i32 to index
          %swap3A_203 = tpu.vector_load %arg16[%swap3A_202] {strides = array<i32>} : memref<1536xf32, #tpu.memory_space<vmem>>, vector<16xf32>,
          tpu.vector_store %arg16[%swap3A_202], %gather3A_194 {strides = array<i32>} : memref<1536xf32, #tpu.memory_space<vmem>>, vector<16xf32>,
          %mul3A_204 = arith.constant 2.200000e+01 : f32
          %mul3A_205 = vector.broadcast %mul3A_204 : f32 to vector<16xf32>
          %mul3A_206 = arith.mulf %get3A_131, %mul3A_205 : vector<16xf32>
          %convert_element_type3A_207 = arith.fptosi %mul3A_206 : vector<16xf32> to vector<16xi32>
          %mul3A_208 = arith.constant 2.200000e+01 : f32
          %mul3A_209 = vector.broadcast %mul3A_208 : f32 to vector<16xf32>
          %mul3A_210 = arith.mulf %get3A_137, %mul3A_209 : vector<16xf32>
          %convert_element_type3A_211 = arith.fptosi %mul3A_210 : vector<16xf32> to vector<16xi32>
          %mul3A_212 = arith.constant 2.200000e+01 : f32
          %mul3A_213 = vector.broadcast %mul3A_212 : f32 to vector<16xf32>
          %mul3A_214 = arith.mulf %get3A_143, %mul3A_213 : vector<16xf32>
          %convert_element_type3A_215 = arith.fptosi %mul3A_214 : vector<16xf32> to vector<16xi32>
          %ge3A_216 = arith.constant 22 : i32
          %ge3A_217 = vector.broadcast %ge3A_216 : i32 to vector<16xi32>
          %ge3A_218 = arith.cmpi sge, %convert_element_type3A_207, %ge3A_217 : vector<16xi32>
          %sub3A_219 = arith.constant 22 : i32
          %sub3A_220 = vector.broadcast %sub3A_219 : i32 to vector<16xi32>
          %sub3A_221 = arith.subi %convert_element_type3A_207, %sub3A_220 : vector<16xi32>
          %select_n3A_222 = arith.select %ge3A_218, %sub3A_221, %convert_element_type3A_207 : vector<16xi1>, vector<16xi32>
          %ge3A_223 = arith.constant 22 : i32
          %ge3A_224 = vector.broadcast %ge3A_223 : i32 to vector<16xi32>
          %ge3A_225 = arith.cmpi sge, %convert_element_type3A_211, %ge3A_224 : vector<16xi32>
          %sub3A_226 = arith.constant 22 : i32
          %sub3A_227 = vector.broadcast %sub3A_226 : i32 to vector<16xi32>
          %sub3A_228 = arith.subi %convert_element_type3A_211, %sub3A_227 : vector<16xi32>
          %select_n3A_229 = arith.select %ge3A_225, %sub3A_228, %convert_element_type3A_211 : vector<16xi1>, vector<16xi32>
          %ge3A_230 = arith.constant 22 : i32
          %ge3A_231 = vector.broadcast %ge3A_230 : i32 to vector<16xi32>
          %ge3A_232 = arith.cmpi sge, %convert_element_type3A_215, %ge3A_231 : vector<16xi32>
          %sub3A_233 = arith.constant 22 : i32
          %sub3A_234 = vector.broadcast %sub3A_233 : i32 to vector<16xi32>
          %sub3A_235 = arith.subi %convert_element_type3A_215, %sub3A_234 : vector<16xi32>
          %select_n3A_236 = arith.select %ge3A_232, %sub3A_235, %convert_element_type3A_215 : vector<16xi1>, vector<16xi32>
          %mul3A_237 = arith.constant 22 : i32
          %mul3A_238 = vector.broadcast %mul3A_237 : i32 to vector<16xi32>
          %mul3A_239 = arith.muli %select_n3A_229, %mul3A_238 : vector<16xi32>
          %add3A_240 = arith.addi %select_n3A_222, %mul3A_239 : vector<16xi32>
          %mul3A_241 = arith.constant 484 : i32
          %mul3A_242 = vector.broadcast %mul3A_241 : i32 to vector<16xi32>
          %mul3A_243 = arith.muli %select_n3A_236, %mul3A_242 : vector<16xi32>
          %add3A_244 = arith.addi %add3A_240, %mul3A_243 : vector<16xi32>
          %shift_right_arithmetic3A_245 = arith.constant 7 : i32
          %shift_right_arithmetic3A_246 = vector.broadcast %shift_right_arithmetic3A_245 : i32 to vector<16xi32>
          %shift_right_arithmetic3A_247 = arith.shrsi %add3A_244, %shift_right_arithmetic3A_246 : vector<16xi32>
          %shift_left3A_248 = arith.constant 8 : i32
          %shift_left3A_249 = vector.broadcast %shift_left3A_248 : i32 to vector<16xi32>
          %shift_left3A_250 = arith.shli %shift_right_arithmetic3A_247, %shift_left3A_249 : vector<16xi32>
          %and3A_251 = arith.constant 127 : i32
          %and3A_252 = vector.broadcast %and3A_251 : i32 to vector<16xi32>
          %and3A_253 = arith.andi %add3A_244, %and3A_252 : vector<16xi32>
          %or3A_254 = arith.ori %shift_left3A_250, %and3A_253 : vector<16xi32>
          %or3A_255 = arith.constant 128 : i32
          %or3A_256 = vector.broadcast %or3A_255 : i32 to vector<16xi32>
          %or3A_257 = arith.ori %or3A_254, %or3A_256 : vector<16xi32>
          %gather3A_258 = tpu.vector_load_idx %arg18[%or3A_254] : memref<21504xf32, #tpu.memory_space<vmem>>[vector<16xi32>], vector<16xf32>,
          %gather3A_259 = tpu.vector_load_idx %arg18[%or3A_257] : memref<21504xf32, #tpu.memory_space<vmem>>[vector<16xi32>], vector<16xf32>,
          %mul3A_260 = arith.constant 16 : i32
          %mul3A_261 = arith.muli %scan3A_123, %mul3A_260 : i32
          %add3A_262 = arith.constant 1024 : i32
          %add3A_263 = arith.addi %add3A_262, %mul3A_261 : i32
          %swap3A_264 = arith.index_cast %add3A_263 : i32 to index
          %swap3A_265 = tpu.vector_load %arg16[%swap3A_264] {strides = array<i32>} : memref<1536xf32, #tpu.memory_space<vmem>>, vector<16xf32>,
          tpu.vector_store %arg16[%swap3A_264], %gather3A_258 {strides = array<i32>} : memref<1536xf32, #tpu.memory_space<vmem>>, vector<16xf32>,
          %add3A_266 = arith.constant 128 : i32
          %add3A_267 = arith.addi %add3A_263, %add3A_266 : i32
          %swap3A_268 = arith.index_cast %add3A_267 : i32 to index
          %swap3A_269 = tpu.vector_load %arg16[%swap3A_268] {strides = array<i32>} : memref<1536xf32, #tpu.memory_space<vmem>>, vector<16xf32>,
          tpu.vector_store %arg16[%swap3A_268], %gather3A_259 {strides = array<i32>} : memref<1536xf32, #tpu.memory_space<vmem>>, vector<16xf32>,
          %mul3A_270 = arith.constant 3.000000e+01 : f32
          %mul3A_271 = vector.broadcast %mul3A_270 : f32 to vector<16xf32>
          %mul3A_272 = arith.mulf %get3A_131, %mul3A_271 : vector<16xf32>
          %convert_element_type3A_273 = arith.fptosi %mul3A_272 : vector<16xf32> to vector<16xi32>
          %mul3A_274 = arith.constant 3.000000e+01 : f32
          %mul3A_275 = vector.broadcast %mul3A_274 : f32 to vector<16xf32>
          %mul3A_276 = arith.mulf %get3A_137, %mul3A_275 : vector<16xf32>
          %convert_element_type3A_277 = arith.fptosi %mul3A_276 : vector<16xf32> to vector<16xi32>
          %mul3A_278 = arith.constant 3.000000e+01 : f32
          %mul3A_279 = vector.broadcast %mul3A_278 : f32 to vector<16xf32>
          %mul3A_280 = arith.mulf %get3A_143, %mul3A_279 : vector<16xf32>
          %convert_element_type3A_281 = arith.fptosi %mul3A_280 : vector<16xf32> to vector<16xi32>
          %ge3A_282 = arith.constant 30 : i32
          %ge3A_283 = vector.broadcast %ge3A_282 : i32 to vector<16xi32>
          %ge3A_284 = arith.cmpi sge, %convert_element_type3A_273, %ge3A_283 : vector<16xi32>
          %sub3A_285 = arith.constant 30 : i32
          %sub3A_286 = vector.broadcast %sub3A_285 : i32 to vector<16xi32>
          %sub3A_287 = arith.subi %convert_element_type3A_273, %sub3A_286 : vector<16xi32>
          %select_n3A_288 = arith.select %ge3A_284, %sub3A_287, %convert_element_type3A_273 : vector<16xi1>, vector<16xi32>
          %ge3A_289 = arith.constant 30 : i32
          %ge3A_290 = vector.broadcast %ge3A_289 : i32 to vector<16xi32>
          %ge3A_291 = arith.cmpi sge, %convert_element_type3A_277, %ge3A_290 : vector<16xi32>
          %sub3A_292 = arith.constant 30 : i32
          %sub3A_293 = vector.broadcast %sub3A_292 : i32 to vector<16xi32>
          %sub3A_294 = arith.subi %convert_element_type3A_277, %sub3A_293 : vector<16xi32>
          %select_n3A_295 = arith.select %ge3A_291, %sub3A_294, %convert_element_type3A_277 : vector<16xi1>, vector<16xi32>
          %ge3A_296 = arith.constant 30 : i32
          %ge3A_297 = vector.broadcast %ge3A_296 : i32 to vector<16xi32>
          %ge3A_298 = arith.cmpi sge, %convert_element_type3A_281, %ge3A_297 : vector<16xi32>
          %sub3A_299 = arith.constant 30 : i32
          %sub3A_300 = vector.broadcast %sub3A_299 : i32 to vector<16xi32>
          %sub3A_301 = arith.subi %convert_element_type3A_281, %sub3A_300 : vector<16xi32>
          %select_n3A_302 = arith.select %ge3A_298, %sub3A_301, %convert_element_type3A_281 : vector<16xi1>, vector<16xi32>
          %mul3A_303 = arith.constant 30 : i32
          %mul3A_304 = vector.broadcast %mul3A_303 : i32 to vector<16xi32>
          %mul3A_305 = arith.muli %select_n3A_295, %mul3A_304 : vector<16xi32>
          %add3A_306 = arith.addi %select_n3A_288, %mul3A_305 : vector<16xi32>
          %mul3A_307 = arith.constant 900 : i32
          %mul3A_308 = vector.broadcast %mul3A_307 : i32 to vector<16xi32>
          %mul3A_309 = arith.muli %select_n3A_302, %mul3A_308 : vector<16xi32>
          %add3A_310 = arith.addi %add3A_306, %mul3A_309 : vector<16xi32>
          %shift_right_arithmetic3A_311 = arith.constant 7 : i32
          %shift_right_arithmetic3A_312 = vector.broadcast %shift_right_arithmetic3A_311 : i32 to vector<16xi32>
          %shift_right_arithmetic3A_313 = arith.shrsi %add3A_310, %shift_right_arithmetic3A_312 : vector<16xi32>
          %shift_left3A_314 = arith.constant 8 : i32
          %shift_left3A_315 = vector.broadcast %shift_left3A_314 : i32 to vector<16xi32>
          %shift_left3A_316 = arith.shli %shift_right_arithmetic3A_313, %shift_left3A_315 : vector<16xi32>
          %and3A_317 = arith.constant 127 : i32
          %and3A_318 = vector.broadcast %and3A_317 : i32 to vector<16xi32>
          %and3A_319 = arith.andi %add3A_310, %and3A_318 : vector<16xi32>
          %or3A_320 = arith.ori %shift_left3A_316, %and3A_319 : vector<16xi32>
          %or3A_321 = arith.constant 128 : i32
          %or3A_322 = vector.broadcast %or3A_321 : i32 to vector<16xi32>
          %or3A_323 = arith.ori %or3A_320, %or3A_322 : vector<16xi32>
          %gather3A_324 = tpu.vector_load_idx %arg19[%or3A_320] : memref<54016xf32, #tpu.memory_space<vmem>>[vector<16xi32>], vector<16xf32>,
          %gather3A_325 = tpu.vector_load_idx %arg19[%or3A_323] : memref<54016xf32, #tpu.memory_space<vmem>>[vector<16xi32>], vector<16xf32>,
          %mul3A_326 = arith.constant 16 : i32
          %mul3A_327 = arith.muli %scan3A_123, %mul3A_326 : i32
          %add3A_328 = arith.constant 1280 : i32
          %add3A_329 = arith.addi %add3A_328, %mul3A_327 : i32
          %swap3A_330 = arith.index_cast %add3A_329 : i32 to index
          %swap3A_331 = tpu.vector_load %arg16[%swap3A_330] {strides = array<i32>} : memref<1536xf32, #tpu.memory_space<vmem>>, vector<16xf32>,
          tpu.vector_store %arg16[%swap3A_330], %gather3A_324 {strides = array<i32>} : memref<1536xf32, #tpu.memory_space<vmem>>, vector<16xf32>,
          %add3A_332 = arith.constant 128 : i32
          %add3A_333 = arith.addi %add3A_329, %add3A_332 : i32
          %swap3A_334 = arith.index_cast %add3A_333 : i32 to index
          %swap3A_335 = tpu.vector_load %arg16[%swap3A_334] {strides = array<i32>} : memref<1536xf32, #tpu.memory_space<vmem>>, vector<16xf32>,
          tpu.vector_store %arg16[%swap3A_334], %gather3A_325 {strides = array<i32>} : memref<1536xf32, #tpu.memory_space<vmem>>, vector<16xf32>,
          %mul3A_336 = arith.constant 4.200000e+01 : f32
          %mul3A_337 = vector.broadcast %mul3A_336 : f32 to vector<16xf32>
          %mul3A_338 = arith.mulf %get3A_131, %mul3A_337 : vector<16xf32>
          %convert_element_type3A_339 = arith.fptosi %mul3A_338 : vector<16xf32> to vector<16xi32>
          %mul3A_340 = arith.constant 4.200000e+01 : f32
          %mul3A_341 = vector.broadcast %mul3A_340 : f32 to vector<16xf32>
          %mul3A_342 = arith.mulf %get3A_137, %mul3A_341 : vector<16xf32>
          %convert_element_type3A_343 = arith.fptosi %mul3A_342 : vector<16xf32> to vector<16xi32>
          %mul3A_344 = arith.constant 4.200000e+01 : f32
          %mul3A_345 = vector.broadcast %mul3A_344 : f32 to vector<16xf32>
          %mul3A_346 = arith.mulf %get3A_143, %mul3A_345 : vector<16xf32>
          %convert_element_type3A_347 = arith.fptosi %mul3A_346 : vector<16xf32> to vector<16xi32>
          %ge3A_348 = arith.constant 42 : i32
          %ge3A_349 = vector.broadcast %ge3A_348 : i32 to vector<16xi32>
          %ge3A_350 = arith.cmpi sge, %convert_element_type3A_339, %ge3A_349 : vector<16xi32>
          %sub3A_351 = arith.constant 42 : i32
          %sub3A_352 = vector.broadcast %sub3A_351 : i32 to vector<16xi32>
          %sub3A_353 = arith.subi %convert_element_type3A_339, %sub3A_352 : vector<16xi32>
          %select_n3A_354 = arith.select %ge3A_350, %sub3A_353, %convert_element_type3A_339 : vector<16xi1>, vector<16xi32>
          %ge3A_355 = arith.constant 42 : i32
          %ge3A_356 = vector.broadcast %ge3A_355 : i32 to vector<16xi32>
          %ge3A_357 = arith.cmpi sge, %convert_element_type3A_343, %ge3A_356 : vector<16xi32>
          %sub3A_358 = arith.constant 42 : i32
          %sub3A_359 = vector.broadcast %sub3A_358 : i32 to vector<16xi32>
          %sub3A_360 = arith.subi %convert_element_type3A_343, %sub3A_359 : vector<16xi32>
          %select_n3A_361 = arith.select %ge3A_357, %sub3A_360, %convert_element_type3A_343 : vector<16xi1>, vector<16xi32>
          %ge3A_362 = arith.constant 42 : i32
          %ge3A_363 = vector.broadcast %ge3A_362 : i32 to vector<16xi32>
          %ge3A_364 = arith.cmpi sge, %convert_element_type3A_347, %ge3A_363 : vector<16xi32>
          %sub3A_365 = arith.constant 42 : i32
          %sub3A_366 = vector.broadcast %sub3A_365 : i32 to vector<16xi32>
          %sub3A_367 = arith.subi %convert_element_type3A_347, %sub3A_366 : vector<16xi32>
          %select_n3A_368 = arith.select %ge3A_364, %sub3A_367, %convert_element_type3A_347 : vector<16xi1>, vector<16xi32>
          %mul3A_369 = arith.constant 42 : i32
          %mul3A_370 = vector.broadcast %mul3A_369 : i32 to vector<16xi32>
          %mul3A_371 = arith.muli %select_n3A_361, %mul3A_370 : vector<16xi32>
          %add3A_372 = arith.addi %select_n3A_354, %mul3A_371 : vector<16xi32>
          %mul3A_373 = arith.constant 1764 : i32
          %mul3A_374 = vector.broadcast %mul3A_373 : i32 to vector<16xi32>
          %mul3A_375 = arith.muli %select_n3A_368, %mul3A_374 : vector<16xi32>
          %add3A_376 = arith.addi %add3A_372, %mul3A_375 : vector<16xi32>
          %and3A_377 = arith.constant 524287 : i32
          %and3A_378 = vector.broadcast %and3A_377 : i32 to vector<16xi32>
          %and3A_379 = arith.andi %add3A_376, %and3A_378 : vector<16xi32>
          %or3A_380 = arith.constant 1572864 : i32
          %or3A_381 = vector.broadcast %or3A_380 : i32 to vector<16xi32>
          %or3A_382 = arith.ori %and3A_379, %or3A_381 : vector<16xi32>
          %shift_right_arithmetic3A_383 = arith.constant 7 : i32
          %shift_right_arithmetic3A_384 = vector.broadcast %shift_right_arithmetic3A_383 : i32 to vector<16xi32>
          %shift_right_arithmetic3A_385 = arith.shrsi %or3A_382, %shift_right_arithmetic3A_384 : vector<16xi32>
          %shift_left3A_386 = arith.constant 8 : i32
          %shift_left3A_387 = vector.broadcast %shift_left3A_386 : i32 to vector<16xi32>
          %shift_left3A_388 = arith.shli %shift_right_arithmetic3A_385, %shift_left3A_387 : vector<16xi32>
          %and3A_389 = arith.constant 127 : i32
          %and3A_390 = vector.broadcast %and3A_389 : i32 to vector<16xi32>
          %and3A_391 = arith.andi %or3A_382, %and3A_390 : vector<16xi32>
          %or3A_392 = arith.ori %shift_left3A_388, %and3A_391 : vector<16xi32>
          %or3A_393 = arith.constant 128 : i32
          %or3A_394 = vector.broadcast %or3A_393 : i32 to vector<16xi32>
          %or3A_395 = arith.ori %or3A_392, %or3A_394 : vector<16xi32>
          %mul3A_396 = arith.constant 16 : i32
          %mul3A_397 = arith.muli %scan3A_123, %mul3A_396 : i32
          %add3A_398 = arith.constant 256 : i32
          %add3A_399 = arith.addi %add3A_398, %mul3A_397 : i32
          %swap3A_400 = arith.index_cast %add3A_399 : i32 to index
          %swap3A_401 = tpu.vector_load %arg9[%swap3A_400] {strides = array<i32>} : memref<2560xi32, #tpu.memory_space<vmem>>, vector<16xi32>,
          tpu.vector_store %arg9[%swap3A_400], %or3A_392 {strides = array<i32>} : memref<2560xi32, #tpu.memory_space<vmem>>, vector<16xi32>,
          %mul3A_402 = arith.constant 16 : i32
          %mul3A_403 = arith.muli %scan3A_123, %mul3A_402 : i32
          %add3A_404 = arith.constant 384 : i32
          %add3A_405 = arith.addi %add3A_404, %mul3A_403 : i32
          %swap3A_406 = arith.index_cast %add3A_405 : i32 to index
          %swap3A_407 = tpu.vector_load %arg9[%swap3A_406] {strides = array<i32>} : memref<2560xi32, #tpu.memory_space<vmem>>, vector<16xi32>,
          tpu.vector_store %arg9[%swap3A_406], %or3A_395 {strides = array<i32>} : memref<2560xi32, #tpu.memory_space<vmem>>, vector<16xi32>,
          %mul3A_408 = arith.constant 5.800000e+01 : f32
          %mul3A_409 = vector.broadcast %mul3A_408 : f32 to vector<16xf32>
          %mul3A_410 = arith.mulf %get3A_131, %mul3A_409 : vector<16xf32>
          %convert_element_type3A_411 = arith.fptosi %mul3A_410 : vector<16xf32> to vector<16xi32>
          %mul3A_412 = arith.constant 5.800000e+01 : f32
          %mul3A_413 = vector.broadcast %mul3A_412 : f32 to vector<16xf32>
          %mul3A_414 = arith.mulf %get3A_137, %mul3A_413 : vector<16xf32>
          %convert_element_type3A_415 = arith.fptosi %mul3A_414 : vector<16xf32> to vector<16xi32>
          %mul3A_416 = arith.constant 5.800000e+01 : f32
          %mul3A_417 = vector.broadcast %mul3A_416 : f32 to vector<16xf32>
          %mul3A_418 = arith.mulf %get3A_143, %mul3A_417 : vector<16xf32>
          %convert_element_type3A_419 = arith.fptosi %mul3A_418 : vector<16xf32> to vector<16xi32>
          %ge3A_420 = arith.constant 58 : i32
          %ge3A_421 = vector.broadcast %ge3A_420 : i32 to vector<16xi32>
          %ge3A_422 = arith.cmpi sge, %convert_element_type3A_411, %ge3A_421 : vector<16xi32>
          %sub3A_423 = arith.constant 58 : i32
          %sub3A_424 = vector.broadcast %sub3A_423 : i32 to vector<16xi32>
          %sub3A_425 = arith.subi %convert_element_type3A_411, %sub3A_424 : vector<16xi32>
          %select_n3A_426 = arith.select %ge3A_422, %sub3A_425, %convert_element_type3A_411 : vector<16xi1>, vector<16xi32>
          %ge3A_427 = arith.constant 58 : i32
          %ge3A_428 = vector.broadcast %ge3A_427 : i32 to vector<16xi32>
          %ge3A_429 = arith.cmpi sge, %convert_element_type3A_415, %ge3A_428 : vector<16xi32>
          %sub3A_430 = arith.constant 58 : i32
          %sub3A_431 = vector.broadcast %sub3A_430 : i32 to vector<16xi32>
          %sub3A_432 = arith.subi %convert_element_type3A_415, %sub3A_431 : vector<16xi32>
          %select_n3A_433 = arith.select %ge3A_429, %sub3A_432, %convert_element_type3A_415 : vector<16xi1>, vector<16xi32>
          %ge3A_434 = arith.constant 58 : i32
          %ge3A_435 = vector.broadcast %ge3A_434 : i32 to vector<16xi32>
          %ge3A_436 = arith.cmpi sge, %convert_element_type3A_419, %ge3A_435 : vector<16xi32>
          %sub3A_437 = arith.constant 58 : i32
          %sub3A_438 = vector.broadcast %sub3A_437 : i32 to vector<16xi32>
          %sub3A_439 = arith.subi %convert_element_type3A_419, %sub3A_438 : vector<16xi32>
          %select_n3A_440 = arith.select %ge3A_436, %sub3A_439, %convert_element_type3A_419 : vector<16xi1>, vector<16xi32>
          %mul3A_441 = arith.constant 58 : i32
          %mul3A_442 = vector.broadcast %mul3A_441 : i32 to vector<16xi32>
          %mul3A_443 = arith.muli %select_n3A_433, %mul3A_442 : vector<16xi32>
          %add3A_444 = arith.addi %select_n3A_426, %mul3A_443 : vector<16xi32>
          %mul3A_445 = arith.constant 3364 : i32
          %mul3A_446 = vector.broadcast %mul3A_445 : i32 to vector<16xi32>
          %mul3A_447 = arith.muli %select_n3A_440, %mul3A_446 : vector<16xi32>
          %add3A_448 = arith.addi %add3A_444, %mul3A_447 : vector<16xi32>
          %and3A_449 = arith.constant 524287 : i32
          %and3A_450 = vector.broadcast %and3A_449 : i32 to vector<16xi32>
          %and3A_451 = arith.andi %add3A_448, %and3A_450 : vector<16xi32>
          %or3A_452 = arith.constant 2097152 : i32
          %or3A_453 = vector.broadcast %or3A_452 : i32 to vector<16xi32>
          %or3A_454 = arith.ori %and3A_451, %or3A_453 : vector<16xi32>
          %shift_right_arithmetic3A_455 = arith.constant 7 : i32
          %shift_right_arithmetic3A_456 = vector.broadcast %shift_right_arithmetic3A_455 : i32 to vector<16xi32>
          %shift_right_arithmetic3A_457 = arith.shrsi %or3A_454, %shift_right_arithmetic3A_456 : vector<16xi32>
          %shift_left3A_458 = arith.constant 8 : i32
          %shift_left3A_459 = vector.broadcast %shift_left3A_458 : i32 to vector<16xi32>
          %shift_left3A_460 = arith.shli %shift_right_arithmetic3A_457, %shift_left3A_459 : vector<16xi32>
          %and3A_461 = arith.constant 127 : i32
          %and3A_462 = vector.broadcast %and3A_461 : i32 to vector<16xi32>
          %and3A_463 = arith.andi %or3A_454, %and3A_462 : vector<16xi32>
          %or3A_464 = arith.ori %shift_left3A_460, %and3A_463 : vector<16xi32>
          %or3A_465 = arith.constant 128 : i32
          %or3A_466 = vector.broadcast %or3A_465 : i32 to vector<16xi32>
          %or3A_467 = arith.ori %or3A_464, %or3A_466 : vector<16xi32>
          %mul3A_468 = arith.constant 16 : i32
          %mul3A_469 = arith.muli %scan3A_123, %mul3A_468 : i32
          %add3A_470 = arith.constant 1536 : i32
          %add3A_471 = arith.addi %add3A_470, %mul3A_469 : i32
          %swap3A_472 = arith.index_cast %add3A_471 : i32 to index
          %swap3A_473 = tpu.vector_load %arg9[%swap3A_472] {strides = array<i32>} : memref<2560xi32, #tpu.memory_space<vmem>>, vector<16xi32>,
          tpu.vector_store %arg9[%swap3A_472], %or3A_464 {strides = array<i32>} : memref<2560xi32, #tpu.memory_space<vmem>>, vector<16xi32>,
          %mul3A_474 = arith.constant 16 : i32
          %mul3A_475 = arith.muli %scan3A_123, %mul3A_474 : i32
          %add3A_476 = arith.constant 1664 : i32
          %add3A_477 = arith.addi %add3A_476, %mul3A_475 : i32
          %swap3A_478 = arith.index_cast %add3A_477 : i32 to index
          %swap3A_479 = tpu.vector_load %arg9[%swap3A_478] {strides = array<i32>} : memref<2560xi32, #tpu.memory_space<vmem>>, vector<16xi32>,
          tpu.vector_store %arg9[%swap3A_478], %or3A_467 {strides = array<i32>} : memref<2560xi32, #tpu.memory_space<vmem>>, vector<16xi32>,
          %mul3A_480 = arith.constant 8.000000e+01 : f32
          %mul3A_481 = vector.broadcast %mul3A_480 : f32 to vector<16xf32>
          %mul3A_482 = arith.mulf %get3A_131, %mul3A_481 : vector<16xf32>
          %convert_element_type3A_483 = arith.fptosi %mul3A_482 : vector<16xf32> to vector<16xi32>
          %mul3A_484 = arith.constant 8.000000e+01 : f32
          %mul3A_485 = vector.broadcast %mul3A_484 : f32 to vector<16xf32>
          %mul3A_486 = arith.mulf %get3A_137, %mul3A_485 : vector<16xf32>
          %convert_element_type3A_487 = arith.fptosi %mul3A_486 : vector<16xf32> to vector<16xi32>
          %mul3A_488 = arith.constant 8.000000e+01 : f32
          %mul3A_489 = vector.broadcast %mul3A_488 : f32 to vector<16xf32>
          %mul3A_490 = arith.mulf %get3A_143, %mul3A_489 : vector<16xf32>
          %convert_element_type3A_491 = arith.fptosi %mul3A_490 : vector<16xf32> to vector<16xi32>
          %ge3A_492 = arith.constant 80 : i32
          %ge3A_493 = vector.broadcast %ge3A_492 : i32 to vector<16xi32>
          %ge3A_494 = arith.cmpi sge, %convert_element_type3A_483, %ge3A_493 : vector<16xi32>
          %sub3A_495 = arith.constant 80 : i32
          %sub3A_496 = vector.broadcast %sub3A_495 : i32 to vector<16xi32>
          %sub3A_497 = arith.subi %convert_element_type3A_483, %sub3A_496 : vector<16xi32>
          %select_n3A_498 = arith.select %ge3A_494, %sub3A_497, %convert_element_type3A_483 : vector<16xi1>, vector<16xi32>
          %ge3A_499 = arith.constant 80 : i32
          %ge3A_500 = vector.broadcast %ge3A_499 : i32 to vector<16xi32>
          %ge3A_501 = arith.cmpi sge, %convert_element_type3A_487, %ge3A_500 : vector<16xi32>
          %sub3A_502 = arith.constant 80 : i32
          %sub3A_503 = vector.broadcast %sub3A_502 : i32 to vector<16xi32>
          %sub3A_504 = arith.subi %convert_element_type3A_487, %sub3A_503 : vector<16xi32>
          %select_n3A_505 = arith.select %ge3A_501, %sub3A_504, %convert_element_type3A_487 : vector<16xi1>, vector<16xi32>
          %ge3A_506 = arith.constant 80 : i32
          %ge3A_507 = vector.broadcast %ge3A_506 : i32 to vector<16xi32>
          %ge3A_508 = arith.cmpi sge, %convert_element_type3A_491, %ge3A_507 : vector<16xi32>
          %sub3A_509 = arith.constant 80 : i32
          %sub3A_510 = vector.broadcast %sub3A_509 : i32 to vector<16xi32>
          %sub3A_511 = arith.subi %convert_element_type3A_491, %sub3A_510 : vector<16xi32>
          %select_n3A_512 = arith.select %ge3A_508, %sub3A_511, %convert_element_type3A_491 : vector<16xi1>, vector<16xi32>
          %mul3A_513 = arith.constant 80 : i32
          %mul3A_514 = vector.broadcast %mul3A_513 : i32 to vector<16xi32>
          %mul3A_515 = arith.muli %select_n3A_505, %mul3A_514 : vector<16xi32>
          %add3A_516 = arith.addi %select_n3A_498, %mul3A_515 : vector<16xi32>
          %mul3A_517 = arith.constant 6400 : i32
          %mul3A_518 = vector.broadcast %mul3A_517 : i32 to vector<16xi32>
          %mul3A_519 = arith.muli %select_n3A_512, %mul3A_518 : vector<16xi32>
          %add3A_520 = arith.addi %add3A_516, %mul3A_519 : vector<16xi32>
          %and3A_521 = arith.constant 524287 : i32
          %and3A_522 = vector.broadcast %and3A_521 : i32 to vector<16xi32>
          %and3A_523 = arith.andi %add3A_520, %and3A_522 : vector<16xi32>
          %or3A_524 = arith.constant 2621440 : i32
          %or3A_525 = vector.broadcast %or3A_524 : i32 to vector<16xi32>
          %or3A_526 = arith.ori %and3A_523, %or3A_525 : vector<16xi32>
          %shift_right_arithmetic3A_527 = arith.constant 7 : i32
          %shift_right_arithmetic3A_528 = vector.broadcast %shift_right_arithmetic3A_527 : i32 to vector<16xi32>
          %shift_right_arithmetic3A_529 = arith.shrsi %or3A_526, %shift_right_arithmetic3A_528 : vector<16xi32>
          %shift_left3A_530 = arith.constant 8 : i32
          %shift_left3A_531 = vector.broadcast %shift_left3A_530 : i32 to vector<16xi32>
          %shift_left3A_532 = arith.shli %shift_right_arithmetic3A_529, %shift_left3A_531 : vector<16xi32>
          %and3A_533 = arith.constant 127 : i32
          %and3A_534 = vector.broadcast %and3A_533 : i32 to vector<16xi32>
          %and3A_535 = arith.andi %or3A_526, %and3A_534 : vector<16xi32>
          %or3A_536 = arith.ori %shift_left3A_532, %and3A_535 : vector<16xi32>
          %or3A_537 = arith.constant 128 : i32
          %or3A_538 = vector.broadcast %or3A_537 : i32 to vector<16xi32>
          %or3A_539 = arith.ori %or3A_536, %or3A_538 : vector<16xi32>
          %mul3A_540 = arith.constant 16 : i32
          %mul3A_541 = arith.muli %scan3A_123, %mul3A_540 : i32
          %add3A_542 = arith.constant 1792 : i32
          %add3A_543 = arith.addi %add3A_542, %mul3A_541 : i32
          %swap3A_544 = arith.index_cast %add3A_543 : i32 to index
          %swap3A_545 = tpu.vector_load %arg9[%swap3A_544] {strides = array<i32>} : memref<2560xi32, #tpu.memory_space<vmem>>, vector<16xi32>,
          tpu.vector_store %arg9[%swap3A_544], %or3A_536 {strides = array<i32>} : memref<2560xi32, #tpu.memory_space<vmem>>, vector<16xi32>,
          %mul3A_546 = arith.constant 16 : i32
          %mul3A_547 = arith.muli %scan3A_123, %mul3A_546 : i32
          %add3A_548 = arith.constant 1920 : i32
          %add3A_549 = arith.addi %add3A_548, %mul3A_547 : i32
          %swap3A_550 = arith.index_cast %add3A_549 : i32 to index
          %swap3A_551 = tpu.vector_load %arg9[%swap3A_550] {strides = array<i32>} : memref<2560xi32, #tpu.memory_space<vmem>>, vector<16xi32>,
          tpu.vector_store %arg9[%swap3A_550], %or3A_539 {strides = array<i32>} : memref<2560xi32, #tpu.memory_space<vmem>>, vector<16xi32>,
          %mul3A_552 = arith.constant 1.110000e+02 : f32
          %mul3A_553 = vector.broadcast %mul3A_552 : f32 to vector<16xf32>
          %mul3A_554 = arith.mulf %get3A_131, %mul3A_553 : vector<16xf32>
          %convert_element_type3A_555 = arith.fptosi %mul3A_554 : vector<16xf32> to vector<16xi32>
          %mul3A_556 = arith.constant 1.110000e+02 : f32
          %mul3A_557 = vector.broadcast %mul3A_556 : f32 to vector<16xf32>
          %mul3A_558 = arith.mulf %get3A_137, %mul3A_557 : vector<16xf32>
          %convert_element_type3A_559 = arith.fptosi %mul3A_558 : vector<16xf32> to vector<16xi32>
          %mul3A_560 = arith.constant 1.110000e+02 : f32
          %mul3A_561 = vector.broadcast %mul3A_560 : f32 to vector<16xf32>
          %mul3A_562 = arith.mulf %get3A_143, %mul3A_561 : vector<16xf32>
          %convert_element_type3A_563 = arith.fptosi %mul3A_562 : vector<16xf32> to vector<16xi32>
          %ge3A_564 = arith.constant 111 : i32
          %ge3A_565 = vector.broadcast %ge3A_564 : i32 to vector<16xi32>
          %ge3A_566 = arith.cmpi sge, %convert_element_type3A_555, %ge3A_565 : vector<16xi32>
          %sub3A_567 = arith.constant 111 : i32
          %sub3A_568 = vector.broadcast %sub3A_567 : i32 to vector<16xi32>
          %sub3A_569 = arith.subi %convert_element_type3A_555, %sub3A_568 : vector<16xi32>
          %select_n3A_570 = arith.select %ge3A_566, %sub3A_569, %convert_element_type3A_555 : vector<16xi1>, vector<16xi32>
          %ge3A_571 = arith.constant 111 : i32
          %ge3A_572 = vector.broadcast %ge3A_571 : i32 to vector<16xi32>
          %ge3A_573 = arith.cmpi sge, %convert_element_type3A_559, %ge3A_572 : vector<16xi32>
          %sub3A_574 = arith.constant 111 : i32
          %sub3A_575 = vector.broadcast %sub3A_574 : i32 to vector<16xi32>
          %sub3A_576 = arith.subi %convert_element_type3A_559, %sub3A_575 : vector<16xi32>
          %select_n3A_577 = arith.select %ge3A_573, %sub3A_576, %convert_element_type3A_559 : vector<16xi1>, vector<16xi32>
          %ge3A_578 = arith.constant 111 : i32
          %ge3A_579 = vector.broadcast %ge3A_578 : i32 to vector<16xi32>
          %ge3A_580 = arith.cmpi sge, %convert_element_type3A_563, %ge3A_579 : vector<16xi32>
          %sub3A_581 = arith.constant 111 : i32
          %sub3A_582 = vector.broadcast %sub3A_581 : i32 to vector<16xi32>
          %sub3A_583 = arith.subi %convert_element_type3A_563, %sub3A_582 : vector<16xi32>
          %select_n3A_584 = arith.select %ge3A_580, %sub3A_583, %convert_element_type3A_563 : vector<16xi1>, vector<16xi32>
          %mul3A_585 = arith.constant 111 : i32
          %mul3A_586 = vector.broadcast %mul3A_585 : i32 to vector<16xi32>
          %mul3A_587 = arith.muli %select_n3A_577, %mul3A_586 : vector<16xi32>
          %add3A_588 = arith.addi %select_n3A_570, %mul3A_587 : vector<16xi32>
          %mul3A_589 = arith.constant 12321 : i32
          %mul3A_590 = vector.broadcast %mul3A_589 : i32 to vector<16xi32>
          %mul3A_591 = arith.muli %select_n3A_584, %mul3A_590 : vector<16xi32>
          %add3A_592 = arith.addi %add3A_588, %mul3A_591 : vector<16xi32>
          %and3A_593 = arith.constant 524287 : i32
          %and3A_594 = vector.broadcast %and3A_593 : i32 to vector<16xi32>
          %and3A_595 = arith.andi %add3A_592, %and3A_594 : vector<16xi32>
          %or3A_596 = arith.constant 3145728 : i32
          %or3A_597 = vector.broadcast %or3A_596 : i32 to vector<16xi32>
          %or3A_598 = arith.ori %and3A_595, %or3A_597 : vector<16xi32>
          %shift_right_arithmetic3A_599 = arith.constant 7 : i32
          %shift_right_arithmetic3A_600 = vector.broadcast %shift_right_arithmetic3A_599 : i32 to vector<16xi32>
          %shift_right_arithmetic3A_601 = arith.shrsi %or3A_598, %shift_right_arithmetic3A_600 : vector<16xi32>
          %shift_left3A_602 = arith.constant 8 : i32
          %shift_left3A_603 = vector.broadcast %shift_left3A_602 : i32 to vector<16xi32>
          %shift_left3A_604 = arith.shli %shift_right_arithmetic3A_601, %shift_left3A_603 : vector<16xi32>
          %and3A_605 = arith.constant 127 : i32
          %and3A_606 = vector.broadcast %and3A_605 : i32 to vector<16xi32>
          %and3A_607 = arith.andi %or3A_598, %and3A_606 : vector<16xi32>
          %or3A_608 = arith.ori %shift_left3A_604, %and3A_607 : vector<16xi32>
          %or3A_609 = arith.constant 128 : i32
          %or3A_610 = vector.broadcast %or3A_609 : i32 to vector<16xi32>
          %or3A_611 = arith.ori %or3A_608, %or3A_610 : vector<16xi32>
          %mul3A_612 = arith.constant 16 : i32
          %mul3A_613 = arith.muli %scan3A_123, %mul3A_612 : i32
          %add3A_614 = arith.constant 2048 : i32
          %add3A_615 = arith.addi %add3A_614, %mul3A_613 : i32
          %swap3A_616 = arith.index_cast %add3A_615 : i32 to index
          %swap3A_617 = tpu.vector_load %arg9[%swap3A_616] {strides = array<i32>} : memref<2560xi32, #tpu.memory_space<vmem>>, vector<16xi32>,
          tpu.vector_store %arg9[%swap3A_616], %or3A_608 {strides = array<i32>} : memref<2560xi32, #tpu.memory_space<vmem>>, vector<16xi32>,
          %mul3A_618 = arith.constant 16 : i32
          %mul3A_619 = arith.muli %scan3A_123, %mul3A_618 : i32
          %add3A_620 = arith.constant 2176 : i32
          %add3A_621 = arith.addi %add3A_620, %mul3A_619 : i32
          %swap3A_622 = arith.index_cast %add3A_621 : i32 to index
          %swap3A_623 = tpu.vector_load %arg9[%swap3A_622] {strides = array<i32>} : memref<2560xi32, #tpu.memory_space<vmem>>, vector<16xi32>,
          tpu.vector_store %arg9[%swap3A_622], %or3A_611 {strides = array<i32>} : memref<2560xi32, #tpu.memory_space<vmem>>, vector<16xi32>,
          %mul3A_624 = arith.constant 1.530000e+02 : f32
          %mul3A_625 = vector.broadcast %mul3A_624 : f32 to vector<16xf32>
          %mul3A_626 = arith.mulf %get3A_131, %mul3A_625 : vector<16xf32>
          %convert_element_type3A_627 = arith.fptosi %mul3A_626 : vector<16xf32> to vector<16xi32>
          %mul3A_628 = arith.constant 1.530000e+02 : f32
          %mul3A_629 = vector.broadcast %mul3A_628 : f32 to vector<16xf32>
          %mul3A_630 = arith.mulf %get3A_137, %mul3A_629 : vector<16xf32>
          %convert_element_type3A_631 = arith.fptosi %mul3A_630 : vector<16xf32> to vector<16xi32>
          %mul3A_632 = arith.constant 1.530000e+02 : f32
          %mul3A_633 = vector.broadcast %mul3A_632 : f32 to vector<16xf32>
          %mul3A_634 = arith.mulf %get3A_143, %mul3A_633 : vector<16xf32>
          %convert_element_type3A_635 = arith.fptosi %mul3A_634 : vector<16xf32> to vector<16xi32>
          %ge3A_636 = arith.constant 153 : i32
          %ge3A_637 = vector.broadcast %ge3A_636 : i32 to vector<16xi32>
          %ge3A_638 = arith.cmpi sge, %convert_element_type3A_627, %ge3A_637 : vector<16xi32>
          %sub3A_639 = arith.constant 153 : i32
          %sub3A_640 = vector.broadcast %sub3A_639 : i32 to vector<16xi32>
          %sub3A_641 = arith.subi %convert_element_type3A_627, %sub3A_640 : vector<16xi32>
          %select_n3A_642 = arith.select %ge3A_638, %sub3A_641, %convert_element_type3A_627 : vector<16xi1>, vector<16xi32>
          %ge3A_643 = arith.constant 153 : i32
          %ge3A_644 = vector.broadcast %ge3A_643 : i32 to vector<16xi32>
          %ge3A_645 = arith.cmpi sge, %convert_element_type3A_631, %ge3A_644 : vector<16xi32>
          %sub3A_646 = arith.constant 153 : i32
          %sub3A_647 = vector.broadcast %sub3A_646 : i32 to vector<16xi32>
          %sub3A_648 = arith.subi %convert_element_type3A_631, %sub3A_647 : vector<16xi32>
          %select_n3A_649 = arith.select %ge3A_645, %sub3A_648, %convert_element_type3A_631 : vector<16xi1>, vector<16xi32>
          %ge3A_650 = arith.constant 153 : i32
          %ge3A_651 = vector.broadcast %ge3A_650 : i32 to vector<16xi32>
          %ge3A_652 = arith.cmpi sge, %convert_element_type3A_635, %ge3A_651 : vector<16xi32>
          %sub3A_653 = arith.constant 153 : i32
          %sub3A_654 = vector.broadcast %sub3A_653 : i32 to vector<16xi32>
          %sub3A_655 = arith.subi %convert_element_type3A_635, %sub3A_654 : vector<16xi32>
          %select_n3A_656 = arith.select %ge3A_652, %sub3A_655, %convert_element_type3A_635 : vector<16xi1>, vector<16xi32>
          %mul3A_657 = arith.constant 153 : i32
          %mul3A_658 = vector.broadcast %mul3A_657 : i32 to vector<16xi32>
          %mul3A_659 = arith.muli %select_n3A_649, %mul3A_658 : vector<16xi32>
          %add3A_660 = arith.addi %select_n3A_642, %mul3A_659 : vector<16xi32>
          %mul3A_661 = arith.constant 23409 : i32
          %mul3A_662 = vector.broadcast %mul3A_661 : i32 to vector<16xi32>
          %mul3A_663 = arith.muli %select_n3A_656, %mul3A_662 : vector<16xi32>
          %add3A_664 = arith.addi %add3A_660, %mul3A_663 : vector<16xi32>
          %and3A_665 = arith.constant 524287 : i32
          %and3A_666 = vector.broadcast %and3A_665 : i32 to vector<16xi32>
          %and3A_667 = arith.andi %add3A_664, %and3A_666 : vector<16xi32>
          %or3A_668 = arith.constant 3670016 : i32
          %or3A_669 = vector.broadcast %or3A_668 : i32 to vector<16xi32>
          %or3A_670 = arith.ori %and3A_667, %or3A_669 : vector<16xi32>
          %shift_right_arithmetic3A_671 = arith.constant 7 : i32
          %shift_right_arithmetic3A_672 = vector.broadcast %shift_right_arithmetic3A_671 : i32 to vector<16xi32>
          %shift_right_arithmetic3A_673 = arith.shrsi %or3A_670, %shift_right_arithmetic3A_672 : vector<16xi32>
          %shift_left3A_674 = arith.constant 8 : i32
          %shift_left3A_675 = vector.broadcast %shift_left3A_674 : i32 to vector<16xi32>
          %shift_left3A_676 = arith.shli %shift_right_arithmetic3A_673, %shift_left3A_675 : vector<16xi32>
          %and3A_677 = arith.constant 127 : i32
          %and3A_678 = vector.broadcast %and3A_677 : i32 to vector<16xi32>
          %and3A_679 = arith.andi %or3A_670, %and3A_678 : vector<16xi32>
          %or3A_680 = arith.ori %shift_left3A_676, %and3A_679 : vector<16xi32>
          %or3A_681 = arith.constant 128 : i32
          %or3A_682 = vector.broadcast %or3A_681 : i32 to vector<16xi32>
          %or3A_683 = arith.ori %or3A_680, %or3A_682 : vector<16xi32>
          %mul3A_684 = arith.constant 16 : i32
          %mul3A_685 = arith.muli %scan3A_123, %mul3A_684 : i32
          %add3A_686 = arith.constant 2304 : i32
          %add3A_687 = arith.addi %add3A_686, %mul3A_685 : i32
          %swap3A_688 = arith.index_cast %add3A_687 : i32 to index
          %swap3A_689 = tpu.vector_load %arg9[%swap3A_688] {strides = array<i32>} : memref<2560xi32, #tpu.memory_space<vmem>>, vector<16xi32>,
          tpu.vector_store %arg9[%swap3A_688], %or3A_680 {strides = array<i32>} : memref<2560xi32, #tpu.memory_space<vmem>>, vector<16xi32>,
          %mul3A_690 = arith.constant 16 : i32
          %mul3A_691 = arith.muli %scan3A_123, %mul3A_690 : i32
          %add3A_692 = arith.constant 2432 : i32
          %add3A_693 = arith.addi %add3A_692, %mul3A_691 : i32
          %swap3A_694 = arith.index_cast %add3A_693 : i32 to index
          %swap3A_695 = tpu.vector_load %arg9[%swap3A_694] {strides = array<i32>} : memref<2560xi32, #tpu.memory_space<vmem>>, vector<16xi32>,
          tpu.vector_store %arg9[%swap3A_694], %or3A_683 {strides = array<i32>} : memref<2560xi32, #tpu.memory_space<vmem>>, vector<16xi32>,
          %mul3A_696 = arith.constant 2.120000e+02 : f32
          %mul3A_697 = vector.broadcast %mul3A_696 : f32 to vector<16xf32>
          %mul3A_698 = arith.mulf %get3A_131, %mul3A_697 : vector<16xf32>
          %convert_element_type3A_699 = arith.fptosi %mul3A_698 : vector<16xf32> to vector<16xi32>
          %mul3A_700 = arith.constant 2.120000e+02 : f32
          %mul3A_701 = vector.broadcast %mul3A_700 : f32 to vector<16xf32>
          %mul3A_702 = arith.mulf %get3A_137, %mul3A_701 : vector<16xf32>
          %convert_element_type3A_703 = arith.fptosi %mul3A_702 : vector<16xf32> to vector<16xi32>
          %mul3A_704 = arith.constant 2.120000e+02 : f32
          %mul3A_705 = vector.broadcast %mul3A_704 : f32 to vector<16xf32>
          %mul3A_706 = arith.mulf %get3A_143, %mul3A_705 : vector<16xf32>
          %convert_element_type3A_707 = arith.fptosi %mul3A_706 : vector<16xf32> to vector<16xi32>
          %ge3A_708 = arith.constant 212 : i32
          %ge3A_709 = vector.broadcast %ge3A_708 : i32 to vector<16xi32>
          %ge3A_710 = arith.cmpi sge, %convert_element_type3A_699, %ge3A_709 : vector<16xi32>
          %sub3A_711 = arith.constant 212 : i32
          %sub3A_712 = vector.broadcast %sub3A_711 : i32 to vector<16xi32>
          %sub3A_713 = arith.subi %convert_element_type3A_699, %sub3A_712 : vector<16xi32>
          %select_n3A_714 = arith.select %ge3A_710, %sub3A_713, %convert_element_type3A_699 : vector<16xi1>, vector<16xi32>
          %ge3A_715 = arith.constant 212 : i32
          %ge3A_716 = vector.broadcast %ge3A_715 : i32 to vector<16xi32>
          %ge3A_717 = arith.cmpi sge, %convert_element_type3A_703, %ge3A_716 : vector<16xi32>
          %sub3A_718 = arith.constant 212 : i32
          %sub3A_719 = vector.broadcast %sub3A_718 : i32 to vector<16xi32>
          %sub3A_720 = arith.subi %convert_element_type3A_703, %sub3A_719 : vector<16xi32>
          %select_n3A_721 = arith.select %ge3A_717, %sub3A_720, %convert_element_type3A_703 : vector<16xi1>, vector<16xi32>
          %ge3A_722 = arith.constant 212 : i32
          %ge3A_723 = vector.broadcast %ge3A_722 : i32 to vector<16xi32>
          %ge3A_724 = arith.cmpi sge, %convert_element_type3A_707, %ge3A_723 : vector<16xi32>
          %sub3A_725 = arith.constant 212 : i32
          %sub3A_726 = vector.broadcast %sub3A_725 : i32 to vector<16xi32>
          %sub3A_727 = arith.subi %convert_element_type3A_707, %sub3A_726 : vector<16xi32>
          %select_n3A_728 = arith.select %ge3A_724, %sub3A_727, %convert_element_type3A_707 : vector<16xi1>, vector<16xi32>
          %mul3A_729 = arith.constant 212 : i32
          %mul3A_730 = vector.broadcast %mul3A_729 : i32 to vector<16xi32>
          %mul3A_731 = arith.muli %select_n3A_721, %mul3A_730 : vector<16xi32>
          %add3A_732 = arith.addi %select_n3A_714, %mul3A_731 : vector<16xi32>
          %mul3A_733 = arith.constant 44944 : i32
          %mul3A_734 = vector.broadcast %mul3A_733 : i32 to vector<16xi32>
          %mul3A_735 = arith.muli %select_n3A_728, %mul3A_734 : vector<16xi32>
          %add3A_736 = arith.addi %add3A_732, %mul3A_735 : vector<16xi32>
          %and3A_737 = arith.constant 524287 : i32
          %and3A_738 = vector.broadcast %and3A_737 : i32 to vector<16xi32>
          %and3A_739 = arith.andi %add3A_736, %and3A_738 : vector<16xi32>
          %or3A_740 = arith.constant 4194304 : i32
          %or3A_741 = vector.broadcast %or3A_740 : i32 to vector<16xi32>
          %or3A_742 = arith.ori %and3A_739, %or3A_741 : vector<16xi32>
          %shift_right_arithmetic3A_743 = arith.constant 7 : i32
          %shift_right_arithmetic3A_744 = vector.broadcast %shift_right_arithmetic3A_743 : i32 to vector<16xi32>
          %shift_right_arithmetic3A_745 = arith.shrsi %or3A_742, %shift_right_arithmetic3A_744 : vector<16xi32>
          %shift_left3A_746 = arith.constant 8 : i32
          %shift_left3A_747 = vector.broadcast %shift_left3A_746 : i32 to vector<16xi32>
          %shift_left3A_748 = arith.shli %shift_right_arithmetic3A_745, %shift_left3A_747 : vector<16xi32>
          %and3A_749 = arith.constant 127 : i32
          %and3A_750 = vector.broadcast %and3A_749 : i32 to vector<16xi32>
          %and3A_751 = arith.andi %or3A_742, %and3A_750 : vector<16xi32>
          %or3A_752 = arith.ori %shift_left3A_748, %and3A_751 : vector<16xi32>
          %or3A_753 = arith.constant 128 : i32
          %or3A_754 = vector.broadcast %or3A_753 : i32 to vector<16xi32>
          %or3A_755 = arith.ori %or3A_752, %or3A_754 : vector<16xi32>
          %mul3A_756 = arith.constant 16 : i32
          %mul3A_757 = arith.muli %scan3A_123, %mul3A_756 : i32
          %add3A_758 = arith.constant 1024 : i32
          %add3A_759 = arith.addi %add3A_758, %mul3A_757 : i32
          %swap3A_760 = arith.index_cast %add3A_759 : i32 to index
          %swap3A_761 = tpu.vector_load %arg10[%swap3A_760] {strides = array<i32>} : memref<4096xi32, #tpu.memory_space<vmem>>, vector<16xi32>,
          tpu.vector_store %arg10[%swap3A_760], %or3A_752 {strides = array<i32>} : memref<4096xi32, #tpu.memory_space<vmem>>, vector<16xi32>,
          %mul3A_762 = arith.constant 16 : i32
          %mul3A_763 = arith.muli %scan3A_123, %mul3A_762 : i32
          %add3A_764 = arith.constant 1152 : i32
          %add3A_765 = arith.addi %add3A_764, %mul3A_763 : i32
          %swap3A_766 = arith.index_cast %add3A_765 : i32 to index
          %swap3A_767 = tpu.vector_load %arg10[%swap3A_766] {strides = array<i32>} : memref<4096xi32, #tpu.memory_space<vmem>>, vector<16xi32>,
          tpu.vector_store %arg10[%swap3A_766], %or3A_755 {strides = array<i32>} : memref<4096xi32, #tpu.memory_space<vmem>>, vector<16xi32>,
          %mul3A_768 = arith.constant 2.940000e+02 : f32
          %mul3A_769 = vector.broadcast %mul3A_768 : f32 to vector<16xf32>
          %mul3A_770 = arith.mulf %get3A_131, %mul3A_769 : vector<16xf32>
          %convert_element_type3A_771 = arith.fptosi %mul3A_770 : vector<16xf32> to vector<16xi32>
          %mul3A_772 = arith.constant 2.940000e+02 : f32
          %mul3A_773 = vector.broadcast %mul3A_772 : f32 to vector<16xf32>
          %mul3A_774 = arith.mulf %get3A_137, %mul3A_773 : vector<16xf32>
          %convert_element_type3A_775 = arith.fptosi %mul3A_774 : vector<16xf32> to vector<16xi32>
          %mul3A_776 = arith.constant 2.940000e+02 : f32
          %mul3A_777 = vector.broadcast %mul3A_776 : f32 to vector<16xf32>
          %mul3A_778 = arith.mulf %get3A_143, %mul3A_777 : vector<16xf32>
          %convert_element_type3A_779 = arith.fptosi %mul3A_778 : vector<16xf32> to vector<16xi32>
          %ge3A_780 = arith.constant 294 : i32
          %ge3A_781 = vector.broadcast %ge3A_780 : i32 to vector<16xi32>
          %ge3A_782 = arith.cmpi sge, %convert_element_type3A_771, %ge3A_781 : vector<16xi32>
          %sub3A_783 = arith.constant 294 : i32
          %sub3A_784 = vector.broadcast %sub3A_783 : i32 to vector<16xi32>
          %sub3A_785 = arith.subi %convert_element_type3A_771, %sub3A_784 : vector<16xi32>
          %select_n3A_786 = arith.select %ge3A_782, %sub3A_785, %convert_element_type3A_771 : vector<16xi1>, vector<16xi32>
          %ge3A_787 = arith.constant 294 : i32
          %ge3A_788 = vector.broadcast %ge3A_787 : i32 to vector<16xi32>
          %ge3A_789 = arith.cmpi sge, %convert_element_type3A_775, %ge3A_788 : vector<16xi32>
          %sub3A_790 = arith.constant 294 : i32
          %sub3A_791 = vector.broadcast %sub3A_790 : i32 to vector<16xi32>
          %sub3A_792 = arith.subi %convert_element_type3A_775, %sub3A_791 : vector<16xi32>
          %select_n3A_793 = arith.select %ge3A_789, %sub3A_792, %convert_element_type3A_775 : vector<16xi1>, vector<16xi32>
          %ge3A_794 = arith.constant 294 : i32
          %ge3A_795 = vector.broadcast %ge3A_794 : i32 to vector<16xi32>
          %ge3A_796 = arith.cmpi sge, %convert_element_type3A_779, %ge3A_795 : vector<16xi32>
          %sub3A_797 = arith.constant 294 : i32
          %sub3A_798 = vector.broadcast %sub3A_797 : i32 to vector<16xi32>
          %sub3A_799 = arith.subi %convert_element_type3A_779, %sub3A_798 : vector<16xi32>
          %select_n3A_800 = arith.select %ge3A_796, %sub3A_799, %convert_element_type3A_779 : vector<16xi1>, vector<16xi32>
          %mul3A_801 = arith.constant 294 : i32
          %mul3A_802 = vector.broadcast %mul3A_801 : i32 to vector<16xi32>
          %mul3A_803 = arith.muli %select_n3A_793, %mul3A_802 : vector<16xi32>
          %add3A_804 = arith.addi %select_n3A_786, %mul3A_803 : vector<16xi32>
          %mul3A_805 = arith.constant 86436 : i32
          %mul3A_806 = vector.broadcast %mul3A_805 : i32 to vector<16xi32>
          %mul3A_807 = arith.muli %select_n3A_800, %mul3A_806 : vector<16xi32>
          %add3A_808 = arith.addi %add3A_804, %mul3A_807 : vector<16xi32>
          %and3A_809 = arith.constant 524287 : i32
          %and3A_810 = vector.broadcast %and3A_809 : i32 to vector<16xi32>
          %and3A_811 = arith.andi %add3A_808, %and3A_810 : vector<16xi32>
          %or3A_812 = arith.constant 4718592 : i32
          %or3A_813 = vector.broadcast %or3A_812 : i32 to vector<16xi32>
          %or3A_814 = arith.ori %and3A_811, %or3A_813 : vector<16xi32>
          %shift_right_arithmetic3A_815 = arith.constant 7 : i32
          %shift_right_arithmetic3A_816 = vector.broadcast %shift_right_arithmetic3A_815 : i32 to vector<16xi32>
          %shift_right_arithmetic3A_817 = arith.shrsi %or3A_814, %shift_right_arithmetic3A_816 : vector<16xi32>
          %shift_left3A_818 = arith.constant 8 : i32
          %shift_left3A_819 = vector.broadcast %shift_left3A_818 : i32 to vector<16xi32>
          %shift_left3A_820 = arith.shli %shift_right_arithmetic3A_817, %shift_left3A_819 : vector<16xi32>
          %and3A_821 = arith.constant 127 : i32
          %and3A_822 = vector.broadcast %and3A_821 : i32 to vector<16xi32>
          %and3A_823 = arith.andi %or3A_814, %and3A_822 : vector<16xi32>
          %or3A_824 = arith.ori %shift_left3A_820, %and3A_823 : vector<16xi32>
          %or3A_825 = arith.constant 128 : i32
          %or3A_826 = vector.broadcast %or3A_825 : i32 to vector<16xi32>
          %or3A_827 = arith.ori %or3A_824, %or3A_826 : vector<16xi32>
          %mul3A_828 = arith.constant 16 : i32
          %mul3A_829 = arith.muli %scan3A_123, %mul3A_828 : i32
          %add3A_830 = arith.constant 1280 : i32
          %add3A_831 = arith.addi %add3A_830, %mul3A_829 : i32
          %swap3A_832 = arith.index_cast %add3A_831 : i32 to index
          %swap3A_833 = tpu.vector_load %arg10[%swap3A_832] {strides = array<i32>} : memref<4096xi32, #tpu.memory_space<vmem>>, vector<16xi32>,
          tpu.vector_store %arg10[%swap3A_832], %or3A_824 {strides = array<i32>} : memref<4096xi32, #tpu.memory_space<vmem>>, vector<16xi32>,
          %mul3A_834 = arith.constant 16 : i32
          %mul3A_835 = arith.muli %scan3A_123, %mul3A_834 : i32
          %add3A_836 = arith.constant 1408 : i32
          %add3A_837 = arith.addi %add3A_836, %mul3A_835 : i32
          %swap3A_838 = arith.index_cast %add3A_837 : i32 to index
          %swap3A_839 = tpu.vector_load %arg10[%swap3A_838] {strides = array<i32>} : memref<4096xi32, #tpu.memory_space<vmem>>, vector<16xi32>,
          tpu.vector_store %arg10[%swap3A_838], %or3A_827 {strides = array<i32>} : memref<4096xi32, #tpu.memory_space<vmem>>, vector<16xi32>,
          %mul3A_840 = arith.constant 4.060000e+02 : f32
          %mul3A_841 = vector.broadcast %mul3A_840 : f32 to vector<16xf32>
          %mul3A_842 = arith.mulf %get3A_131, %mul3A_841 : vector<16xf32>
          %convert_element_type3A_843 = arith.fptosi %mul3A_842 : vector<16xf32> to vector<16xi32>
          %mul3A_844 = arith.constant 4.060000e+02 : f32
          %mul3A_845 = vector.broadcast %mul3A_844 : f32 to vector<16xf32>
          %mul3A_846 = arith.mulf %get3A_137, %mul3A_845 : vector<16xf32>
          %convert_element_type3A_847 = arith.fptosi %mul3A_846 : vector<16xf32> to vector<16xi32>
          %mul3A_848 = arith.constant 4.060000e+02 : f32
          %mul3A_849 = vector.broadcast %mul3A_848 : f32 to vector<16xf32>
          %mul3A_850 = arith.mulf %get3A_143, %mul3A_849 : vector<16xf32>
          %convert_element_type3A_851 = arith.fptosi %mul3A_850 : vector<16xf32> to vector<16xi32>
          %ge3A_852 = arith.constant 406 : i32
          %ge3A_853 = vector.broadcast %ge3A_852 : i32 to vector<16xi32>
          %ge3A_854 = arith.cmpi sge, %convert_element_type3A_843, %ge3A_853 : vector<16xi32>
          %sub3A_855 = arith.constant 406 : i32
          %sub3A_856 = vector.broadcast %sub3A_855 : i32 to vector<16xi32>
          %sub3A_857 = arith.subi %convert_element_type3A_843, %sub3A_856 : vector<16xi32>
          %select_n3A_858 = arith.select %ge3A_854, %sub3A_857, %convert_element_type3A_843 : vector<16xi1>, vector<16xi32>
          %ge3A_859 = arith.constant 406 : i32
          %ge3A_860 = vector.broadcast %ge3A_859 : i32 to vector<16xi32>
          %ge3A_861 = arith.cmpi sge, %convert_element_type3A_847, %ge3A_860 : vector<16xi32>
          %sub3A_862 = arith.constant 406 : i32
          %sub3A_863 = vector.broadcast %sub3A_862 : i32 to vector<16xi32>
          %sub3A_864 = arith.subi %convert_element_type3A_847, %sub3A_863 : vector<16xi32>
          %select_n3A_865 = arith.select %ge3A_861, %sub3A_864, %convert_element_type3A_847 : vector<16xi1>, vector<16xi32>
          %ge3A_866 = arith.constant 406 : i32
          %ge3A_867 = vector.broadcast %ge3A_866 : i32 to vector<16xi32>
          %ge3A_868 = arith.cmpi sge, %convert_element_type3A_851, %ge3A_867 : vector<16xi32>
          %sub3A_869 = arith.constant 406 : i32
          %sub3A_870 = vector.broadcast %sub3A_869 : i32 to vector<16xi32>
          %sub3A_871 = arith.subi %convert_element_type3A_851, %sub3A_870 : vector<16xi32>
          %select_n3A_872 = arith.select %ge3A_868, %sub3A_871, %convert_element_type3A_851 : vector<16xi1>, vector<16xi32>
          %mul3A_873 = arith.constant 406 : i32
          %mul3A_874 = vector.broadcast %mul3A_873 : i32 to vector<16xi32>
          %mul3A_875 = arith.muli %select_n3A_865, %mul3A_874 : vector<16xi32>
          %add3A_876 = arith.addi %select_n3A_858, %mul3A_875 : vector<16xi32>
          %mul3A_877 = arith.constant 164836 : i32
          %mul3A_878 = vector.broadcast %mul3A_877 : i32 to vector<16xi32>
          %mul3A_879 = arith.muli %select_n3A_872, %mul3A_878 : vector<16xi32>
          %add3A_880 = arith.addi %add3A_876, %mul3A_879 : vector<16xi32>
          %and3A_881 = arith.constant 524287 : i32
          %and3A_882 = vector.broadcast %and3A_881 : i32 to vector<16xi32>
          %and3A_883 = arith.andi %add3A_880, %and3A_882 : vector<16xi32>
          %or3A_884 = arith.constant 5242880 : i32
          %or3A_885 = vector.broadcast %or3A_884 : i32 to vector<16xi32>
          %or3A_886 = arith.ori %and3A_883, %or3A_885 : vector<16xi32>
          %shift_right_arithmetic3A_887 = arith.constant 7 : i32
          %shift_right_arithmetic3A_888 = vector.broadcast %shift_right_arithmetic3A_887 : i32 to vector<16xi32>
          %shift_right_arithmetic3A_889 = arith.shrsi %or3A_886, %shift_right_arithmetic3A_888 : vector<16xi32>
          %shift_left3A_890 = arith.constant 8 : i32
          %shift_left3A_891 = vector.broadcast %shift_left3A_890 : i32 to vector<16xi32>
          %shift_left3A_892 = arith.shli %shift_right_arithmetic3A_889, %shift_left3A_891 : vector<16xi32>
          %and3A_893 = arith.constant 127 : i32
          %and3A_894 = vector.broadcast %and3A_893 : i32 to vector<16xi32>
          %and3A_895 = arith.andi %or3A_886, %and3A_894 : vector<16xi32>
          %or3A_896 = arith.ori %shift_left3A_892, %and3A_895 : vector<16xi32>
          %or3A_897 = arith.constant 128 : i32
          %or3A_898 = vector.broadcast %or3A_897 : i32 to vector<16xi32>
          %or3A_899 = arith.ori %or3A_896, %or3A_898 : vector<16xi32>
          %mul3A_900 = arith.constant 16 : i32
          %mul3A_901 = arith.muli %scan3A_123, %mul3A_900 : i32
          %add3A_902 = arith.constant 1536 : i32
          %add3A_903 = arith.addi %add3A_902, %mul3A_901 : i32
          %swap3A_904 = arith.index_cast %add3A_903 : i32 to index
          %swap3A_905 = tpu.vector_load %arg10[%swap3A_904] {strides = array<i32>} : memref<4096xi32, #tpu.memory_space<vmem>>, vector<16xi32>,
          tpu.vector_store %arg10[%swap3A_904], %or3A_896 {strides = array<i32>} : memref<4096xi32, #tpu.memory_space<vmem>>, vector<16xi32>,
          %mul3A_906 = arith.constant 16 : i32
          %mul3A_907 = arith.muli %scan3A_123, %mul3A_906 : i32
          %add3A_908 = arith.constant 1664 : i32
          %add3A_909 = arith.addi %add3A_908, %mul3A_907 : i32
          %swap3A_910 = arith.index_cast %add3A_909 : i32 to index
          %swap3A_911 = tpu.vector_load %arg10[%swap3A_910] {strides = array<i32>} : memref<4096xi32, #tpu.memory_space<vmem>>, vector<16xi32>,
          tpu.vector_store %arg10[%swap3A_910], %or3A_899 {strides = array<i32>} : memref<4096xi32, #tpu.memory_space<vmem>>, vector<16xi32>,
          %mul3A_912 = arith.constant 5.610000e+02 : f32
          %mul3A_913 = vector.broadcast %mul3A_912 : f32 to vector<16xf32>
          %mul3A_914 = arith.mulf %get3A_131, %mul3A_913 : vector<16xf32>
          %convert_element_type3A_915 = arith.fptosi %mul3A_914 : vector<16xf32> to vector<16xi32>
          %mul3A_916 = arith.constant 5.610000e+02 : f32
          %mul3A_917 = vector.broadcast %mul3A_916 : f32 to vector<16xf32>
          %mul3A_918 = arith.mulf %get3A_137, %mul3A_917 : vector<16xf32>
          %convert_element_type3A_919 = arith.fptosi %mul3A_918 : vector<16xf32> to vector<16xi32>
          %mul3A_920 = arith.constant 5.610000e+02 : f32
          %mul3A_921 = vector.broadcast %mul3A_920 : f32 to vector<16xf32>
          %mul3A_922 = arith.mulf %get3A_143, %mul3A_921 : vector<16xf32>
          %convert_element_type3A_923 = arith.fptosi %mul3A_922 : vector<16xf32> to vector<16xi32>
          %ge3A_924 = arith.constant 561 : i32
          %ge3A_925 = vector.broadcast %ge3A_924 : i32 to vector<16xi32>
          %ge3A_926 = arith.cmpi sge, %convert_element_type3A_915, %ge3A_925 : vector<16xi32>
          %sub3A_927 = arith.constant 561 : i32
          %sub3A_928 = vector.broadcast %sub3A_927 : i32 to vector<16xi32>
          %sub3A_929 = arith.subi %convert_element_type3A_915, %sub3A_928 : vector<16xi32>
          %select_n3A_930 = arith.select %ge3A_926, %sub3A_929, %convert_element_type3A_915 : vector<16xi1>, vector<16xi32>
          %ge3A_931 = arith.constant 561 : i32
          %ge3A_932 = vector.broadcast %ge3A_931 : i32 to vector<16xi32>
          %ge3A_933 = arith.cmpi sge, %convert_element_type3A_919, %ge3A_932 : vector<16xi32>
          %sub3A_934 = arith.constant 561 : i32
          %sub3A_935 = vector.broadcast %sub3A_934 : i32 to vector<16xi32>
          %sub3A_936 = arith.subi %convert_element_type3A_919, %sub3A_935 : vector<16xi32>
          %select_n3A_937 = arith.select %ge3A_933, %sub3A_936, %convert_element_type3A_919 : vector<16xi1>, vector<16xi32>
          %ge3A_938 = arith.constant 561 : i32
          %ge3A_939 = vector.broadcast %ge3A_938 : i32 to vector<16xi32>
          %ge3A_940 = arith.cmpi sge, %convert_element_type3A_923, %ge3A_939 : vector<16xi32>
          %sub3A_941 = arith.constant 561 : i32
          %sub3A_942 = vector.broadcast %sub3A_941 : i32 to vector<16xi32>
          %sub3A_943 = arith.subi %convert_element_type3A_923, %sub3A_942 : vector<16xi32>
          %select_n3A_944 = arith.select %ge3A_940, %sub3A_943, %convert_element_type3A_923 : vector<16xi1>, vector<16xi32>
          %mul3A_945 = arith.constant 561 : i32
          %mul3A_946 = vector.broadcast %mul3A_945 : i32 to vector<16xi32>
          %mul3A_947 = arith.muli %select_n3A_937, %mul3A_946 : vector<16xi32>
          %add3A_948 = arith.addi %select_n3A_930, %mul3A_947 : vector<16xi32>
          %mul3A_949 = arith.constant 314721 : i32
          %mul3A_950 = vector.broadcast %mul3A_949 : i32 to vector<16xi32>
          %mul3A_951 = arith.muli %select_n3A_944, %mul3A_950 : vector<16xi32>
          %add3A_952 = arith.addi %add3A_948, %mul3A_951 : vector<16xi32>
          %and3A_953 = arith.constant 524287 : i32
          %and3A_954 = vector.broadcast %and3A_953 : i32 to vector<16xi32>
          %and3A_955 = arith.andi %add3A_952, %and3A_954 : vector<16xi32>
          %or3A_956 = arith.constant 5767168 : i32
          %or3A_957 = vector.broadcast %or3A_956 : i32 to vector<16xi32>
          %or3A_958 = arith.ori %and3A_955, %or3A_957 : vector<16xi32>
          %shift_right_arithmetic3A_959 = arith.constant 7 : i32
          %shift_right_arithmetic3A_960 = vector.broadcast %shift_right_arithmetic3A_959 : i32 to vector<16xi32>
          %shift_right_arithmetic3A_961 = arith.shrsi %or3A_958, %shift_right_arithmetic3A_960 : vector<16xi32>
          %shift_left3A_962 = arith.constant 8 : i32
          %shift_left3A_963 = vector.broadcast %shift_left3A_962 : i32 to vector<16xi32>
          %shift_left3A_964 = arith.shli %shift_right_arithmetic3A_961, %shift_left3A_963 : vector<16xi32>
          %and3A_965 = arith.constant 127 : i32
          %and3A_966 = vector.broadcast %and3A_965 : i32 to vector<16xi32>
          %and3A_967 = arith.andi %or3A_958, %and3A_966 : vector<16xi32>
          %or3A_968 = arith.ori %shift_left3A_964, %and3A_967 : vector<16xi32>
          %or3A_969 = arith.constant 128 : i32
          %or3A_970 = vector.broadcast %or3A_969 : i32 to vector<16xi32>
          %or3A_971 = arith.ori %or3A_968, %or3A_970 : vector<16xi32>
          %mul3A_972 = arith.constant 16 : i32
          %mul3A_973 = arith.muli %scan3A_123, %mul3A_972 : i32
          %add3A_974 = arith.constant 1792 : i32
          %add3A_975 = arith.addi %add3A_974, %mul3A_973 : i32
          %swap3A_976 = arith.index_cast %add3A_975 : i32 to index
          %swap3A_977 = tpu.vector_load %arg10[%swap3A_976] {strides = array<i32>} : memref<4096xi32, #tpu.memory_space<vmem>>, vector<16xi32>,
          tpu.vector_store %arg10[%swap3A_976], %or3A_968 {strides = array<i32>} : memref<4096xi32, #tpu.memory_space<vmem>>, vector<16xi32>,
          %mul3A_978 = arith.constant 16 : i32
          %mul3A_979 = arith.muli %scan3A_123, %mul3A_978 : i32
          %add3A_980 = arith.constant 1920 : i32
          %add3A_981 = arith.addi %add3A_980, %mul3A_979 : i32
          %swap3A_982 = arith.index_cast %add3A_981 : i32 to index
          %swap3A_983 = tpu.vector_load %arg10[%swap3A_982] {strides = array<i32>} : memref<4096xi32, #tpu.memory_space<vmem>>, vector<16xi32>,
          tpu.vector_store %arg10[%swap3A_982], %or3A_971 {strides = array<i32>} : memref<4096xi32, #tpu.memory_space<vmem>>, vector<16xi32>,
          %mul3A_984 = arith.constant 7.760000e+02 : f32
          %mul3A_985 = vector.broadcast %mul3A_984 : f32 to vector<16xf32>
          %mul3A_986 = arith.mulf %get3A_131, %mul3A_985 : vector<16xf32>
          %convert_element_type3A_987 = arith.fptosi %mul3A_986 : vector<16xf32> to vector<16xi32>
          %mul3A_988 = arith.constant 7.760000e+02 : f32
          %mul3A_989 = vector.broadcast %mul3A_988 : f32 to vector<16xf32>
          %mul3A_990 = arith.mulf %get3A_137, %mul3A_989 : vector<16xf32>
          %convert_element_type3A_991 = arith.fptosi %mul3A_990 : vector<16xf32> to vector<16xi32>
          %mul3A_992 = arith.constant 7.760000e+02 : f32
          %mul3A_993 = vector.broadcast %mul3A_992 : f32 to vector<16xf32>
          %mul3A_994 = arith.mulf %get3A_143, %mul3A_993 : vector<16xf32>
          %convert_element_type3A_995 = arith.fptosi %mul3A_994 : vector<16xf32> to vector<16xi32>
          %ge3A_996 = arith.constant 776 : i32
          %ge3A_997 = vector.broadcast %ge3A_996 : i32 to vector<16xi32>
          %ge3A_998 = arith.cmpi sge, %convert_element_type3A_987, %ge3A_997 : vector<16xi32>
          %sub3A_999 = arith.constant 776 : i32
          %sub3A_1000 = vector.broadcast %sub3A_999 : i32 to vector<16xi32>
          %sub3A_1001 = arith.subi %convert_element_type3A_987, %sub3A_1000 : vector<16xi32>
          %select_n3A_1002 = arith.select %ge3A_998, %sub3A_1001, %convert_element_type3A_987 : vector<16xi1>, vector<16xi32>
          %ge3A_1003 = arith.constant 776 : i32
          %ge3A_1004 = vector.broadcast %ge3A_1003 : i32 to vector<16xi32>
          %ge3A_1005 = arith.cmpi sge, %convert_element_type3A_991, %ge3A_1004 : vector<16xi32>
          %sub3A_1006 = arith.constant 776 : i32
          %sub3A_1007 = vector.broadcast %sub3A_1006 : i32 to vector<16xi32>
          %sub3A_1008 = arith.subi %convert_element_type3A_991, %sub3A_1007 : vector<16xi32>
          %select_n3A_1009 = arith.select %ge3A_1005, %sub3A_1008, %convert_element_type3A_991 : vector<16xi1>, vector<16xi32>
          %ge3A_1010 = arith.constant 776 : i32
          %ge3A_1011 = vector.broadcast %ge3A_1010 : i32 to vector<16xi32>
          %ge3A_1012 = arith.cmpi sge, %convert_element_type3A_995, %ge3A_1011 : vector<16xi32>
          %sub3A_1013 = arith.constant 776 : i32
          %sub3A_1014 = vector.broadcast %sub3A_1013 : i32 to vector<16xi32>
          %sub3A_1015 = arith.subi %convert_element_type3A_995, %sub3A_1014 : vector<16xi32>
          %select_n3A_1016 = arith.select %ge3A_1012, %sub3A_1015, %convert_element_type3A_995 : vector<16xi1>, vector<16xi32>
          %mul3A_1017 = arith.constant 776 : i32
          %mul3A_1018 = vector.broadcast %mul3A_1017 : i32 to vector<16xi32>
          %mul3A_1019 = arith.muli %select_n3A_1009, %mul3A_1018 : vector<16xi32>
          %add3A_1020 = arith.addi %select_n3A_1002, %mul3A_1019 : vector<16xi32>
          %mul3A_1021 = arith.constant 77888 : i32
          %mul3A_1022 = vector.broadcast %mul3A_1021 : i32 to vector<16xi32>
          %mul3A_1023 = arith.muli %select_n3A_1016, %mul3A_1022 : vector<16xi32>
          %add3A_1024 = arith.addi %add3A_1020, %mul3A_1023 : vector<16xi32>
          %and3A_1025 = arith.constant 524287 : i32
          %and3A_1026 = vector.broadcast %and3A_1025 : i32 to vector<16xi32>
          %and3A_1027 = arith.andi %add3A_1024, %and3A_1026 : vector<16xi32>
          %or3A_1028 = arith.constant 6291456 : i32
          %or3A_1029 = vector.broadcast %or3A_1028 : i32 to vector<16xi32>
          %or3A_1030 = arith.ori %and3A_1027, %or3A_1029 : vector<16xi32>
          %shift_right_arithmetic3A_1031 = arith.constant 7 : i32
          %shift_right_arithmetic3A_1032 = vector.broadcast %shift_right_arithmetic3A_1031 : i32 to vector<16xi32>
          %shift_right_arithmetic3A_1033 = arith.shrsi %or3A_1030, %shift_right_arithmetic3A_1032 : vector<16xi32>
          %shift_left3A_1034 = arith.constant 8 : i32
          %shift_left3A_1035 = vector.broadcast %shift_left3A_1034 : i32 to vector<16xi32>
          %shift_left3A_1036 = arith.shli %shift_right_arithmetic3A_1033, %shift_left3A_1035 : vector<16xi32>
          %and3A_1037 = arith.constant 127 : i32
          %and3A_1038 = vector.broadcast %and3A_1037 : i32 to vector<16xi32>
          %and3A_1039 = arith.andi %or3A_1030, %and3A_1038 : vector<16xi32>
          %or3A_1040 = arith.ori %shift_left3A_1036, %and3A_1039 : vector<16xi32>
          %or3A_1041 = arith.constant 128 : i32
          %or3A_1042 = vector.broadcast %or3A_1041 : i32 to vector<16xi32>
          %or3A_1043 = arith.ori %or3A_1040, %or3A_1042 : vector<16xi32>
          %mul3A_1044 = arith.constant 16 : i32
          %mul3A_1045 = arith.muli %scan3A_123, %mul3A_1044 : i32
          %add3A_1046 = arith.constant 3072 : i32
          %add3A_1047 = arith.addi %add3A_1046, %mul3A_1045 : i32
          %swap3A_1048 = arith.index_cast %add3A_1047 : i32 to index
          %swap3A_1049 = tpu.vector_load %arg10[%swap3A_1048] {strides = array<i32>} : memref<4096xi32, #tpu.memory_space<vmem>>, vector<16xi32>,
          tpu.vector_store %arg10[%swap3A_1048], %or3A_1040 {strides = array<i32>} : memref<4096xi32, #tpu.memory_space<vmem>>, vector<16xi32>,
          %mul3A_1050 = arith.constant 16 : i32
          %mul3A_1051 = arith.muli %scan3A_123, %mul3A_1050 : i32
          %add3A_1052 = arith.constant 3200 : i32
          %add3A_1053 = arith.addi %add3A_1052, %mul3A_1051 : i32
          %swap3A_1054 = arith.index_cast %add3A_1053 : i32 to index
          %swap3A_1055 = tpu.vector_load %arg10[%swap3A_1054] {strides = array<i32>} : memref<4096xi32, #tpu.memory_space<vmem>>, vector<16xi32>,
          tpu.vector_store %arg10[%swap3A_1054], %or3A_1043 {strides = array<i32>} : memref<4096xi32, #tpu.memory_space<vmem>>, vector<16xi32>,
          %mul3A_1056 = arith.constant 1.072000e+03 : f32
          %mul3A_1057 = vector.broadcast %mul3A_1056 : f32 to vector<16xf32>
          %mul3A_1058 = arith.mulf %get3A_131, %mul3A_1057 : vector<16xf32>
          %convert_element_type3A_1059 = arith.fptosi %mul3A_1058 : vector<16xf32> to vector<16xi32>
          %mul3A_1060 = arith.constant 1.072000e+03 : f32
          %mul3A_1061 = vector.broadcast %mul3A_1060 : f32 to vector<16xf32>
          %mul3A_1062 = arith.mulf %get3A_137, %mul3A_1061 : vector<16xf32>
          %convert_element_type3A_1063 = arith.fptosi %mul3A_1062 : vector<16xf32> to vector<16xi32>
          %mul3A_1064 = arith.constant 1.072000e+03 : f32
          %mul3A_1065 = vector.broadcast %mul3A_1064 : f32 to vector<16xf32>
          %mul3A_1066 = arith.mulf %get3A_143, %mul3A_1065 : vector<16xf32>
          %convert_element_type3A_1067 = arith.fptosi %mul3A_1066 : vector<16xf32> to vector<16xi32>
          %ge3A_1068 = arith.constant 1072 : i32
          %ge3A_1069 = vector.broadcast %ge3A_1068 : i32 to vector<16xi32>
          %ge3A_1070 = arith.cmpi sge, %convert_element_type3A_1059, %ge3A_1069 : vector<16xi32>
          %sub3A_1071 = arith.constant 1072 : i32
          %sub3A_1072 = vector.broadcast %sub3A_1071 : i32 to vector<16xi32>
          %sub3A_1073 = arith.subi %convert_element_type3A_1059, %sub3A_1072 : vector<16xi32>
          %select_n3A_1074 = arith.select %ge3A_1070, %sub3A_1073, %convert_element_type3A_1059 : vector<16xi1>, vector<16xi32>
          %ge3A_1075 = arith.constant 1072 : i32
          %ge3A_1076 = vector.broadcast %ge3A_1075 : i32 to vector<16xi32>
          %ge3A_1077 = arith.cmpi sge, %convert_element_type3A_1063, %ge3A_1076 : vector<16xi32>
          %sub3A_1078 = arith.constant 1072 : i32
          %sub3A_1079 = vector.broadcast %sub3A_1078 : i32 to vector<16xi32>
          %sub3A_1080 = arith.subi %convert_element_type3A_1063, %sub3A_1079 : vector<16xi32>
          %select_n3A_1081 = arith.select %ge3A_1077, %sub3A_1080, %convert_element_type3A_1063 : vector<16xi1>, vector<16xi32>
          %ge3A_1082 = arith.constant 1072 : i32
          %ge3A_1083 = vector.broadcast %ge3A_1082 : i32 to vector<16xi32>
          %ge3A_1084 = arith.cmpi sge, %convert_element_type3A_1067, %ge3A_1083 : vector<16xi32>
          %sub3A_1085 = arith.constant 1072 : i32
          %sub3A_1086 = vector.broadcast %sub3A_1085 : i32 to vector<16xi32>
          %sub3A_1087 = arith.subi %convert_element_type3A_1067, %sub3A_1086 : vector<16xi32>
          %select_n3A_1088 = arith.select %ge3A_1084, %sub3A_1087, %convert_element_type3A_1067 : vector<16xi1>, vector<16xi32>
          %mul3A_1089 = arith.constant 1072 : i32
          %mul3A_1090 = vector.broadcast %mul3A_1089 : i32 to vector<16xi32>
          %mul3A_1091 = arith.muli %select_n3A_1081, %mul3A_1090 : vector<16xi32>
          %add3A_1092 = arith.addi %select_n3A_1074, %mul3A_1091 : vector<16xi32>
          %mul3A_1093 = arith.constant 100608 : i32
          %mul3A_1094 = vector.broadcast %mul3A_1093 : i32 to vector<16xi32>
          %mul3A_1095 = arith.muli %select_n3A_1088, %mul3A_1094 : vector<16xi32>
          %add3A_1096 = arith.addi %add3A_1092, %mul3A_1095 : vector<16xi32>
          %and3A_1097 = arith.constant 524287 : i32
          %and3A_1098 = vector.broadcast %and3A_1097 : i32 to vector<16xi32>
          %and3A_1099 = arith.andi %add3A_1096, %and3A_1098 : vector<16xi32>
          %or3A_1100 = arith.constant 6815744 : i32
          %or3A_1101 = vector.broadcast %or3A_1100 : i32 to vector<16xi32>
          %or3A_1102 = arith.ori %and3A_1099, %or3A_1101 : vector<16xi32>
          %shift_right_arithmetic3A_1103 = arith.constant 7 : i32
          %shift_right_arithmetic3A_1104 = vector.broadcast %shift_right_arithmetic3A_1103 : i32 to vector<16xi32>
          %shift_right_arithmetic3A_1105 = arith.shrsi %or3A_1102, %shift_right_arithmetic3A_1104 : vector<16xi32>
          %shift_left3A_1106 = arith.constant 8 : i32
          %shift_left3A_1107 = vector.broadcast %shift_left3A_1106 : i32 to vector<16xi32>
          %shift_left3A_1108 = arith.shli %shift_right_arithmetic3A_1105, %shift_left3A_1107 : vector<16xi32>
          %and3A_1109 = arith.constant 127 : i32
          %and3A_1110 = vector.broadcast %and3A_1109 : i32 to vector<16xi32>
          %and3A_1111 = arith.andi %or3A_1102, %and3A_1110 : vector<16xi32>
          %or3A_1112 = arith.ori %shift_left3A_1108, %and3A_1111 : vector<16xi32>
          %or3A_1113 = arith.constant 128 : i32
          %or3A_1114 = vector.broadcast %or3A_1113 : i32 to vector<16xi32>
          %or3A_1115 = arith.ori %or3A_1112, %or3A_1114 : vector<16xi32>
          %mul3A_1116 = arith.constant 16 : i32
          %mul3A_1117 = arith.muli %scan3A_123, %mul3A_1116 : i32
          %add3A_1118 = arith.constant 3328 : i32
          %add3A_1119 = arith.addi %add3A_1118, %mul3A_1117 : i32
          %swap3A_1120 = arith.index_cast %add3A_1119 : i32 to index
          %swap3A_1121 = tpu.vector_load %arg10[%swap3A_1120] {strides = array<i32>} : memref<4096xi32, #tpu.memory_space<vmem>>, vector<16xi32>,
          tpu.vector_store %arg10[%swap3A_1120], %or3A_1112 {strides = array<i32>} : memref<4096xi32, #tpu.memory_space<vmem>>, vector<16xi32>,
          %mul3A_1122 = arith.constant 16 : i32
          %mul3A_1123 = arith.muli %scan3A_123, %mul3A_1122 : i32
          %add3A_1124 = arith.constant 3456 : i32
          %add3A_1125 = arith.addi %add3A_1124, %mul3A_1123 : i32
          %swap3A_1126 = arith.index_cast %add3A_1125 : i32 to index
          %swap3A_1127 = tpu.vector_load %arg10[%swap3A_1126] {strides = array<i32>} : memref<4096xi32, #tpu.memory_space<vmem>>, vector<16xi32>,
          tpu.vector_store %arg10[%swap3A_1126], %or3A_1115 {strides = array<i32>} : memref<4096xi32, #tpu.memory_space<vmem>>, vector<16xi32>,
          %mul3A_1128 = arith.constant 1.482000e+03 : f32
          %mul3A_1129 = vector.broadcast %mul3A_1128 : f32 to vector<16xf32>
          %mul3A_1130 = arith.mulf %get3A_131, %mul3A_1129 : vector<16xf32>
          %convert_element_type3A_1131 = arith.fptosi %mul3A_1130 : vector<16xf32> to vector<16xi32>
          %mul3A_1132 = arith.constant 1.482000e+03 : f32
          %mul3A_1133 = vector.broadcast %mul3A_1132 : f32 to vector<16xf32>
          %mul3A_1134 = arith.mulf %get3A_137, %mul3A_1133 : vector<16xf32>
          %convert_element_type3A_1135 = arith.fptosi %mul3A_1134 : vector<16xf32> to vector<16xi32>
          %mul3A_1136 = arith.constant 1.482000e+03 : f32
          %mul3A_1137 = vector.broadcast %mul3A_1136 : f32 to vector<16xf32>
          %mul3A_1138 = arith.mulf %get3A_143, %mul3A_1137 : vector<16xf32>
          %convert_element_type3A_1139 = arith.fptosi %mul3A_1138 : vector<16xf32> to vector<16xi32>
          %ge3A_1140 = arith.constant 1482 : i32
          %ge3A_1141 = vector.broadcast %ge3A_1140 : i32 to vector<16xi32>
          %ge3A_1142 = arith.cmpi sge, %convert_element_type3A_1131, %ge3A_1141 : vector<16xi32>
          %sub3A_1143 = arith.constant 1482 : i32
          %sub3A_1144 = vector.broadcast %sub3A_1143 : i32 to vector<16xi32>
          %sub3A_1145 = arith.subi %convert_element_type3A_1131, %sub3A_1144 : vector<16xi32>
          %select_n3A_1146 = arith.select %ge3A_1142, %sub3A_1145, %convert_element_type3A_1131 : vector<16xi1>, vector<16xi32>
          %ge3A_1147 = arith.constant 1482 : i32
          %ge3A_1148 = vector.broadcast %ge3A_1147 : i32 to vector<16xi32>
          %ge3A_1149 = arith.cmpi sge, %convert_element_type3A_1135, %ge3A_1148 : vector<16xi32>
          %sub3A_1150 = arith.constant 1482 : i32
          %sub3A_1151 = vector.broadcast %sub3A_1150 : i32 to vector<16xi32>
          %sub3A_1152 = arith.subi %convert_element_type3A_1135, %sub3A_1151 : vector<16xi32>
          %select_n3A_1153 = arith.select %ge3A_1149, %sub3A_1152, %convert_element_type3A_1135 : vector<16xi1>, vector<16xi32>
          %ge3A_1154 = arith.constant 1482 : i32
          %ge3A_1155 = vector.broadcast %ge3A_1154 : i32 to vector<16xi32>
          %ge3A_1156 = arith.cmpi sge, %convert_element_type3A_1139, %ge3A_1155 : vector<16xi32>
          %sub3A_1157 = arith.constant 1482 : i32
          %sub3A_1158 = vector.broadcast %sub3A_1157 : i32 to vector<16xi32>
          %sub3A_1159 = arith.subi %convert_element_type3A_1139, %sub3A_1158 : vector<16xi32>
          %select_n3A_1160 = arith.select %ge3A_1156, %sub3A_1159, %convert_element_type3A_1139 : vector<16xi1>, vector<16xi32>
          %mul3A_1161 = arith.constant 1482 : i32
          %mul3A_1162 = vector.broadcast %mul3A_1161 : i32 to vector<16xi32>
          %mul3A_1163 = arith.muli %select_n3A_1153, %mul3A_1162 : vector<16xi32>
          %add3A_1164 = arith.addi %select_n3A_1146, %mul3A_1163 : vector<16xi32>
          %mul3A_1165 = arith.constant 99172 : i32
          %mul3A_1166 = vector.broadcast %mul3A_1165 : i32 to vector<16xi32>
          %mul3A_1167 = arith.muli %select_n3A_1160, %mul3A_1166 : vector<16xi32>
          %add3A_1168 = arith.addi %add3A_1164, %mul3A_1167 : vector<16xi32>
          %and3A_1169 = arith.constant 524287 : i32
          %and3A_1170 = vector.broadcast %and3A_1169 : i32 to vector<16xi32>
          %and3A_1171 = arith.andi %add3A_1168, %and3A_1170 : vector<16xi32>
          %or3A_1172 = arith.constant 7340032 : i32
          %or3A_1173 = vector.broadcast %or3A_1172 : i32 to vector<16xi32>
          %or3A_1174 = arith.ori %and3A_1171, %or3A_1173 : vector<16xi32>
          %shift_right_arithmetic3A_1175 = arith.constant 7 : i32
          %shift_right_arithmetic3A_1176 = vector.broadcast %shift_right_arithmetic3A_1175 : i32 to vector<16xi32>
          %shift_right_arithmetic3A_1177 = arith.shrsi %or3A_1174, %shift_right_arithmetic3A_1176 : vector<16xi32>
          %shift_left3A_1178 = arith.constant 8 : i32
          %shift_left3A_1179 = vector.broadcast %shift_left3A_1178 : i32 to vector<16xi32>
          %shift_left3A_1180 = arith.shli %shift_right_arithmetic3A_1177, %shift_left3A_1179 : vector<16xi32>
          %and3A_1181 = arith.constant 127 : i32
          %and3A_1182 = vector.broadcast %and3A_1181 : i32 to vector<16xi32>
          %and3A_1183 = arith.andi %or3A_1174, %and3A_1182 : vector<16xi32>
          %or3A_1184 = arith.ori %shift_left3A_1180, %and3A_1183 : vector<16xi32>
          %or3A_1185 = arith.constant 128 : i32
          %or3A_1186 = vector.broadcast %or3A_1185 : i32 to vector<16xi32>
          %or3A_1187 = arith.ori %or3A_1184, %or3A_1186 : vector<16xi32>
          %mul3A_1188 = arith.constant 16 : i32
          %mul3A_1189 = arith.muli %scan3A_123, %mul3A_1188 : i32
          %add3A_1190 = arith.constant 3584 : i32
          %add3A_1191 = arith.addi %add3A_1190, %mul3A_1189 : i32
          %swap3A_1192 = arith.index_cast %add3A_1191 : i32 to index
          %swap3A_1193 = tpu.vector_load %arg10[%swap3A_1192] {strides = array<i32>} : memref<4096xi32, #tpu.memory_space<vmem>>, vector<16xi32>,
          tpu.vector_store %arg10[%swap3A_1192], %or3A_1184 {strides = array<i32>} : memref<4096xi32, #tpu.memory_space<vmem>>, vector<16xi32>,
          %mul3A_1194 = arith.constant 16 : i32
          %mul3A_1195 = arith.muli %scan3A_123, %mul3A_1194 : i32
          %add3A_1196 = arith.constant 3712 : i32
          %add3A_1197 = arith.addi %add3A_1196, %mul3A_1195 : i32
          %swap3A_1198 = arith.index_cast %add3A_1197 : i32 to index
          %swap3A_1199 = tpu.vector_load %arg10[%swap3A_1198] {strides = array<i32>} : memref<4096xi32, #tpu.memory_space<vmem>>, vector<16xi32>,
          tpu.vector_store %arg10[%swap3A_1198], %or3A_1187 {strides = array<i32>} : memref<4096xi32, #tpu.memory_space<vmem>>, vector<16xi32>,
          %mul3A_1200 = arith.constant 2.048000e+03 : f32
          %mul3A_1201 = vector.broadcast %mul3A_1200 : f32 to vector<16xf32>
          %mul3A_1202 = arith.mulf %get3A_131, %mul3A_1201 : vector<16xf32>
          %convert_element_type3A_1203 = arith.fptosi %mul3A_1202 : vector<16xf32> to vector<16xi32>
          %mul3A_1204 = arith.constant 2.048000e+03 : f32
          %mul3A_1205 = vector.broadcast %mul3A_1204 : f32 to vector<16xf32>
          %mul3A_1206 = arith.mulf %get3A_137, %mul3A_1205 : vector<16xf32>
          %convert_element_type3A_1207 = arith.fptosi %mul3A_1206 : vector<16xf32> to vector<16xi32>
          %mul3A_1208 = arith.constant 2.048000e+03 : f32
          %mul3A_1209 = vector.broadcast %mul3A_1208 : f32 to vector<16xf32>
          %mul3A_1210 = arith.mulf %get3A_143, %mul3A_1209 : vector<16xf32>
          %convert_element_type3A_1211 = arith.fptosi %mul3A_1210 : vector<16xf32> to vector<16xi32>
          %ge3A_1212 = arith.constant 2048 : i32
          %ge3A_1213 = vector.broadcast %ge3A_1212 : i32 to vector<16xi32>
          %ge3A_1214 = arith.cmpi sge, %convert_element_type3A_1203, %ge3A_1213 : vector<16xi32>
          %sub3A_1215 = arith.constant 2048 : i32
          %sub3A_1216 = vector.broadcast %sub3A_1215 : i32 to vector<16xi32>
          %sub3A_1217 = arith.subi %convert_element_type3A_1203, %sub3A_1216 : vector<16xi32>
          %select_n3A_1218 = arith.select %ge3A_1214, %sub3A_1217, %convert_element_type3A_1203 : vector<16xi1>, vector<16xi32>
          %ge3A_1219 = arith.constant 2048 : i32
          %ge3A_1220 = vector.broadcast %ge3A_1219 : i32 to vector<16xi32>
          %ge3A_1221 = arith.cmpi sge, %convert_element_type3A_1207, %ge3A_1220 : vector<16xi32>
          %sub3A_1222 = arith.constant 2048 : i32
          %sub3A_1223 = vector.broadcast %sub3A_1222 : i32 to vector<16xi32>
          %sub3A_1224 = arith.subi %convert_element_type3A_1207, %sub3A_1223 : vector<16xi32>
          %select_n3A_1225 = arith.select %ge3A_1221, %sub3A_1224, %convert_element_type3A_1207 : vector<16xi1>, vector<16xi32>
          %ge3A_1226 = arith.constant 2048 : i32
          %ge3A_1227 = vector.broadcast %ge3A_1226 : i32 to vector<16xi32>
          %ge3A_1228 = arith.cmpi sge, %convert_element_type3A_1211, %ge3A_1227 : vector<16xi32>
          %sub3A_1229 = arith.constant 2048 : i32
          %sub3A_1230 = vector.broadcast %sub3A_1229 : i32 to vector<16xi32>
          %sub3A_1231 = arith.subi %convert_element_type3A_1211, %sub3A_1230 : vector<16xi32>
          %select_n3A_1232 = arith.select %ge3A_1228, %sub3A_1231, %convert_element_type3A_1211 : vector<16xi1>, vector<16xi32>
          %mul3A_1233 = arith.constant 2048 : i32
          %mul3A_1234 = vector.broadcast %mul3A_1233 : i32 to vector<16xi32>
          %mul3A_1235 = arith.muli %select_n3A_1225, %mul3A_1234 : vector<16xi32>
          %add3A_1236 = arith.addi %select_n3A_1218, %mul3A_1235 : vector<16xi32>
          %mul3A_1237 = arith.constant 0 : i32
          %mul3A_1238 = vector.broadcast %mul3A_1237 : i32 to vector<16xi32>
          %mul3A_1239 = arith.muli %select_n3A_1232, %mul3A_1238 : vector<16xi32>
          %add3A_1240 = arith.addi %add3A_1236, %mul3A_1239 : vector<16xi32>
          %and3A_1241 = arith.constant 524287 : i32
          %and3A_1242 = vector.broadcast %and3A_1241 : i32 to vector<16xi32>
          %and3A_1243 = arith.andi %add3A_1240, %and3A_1242 : vector<16xi32>
          %or3A_1244 = arith.constant 7864320 : i32
          %or3A_1245 = vector.broadcast %or3A_1244 : i32 to vector<16xi32>
          %or3A_1246 = arith.ori %and3A_1243, %or3A_1245 : vector<16xi32>
          %shift_right_arithmetic3A_1247 = arith.constant 7 : i32
          %shift_right_arithmetic3A_1248 = vector.broadcast %shift_right_arithmetic3A_1247 : i32 to vector<16xi32>
          %shift_right_arithmetic3A_1249 = arith.shrsi %or3A_1246, %shift_right_arithmetic3A_1248 : vector<16xi32>
          %shift_left3A_1250 = arith.constant 8 : i32
          %shift_left3A_1251 = vector.broadcast %shift_left3A_1250 : i32 to vector<16xi32>
          %shift_left3A_1252 = arith.shli %shift_right_arithmetic3A_1249, %shift_left3A_1251 : vector<16xi32>
          %and3A_1253 = arith.constant 127 : i32
          %and3A_1254 = vector.broadcast %and3A_1253 : i32 to vector<16xi32>
          %and3A_1255 = arith.andi %or3A_1246, %and3A_1254 : vector<16xi32>
          %or3A_1256 = arith.ori %shift_left3A_1252, %and3A_1255 : vector<16xi32>
          %or3A_1257 = arith.constant 128 : i32
          %or3A_1258 = vector.broadcast %or3A_1257 : i32 to vector<16xi32>
          %or3A_1259 = arith.ori %or3A_1256, %or3A_1258 : vector<16xi32>
          %mul3A_1260 = arith.constant 16 : i32
          %mul3A_1261 = arith.muli %scan3A_123, %mul3A_1260 : i32
          %add3A_1262 = arith.constant 3840 : i32
          %add3A_1263 = arith.addi %add3A_1262, %mul3A_1261 : i32
          %swap3A_1264 = arith.index_cast %add3A_1263 : i32 to index
          %swap3A_1265 = tpu.vector_load %arg10[%swap3A_1264] {strides = array<i32>} : memref<4096xi32, #tpu.memory_space<vmem>>, vector<16xi32>,
          tpu.vector_store %arg10[%swap3A_1264], %or3A_1256 {strides = array<i32>} : memref<4096xi32, #tpu.memory_space<vmem>>, vector<16xi32>,
          %mul3A_1266 = arith.constant 16 : i32
          %mul3A_1267 = arith.muli %scan3A_123, %mul3A_1266 : i32
          %add3A_1268 = arith.constant 3968 : i32
          %add3A_1269 = arith.addi %add3A_1268, %mul3A_1267 : i32
          %swap3A_1270 = arith.index_cast %add3A_1269 : i32 to index
          %swap3A_1271 = tpu.vector_load %arg10[%swap3A_1270] {strides = array<i32>} : memref<4096xi32, #tpu.memory_space<vmem>>, vector<16xi32>,
          tpu.vector_store %arg10[%swap3A_1270], %or3A_1259 {strides = array<i32>} : memref<4096xi32, #tpu.memory_space<vmem>>, vector<16xi32>,
          %scan3A_1272 = arith.constant 0 : i32
          scf.yield %scan3A_1272 : i32
        }
        %scan3A_115 = arith.constant 8 : i32
        %dma_start3A = arith.constant 0 : i32
        %dma_start3A_116 = tpu.memref_slice %arg3[%dma_start3A] : memref<16777216xf32, #tpu.memory_space<hbm>> -> memref<16777216xf32, #tpu.memory_space<hbm>>
        tpu.enqueue_indirect_dma source(%dma_start3A_116 : memref<16777216xf32, #tpu.memory_space<hbm>>) target(%arg13 : memref<2560xf32, #tpu.memory_space<vmem>>) offsets(%arg9 : memref<2560xi32, #tpu.memory_space<vmem>>) semaphore(%arg22 : memref<!tpu.dma_semaphore, #tpu.memory_space<semaphore_mem>>)
        %dma_start3A_117 = arith.constant 0 : i32
        %dma_start3A_118 = tpu.memref_slice %arg3[%dma_start3A_117] : memref<16777216xf32, #tpu.memory_space<hbm>> -> memref<16777216xf32, #tpu.memory_space<hbm>>
        tpu.enqueue_indirect_dma source(%dma_start3A_118 : memref<16777216xf32, #tpu.memory_space<hbm>>) target(%arg14 : memref<4096xf32, #tpu.memory_space<vmem>>) offsets(%arg10 : memref<4096xi32, #tpu.memory_space<vmem>>) semaphore(%arg23 : memref<!tpu.dma_semaphore, #tpu.memory_space<semaphore_mem>>)
        %gt3A = arith.constant 0 : i32
        %gt3A_119 = arith.cmpi sgt, %scan3A_79, %gt3A : i32
        %convert_element_type3A_120 = arith.extui %gt3A_119 : i1 to i32
        %cond3A_121 = arith.constant 0 : i32
        %cond3A_122 = arith.cmpi ne, %convert_element_type3A_120, %cond3A_121 : i32
        scf.if %cond3A_122 {
          %dma_wait3A_123 = arith.constant 0 : i32
          %dma_wait3A_124 = tpu.memref_slice %arg3[%dma_wait3A_123] : memref<16777216xf32, #tpu.memory_space<hbm>> -> memref<2560xf32, #tpu.memory_space<hbm>>
          %dma_wait3A_125 = arith.constant 0 : i32
          %dma_wait3A_126 = tpu.memref_slice %arg3[%dma_wait3A_125] : memref<16777216xf32, #tpu.memory_space<hbm>> -> memref<2560xf32, #tpu.memory_space<hbm>>
          tpu.wait_dma2 semaphore(%arg20 : memref<!tpu.dma_semaphore, #tpu.memory_space<semaphore_mem>>) src(%dma_wait3A_126 : memref<2560xf32, #tpu.memory_space<hbm>>) dst(%arg11 : memref<2560xf32, #tpu.memory_space<vmem>>)
          %dma_wait3A_127 = arith.constant 0 : i32
          %dma_wait3A_128 = tpu.memref_slice %arg3[%dma_wait3A_127] : memref<16777216xf32, #tpu.memory_space<hbm>> -> memref<4096xf32, #tpu.memory_space<hbm>>
          %dma_wait3A_129 = arith.constant 0 : i32
          %dma_wait3A_130 = tpu.memref_slice %arg3[%dma_wait3A_129] : memref<16777216xf32, #tpu.memory_space<hbm>> -> memref<4096xf32, #tpu.memory_space<hbm>>
          tpu.wait_dma2 semaphore(%arg21 : memref<!tpu.dma_semaphore, #tpu.memory_space<semaphore_mem>>) src(%dma_wait3A_130 : memref<4096xf32, #tpu.memory_space<hbm>>) dst(%arg12 : memref<4096xf32, #tpu.memory_space<vmem>>)
          %sub3A_131 = arith.constant 1 : i32
          %sub3A_132 = arith.subi %scan3A_79, %sub3A_131 : i32
          %mul3A_133 = arith.constant 2 : i32
          %mul3A_134 = arith.muli %sub3A_132, %mul3A_133 : i32
          %add3A_135 = arith.addi %mul3A_32, %mul3A_134 : i32
          %add3A_136 = arith.constant 0 : i32
          %add3A_137 = arith.addi %add3A_135, %add3A_136 : i32
          %mul3A_138 = arith.constant 1024 : i32
          %mul3A_139 = arith.muli %add3A_137, %mul3A_138 : i32
          %add3A_140 = arith.addi %mul3A_34, %mul3A_139 : i32
          "tpu.region"() ({
            %run_scoped3A_165 = tpu.sem_alloc : memref<!tpu.dma_semaphore, #tpu.memory_space<semaphore_mem>>
            %dma_start3A_166 = arith.constant 0 : i32
            %dma_start3A_167 = tpu.memref_slice %arg15[%dma_start3A_166] : memref<1536xf32, #tpu.memory_space<vmem>> -> memref<768xf32, #tpu.memory_space<vmem>>
            %dma_start3A_168 = tpu.memref_slice %arg4[%add3A_140] : memref<8388608xf32, #tpu.memory_space<hbm>> -> memref<768xf32, #tpu.memory_space<hbm>>
            %dma_start3A_169 = tpu.memref_slice %arg4[%add3A_140] : memref<8388608xf32, #tpu.memory_space<hbm>> -> memref<768xf32, #tpu.memory_space<hbm>>
            %dma_start3A_170 = arith.constant 0 : i32
            %dma_start3A_171 = tpu.memref_slice %arg15[%dma_start3A_170] : memref<1536xf32, #tpu.memory_space<vmem>> -> memref<768xf32, #tpu.memory_space<vmem>>
            tpu.enqueue_dma source(%dma_start3A_171 : memref<768xf32, #tpu.memory_space<vmem>>) target(%dma_start3A_169 : memref<768xf32, #tpu.memory_space<hbm>>) target_semaphore(%run_scoped3A_165 : memref<!tpu.dma_semaphore, #tpu.memory_space<semaphore_mem>>)
            %dma_wait3A_172 = arith.constant 0 : i32
            %dma_wait3A_173 = tpu.memref_slice %arg15[%dma_wait3A_172] : memref<1536xf32, #tpu.memory_space<vmem>> -> memref<768xf32, #tpu.memory_space<vmem>>
            %dma_wait3A_174 = tpu.memref_slice %arg4[%add3A_140] : memref<8388608xf32, #tpu.memory_space<hbm>> -> memref<768xf32, #tpu.memory_space<hbm>>
            %dma_wait3A_175 = tpu.memref_slice %arg4[%add3A_140] : memref<8388608xf32, #tpu.memory_space<hbm>> -> memref<768xf32, #tpu.memory_space<hbm>>
            %dma_wait3A_176 = arith.constant 0 : i32
            %dma_wait3A_177 = tpu.memref_slice %arg15[%dma_wait3A_176] : memref<1536xf32, #tpu.memory_space<vmem>> -> memref<768xf32, #tpu.memory_space<vmem>>
            tpu.wait_dma2 semaphore(%run_scoped3A_165 : memref<!tpu.dma_semaphore, #tpu.memory_space<semaphore_mem>>) src(%dma_wait3A_177 : memref<768xf32, #tpu.memory_space<vmem>>) dst(%dma_wait3A_175 : memref<768xf32, #tpu.memory_space<hbm>>)
            tpu.yield
          }) : () -> ()
          %add3A_141 = arith.constant 768 : i32
          %add3A_142 = arith.addi %add3A_140, %add3A_141 : i32
          "tpu.region"() ({
            %run_scoped3A_165 = tpu.sem_alloc : memref<!tpu.dma_semaphore, #tpu.memory_space<semaphore_mem>>
            %dma_start3A_166 = arith.constant 0 : i32
            %dma_start3A_167 = tpu.memref_slice %arg11[%dma_start3A_166] : memref<2560xf32, #tpu.memory_space<vmem>> -> memref<256xf32, #tpu.memory_space<vmem>>
            %dma_start3A_168 = tpu.memref_slice %arg4[%add3A_142] : memref<8388608xf32, #tpu.memory_space<hbm>> -> memref<256xf32, #tpu.memory_space<hbm>>
            %dma_start3A_169 = tpu.memref_slice %arg4[%add3A_142] : memref<8388608xf32, #tpu.memory_space<hbm>> -> memref<256xf32, #tpu.memory_space<hbm>>
            %dma_start3A_170 = arith.constant 0 : i32
            %dma_start3A_171 = tpu.memref_slice %arg11[%dma_start3A_170] : memref<2560xf32, #tpu.memory_space<vmem>> -> memref<256xf32, #tpu.memory_space<vmem>>
            tpu.enqueue_dma source(%dma_start3A_171 : memref<256xf32, #tpu.memory_space<vmem>>) target(%dma_start3A_169 : memref<256xf32, #tpu.memory_space<hbm>>) target_semaphore(%run_scoped3A_165 : memref<!tpu.dma_semaphore, #tpu.memory_space<semaphore_mem>>)
            %dma_wait3A_172 = arith.constant 0 : i32
            %dma_wait3A_173 = tpu.memref_slice %arg11[%dma_wait3A_172] : memref<2560xf32, #tpu.memory_space<vmem>> -> memref<256xf32, #tpu.memory_space<vmem>>
            %dma_wait3A_174 = tpu.memref_slice %arg4[%add3A_142] : memref<8388608xf32, #tpu.memory_space<hbm>> -> memref<256xf32, #tpu.memory_space<hbm>>
            %dma_wait3A_175 = tpu.memref_slice %arg4[%add3A_142] : memref<8388608xf32, #tpu.memory_space<hbm>> -> memref<256xf32, #tpu.memory_space<hbm>>
            %dma_wait3A_176 = arith.constant 0 : i32
            %dma_wait3A_177 = tpu.memref_slice %arg11[%dma_wait3A_176] : memref<2560xf32, #tpu.memory_space<vmem>> -> memref<256xf32, #tpu.memory_space<vmem>>
            tpu.wait_dma2 semaphore(%run_scoped3A_165 : memref<!tpu.dma_semaphore, #tpu.memory_space<semaphore_mem>>) src(%dma_wait3A_177 : memref<256xf32, #tpu.memory_space<vmem>>) dst(%dma_wait3A_175 : memref<256xf32, #tpu.memory_space<hbm>>)
            tpu.yield
          }) : () -> ()
          %add3A_143 = arith.constant 1 : i32
          %add3A_144 = arith.addi %add3A_135, %add3A_143 : i32
          %mul3A_145 = arith.constant 1024 : i32
          %mul3A_146 = arith.muli %add3A_144, %mul3A_145 : i32
          %add3A_147 = arith.addi %mul3A_34, %mul3A_146 : i32
          "tpu.region"() ({
            %run_scoped3A_165 = tpu.sem_alloc : memref<!tpu.dma_semaphore, #tpu.memory_space<semaphore_mem>>
            %dma_start3A_166 = arith.constant 768 : i32
            %dma_start3A_167 = tpu.memref_slice %arg15[%dma_start3A_166] : memref<1536xf32, #tpu.memory_space<vmem>> -> memref<768xf32, #tpu.memory_space<vmem>>
            %dma_start3A_168 = tpu.memref_slice %arg4[%add3A_147] : memref<8388608xf32, #tpu.memory_space<hbm>> -> memref<768xf32, #tpu.memory_space<hbm>>
            %dma_start3A_169 = tpu.memref_slice %arg4[%add3A_147] : memref<8388608xf32, #tpu.memory_space<hbm>> -> memref<768xf32, #tpu.memory_space<hbm>>
            %dma_start3A_170 = arith.constant 768 : i32
            %dma_start3A_171 = tpu.memref_slice %arg15[%dma_start3A_170] : memref<1536xf32, #tpu.memory_space<vmem>> -> memref<768xf32, #tpu.memory_space<vmem>>
            tpu.enqueue_dma source(%dma_start3A_171 : memref<768xf32, #tpu.memory_space<vmem>>) target(%dma_start3A_169 : memref<768xf32, #tpu.memory_space<hbm>>) target_semaphore(%run_scoped3A_165 : memref<!tpu.dma_semaphore, #tpu.memory_space<semaphore_mem>>)
            %dma_wait3A_172 = arith.constant 768 : i32
            %dma_wait3A_173 = tpu.memref_slice %arg15[%dma_wait3A_172] : memref<1536xf32, #tpu.memory_space<vmem>> -> memref<768xf32, #tpu.memory_space<vmem>>
            %dma_wait3A_174 = tpu.memref_slice %arg4[%add3A_147] : memref<8388608xf32, #tpu.memory_space<hbm>> -> memref<768xf32, #tpu.memory_space<hbm>>
            %dma_wait3A_175 = tpu.memref_slice %arg4[%add3A_147] : memref<8388608xf32, #tpu.memory_space<hbm>> -> memref<768xf32, #tpu.memory_space<hbm>>
            %dma_wait3A_176 = arith.constant 768 : i32
            %dma_wait3A_177 = tpu.memref_slice %arg15[%dma_wait3A_176] : memref<1536xf32, #tpu.memory_space<vmem>> -> memref<768xf32, #tpu.memory_space<vmem>>
            tpu.wait_dma2 semaphore(%run_scoped3A_165 : memref<!tpu.dma_semaphore, #tpu.memory_space<semaphore_mem>>) src(%dma_wait3A_177 : memref<768xf32, #tpu.memory_space<vmem>>) dst(%dma_wait3A_175 : memref<768xf32, #tpu.memory_space<hbm>>)
            tpu.yield
          }) : () -> ()
          %add3A_148 = arith.constant 768 : i32
          %add3A_149 = arith.addi %add3A_147, %add3A_148 : i32
          "tpu.region"() ({
            %run_scoped3A_165 = tpu.sem_alloc : memref<!tpu.dma_semaphore, #tpu.memory_space<semaphore_mem>>
            %dma_start3A_166 = arith.constant 256 : i32
            %dma_start3A_167 = tpu.memref_slice %arg11[%dma_start3A_166] : memref<2560xf32, #tpu.memory_space<vmem>> -> memref<256xf32, #tpu.memory_space<vmem>>
            %dma_start3A_168 = tpu.memref_slice %arg4[%add3A_149] : memref<8388608xf32, #tpu.memory_space<hbm>> -> memref<256xf32, #tpu.memory_space<hbm>>
            %dma_start3A_169 = tpu.memref_slice %arg4[%add3A_149] : memref<8388608xf32, #tpu.memory_space<hbm>> -> memref<256xf32, #tpu.memory_space<hbm>>
            %dma_start3A_170 = arith.constant 256 : i32
            %dma_start3A_171 = tpu.memref_slice %arg11[%dma_start3A_170] : memref<2560xf32, #tpu.memory_space<vmem>> -> memref<256xf32, #tpu.memory_space<vmem>>
            tpu.enqueue_dma source(%dma_start3A_171 : memref<256xf32, #tpu.memory_space<vmem>>) target(%dma_start3A_169 : memref<256xf32, #tpu.memory_space<hbm>>) target_semaphore(%run_scoped3A_165 : memref<!tpu.dma_semaphore, #tpu.memory_space<semaphore_mem>>)
            %dma_wait3A_172 = arith.constant 256 : i32
            %dma_wait3A_173 = tpu.memref_slice %arg11[%dma_wait3A_172] : memref<2560xf32, #tpu.memory_space<vmem>> -> memref<256xf32, #tpu.memory_space<vmem>>
            %dma_wait3A_174 = tpu.memref_slice %arg4[%add3A_149] : memref<8388608xf32, #tpu.memory_space<hbm>> -> memref<256xf32, #tpu.memory_space<hbm>>
            %dma_wait3A_175 = tpu.memref_slice %arg4[%add3A_149] : memref<8388608xf32, #tpu.memory_space<hbm>> -> memref<256xf32, #tpu.memory_space<hbm>>
            %dma_wait3A_176 = arith.constant 256 : i32
            %dma_wait3A_177 = tpu.memref_slice %arg11[%dma_wait3A_176] : memref<2560xf32, #tpu.memory_space<vmem>> -> memref<256xf32, #tpu.memory_space<vmem>>
            tpu.wait_dma2 semaphore(%run_scoped3A_165 : memref<!tpu.dma_semaphore, #tpu.memory_space<semaphore_mem>>) src(%dma_wait3A_177 : memref<256xf32, #tpu.memory_space<vmem>>) dst(%dma_wait3A_175 : memref<256xf32, #tpu.memory_space<hbm>>)
            tpu.yield
          }) : () -> ()
          %add3A_150 = arith.constant 524288 : i32
          %add3A_151 = arith.addi %mul3A_34, %add3A_150 : i32
          %mul3A_152 = arith.constant 1024 : i32
          %mul3A_153 = arith.muli %add3A_135, %mul3A_152 : i32
          %add3A_154 = arith.addi %add3A_151, %mul3A_153 : i32
          "tpu.region"() ({
            %run_scoped3A_165 = tpu.sem_alloc : memref<!tpu.dma_semaphore, #tpu.memory_space<semaphore_mem>>
            %dma_start3A_166 = arith.constant 512 : i32
            %dma_start3A_167 = tpu.memref_slice %arg11[%dma_start3A_166] : memref<2560xf32, #tpu.memory_space<vmem>> -> memref<2048xf32, #tpu.memory_space<vmem>>
            %dma_start3A_168 = tpu.memref_slice %arg4[%add3A_154] : memref<8388608xf32, #tpu.memory_space<hbm>> -> memref<2048xf32, #tpu.memory_space<hbm>>
            %dma_start3A_169 = tpu.memref_slice %arg4[%add3A_154] : memref<8388608xf32, #tpu.memory_space<hbm>> -> memref<2048xf32, #tpu.memory_space<hbm>>
            %dma_start3A_170 = arith.constant 512 : i32
            %dma_start3A_171 = tpu.memref_slice %arg11[%dma_start3A_170] : memref<2560xf32, #tpu.memory_space<vmem>> -> memref<2048xf32, #tpu.memory_space<vmem>>
            tpu.enqueue_dma source(%dma_start3A_171 : memref<2048xf32, #tpu.memory_space<vmem>>) target(%dma_start3A_169 : memref<2048xf32, #tpu.memory_space<hbm>>) target_semaphore(%run_scoped3A_165 : memref<!tpu.dma_semaphore, #tpu.memory_space<semaphore_mem>>)
            %dma_wait3A_172 = arith.constant 512 : i32
            %dma_wait3A_173 = tpu.memref_slice %arg11[%dma_wait3A_172] : memref<2560xf32, #tpu.memory_space<vmem>> -> memref<2048xf32, #tpu.memory_space<vmem>>
            %dma_wait3A_174 = tpu.memref_slice %arg4[%add3A_154] : memref<8388608xf32, #tpu.memory_space<hbm>> -> memref<2048xf32, #tpu.memory_space<hbm>>
            %dma_wait3A_175 = tpu.memref_slice %arg4[%add3A_154] : memref<8388608xf32, #tpu.memory_space<hbm>> -> memref<2048xf32, #tpu.memory_space<hbm>>
            %dma_wait3A_176 = arith.constant 512 : i32
            %dma_wait3A_177 = tpu.memref_slice %arg11[%dma_wait3A_176] : memref<2560xf32, #tpu.memory_space<vmem>> -> memref<2048xf32, #tpu.memory_space<vmem>>
            tpu.wait_dma2 semaphore(%run_scoped3A_165 : memref<!tpu.dma_semaphore, #tpu.memory_space<semaphore_mem>>) src(%dma_wait3A_177 : memref<2048xf32, #tpu.memory_space<vmem>>) dst(%dma_wait3A_175 : memref<2048xf32, #tpu.memory_space<hbm>>)
            tpu.yield
          }) : () -> ()
          %add3A_155 = arith.constant 1048576 : i32
          %add3A_156 = arith.addi %mul3A_34, %add3A_155 : i32
          %mul3A_157 = arith.constant 1024 : i32
          %mul3A_158 = arith.muli %add3A_135, %mul3A_157 : i32
          %add3A_159 = arith.addi %add3A_156, %mul3A_158 : i32
          "tpu.region"() ({
            %run_scoped3A_165 = tpu.sem_alloc : memref<!tpu.dma_semaphore, #tpu.memory_space<semaphore_mem>>
            %dma_start3A_166 = arith.constant 0 : i32
            %dma_start3A_167 = tpu.memref_slice %arg12[%dma_start3A_166] : memref<4096xf32, #tpu.memory_space<vmem>> -> memref<2048xf32, #tpu.memory_space<vmem>>
            %dma_start3A_168 = tpu.memref_slice %arg4[%add3A_159] : memref<8388608xf32, #tpu.memory_space<hbm>> -> memref<2048xf32, #tpu.memory_space<hbm>>
            %dma_start3A_169 = tpu.memref_slice %arg4[%add3A_159] : memref<8388608xf32, #tpu.memory_space<hbm>> -> memref<2048xf32, #tpu.memory_space<hbm>>
            %dma_start3A_170 = arith.constant 0 : i32
            %dma_start3A_171 = tpu.memref_slice %arg12[%dma_start3A_170] : memref<4096xf32, #tpu.memory_space<vmem>> -> memref<2048xf32, #tpu.memory_space<vmem>>
            tpu.enqueue_dma source(%dma_start3A_171 : memref<2048xf32, #tpu.memory_space<vmem>>) target(%dma_start3A_169 : memref<2048xf32, #tpu.memory_space<hbm>>) target_semaphore(%run_scoped3A_165 : memref<!tpu.dma_semaphore, #tpu.memory_space<semaphore_mem>>)
            %dma_wait3A_172 = arith.constant 0 : i32
            %dma_wait3A_173 = tpu.memref_slice %arg12[%dma_wait3A_172] : memref<4096xf32, #tpu.memory_space<vmem>> -> memref<2048xf32, #tpu.memory_space<vmem>>
            %dma_wait3A_174 = tpu.memref_slice %arg4[%add3A_159] : memref<8388608xf32, #tpu.memory_space<hbm>> -> memref<2048xf32, #tpu.memory_space<hbm>>
            %dma_wait3A_175 = tpu.memref_slice %arg4[%add3A_159] : memref<8388608xf32, #tpu.memory_space<hbm>> -> memref<2048xf32, #tpu.memory_space<hbm>>
            %dma_wait3A_176 = arith.constant 0 : i32
            %dma_wait3A_177 = tpu.memref_slice %arg12[%dma_wait3A_176] : memref<4096xf32, #tpu.memory_space<vmem>> -> memref<2048xf32, #tpu.memory_space<vmem>>
            tpu.wait_dma2 semaphore(%run_scoped3A_165 : memref<!tpu.dma_semaphore, #tpu.memory_space<semaphore_mem>>) src(%dma_wait3A_177 : memref<2048xf32, #tpu.memory_space<vmem>>) dst(%dma_wait3A_175 : memref<2048xf32, #tpu.memory_space<hbm>>)
            tpu.yield
          }) : () -> ()
          %add3A_160 = arith.constant 1572864 : i32
          %add3A_161 = arith.addi %mul3A_34, %add3A_160 : i32
          %mul3A_162 = arith.constant 1024 : i32
          %mul3A_163 = arith.muli %add3A_135, %mul3A_162 : i32
          %add3A_164 = arith.addi %add3A_161, %mul3A_163 : i32
          "tpu.region"() ({
            %run_scoped3A_165 = tpu.sem_alloc : memref<!tpu.dma_semaphore, #tpu.memory_space<semaphore_mem>>
            %dma_start3A_166 = arith.constant 2048 : i32
            %dma_start3A_167 = tpu.memref_slice %arg12[%dma_start3A_166] : memref<4096xf32, #tpu.memory_space<vmem>> -> memref<2048xf32, #tpu.memory_space<vmem>>
            %dma_start3A_168 = tpu.memref_slice %arg4[%add3A_164] : memref<8388608xf32, #tpu.memory_space<hbm>> -> memref<2048xf32, #tpu.memory_space<hbm>>
            %dma_start3A_169 = tpu.memref_slice %arg4[%add3A_164] : memref<8388608xf32, #tpu.memory_space<hbm>> -> memref<2048xf32, #tpu.memory_space<hbm>>
            %dma_start3A_170 = arith.constant 2048 : i32
            %dma_start3A_171 = tpu.memref_slice %arg12[%dma_start3A_170] : memref<4096xf32, #tpu.memory_space<vmem>> -> memref<2048xf32, #tpu.memory_space<vmem>>
            tpu.enqueue_dma source(%dma_start3A_171 : memref<2048xf32, #tpu.memory_space<vmem>>) target(%dma_start3A_169 : memref<2048xf32, #tpu.memory_space<hbm>>) target_semaphore(%run_scoped3A_165 : memref<!tpu.dma_semaphore, #tpu.memory_space<semaphore_mem>>)
            %dma_wait3A_172 = arith.constant 2048 : i32
            %dma_wait3A_173 = tpu.memref_slice %arg12[%dma_wait3A_172] : memref<4096xf32, #tpu.memory_space<vmem>> -> memref<2048xf32, #tpu.memory_space<vmem>>
            %dma_wait3A_174 = tpu.memref_slice %arg4[%add3A_164] : memref<8388608xf32, #tpu.memory_space<hbm>> -> memref<2048xf32, #tpu.memory_space<hbm>>
            %dma_wait3A_175 = tpu.memref_slice %arg4[%add3A_164] : memref<8388608xf32, #tpu.memory_space<hbm>> -> memref<2048xf32, #tpu.memory_space<hbm>>
            %dma_wait3A_176 = arith.constant 2048 : i32
            %dma_wait3A_177 = tpu.memref_slice %arg12[%dma_wait3A_176] : memref<4096xf32, #tpu.memory_space<vmem>> -> memref<2048xf32, #tpu.memory_space<vmem>>
            tpu.wait_dma2 semaphore(%run_scoped3A_165 : memref<!tpu.dma_semaphore, #tpu.memory_space<semaphore_mem>>) src(%dma_wait3A_177 : memref<2048xf32, #tpu.memory_space<vmem>>) dst(%dma_wait3A_175 : memref<2048xf32, #tpu.memory_space<hbm>>)
            tpu.yield
          }) : () -> ()
        } else {
        }
      } else {
      }
      %scan3A_93 = arith.constant 0 : i32
      scf.yield %scan3A_93 : i32
    }
    %scan3A_40 = arith.constant 32 : i32
    %dma_wait3A = arith.constant 0 : i32
    %dma_wait3A_41 = tpu.memref_slice %arg3[%dma_wait3A] : memref<16777216xf32, #tpu.memory_space<hbm>> -> memref<2560xf32, #tpu.memory_space<hbm>>
    %dma_wait3A_42 = arith.constant 0 : i32
    %dma_wait3A_43 = tpu.memref_slice %arg3[%dma_wait3A_42] : memref<16777216xf32, #tpu.memory_space<hbm>> -> memref<2560xf32, #tpu.memory_space<hbm>>
    tpu.wait_dma2 semaphore(%arg22 : memref<!tpu.dma_semaphore, #tpu.memory_space<semaphore_mem>>) src(%dma_wait3A_43 : memref<2560xf32, #tpu.memory_space<hbm>>) dst(%arg13 : memref<2560xf32, #tpu.memory_space<vmem>>)
    %dma_wait3A_44 = arith.constant 0 : i32
    %dma_wait3A_45 = tpu.memref_slice %arg3[%dma_wait3A_44] : memref<16777216xf32, #tpu.memory_space<hbm>> -> memref<4096xf32, #tpu.memory_space<hbm>>
    %dma_wait3A_46 = arith.constant 0 : i32
    %dma_wait3A_47 = tpu.memref_slice %arg3[%dma_wait3A_46] : memref<16777216xf32, #tpu.memory_space<hbm>> -> memref<4096xf32, #tpu.memory_space<hbm>>
    tpu.wait_dma2 semaphore(%arg23 : memref<!tpu.dma_semaphore, #tpu.memory_space<semaphore_mem>>) src(%dma_wait3A_47 : memref<4096xf32, #tpu.memory_space<hbm>>) dst(%arg14 : memref<4096xf32, #tpu.memory_space<vmem>>)
    %add3A_48 = arith.constant 62 : i32
    %add3A_49 = arith.addi %mul3A_32, %add3A_48 : i32
    %add3A_50 = arith.constant 0 : i32
    %add3A_51 = arith.addi %add3A_49, %add3A_50 : i32
    %mul3A_52 = arith.constant 1024 : i32
    %mul3A_53 = arith.muli %add3A_51, %mul3A_52 : i32
    %add3A_54 = arith.addi %mul3A_34, %mul3A_53 : i32
    "tpu.region"() ({
      %run_scoped3A = tpu.sem_alloc : memref<!tpu.dma_semaphore, #tpu.memory_space<semaphore_mem>>
      %dma_start3A = arith.constant 0 : i32
      %dma_start3A_79 = tpu.memref_slice %arg16[%dma_start3A] : memref<1536xf32, #tpu.memory_space<vmem>> -> memref<768xf32, #tpu.memory_space<vmem>>
      %dma_start3A_80 = tpu.memref_slice %arg4[%add3A_54] : memref<8388608xf32, #tpu.memory_space<hbm>> -> memref<768xf32, #tpu.memory_space<hbm>>
      %dma_start3A_81 = tpu.memref_slice %arg4[%add3A_54] : memref<8388608xf32, #tpu.memory_space<hbm>> -> memref<768xf32, #tpu.memory_space<hbm>>
      %dma_start3A_82 = arith.constant 0 : i32
      %dma_start3A_83 = tpu.memref_slice %arg16[%dma_start3A_82] : memref<1536xf32, #tpu.memory_space<vmem>> -> memref<768xf32, #tpu.memory_space<vmem>>
      tpu.enqueue_dma source(%dma_start3A_83 : memref<768xf32, #tpu.memory_space<vmem>>) target(%dma_start3A_81 : memref<768xf32, #tpu.memory_space<hbm>>) target_semaphore(%run_scoped3A : memref<!tpu.dma_semaphore, #tpu.memory_space<semaphore_mem>>)
      %dma_wait3A_84 = arith.constant 0 : i32
      %dma_wait3A_85 = tpu.memref_slice %arg16[%dma_wait3A_84] : memref<1536xf32, #tpu.memory_space<vmem>> -> memref<768xf32, #tpu.memory_space<vmem>>
      %dma_wait3A_86 = tpu.memref_slice %arg4[%add3A_54] : memref<8388608xf32, #tpu.memory_space<hbm>> -> memref<768xf32, #tpu.memory_space<hbm>>
      %dma_wait3A_87 = tpu.memref_slice %arg4[%add3A_54] : memref<8388608xf32, #tpu.memory_space<hbm>> -> memref<768xf32, #tpu.memory_space<hbm>>
      %dma_wait3A_88 = arith.constant 0 : i32
      %dma_wait3A_89 = tpu.memref_slice %arg16[%dma_wait3A_88] : memref<1536xf32, #tpu.memory_space<vmem>> -> memref<768xf32, #tpu.memory_space<vmem>>
      tpu.wait_dma2 semaphore(%run_scoped3A : memref<!tpu.dma_semaphore, #tpu.memory_space<semaphore_mem>>) src(%dma_wait3A_89 : memref<768xf32, #tpu.memory_space<vmem>>) dst(%dma_wait3A_87 : memref<768xf32, #tpu.memory_space<hbm>>)
      tpu.yield
    }) : () -> ()
    %add3A_55 = arith.constant 768 : i32
    %add3A_56 = arith.addi %add3A_54, %add3A_55 : i32
    "tpu.region"() ({
      %run_scoped3A = tpu.sem_alloc : memref<!tpu.dma_semaphore, #tpu.memory_space<semaphore_mem>>
      %dma_start3A = arith.constant 0 : i32
      %dma_start3A_79 = tpu.memref_slice %arg13[%dma_start3A] : memref<2560xf32, #tpu.memory_space<vmem>> -> memref<256xf32, #tpu.memory_space<vmem>>
      %dma_start3A_80 = tpu.memref_slice %arg4[%add3A_56] : memref<8388608xf32, #tpu.memory_space<hbm>> -> memref<256xf32, #tpu.memory_space<hbm>>
      %dma_start3A_81 = tpu.memref_slice %arg4[%add3A_56] : memref<8388608xf32, #tpu.memory_space<hbm>> -> memref<256xf32, #tpu.memory_space<hbm>>
      %dma_start3A_82 = arith.constant 0 : i32
      %dma_start3A_83 = tpu.memref_slice %arg13[%dma_start3A_82] : memref<2560xf32, #tpu.memory_space<vmem>> -> memref<256xf32, #tpu.memory_space<vmem>>
      tpu.enqueue_dma source(%dma_start3A_83 : memref<256xf32, #tpu.memory_space<vmem>>) target(%dma_start3A_81 : memref<256xf32, #tpu.memory_space<hbm>>) target_semaphore(%run_scoped3A : memref<!tpu.dma_semaphore, #tpu.memory_space<semaphore_mem>>)
      %dma_wait3A_84 = arith.constant 0 : i32
      %dma_wait3A_85 = tpu.memref_slice %arg13[%dma_wait3A_84] : memref<2560xf32, #tpu.memory_space<vmem>> -> memref<256xf32, #tpu.memory_space<vmem>>
      %dma_wait3A_86 = tpu.memref_slice %arg4[%add3A_56] : memref<8388608xf32, #tpu.memory_space<hbm>> -> memref<256xf32, #tpu.memory_space<hbm>>
      %dma_wait3A_87 = tpu.memref_slice %arg4[%add3A_56] : memref<8388608xf32, #tpu.memory_space<hbm>> -> memref<256xf32, #tpu.memory_space<hbm>>
      %dma_wait3A_88 = arith.constant 0 : i32
      %dma_wait3A_89 = tpu.memref_slice %arg13[%dma_wait3A_88] : memref<2560xf32, #tpu.memory_space<vmem>> -> memref<256xf32, #tpu.memory_space<vmem>>
      tpu.wait_dma2 semaphore(%run_scoped3A : memref<!tpu.dma_semaphore, #tpu.memory_space<semaphore_mem>>) src(%dma_wait3A_89 : memref<256xf32, #tpu.memory_space<vmem>>) dst(%dma_wait3A_87 : memref<256xf32, #tpu.memory_space<hbm>>)
      tpu.yield
    }) : () -> ()
    %add3A_57 = arith.constant 1 : i32
    %add3A_58 = arith.addi %add3A_49, %add3A_57 : i32
    %mul3A_59 = arith.constant 1024 : i32
    %mul3A_60 = arith.muli %add3A_58, %mul3A_59 : i32
    %add3A_61 = arith.addi %mul3A_34, %mul3A_60 : i32
    "tpu.region"() ({
      %run_scoped3A = tpu.sem_alloc : memref<!tpu.dma_semaphore, #tpu.memory_space<semaphore_mem>>
      %dma_start3A = arith.constant 768 : i32
      %dma_start3A_79 = tpu.memref_slice %arg16[%dma_start3A] : memref<1536xf32, #tpu.memory_space<vmem>> -> memref<768xf32, #tpu.memory_space<vmem>>
      %dma_start3A_80 = tpu.memref_slice %arg4[%add3A_61] : memref<8388608xf32, #tpu.memory_space<hbm>> -> memref<768xf32, #tpu.memory_space<hbm>>
      %dma_start3A_81 = tpu.memref_slice %arg4[%add3A_61] : memref<8388608xf32, #tpu.memory_space<hbm>> -> memref<768xf32, #tpu.memory_space<hbm>>
      %dma_start3A_82 = arith.constant 768 : i32
      %dma_start3A_83 = tpu.memref_slice %arg16[%dma_start3A_82] : memref<1536xf32, #tpu.memory_space<vmem>> -> memref<768xf32, #tpu.memory_space<vmem>>
      tpu.enqueue_dma source(%dma_start3A_83 : memref<768xf32, #tpu.memory_space<vmem>>) target(%dma_start3A_81 : memref<768xf32, #tpu.memory_space<hbm>>) target_semaphore(%run_scoped3A : memref<!tpu.dma_semaphore, #tpu.memory_space<semaphore_mem>>)
      %dma_wait3A_84 = arith.constant 768 : i32
      %dma_wait3A_85 = tpu.memref_slice %arg16[%dma_wait3A_84] : memref<1536xf32, #tpu.memory_space<vmem>> -> memref<768xf32, #tpu.memory_space<vmem>>
      %dma_wait3A_86 = tpu.memref_slice %arg4[%add3A_61] : memref<8388608xf32, #tpu.memory_space<hbm>> -> memref<768xf32, #tpu.memory_space<hbm>>
      %dma_wait3A_87 = tpu.memref_slice %arg4[%add3A_61] : memref<8388608xf32, #tpu.memory_space<hbm>> -> memref<768xf32, #tpu.memory_space<hbm>>
      %dma_wait3A_88 = arith.constant 768 : i32
      %dma_wait3A_89 = tpu.memref_slice %arg16[%dma_wait3A_88] : memref<1536xf32, #tpu.memory_space<vmem>> -> memref<768xf32, #tpu.memory_space<vmem>>
      tpu.wait_dma2 semaphore(%run_scoped3A : memref<!tpu.dma_semaphore, #tpu.memory_space<semaphore_mem>>) src(%dma_wait3A_89 : memref<768xf32, #tpu.memory_space<vmem>>) dst(%dma_wait3A_87 : memref<768xf32, #tpu.memory_space<hbm>>)
      tpu.yield
    }) : () -> ()
    %add3A_62 = arith.constant 768 : i32
    %add3A_63 = arith.addi %add3A_61, %add3A_62 : i32
    "tpu.region"() ({
      %run_scoped3A = tpu.sem_alloc : memref<!tpu.dma_semaphore, #tpu.memory_space<semaphore_mem>>
      %dma_start3A = arith.constant 256 : i32
      %dma_start3A_79 = tpu.memref_slice %arg13[%dma_start3A] : memref<2560xf32, #tpu.memory_space<vmem>> -> memref<256xf32, #tpu.memory_space<vmem>>
      %dma_start3A_80 = tpu.memref_slice %arg4[%add3A_63] : memref<8388608xf32, #tpu.memory_space<hbm>> -> memref<256xf32, #tpu.memory_space<hbm>>
      %dma_start3A_81 = tpu.memref_slice %arg4[%add3A_63] : memref<8388608xf32, #tpu.memory_space<hbm>> -> memref<256xf32, #tpu.memory_space<hbm>>
      %dma_start3A_82 = arith.constant 256 : i32
      %dma_start3A_83 = tpu.memref_slice %arg13[%dma_start3A_82] : memref<2560xf32, #tpu.memory_space<vmem>> -> memref<256xf32, #tpu.memory_space<vmem>>
      tpu.enqueue_dma source(%dma_start3A_83 : memref<256xf32, #tpu.memory_space<vmem>>) target(%dma_start3A_81 : memref<256xf32, #tpu.memory_space<hbm>>) target_semaphore(%run_scoped3A : memref<!tpu.dma_semaphore, #tpu.memory_space<semaphore_mem>>)
      %dma_wait3A_84 = arith.constant 256 : i32
      %dma_wait3A_85 = tpu.memref_slice %arg13[%dma_wait3A_84] : memref<2560xf32, #tpu.memory_space<vmem>> -> memref<256xf32, #tpu.memory_space<vmem>>
      %dma_wait3A_86 = tpu.memref_slice %arg4[%add3A_63] : memref<8388608xf32, #tpu.memory_space<hbm>> -> memref<256xf32, #tpu.memory_space<hbm>>
      %dma_wait3A_87 = tpu.memref_slice %arg4[%add3A_63] : memref<8388608xf32, #tpu.memory_space<hbm>> -> memref<256xf32, #tpu.memory_space<hbm>>
      %dma_wait3A_88 = arith.constant 256 : i32
      %dma_wait3A_89 = tpu.memref_slice %arg13[%dma_wait3A_88] : memref<2560xf32, #tpu.memory_space<vmem>> -> memref<256xf32, #tpu.memory_space<vmem>>
      tpu.wait_dma2 semaphore(%run_scoped3A : memref<!tpu.dma_semaphore, #tpu.memory_space<semaphore_mem>>) src(%dma_wait3A_89 : memref<256xf32, #tpu.memory_space<vmem>>) dst(%dma_wait3A_87 : memref<256xf32, #tpu.memory_space<hbm>>)
      tpu.yield
    }) : () -> ()
    %add3A_64 = arith.constant 524288 : i32
    %add3A_65 = arith.addi %mul3A_34, %add3A_64 : i32
    %mul3A_66 = arith.constant 1024 : i32
    %mul3A_67 = arith.muli %add3A_49, %mul3A_66 : i32
    %add3A_68 = arith.addi %add3A_65, %mul3A_67 : i32
    "tpu.region"() ({
      %run_scoped3A = tpu.sem_alloc : memref<!tpu.dma_semaphore, #tpu.memory_space<semaphore_mem>>
      %dma_start3A = arith.constant 512 : i32
      %dma_start3A_79 = tpu.memref_slice %arg13[%dma_start3A] : memref<2560xf32, #tpu.memory_space<vmem>> -> memref<2048xf32, #tpu.memory_space<vmem>>
      %dma_start3A_80 = tpu.memref_slice %arg4[%add3A_68] : memref<8388608xf32, #tpu.memory_space<hbm>> -> memref<2048xf32, #tpu.memory_space<hbm>>
      %dma_start3A_81 = tpu.memref_slice %arg4[%add3A_68] : memref<8388608xf32, #tpu.memory_space<hbm>> -> memref<2048xf32, #tpu.memory_space<hbm>>
      %dma_start3A_82 = arith.constant 512 : i32
      %dma_start3A_83 = tpu.memref_slice %arg13[%dma_start3A_82] : memref<2560xf32, #tpu.memory_space<vmem>> -> memref<2048xf32, #tpu.memory_space<vmem>>
      tpu.enqueue_dma source(%dma_start3A_83 : memref<2048xf32, #tpu.memory_space<vmem>>) target(%dma_start3A_81 : memref<2048xf32, #tpu.memory_space<hbm>>) target_semaphore(%run_scoped3A : memref<!tpu.dma_semaphore, #tpu.memory_space<semaphore_mem>>)
      %dma_wait3A_84 = arith.constant 512 : i32
      %dma_wait3A_85 = tpu.memref_slice %arg13[%dma_wait3A_84] : memref<2560xf32, #tpu.memory_space<vmem>> -> memref<2048xf32, #tpu.memory_space<vmem>>
      %dma_wait3A_86 = tpu.memref_slice %arg4[%add3A_68] : memref<8388608xf32, #tpu.memory_space<hbm>> -> memref<2048xf32, #tpu.memory_space<hbm>>
      %dma_wait3A_87 = tpu.memref_slice %arg4[%add3A_68] : memref<8388608xf32, #tpu.memory_space<hbm>> -> memref<2048xf32, #tpu.memory_space<hbm>>
      %dma_wait3A_88 = arith.constant 512 : i32
      %dma_wait3A_89 = tpu.memref_slice %arg13[%dma_wait3A_88] : memref<2560xf32, #tpu.memory_space<vmem>> -> memref<2048xf32, #tpu.memory_space<vmem>>
      tpu.wait_dma2 semaphore(%run_scoped3A : memref<!tpu.dma_semaphore, #tpu.memory_space<semaphore_mem>>) src(%dma_wait3A_89 : memref<2048xf32, #tpu.memory_space<vmem>>) dst(%dma_wait3A_87 : memref<2048xf32, #tpu.memory_space<hbm>>)
      tpu.yield
    }) : () -> ()
    %add3A_69 = arith.constant 1048576 : i32
    %add3A_70 = arith.addi %mul3A_34, %add3A_69 : i32
    %mul3A_71 = arith.constant 1024 : i32
    %mul3A_72 = arith.muli %add3A_49, %mul3A_71 : i32
    %add3A_73 = arith.addi %add3A_70, %mul3A_72 : i32
    "tpu.region"() ({
      %run_scoped3A = tpu.sem_alloc : memref<!tpu.dma_semaphore, #tpu.memory_space<semaphore_mem>>
      %dma_start3A = arith.constant 0 : i32
      %dma_start3A_79 = tpu.memref_slice %arg14[%dma_start3A] : memref<4096xf32, #tpu.memory_space<vmem>> -> memref<2048xf32, #tpu.memory_space<vmem>>
      %dma_start3A_80 = tpu.memref_slice %arg4[%add3A_73] : memref<8388608xf32, #tpu.memory_space<hbm>> -> memref<2048xf32, #tpu.memory_space<hbm>>
      %dma_start3A_81 = tpu.memref_slice %arg4[%add3A_73] : memref<8388608xf32, #tpu.memory_space<hbm>> -> memref<2048xf32, #tpu.memory_space<hbm>>
      %dma_start3A_82 = arith.constant 0 : i32
      %dma_start3A_83 = tpu.memref_slice %arg14[%dma_start3A_82] : memref<4096xf32, #tpu.memory_space<vmem>> -> memref<2048xf32, #tpu.memory_space<vmem>>
      tpu.enqueue_dma source(%dma_start3A_83 : memref<2048xf32, #tpu.memory_space<vmem>>) target(%dma_start3A_81 : memref<2048xf32, #tpu.memory_space<hbm>>) target_semaphore(%run_scoped3A : memref<!tpu.dma_semaphore, #tpu.memory_space<semaphore_mem>>)
      %dma_wait3A_84 = arith.constant 0 : i32
      %dma_wait3A_85 = tpu.memref_slice %arg14[%dma_wait3A_84] : memref<4096xf32, #tpu.memory_space<vmem>> -> memref<2048xf32, #tpu.memory_space<vmem>>
      %dma_wait3A_86 = tpu.memref_slice %arg4[%add3A_73] : memref<8388608xf32, #tpu.memory_space<hbm>> -> memref<2048xf32, #tpu.memory_space<hbm>>
      %dma_wait3A_87 = tpu.memref_slice %arg4[%add3A_73] : memref<8388608xf32, #tpu.memory_space<hbm>> -> memref<2048xf32, #tpu.memory_space<hbm>>
      %dma_wait3A_88 = arith.constant 0 : i32
      %dma_wait3A_89 = tpu.memref_slice %arg14[%dma_wait3A_88] : memref<4096xf32, #tpu.memory_space<vmem>> -> memref<2048xf32, #tpu.memory_space<vmem>>
      tpu.wait_dma2 semaphore(%run_scoped3A : memref<!tpu.dma_semaphore, #tpu.memory_space<semaphore_mem>>) src(%dma_wait3A_89 : memref<2048xf32, #tpu.memory_space<vmem>>) dst(%dma_wait3A_87 : memref<2048xf32, #tpu.memory_space<hbm>>)
      tpu.yield
    }) : () -> ()
    %add3A_74 = arith.constant 1572864 : i32
    %add3A_75 = arith.addi %mul3A_34, %add3A_74 : i32
    %mul3A_76 = arith.constant 1024 : i32
    %mul3A_77 = arith.muli %add3A_49, %mul3A_76 : i32
    %add3A_78 = arith.addi %add3A_75, %mul3A_77 : i32
    "tpu.region"() ({
      %run_scoped3A = tpu.sem_alloc : memref<!tpu.dma_semaphore, #tpu.memory_space<semaphore_mem>>
      %dma_start3A = arith.constant 2048 : i32
      %dma_start3A_79 = tpu.memref_slice %arg14[%dma_start3A] : memref<4096xf32, #tpu.memory_space<vmem>> -> memref<2048xf32, #tpu.memory_space<vmem>>
      %dma_start3A_80 = tpu.memref_slice %arg4[%add3A_78] : memref<8388608xf32, #tpu.memory_space<hbm>> -> memref<2048xf32, #tpu.memory_space<hbm>>
      %dma_start3A_81 = tpu.memref_slice %arg4[%add3A_78] : memref<8388608xf32, #tpu.memory_space<hbm>> -> memref<2048xf32, #tpu.memory_space<hbm>>
      %dma_start3A_82 = arith.constant 2048 : i32
      %dma_start3A_83 = tpu.memref_slice %arg14[%dma_start3A_82] : memref<4096xf32, #tpu.memory_space<vmem>> -> memref<2048xf32, #tpu.memory_space<vmem>>
      tpu.enqueue_dma source(%dma_start3A_83 : memref<2048xf32, #tpu.memory_space<vmem>>) target(%dma_start3A_81 : memref<2048xf32, #tpu.memory_space<hbm>>) target_semaphore(%run_scoped3A : memref<!tpu.dma_semaphore, #tpu.memory_space<semaphore_mem>>)
      %dma_wait3A_84 = arith.constant 2048 : i32
      %dma_wait3A_85 = tpu.memref_slice %arg14[%dma_wait3A_84] : memref<4096xf32, #tpu.memory_space<vmem>> -> memref<2048xf32, #tpu.memory_space<vmem>>
      %dma_wait3A_86 = tpu.memref_slice %arg4[%add3A_78] : memref<8388608xf32, #tpu.memory_space<hbm>> -> memref<2048xf32, #tpu.memory_space<hbm>>
      %dma_wait3A_87 = tpu.memref_slice %arg4[%add3A_78] : memref<8388608xf32, #tpu.memory_space<hbm>> -> memref<2048xf32, #tpu.memory_space<hbm>>
      %dma_wait3A_88 = arith.constant 2048 : i32
      %dma_wait3A_89 = tpu.memref_slice %arg14[%dma_wait3A_88] : memref<4096xf32, #tpu.memory_space<vmem>> -> memref<2048xf32, #tpu.memory_space<vmem>>
      tpu.wait_dma2 semaphore(%run_scoped3A : memref<!tpu.dma_semaphore, #tpu.memory_space<semaphore_mem>>) src(%dma_wait3A_89 : memref<2048xf32, #tpu.memory_space<vmem>>) dst(%dma_wait3A_87 : memref<2048xf32, #tpu.memory_space<hbm>>)
      tpu.yield
    }) : () -> ()
    return
  }
}

</mosaic_0001>

<sc_bundles>
// kernel: kernel.3.cloned.1.call-start
scs
__scs_entry_jumppad:
0x0: {  	(pc) =	sbr.rel $0x88, $3  }
0x1: {  	(tag) =	ssettag $0x0;
	lr =	simm.s32 $0x1  }
0x2: {  	[smem:$0x3F9F] =	sst lr;
	_ =	strace $0xD0000000  }
0x3: {  	_ = 	snop  }
0x4: {  	_ = 	snop  }
0x5: {  	_ = 	snop  }
0x6: {  	_ = 	snop  }
0x7: {  	_ = 	snop  }
__scs_overlays_trampoline_lowered:
0x8: {  	[smem:$0x3FAE] =	sst s0  }
0x9: {  	[smem:$0x3FAF] =	sst s1  }
0xa: {  	[smem:$0x3FB0] =	sst s2  }
0xb: {  	[smem:$0x3FB1] =	sst s3  }
0xc: {  	[smem:$0x3FB2] =	sst s4  }
0xd: {  	[smem:$0x3FB3] =	sst s5  }
0xe: {  	[smem:$0x3FB4] =	sst s6  }
0xf: {  	[smem:$0x3FB5] =	sst s7  }
0x10: {  	[smem:$0x3FB6] =	sst s8  }
0x11: {  	[smem:$0x3FB7] =	sst s9;
	s0 =	simm.s32 @!p0 $0x0  }
0x12: {  	s1 =	sld [smem:$0x3F9D];
	s0 =	simm.s32 @p0 $0x1  }
0x13: {  	[smem:$0x3FB8] =	sst s0;
	s0 =	simm.s32 @!p1 $0x0  }
0x14: {  	s2 =	sld [smem:$0x3F9C];
	s0 =	simm.s32 @p1 $0x1  }
0x15: {  	[smem:$0x3FB9] =	sst s0;
	s0 =	simm.s32 @!p2 $0x0  }
0x16: {  	s3 =	sld [smem:$0x3FDB];
	s0 =	simm.s32 @p2 $0x1  }
0x17: {  	s4 =	simm.s32 $0x1BF5;
	[smem:$0x3FBB] =	sst s0  }
0x18: {  	s0 =	sld [smem:$0x3F9E];
	_ =	swait.ge [sflag:s4], $0x0  }
0x19: {  	s7 =	sld [smem:$0x3F9F]  }
0x1a: {  	s8 =	sadd.s32 $0xFFFFE003, lr  }
0x1b: {  	s9 =	sadd.s32 $0xFFFFFEF7, lr;
	s5 =	simm.s32 $0xFFFFFFFF;
	p2 =	slt.u32 s8, $0xFFFFF086  }
0x1c: {  	p1 =	slt.u32 s9, $0xF7A;
	s5 =	simm.s32 @!p2 $0x0  }
0x1d: {  	s5 =	simm.s32 @p1 $0x1;
	p0 =	seq.s32 s7, s2  }
0x1e: {  	s7 =	smul.u32 @!p0 $0xF7A, s2;
	p2 =	seq.s32 @!p0 s5, $0x0  }
0x1f: {  	s9 =	smul.u32 $0xF7A, s1;
	s8 =	simm.s32 @!p0 $0x1BF5;
	p2 =	por !p2, p0  }
0x20: {  	[sflag:s8] =	ssyncset.s32 @!p0 $0xFFFFF086;
	s6 =	sadd.s32 @!p0 s3, s7;
	s7 =	simm.s32 @!p0 $0x108  }
0x21: {  	s3 =	sadd.s32 s3, s9;
	s6 =	sadd.s32 @!p0 $0x88, s6;
	s7 =	simm.s32 @p2 $0x1082  }
0x22: {  	[simem:s7], [sflag:s8] =	dma.local @!p0 [hbm:s6], $0xF7A  }
0x23: {  	s9 =	sor.u32 $0xD0000000, s2;
	s6 =	simm.s32 $0x108;
	_ =	swait.ge @!p0 [sflag:s8], $0x0  }
0x24: {  	s3 =	sadd.s32 $0x88, s3;
	s6 =	simm.s32 @!p1 $0x1082;
	[sflag:s4] =	ssyncset.s32 $0xFFFFF086  }
0x25: {  	[simem:s6], [sflag:s4] =	dma.local [hbm:s3], $0xF7A  }
0x26: {  	[smem:$0x3F9F] =	sst s1;
	(tag) =	ssettag s2;
	_ =	strace s9  }
0x27: {  	s1 =	sld [smem:$0x3FAF]  }
0x28: {  	s2 =	sld [smem:$0x3FB0]  }
0x29: {  	s4 =	sld [smem:$0x3FB2]  }
0x2a: {  	p0 =	seq.s32 s5, $0x0;
	s5 =	sld [smem:$0x3FB3]  }
0x2b: {  	s6 =	sld [smem:$0x3FB4]  }
0x2c: {  	s7 =	sld [smem:$0x3FB5]  }
0x2d: {  	s3 =	simm.s32 $0x108;
	s8 =	sld [smem:$0x3FB6]  }
0x2e: {  	s3 =	simm.s32 @!p0 $0x1082;
	s9 =	sld [smem:$0x3FB7]  }
0x2f: {  	lr =	sadd.s32 s0, s3;
	s0 =	sld [smem:$0x3FAE]  }
0x30: {  	s3 =	sld [smem:$0x3FB1]  }
0x31: {  	[smem:$0x3FBA] =	sst s10  }
0x32: {  	s10 =	sld [smem:$0x3FB8];
	_ =	sdelay $0x3  }
0x33: {  	p0 =	seq.s32 s10, $0x1;
	s10 =	sld [smem:$0x3FBA];
	_ =	sdelay $0x3  }
0x34: {  	[smem:$0x3FBA] =	sst s10  }
0x35: {  	s10 =	sld [smem:$0x3FB9];
	_ =	sdelay $0x3  }
0x36: {  	p1 =	seq.s32 s10, $0x1;
	s10 =	sld [smem:$0x3FBA];
	_ =	sdelay $0x3  }
0x37: {  	[smem:$0x3FBA] =	sst s10  }
0x38: {  	s10 =	sld [smem:$0x3FBB]  }
0x39: {  	_ = 	snop;
	(pc) =	sbr.ind lr, $3  }
0x3a: {  	_ = 	snop  }
0x3b: {  	_ = 	snop  }
0x3c: {  	p2 =	seq.s32 s10, $0x1;
	s10 =	sld [smem:$0x3FBA]  }
0x3d: {  	_ =	shalt  }
0x3e: {  	_ =	shalt  }
0x3f: {  	_ =	shalt  }
0x40: {  	_ =	shalt  }
0x41: {  	_ =	shalt  }
0x42: {  	_ =	shalt  }
0x43: {  	_ =	shalt  }
0x44: {  	_ =	shalt  }
0x45: {  	_ =	shalt  }
0x46: {  	_ =	shalt  }
0x47: {  	_ =	shalt  }
0x48: {  	_ =	shalt  }
0x49: {  	_ =	shalt  }
0x4a: {  	_ =	shalt  }
0x4b: {  	_ =	shalt  }
0x4c: {  	_ =	shalt  }
0x4d: {  	_ =	shalt  }
0x4e: {  	_ =	shalt  }
0x4f: {  	_ =	shalt  }
0x50: {  	_ =	shalt  }
0x51: {  	_ =	shalt  }
0x52: {  	_ =	shalt  }
0x53: {  	_ =	shalt  }
0x54: {  	_ =	shalt  }
0x55: {  	_ =	shalt  }
0x56: {  	_ =	shalt  }
0x57: {  	_ =	shalt  }
0x58: {  	_ =	shalt  }
0x59: {  	_ =	shalt  }
0x5a: {  	_ =	shalt  }
0x5b: {  	_ =	shalt  }
0x5c: {  	_ =	shalt  }
0x5d: {  	_ =	shalt  }
0x5e: {  	_ =	shalt  }
0x5f: {  	_ =	shalt  }
0x60: {  	_ =	shalt  }
0x61: {  	_ =	shalt  }
0x62: {  	_ =	shalt  }
0x63: {  	_ =	shalt  }
0x64: {  	_ =	shalt  }
0x65: {  	_ =	shalt  }
0x66: {  	_ =	shalt  }
0x67: {  	_ =	shalt  }
0x68: {  	_ =	shalt  }
0x69: {  	_ =	shalt  }
0x6a: {  	_ =	shalt  }
0x6b: {  	_ =	shalt  }
0x6c: {  	_ =	shalt  }
0x6d: {  	_ =	shalt  }
0x6e: {  	_ =	shalt  }
0x6f: {  	_ =	shalt  }
0x70: {  	_ =	shalt  }
0x71: {  	_ =	shalt  }
0x72: {  	_ =	shalt  }
0x73: {  	_ =	shalt  }
0x74: {  	_ =	shalt  }
0x75: {  	_ =	shalt  }
0x76: {  	_ =	shalt  }
0x77: {  	_ =	shalt  }
0x78: {  	_ =	shalt  }
0x79: {  	_ =	shalt  }
0x7a: {  	_ =	shalt  }
0x7b: {  	_ =	shalt  }
0x7c: {  	_ =	shalt  }
0x7d: {  	_ =	shalt  }
0x7e: {  	_ =	shalt  }
0x7f: {  	_ =	shalt  }
0x80: {  	_ =	shalt  }
0x81: {  	_ =	shalt  }
0x82: {  	_ =	shalt  }
0x83: {  	_ =	shalt  }
0x84: {  	_ =	shalt  }
0x85: {  	_ =	shalt  }
0x86: {  	_ =	shalt  }
0x87: {  	_ =	shalt  }
.Lfunc_end0:
.L_simem_size_0:
called_computation_lowered:
.L_overlay_start_0:
0x88: {  	s2 =	sld [smem:$0x3FD9]  }
0x89: {  	s3 =	sld [smem:$0x3FFE];
	_ =	sdelay $0x1  }
0x8a: {  	s1 =	srdreg.scid  }
0x8b: {  	s0 =	sand.u32 $0x1, s1  }
0x8c: {  	s18 =	sshll.u32 s0, $0xA;
	s2 =	sadd.s32 s3, s2  }
0x8d: {  	s2 =	sadd.s32 s2, s18  }
0x8e: {  	[smem:$0x3FC6] =	sst s2  }
0x8f: {  	_ = 	snop  }
0x90: {  	s2 =	sld [smem:$0x3FC9]  }
0x91: {  	s19 =	sld [smem:$0x3FC8]  }
0x92: {  	s4 =	sld [smem:$0x3FD0];
	(tm) =	ssettm $0x1  }
0x93: {  	s5 =	sld [smem:$0x3FFB];
	_ =	sdelay $0x3  }
0x94: {  	_ =	strace s5  }
0x95: {  	s5 =	sld [smem:$0x3FFC];
	_ =	sdelay $0x3  }
0x96: {  	_ =	strace s5  }
0x97: {  	s5 =	sld [smem:$0x3FFD];
	_ =	sdelay $0x3  }
0x98: {  	_ =	strace s5  }
0x99: {  	_ =	strace $0x8FFFFFFF  }
0x9a: {  	s20 =	sld [smem:$0x3FDB];
	_ =	sdelay $0x1  }
0x9b: {  	s6 =	simm.s32 $_scs_section_size  }
0x9c: {  	s7 =	simm.s32 $_size__tile_overlayer_lowered;
	s8 =	simm.s32 $_tile_overlayer_lowered  }
0x9d: {  	s23 =	simm.s32 $0x1BFF;
	s22 =	sshll.u32 s8, $0x1;
	s5 =	sadd.s32 s6, s20  }
0x9e: {  	s9 =	simm.s32 $0x0;
	s21 =	sshll.u32 s7, $0x1;
	s7 =	sadd.s32 s22, s5  }
0x9f: {  	[timem:s9], [sflag:s23] =	dma.local [hbm:s7], s21  }
0xa0: {  	_ =	swait.ge [sflag:s23], s21  }
0xa1: {  	s6 =	ssub.s32 $0x0, s21;
	[sflag:s23] =	ssyncset.done $0x0  }
0xa2: {  	[sflag:s23] =	ssyncadd.s32 s6;
	_ =	sdelay $0x1  }
0xa3: {  	s24 =	simm.s32 $0x1B8B  }
0xa4: {  	_ =	swait.ge [sflag:s24], $0x1  }
0xa5: {  	[sflag:s24] =	ssyncset.done $0x0  }
0xa6: {  	s25 =	simm.s32 $0x1B8E;
	[sflag:s24] =	ssyncadd.s32 $0xFFFFFFFF  }
0xa7: {  	s26 =	simm.s32 $execute0_lowered;
	[smem:$0x3FD2] =	sst s25  }
0xa8: {  	s6 =	sshll.u32 s26, $0x1;
	_ =	strace $0x80000046;
	[dreg:$0x1] =	wrdreg $0xFFFFFFFF  }
0xa9: {  	s28 =	simm.s32 $_size_execute0_lowered;
	s5 =	sadd.s32 s5, s6;
	[dreg:$0x0] =	wrdreg $0x0  }
0xaa: {  	s6 =	sshll.u32 s28, $0x1;
	[dreg:$0x2] =	wrdreg s5  }
0xab: {  	[dreg:$0x3] =	wrdreg s6  }
0xac: {  	[dreg:$0x4] =	wrdreg $0xC0  }
0xad: {  	_ =	task [dreg:s9], $0x5FFFF  }
0xae: {  	[dreg:$0x1] =	wrdreg $0xFFFFFFFF  }
0xaf: {  	[dreg:$0x0] =	wrdreg $0x60  }
0xb0: {  	[dreg:$0x2] =	wrdreg s2  }
0xb1: {  	[dreg:$0x3] =	wrdreg s19  }
0xb2: {  	[dreg:$0x4] =	wrdreg s4  }
0xb3: {  	[dreg:$0x5] =	wrdreg $0x9  }
0xb4: {  	_ =	task.clear_ibuf [dreg:s9], $0x6FFFF;
	_ =	strace $0x90000046  }
0xb5: {  	s29 =	simm.s32 $0x9;
	_ =	strace $0x80000048  }
0xb6: {  	_ =	swait.ge [sflag:s29], $0x1  }
0xb7: {  	[sflag:s29] =	ssyncadd.s32 $0xFFFFFFFF  }
0xb8: {  	_ =	strace $0x90000048  }
0xb9: {  	_ =	sfence  }
0xba: {  	s30 =	sld [smem:$0x0];
	_ =	sdelay $0x2  }
0xbb: {  	s31 =	sshll.u32 s1, $0xD;
	s1 =	sshrl.u32 s1, $0x2  }
0xbc: {  	s3 =	sand.u32 $0x4000, s31;
	s1 =	sadd.s32 s1, s30  }
0xbd: {  	s0 =	sor.u32 s3, s0;
	s1 =	sshll.u32 s1, $0x11  }
0xbe: {  	s0 =	sor.u32 s1, s0  }
0xbf: {  	s0 =	sadd.s32 $0x8F2B, s0  }
0xc0: {  	[sflag:s0] =	ssyncadd.remote.s32 $0x1  }
0xc1: {  	_ =	sfence.sel $0xFFFF  }
0xc2: {  	[dreg:$0x0] =	wrdreg $0xFFFFFFFF;
	(pc) =	sbr.abs _section_cstart, $3  }
0xc3: {  	[dreg:$0x1] =	wrdreg $0xFFFFFFFF  }
0xc4: {  	_ =	task.clear_ibuf [dreg:s9], $0x2FFFF;
	_ =	strace $0x9FFFFFFF  }
0xc5: {  	(tm) =	ssettm $0x7FFFFFFF  }
tec
execute0_lowered:
.L_overlay_start_1:
0x0: {  	(tag) =	ssettag $0x1  }
0x1: {  	s1 =	rddreg [dreg:$0x0]  }
0x2: {  	s2 =	rddreg [dreg:$0x1]  }
0x3: {  	s4 =	rddreg [dreg:$0x2]  }
0x4: {  	s5 =	simm.s32 $0x0;
	s0 =	srdreg.scid;
	s8 =	stileid.u32  }
0x5: {  	s28 =	simm.s32 $0x5;
	s29 =	simm.s32 $0x9A00;
	s30 =	simm.s32 $0xEE00  }
0x6: {  	s31 =	simm.s32 $0x80;
	[smem:$0x7FF] =	sst s5;
	s0 =	sand.u32 $0x1, s0  }
0x7: {  	s3 =	sshll.u32 s8, $0x1;
	s8 =	sshrl.u32 s8, $0x2;
	s9 =	sadd.s32 $0x20000, s2  }
0x8: {  	s14 =	sadd.s32 $0x40000, s2;
	s10 =	sadd.s32 $0x8000, s1;
	s11 =	sadd.s32 $0x10000, s1  }
0x9: {  	s12 =	sadd.s32 $0x60, s4;
	_ =	strace $0x80000047;
	[dreg:$0x4] =	wrdreg s9  }
0xa: {  	s6 =	ssub.s32 $0x2, s0;
	s3 =	sand.u32 $0x6, s3;
	[dreg:$0x5] =	wrdreg s14  }
0xb: {  	s7 =	sshrl.u32 s6, $0x1;
	s0 =	sor.u32 s0, s3;
	s3 =	simm.s32 $0x6  }
0xc: {  	s26 =	ssub.s32 s6, s7;
	s13 =	sshll.u32 s0, $0x10;
	s6 =	sshll.u32 s8, $0x15  }
0xd: {  	s0 =	sshll.u32 s0, $0xC;
	s8 =	sshll.u32 s8, $0x4;
	s16 =	sor.u32 $0x400, s6  }
0xe: {  	s9 =	sor.u32 s8, s0;
	s17 =	sor.u32 $0x80000, s6;
	[dreg:$0x6] =	wrdreg s16  }
0xf: {  	s15 =	sor.u32 s13, s6;
	s18 =	sor.u32 $0x100000, s6;
	[dreg:$0x7] =	wrdreg s17  }
0x10: {  	s13 =	sadd.s32 $0xFFFFF800, s13;
	s20 =	sor.u32 $0x180000, s6;
	[dreg:$0x8] =	wrdreg s18  }
0x11: {  	s26 =	smax.u32 s26, $0x1;
	s0 =	sshrl.u32 s15, $0x3;
	[dreg:$0x9] =	wrdreg s20  }
0x12: {  	s8 =	simm.s32 $0xA00;
	[dreg:$0x11] =	wrdreg s26;
	s19 =	sor.u32 $0x1F00, s0  }
0x13: {  	s26 =	simm.s32 $0x7A00;
	s0 =	sor.u32 $0x1F80, s0;
	s7 =	sadd.s32 s19, s12  }
0x14: {  	s20 =	simm.s32 $0x3A00;
	s22 =	sadd.s32 s4, s0;
	[dreg:$0xb] =	wrdreg s7  }
0x15: {  	s15 =	simm.s32 $0x0;
	s0 =	sadd.s32 s0, s12;
	[dreg:$0xc] =	wrdreg s22  }
0x16: {  	s21 =	sadd.s32 s4, s19;
	s19 =	simm.s32 $0x1;
	[dreg:$0xd] =	wrdreg s0  }
.Ltmp0:
0x17: {  	s23 =	sadd.s32 $0x10000, s21;
	[dreg:$0xa] =	wrdreg s21;
	(pc) =	sbr.rel .LBB2_1-.Ltmp0, $4  }
0x18: {  	s24 =	sadd.s32 $0x20000, s21;
	s25 =	sadd.s32 $0x30000, s21;
	[dreg:$0xe] =	wrdreg s23  }
0x19: {  	s0 =	simm.s32 $0x200;
	s21 =	simm.s32 $0x1000;
	[dreg:$0xf] =	wrdreg s24  }
0x1a: {  	s22 =	simm.s32 $0x4400;
	s7 =	simm.s32 $0x2;
	[dreg:$0x10] =	wrdreg s25  }
0x1b: {  	s23 =	simm.s32 $0x3;
	s24 =	simm.s32 $0x4;
	s25 =	simm.s32 $0x5E00  }
.LBB2_14:
0x1c: {  	_ =	swait.ge [sflag:s23], $0xA00  }
0x1d: {  	[sflag:s23] =	ssyncset.done $0x0  }
0x1e: {  	[sflag:s23] =	ssyncadd.s32 $0xFFFFF600  }
0x1f: {  	_ =	swait.ge [sflag:s24], $0x1000  }
0x20: {  	[sflag:s24] =	ssyncset.done $0x0  }
0x21: {  	s15 =	simm.s32 $0x7400;
	s14 =	rddreg [dreg:$0xa];
	[sflag:s24] =	ssyncadd.s32 $0xFFFFF000  }
0x22: {  	[hbm4b:s14+s5] =	stream.linear.scatter [tilespmem:s15], [sflag:$0x5], $0x300, $0x38;
	[tilespmem:$0x1C100] =	vst v63  }
0x23: {  	_ =	swait.ge [sflag:s28], $0x300  }
0x24: {  	[sflag:s28] =	ssyncset.done $0x0  }
0x25: {  	s18 =	simm.s32 $0x5400;
	s17 =	rddreg [dreg:$0xb];
	[sflag:s28] =	ssyncadd.s32 $0xFFFFFD00  }
0x26: {  	[hbm4b:s17+s5] =	stream.linear.scatter [tilespmem:s18], [sflag:$0x5], $0x100, $0x38;
	[tilespmem:$0x1C100] =	vst v63  }
0x27: {  	_ =	swait.ge [sflag:s28], $0x100  }
0x28: {  	[sflag:s28] =	ssyncset.done $0x0  }
0x29: {  	s16 =	simm.s32 $0x7700;
	s15 =	rddreg [dreg:$0xc];
	[sflag:s28] =	ssyncadd.s32 $0xFFFFFF00  }
0x2a: {  	[hbm4b:s15+s5] =	stream.linear.scatter [tilespmem:s16], [sflag:$0x5], $0x300, $0x38;
	[tilespmem:$0x1C100] =	vst v63  }
0x2b: {  	_ =	swait.ge [sflag:s28], $0x300  }
0x2c: {  	[sflag:s28] =	ssyncset.done $0x0  }
0x2d: {  	s18 =	simm.s32 $0x5500;
	s17 =	rddreg [dreg:$0xd];
	[sflag:s28] =	ssyncadd.s32 $0xFFFFFD00  }
0x2e: {  	[hbm4b:s17+s5] =	stream.linear.scatter [tilespmem:s18], [sflag:$0x5], $0x100, $0x38;
	[tilespmem:$0x1C100] =	vst v63  }
0x2f: {  	_ =	swait.ge [sflag:s28], $0x100  }
0x30: {  	[sflag:s28] =	ssyncset.done $0x0  }
0x31: {  	s17 =	simm.s32 $0x5600;
	s16 =	rddreg [dreg:$0xe];
	[sflag:s28] =	ssyncadd.s32 $0xFFFFFF00  }
0x32: {  	[hbm4b:s16+s5] =	stream.linear.scatter [tilespmem:s17], [sflag:$0x5], $0x800, $0x38;
	[tilespmem:$0x1C100] =	vst v63  }
0x33: {  	_ =	swait.ge [sflag:s28], $0x800  }
0x34: {  	[sflag:s28] =	ssyncset.done $0x0  }
0x35: {  	s18 =	rddreg [dreg:$0xf];
	[sflag:s28] =	ssyncadd.s32 $0xFFFFF800  }
0x36: {  	[hbm4b:s18+s5] =	stream.linear.scatter [tilespmem:s25], [sflag:$0x5], $0x800, $0x38;
	[tilespmem:$0x1C100] =	vst v63  }
0x37: {  	_ =	swait.ge [sflag:s28], $0x800  }
0x38: {  	[sflag:s28] =	ssyncset.done $0x0  }
0x39: {  	s16 =	simm.s32 $0x6600;
	s15 =	rddreg [dreg:$0x10];
	[sflag:s28] =	ssyncadd.s32 $0xFFFFF800  }
0x3a: {  	[hbm4b:s15+s5] =	stream.linear.scatter [tilespmem:s16], [sflag:$0x5], $0x800, $0x38;
	[tilespmem:$0x1C100] =	vst v63  }
0x3b: {  	_ =	swait.ge [sflag:s28], $0x800  }
0x3c: {  	s17 =	rddreg [dreg:$0x12]  }
0x3d: {  	s18 =	rddreg [dreg:$0x11];
	s15 =	sadd.s32 $0x1, s17  }
0x3e: {  	p0 =	sne.s32 s15, s18  }
.Ltmp1:
0x3f: {  	_ = 	snop;
	(pc) =	sbr.rel @!p0 .LBB2_15-.Ltmp1, $3  }
0x40: {  	_ =	sdelay $0x1  }
0x41: {  	[sflag:s28] =	ssyncset.done $0x0  }
0x42: {  	[sflag:s28] =	ssyncadd.s32 $0xFFFFF800  }
.LBB2_1:
0x43: {  	[dreg:$0x12] =	wrdreg s15  }
0x44: {  	[tilespmem:s26], [sflag:$0x5] =	stream.linear.gather [hbm4b:s2+s5], $0x2000, $0x38;
	[tilespmem:$0x1C100] =	vst v63  }
0x45: {  	_ =	swait.ge [sflag:s28], $0x2000  }
0x46: {  	[sflag:s28] =	ssyncset.done $0x0  }
0x47: {  	s14 =	rddreg [dreg:$0x4];
	[sflag:s28] =	ssyncadd.s32 $0xFFFFE000  }
0x48: {  	[tilespmem:s29], [sflag:$0x5] =	stream.linear.gather [hbm4b:s14+s5], $0x5400, $0x38;
	[tilespmem:$0x1C100] =	vst v63  }
0x49: {  	_ =	swait.ge [sflag:s28], $0x5400  }
0x4a: {  	[sflag:s28] =	ssyncset.done $0x0  }
.Ltmp2:
0x4b: {  	s18 =	rddreg [dreg:$0x5];
	[sflag:s28] =	ssyncadd.s32 $0xFFFFAC00;
	(pc) =	sbr.rel .LBB2_2-.Ltmp2, $4  }
0x4c: {  	[tilespmem:s30], [sflag:$0x5] =	stream.linear.gather [hbm4b:s18+s5], $0xD300, $0x38;
	[tilespmem:$0x1C100] =	vst v63  }
0x4d: {  	_ =	swait.ge [sflag:s28], $0xD300  }
0x4e: {  	[sflag:s28] =	ssyncset.done $0x0  }
0x4f: {  	s14 =	simm.s32 $0x0;
	[sflag:s28] =	ssyncadd.s32 $0xFFFF2D00  }
.LBB2_11:
0x50: {  	s15 =	simm.s32 $0x5400;
	s16 =	simm.s32 $0x2000  }
0x51: {  	[tilespmem:s15], [sflag:$0x3] =	stream.indirect.gather [hbm4b:s2+s8], $0x1, s16, s8, $0xb8;
	[tilespmem:$0x1C100] =	vst v63  }
0x52: {  	s16 =	simm.s32 $0x2A00  }
0x53: {  	[tilespmem:s25], [sflag:$0x4] =	stream.indirect.gather [hbm4b:s2+s21], $0x1, s16, s21, $0xb8;
	[tilespmem:$0x1C100] =	vst v63  }
0x54: {  	_ =	swait.ge [sflag:s19], $0xA00  }
0x55: {  	s17 =	sshll.u32 s14, $0xB;
	[sflag:s19] =	ssyncset.done $0x0  }
0x56: {  	s15 =	sadd.s32 s13, s17;
	[sflag:s19] =	ssyncadd.s32 $0xFFFFF600  }
0x57: {  	s15 =	sor.u32 s6, s15;
	_ =	swait.ge [sflag:s7], $0x1000  }
0x58: {  	s15 =	sshrl.u32 s15, $0x3;
	[sflag:s7] =	ssyncset.done $0x0  }
0x59: {  	s17 =	simm.s32 $0x6E00;
	s18 =	sadd.s32 s4, s15;
	[sflag:s7] =	ssyncadd.s32 $0xFFFFF000  }
0x5a: {  	[hbm4b:s18+s5] =	stream.linear.scatter [tilespmem:s17], [sflag:$0x6], $0x300, $0x38;
	[tilespmem:$0x1C100] =	vst v63  }
0x5b: {  	_ =	swait.ge [sflag:s3], $0x300  }
0x5c: {  	[sflag:s3] =	ssyncset.done $0x0  }
0x5d: {  	s17 =	sadd.s32 s15, s12;
	[sflag:s3] =	ssyncadd.s32 $0xFFFFFD00  }
0x5e: {  	[hbm4b:s17+s5] =	stream.linear.scatter [tilespmem:s20], [sflag:$0x6], $0x100, $0x38;
	[tilespmem:$0x1C100] =	vst v63  }
0x5f: {  	_ =	swait.ge [sflag:s3], $0x100  }
0x60: {  	s16 =	sor.u32 $0x80, s15;
	[sflag:s3] =	ssyncset.done $0x0  }
0x61: {  	s18 =	simm.s32 $0x7100;
	s17 =	sadd.s32 s4, s16;
	[sflag:s3] =	ssyncadd.s32 $0xFFFFFF00  }
0x62: {  	[hbm4b:s17+s5] =	stream.linear.scatter [tilespmem:s18], [sflag:$0x6], $0x300, $0x38;
	[tilespmem:$0x1C100] =	vst v63  }
0x63: {  	_ =	swait.ge [sflag:s3], $0x300  }
0x64: {  	[sflag:s3] =	ssyncset.done $0x0  }
0x65: {  	s16 =	sadd.s32 s16, s12;
	s18 =	simm.s32 $0x3B00;
	[sflag:s3] =	ssyncadd.s32 $0xFFFFFD00  }
0x66: {  	[hbm4b:s16+s5] =	stream.linear.scatter [tilespmem:s18], [sflag:$0x6], $0x100, $0x38;
	[tilespmem:$0x1C100] =	vst v63  }
0x67: {  	_ =	swait.ge [sflag:s3], $0x100  }
0x68: {  	s17 =	sor.u32 $0x10000, s15;
	[sflag:s3] =	ssyncset.done $0x0  }
0x69: {  	s16 =	sadd.s32 s4, s17;
	s18 =	simm.s32 $0x3C00;
	[sflag:s3] =	ssyncadd.s32 $0xFFFFFF00  }
0x6a: {  	[hbm4b:s16+s5] =	stream.linear.scatter [tilespmem:s18], [sflag:$0x6], $0x800, $0x38;
	[tilespmem:$0x1C100] =	vst v63  }
0x6b: {  	_ =	swait.ge [sflag:s3], $0x800  }
0x6c: {  	s17 =	sor.u32 $0x20000, s15;
	[sflag:s3] =	ssyncset.done $0x0  }
0x6d: {  	s16 =	sadd.s32 s4, s17;
	[sflag:s3] =	ssyncadd.s32 $0xFFFFF800  }
0x6e: {  	[hbm4b:s16+s5] =	stream.linear.scatter [tilespmem:s22], [sflag:$0x6], $0x800, $0x38;
	[tilespmem:$0x1C100] =	vst v63  }
0x6f: {  	_ =	swait.ge [sflag:s3], $0x800  }
0x70: {  	s15 =	sor.u32 $0x30000, s15;
	[sflag:s3] =	ssyncset.done $0x0  }
0x71: {  	s15 =	sadd.s32 s4, s15;
	s18 =	simm.s32 $0x4C00;
	[sflag:s3] =	ssyncadd.s32 $0xFFFFF800  }
0x72: {  	[hbm4b:s15+s5] =	stream.linear.scatter [tilespmem:s18], [sflag:$0x5], $0x800, $0x38;
	[tilespmem:$0x1C100] =	vst v63  }
0x73: {  	s15 =	simm.s32 $0x5  }
.LBB2_12:
0x74: {  	_ =	swait.ge [sflag:s15], $0x800  }
0x75: {  	[sflag:s15] =	ssyncset.done $0x0  }
0x76: {  	[sflag:s15] =	ssyncadd.s32 $0xFFFFF800  }
.LBB2_13:
0x77: {  	s14 =	sadd.s32 $0x1, s14  }
0x78: {  	p0 =	sne.s32 s14, $0x20  }
.Ltmp3:
0x79: {  	_ = 	snop;
	(pc) =	sbr.rel @!p0 .LBB2_14-.Ltmp3, $1  }
0x7a: {  	_ =	sdelay $0x3  }
.LBB2_2:
0x7b: {  	s15 =	sand.u32 $0x1, s14  }
0x7c: {  	p0 =	seq.s32 s15, $0x1  }
.Ltmp4:
0x7d: {  	_ = 	snop;
	(pc) =	sbr.rel @p0 .LBB2_8-.Ltmp4, $4  }
0x7e: {  	_ = 	snop  }
0x7f: {  	s16 =	sshll.u32 s14, $0x7  }
0x80: {  	s16 =	sadd.s32 s9, s16  }
0x81: {  	s18 =	sadd.s32 s1, s16;
	s17 =	sadd.s32 s16, s10;
	s16 =	sadd.s32 s16, s11  }
0x82: {  	s15 =	simm.s32 $0x0  }
0x83: {  	[tilespmem:s15], [sflag:$0x6] =	stream.strided.gather [hbm4b:s18+s31], $0x100, s0, s31, $0x38;
	[tilespmem:$0x1C100] =	vst v63  }
0x84: {  	_ =	swait.ge [sflag:s3], $0x100  }
0x85: {  	[sflag:s3] =	ssyncset.done $0x0  }
0x86: {  	s18 =	simm.s32 $0x100;
	[sflag:s3] =	ssyncadd.s32 $0xFFFFFF00  }
0x87: {  	[tilespmem:s18], [sflag:$0x6] =	stream.strided.gather [hbm4b:s17+s31], $0x100, s0, s31, $0x38;
	[tilespmem:$0x1C100] =	vst v63  }
0x88: {  	_ =	swait.ge [sflag:s3], $0x100  }
0x89: {  	[sflag:s3] =	ssyncset.done $0x0  }
0x8a: {  	[sflag:s3] =	ssyncadd.s32 $0xFFFFFF00  }
0x8b: {  	[tilespmem:s0], [sflag:$0x6] =	stream.strided.gather [hbm4b:s16+s31], $0x100, s0, s31, $0x38;
	[tilespmem:$0x1C100] =	vst v63  }
0x8c: {  	_ =	swait.ge [sflag:s3], $0x100  }
0x8d: {  	[sflag:s3] =	ssyncset.done $0x0  }
0x8e: {  	s16 =	simm.s32 $0x0;
	[sflag:s3] =	ssyncadd.s32 $0xFFFFFF00  }
.LBB2_4:
0x8f: {  	s17 =	sshra.s32 s16, $0x2  }
0x90: {  	v1 =	vld [tilespmem:s17+$0x0]  }
0x91: {  	v0 =	vld [tilespmem:s17+$0x100]  }
0x92: {  	v2 =	vld [tilespmem:s17+$0x200];
	_ =	sdelay $0x3  }
0x93: {  	v3 =	vmul.f32 $1.600000000e+01, v1;
	v4 =	vmul.f32 $1.600000000e+01, v0  }
0x94: {  	v5 =	vmul.f32 $1.600000000e+01, v2;
	v13 =	vmul.f32 $2.200000000e+01, v1  }
0x95: {  	v8 =	vmul.f32 $2.200000000e+01, v0;
	v14 =	vmul.f32 $2.200000000e+01, v2  }
0x96: {  	v18 =	vmul.f32 $3.000000000e+01, v1;
	v19 =	vmul.f32 $3.000000000e+01, v0  }
0x97: {  	v20 =	vmul.f32 $3.000000000e+01, v2;
	v26 =	vmul.f32 $4.200000000e+01, v1  }
0x98: {  	v27 =	vmul.f32 $4.200000000e+01, v0;
	v29 =	vmul.f32 $4.200000000e+01, v2  }
0x99: {  	v34 =	vmul.f32 $5.800000000e+01, v1;
	v35 =	vmul.f32 $5.800000000e+01, v0  }
0x9a: {  	v43 =	vmul.f32 $8.000000000e+01, v1;
	v44 =	vmul.f32 $8.000000000e+01, v0  }
0x9b: {  	v45 =	vmul.f32 $8.000000000e+01, v2;
	v50 =	vmul.f32 $1.110000000e+02, v1  }
0x9c: {  	v51 =	vmul.f32 $1.110000000e+02, v0;
	v53 =	vmul.f32 $1.110000000e+02, v2  }
0x9d: {  	v55 =	vmul.f32 $1.530000000e+02, v1;
	v56 =	vmul.f32 $1.530000000e+02, v0  }
0x9e: {  	v3 =	vtrunc.f32 v3;
	v4 =	vtrunc.f32 v4  }
0x9f: {  	v5 =	vtrunc.f32 v5;
	v8 =	vtrunc.f32 v8  }
0xa0: {  	v23 =	vtrunc.f32 v20;
	v28 =	vtrunc.f32 v26  }
0xa1: {  	v31 =	vtrunc.f32 v27;
	v52 =	vtrunc.f32 v50  }
0xa2: {  	v20 =	vmul.f32 $2.120000000e+02, v1;
	v50 =	vmul.f32 $7.760000000e+02, v0  }
0xa3: {  	v3 =	vcvt.f32.s32 v3;
	v4 =	vcvt.f32.s32 v4  }
0xa4: {  	v5 =	vcvt.f32.s32 v5;
	v8 =	vcvt.f32.s32 v8  }
0xa5: {  	v30 =	vcvt.f32.s32 v28;
	v28 =	vmul.f32 $2.940000000e+02, v1;
	vm0 =	vgt.s32 v3, $0xF  }
0xa6: {  	v6 =	vadd.s32 $0xFFFFFFF0, v3;
	v11 =	vshll.u32 v4, $0x4;
	vm8 =	vgt.s32 v4, $0xF  }
0xa7: {  	vm1 =	vgt.s32 v5, $0xF;
	v5 =	vshll.u32 v5, $0x8;
	vm10 =	vgt.s32 v8, $0x15  }
0xa8: {  	v9 =	vadd.s32 $0xFFFFFFEA, v8;
	vm15 =	vgt.s32 v30, $0x29;
	v3 =	vsel vm0, v6, v3  }
0xa9: {  	v12 =	vadd.s32 $0xFFFFFF00, v11;
	v7 =	vadd.s32 $0x7FFFF000, v5;
	v6 =	vtrunc.f32 v13  }
0xaa: {  	v8 =	vsel vm10, v9, v8;
	v4 =	vsel vm8, v12, v11;
	v5 =	vsel vm1, v7, v5  }
0xab: {  	v6 =	vcvt.f32.s32 v6;
	v7 =	vtrunc.f32 v14;
	v8 =	vmul.u32 $0x16, v8  }
0xac: {  	v12 =	vadd.s32 $0x7FFD6, v30;
	v14 =	vmul.f32 $5.800000000e+01, v2;
	v4 =	vadd.s32 v3, v4  }
0xad: {  	v7 =	vcvt.f32.s32 v7;
	v3 =	vand.u32 $0x7, v3;
	v5 =	vadd.s32 v5, v4  }
0xae: {  	vm9 =	vgt.s32 v6, $0x15;
	v10 =	vadd.s32 $0xFFFFFFEA, v6;
	v4 =	vand.u32 $0x78, v4  }
0xaf: {  	v38 =	vtrunc.f32 v14;
	v14 =	vtrunc.f32 v53;
	v5 =	vshll.u32 v5, $0x1  }
0xb0: {  	vm11 =	vgt.s32 v7, $0x15;
	v15 =	vadd.s32 $0xFFFFFFEA, v7;
	v6 =	vsel vm9, v10, v6  }
0xb1: {  	v14 =	vcvt.f32.s32 v14;
	v5 =	vand.u32 $0xFFFFFF00, v5;
	v7 =	vsel vm11, v15, v7  }
0xb2: {  	v16 =	vadd.s32 v6, v8;
	v8 =	vtrunc.f32 v19;
	v7 =	vmul.u32 $0x1E4, v7  }
0xb3: {  	v4 =	vor.u32 v4, v5;
	v22 =	vcvt.f32.s32 v8;
	v8 =	vcvt.f32.s32 v23  }
0xb4: {  	v54 =	vadd.s32 $0x7FF91, v14;
	v23 =	vmul.f32 $2.120000000e+02, v2;
	v6 =	vor.u32 v3, v4  }
0xb5: {  	v4 =	vtrunc.f32 v18;
	v17 =	vadd.s32 v7, v16;
	v5 =	vor.u32 $0x80, v6  }
0xb6: {  	v21 =	vcvt.f32.s32 v4;
	vm13 =	vgt.s32 v22, $0x1D;
	v11 =	vadd.s32 $0xFFFFFFE2, v22  }
0xb7: {  	vm14 =	vgt.s32 v8, $0x1D;
	v25 =	vadd.s32 $0xFFFFFFE2, v8;
	v7 =	vshll.u32 v17, $0x1  }
0xb8: {  	v3 =	vand.u32 $0x7F, v17;
	v8 =	vsel vm14, v25, v8;
	vm14 =	vgt.s32 v14, $0x6E  }
0xb9: {  	v17 =	vmul.f32 $1.530000000e+02, v2;
	v7 =	vand.u32 $0xFFFFFF00, v7;
	vm12 =	vgt.s32 v21, $0x1D  }
0xba: {  	v24 =	vadd.s32 $0xFFFFFFE2, v21;
	v8 =	vmul.u32 $0x384, v8;
	v14 =	vsel vm14, v54, v14  }
0xbb: {  	v4 =	vor.u32 v3, v7;
	v7 =	vsel vm13, v11, v22;
	v9 =	vsel vm12, v24, v21  }
0xbc: {  	v11 =	vtrunc.f32 v29;
	v59 =	vtrunc.f32 v17;
	v7 =	vmul.u32 $0x1E, v7  }
0xbd: {  	v14 =	vmul.u32 $0x3021, v14;
	v22 =	vmul.f32 $2.120000000e+02, v0;
	v11 =	vcvt.f32.s32 v11  }
0xbe: {  	v29 =	vmul.f32 $2.940000000e+02, v0;
	v3 =	vor.u32 $0x80, v4;
	v7 =	vadd.s32 v9, v7  }
0xbf: {  	v9 =	vcvt.f32.s32 v31;
	vm5 =	vgt.s32 v11, $0x29;
	v33 =	vadd.s32 $0x7FFD6, v11  }
0xc0: {  	v31 =	vmul.f32 $2.940000000e+02, v2;
	v7 =	vadd.s32 v8, v7;
	v8 =	vsel vm15, v12, v30  }
0xc1: {  	v11 =	vsel vm5, v33, v11;
	v12 =	vtrunc.f32 v35;
	v30 =	vtrunc.f32 v28  }
0xc2: {  	v35 =	vmul.f32 $4.060000000e+02, v1;
	v32 =	vshll.u32 v7, $0x1;
	vm4 =	vgt.s32 v9, $0x29  }
0xc3: {  	v13 =	vadd.s32 $0x7FFD6, v9;
	v7 =	vand.u32 $0x7F, v7;
	v37 =	vcvt.f32.s32 v12  }
0xc4: {  	v11 =	vmul.u32 $0x6E4, v11;
	v12 =	vcvt.f32.s32 v38;
	v17 =	vtrunc.f32 v31  }
0xc5: {  	v38 =	vmul.f32 $4.060000000e+02, v2;
	v9 =	vsel vm4, v13, v9;
	v13 =	vtrunc.f32 v34  }
0xc6: {  	v10 =	vand.u32 $0xFFFFFF00, v32;
	v32 =	vtrunc.f32 v29;
	v17 =	vcvt.f32.s32 v17  }
0xc7: {  	v9 =	vmul.u32 $0x2A, v9;
	v36 =	vcvt.f32.s32 v13;
	v7 =	vor.u32 v7, v10  }
0xc8: {  	vm7 =	vgt.s32 v37, $0x39;
	vm8 =	vgt.s32 v12, $0x39;
	v41 =	vadd.s32 $0x7FFC6, v12  }
0xc9: {  	v40 =	vadd.s32 $0x7FFC6, v37;
	v13 =	vtrunc.f32 v45;
	v12 =	vsel vm8, v41, v12  }
0xca: {  	v46 =	vcvt.f32.s32 v13;
	v13 =	vtrunc.f32 v51;
	v34 =	vadd.s32 $0x7FEDA, v17  }
0xcb: {  	v8 =	vadd.s32 v8, v9;
	vm6 =	vgt.s32 v36, $0x39;
	v42 =	vadd.s32 $0x7FFC6, v36  }
0xcc: {  	v12 =	vmul.u32 $0xD24, v12;
	v13 =	vcvt.f32.s32 v13;
	v8 =	vadd.s32 v11, v8  }
0xcd: {  	v11 =	vsel vm7, v40, v37;
	v9 =	vsel vm6, v42, v36;
	v36 =	vmul.f32 $4.060000000e+02, v0  }
0xce: {  	vm11 =	vgt.s32 v46, $0x4F;
	v37 =	vtrunc.f32 v35;
	v42 =	vmul.f32 $5.610000000e+02, v1  }
0xcf: {  	v39 =	vshll.u32 v8, $0x1;
	v11 =	vmul.u32 $0x3A, v11;
	v8 =	vand.u32 $0x7F, v8  }
0xd0: {  	vm13 =	vgt.s32 v13, $0x6E;
	v16 =	vadd.s32 $0x7FF91, v13;
	v10 =	vand.u32 $0xFFF00, v39  }
0xd1: {  	v13 =	vsel vm13, v16, v13;
	v16 =	vtrunc.f32 v55;
	v9 =	vadd.s32 v9, v11  }
0xd2: {  	v8 =	vor.u32 v10, v8;
	v11 =	vtrunc.f32 v43;
	v10 =	vtrunc.f32 v44  }
0xd3: {  	v49 =	vadd.s32 $0x7FFB0, v46;
	v57 =	vcvt.f32.s32 v16;
	v16 =	vtrunc.f32 v23  }
0xd4: {  	v13 =	vmul.u32 $0x6F, v13;
	v43 =	vmul.f32 $5.610000000e+02, v0;
	v44 =	vmul.f32 $5.610000000e+02, v2  }
0xd5: {  	v9 =	vadd.s32 v12, v9;
	v11 =	vcvt.f32.s32 v11;
	v10 =	vcvt.f32.s32 v10  }
0xd6: {  	v24 =	vcvt.f32.s32 v16;
	v12 =	vshll.u32 v9, $0x1;
	v9 =	vand.u32 $0x7F, v9  }
0xd7: {  	vm15 =	vgt.s32 v57, $0x98;
	v63 =	vadd.s32 $0x7FF67, v57;
	v12 =	vand.u32 $0xFFF00, v12  }
0xd8: {  	vm9 =	vgt.s32 v11, $0x4F;
	v47 =	vadd.s32 $0x7FFB0, v11;
	vm10 =	vgt.s32 v10, $0x4F  }
0xd9: {  	v48 =	vadd.s32 $0x7FFB0, v10;
	vm8 =	vgt.s32 v24, $0xD3;
	v27 =	vadd.s32 $0x7FF2C, v24  }
0xda: {  	v9 =	vor.u32 v12, v9;
	v10 =	vsel vm10, v48, v10;
	v12 =	vsel vm11, v49, v46  }
0xdb: {  	v11 =	vsel vm9, v47, v11;
	vm11 =	vgt.s32 v17, $0x125;
	v10 =	vmul.u32 $0x50, v10  }
0xdc: {  	v47 =	vtrunc.f32 v44;
	v12 =	vmul.u32 $0x1900, v12;
	v17 =	vsel vm11, v34, v17  }
0xdd: {  	v34 =	vor.u32 $0x300000, v8;
	v8 =	vor.u32 $0x300080, v8;
	v10 =	vadd.s32 v11, v10  }
0xde: {  	v11 =	vcvt.f32.s32 v52;
	v52 =	vmul.f32 $7.760000000e+02, v2;
	v12 =	vadd.s32 v12, v10  }
0xdf: {  	v17 =	vmul.u32 $0x151A4, v17;
	v10 =	vand.u32 $0x7F, v10;
	v12 =	vshll.u32 v12, $0x1  }
0xe0: {  	vm12 =	vgt.s32 v11, $0x6E;
	v15 =	vadd.s32 $0x7FF91, v11;
	v54 =	vtrunc.f32 v52  }
0xe1: {  	v12 =	vand.u32 $0xFFF00, v12;
	v11 =	vsel vm12, v15, v11;
	v15 =	vtrunc.f32 v56  }
0xe2: {  	v11 =	vadd.s32 v11, v13;
	v58 =	vcvt.f32.s32 v15;
	v10 =	vor.u32 v12, v10  }
0xe3: {  	v15 =	vcvt.f32.s32 v59;
	v13 =	vsel vm15, v63, v57;
	v11 =	vadd.s32 v14, v11  }
0xe4: {  	v60 =	vshll.u32 v11, $0x1;
	vm4 =	vgt.s32 v58, $0x98;
	v61 =	vadd.s32 $0x7FF67, v58  }
0xe5: {  	vm5 =	vgt.s32 v15, $0x98;
	v62 =	vadd.s32 $0x7FF67, v15;
	v14 =	vsel vm4, v61, v58  }
0xe6: {  	v11 =	vand.u32 $0x7F, v11;
	v15 =	vsel vm5, v62, v15;
	v14 =	vmul.u32 $0x99, v14  }
0xe7: {  	v12 =	vand.u32 $0xFFF00, v60;
	v60 =	vmul.f32 $1.072000000e+03, v1;
	v15 =	vmul.u32 $0x5B71, v15  }
0xe8: {  	v62 =	vmul.f32 $1.072000000e+03, v0;
	v11 =	vor.u32 v12, v11;
	v13 =	vadd.s32 v13, v14  }
0xe9: {  	v63 =	vtrunc.f32 v60;
	v14 =	vtrunc.f32 v20;
	v21 =	vadd.s32 v15, v13  }
0xea: {  	v14 =	vcvt.f32.s32 v14;
	v13 =	vtrunc.f32 v22;
	v22 =	vor.u32 $0x80, v7  }
0xeb: {  	v15 =	vshll.u32 v21, $0x1;
	v12 =	vand.u32 $0x7F, v21;
	v13 =	vcvt.f32.s32 v13  }
0xec: {  	v21 =	vmul.f32 $7.760000000e+02, v1;
	v15 =	vand.u32 $0xFFF00, v15;
	vm6 =	vgt.s32 v14, $0xD3  }
0xed: {  	v25 =	vadd.s32 $0x7FF2C, v14;
	vm7 =	vgt.s32 v13, $0xD3;
	v26 =	vadd.s32 $0x7FF2C, v13  }
0xee: {  	v12 =	vor.u32 v15, v12;
	v15 =	vsel vm8, v27, v24;
	v13 =	vsel vm7, v26, v13  }
0xef: {  	v24 =	vmul.f32 $1.072000000e+03, v2;
	v2 =	vmul.f32 $1.482000000e+03, v2;
	v13 =	vmul.u32 $0xD4, v13  }
0xf0: {  	v14 =	vsel vm6, v25, v14;
	v51 =	vtrunc.f32 v21;
	v15 =	vmul.u32 $0xAF90, v15  }
0xf1: {  	v2 =	vtrunc.f32 v2;
	v13 =	vadd.s32 v14, v13;
	v14 =	vcvt.f32.s32 v30  }
0xf2: {  	v2 =	vcvt.f32.s32 v2;
	v13 =	vadd.s32 v15, v13;
	v15 =	vcvt.f32.s32 v32  }
0xf3: {  	v33 =	vshll.u32 v13, $0x1;
	v13 =	vand.u32 $0x7F, v13;
	vm9 =	vgt.s32 v14, $0x125  }
0xf4: {  	v19 =	vadd.s32 $0x7FEDA, v14;
	v16 =	vand.u32 $0xFFF00, v33;
	vm10 =	vgt.s32 v15, $0x125  }
0xf5: {  	v18 =	vadd.s32 $0x7FEDA, v15;
	v14 =	vsel vm9, v19, v14;
	v19 =	vtrunc.f32 v42  }
0xf6: {  	v13 =	vor.u32 v16, v13;
	v16 =	vcvt.f32.s32 v37;
	v45 =	vcvt.f32.s32 v19  }
0xf7: {  	v6 =	vld.idx.msk [tilespmem:v6+s26+$0x0], $0xffff;
	v15 =	vsel vm10, v18, v15;
	v37 =	vmul.f32 $1.482000000e+03, v0;
	v0 =	vmul.f32 $2.048000000e+03, v0  }
0xf8: {  	v5 =	vld.idx.msk [tilespmem:v5+s26+$0x0], $0xffff;
	v15 =	vmul.u32 $0x126, v15;
	v52 =	vor.u32 $0x800080, v13;
	vm12 =	vgt.s32 v16, $0x195  }
0xf9: {  	v40 =	vadd.s32 $0x7FE6A, v16;
	vm15 =	vgt.s32 v45, $0x230;
	v19 =	vadd.s32 $0x7FDCF, v45  }
0xfa: {  	v0 =	vtrunc.f32 v0;
	v14 =	vadd.s32 v14, v15;
	v15 =	vtrunc.f32 v36  }
0xfb: {  	v16 =	vsel vm12, v40, v16;
	v36 =	vor.u32 $0x400000, v9;
	v9 =	vor.u32 $0x400080, v9  }
0xfc: {  	[tilespmem:s17+$0x6E00] =	vst v6;
	v40 =	vtrunc.f32 v37;
	v0 =	vcvt.f32.s32 v0;
	v14 =	vadd.s32 v17, v14  }
0xfd: {  	[tilespmem:s17+$0x6E80] =	vst v5;
	v15 =	vcvt.f32.s32 v15;
	v17 =	vtrunc.f32 v38;
	v38 =	vor.u32 $0x500000, v10  }
0xfe: {  	v4 =	vld.idx.msk [tilespmem:v4+s29+$0x0], $0xffff;
	v42 =	vcvt.f32.s32 v40;
	v39 =	vshll.u32 v14, $0x1;
	v14 =	vand.u32 $0x7F, v14  }
0xff: {  	v3 =	vld.idx.msk [tilespmem:v3+s29+$0x0], $0xffff;
	v17 =	vcvt.f32.s32 v17;
	v0 =	vshll.u32 v0, $0xC;
	v18 =	vand.u32 $0xFFF00, v39  }
0x100: {  	vm13 =	vgt.s32 v15, $0x195;
	v20 =	vadd.s32 $0x7FE6A, v15;
	v39 =	vmul.f32 $1.482000000e+03, v1  }
0x101: {  	vm12 =	vgt.s32 v42, $0x5C9;
	v44 =	vadd.s32 $0x7FA36, v42;
	v1 =	vmul.f32 $2.048000000e+03, v1  }
0x102: {  	v14 =	vor.u32 v18, v14;
	v15 =	vsel vm13, v20, v15;
	vm14 =	vgt.s32 v17, $0x195  }
0x103: {  	[tilespmem:s17+$0x6F00] =	vst v4;
	v41 =	vadd.s32 $0x7FE6A, v17;
	v18 =	vtrunc.f32 v43;
	v20 =	vcvt.f32.s32 v51  }
0x104: {  	[tilespmem:s17+$0x6F80] =	vst v3;
	v43 =	vor.u32 $0x600000, v11;
	vm13 =	vgt.s32 v2, $0x5C9;
	v51 =	vor.u32 $0x800000, v13  }
0x105: {  	v7 =	vld.idx.msk [tilespmem:v7+s30+$0x0], $0xffff;
	v17 =	vsel vm14, v41, v17;
	v15 =	vmul.u32 $0x196, v15;
	v46 =	vcvt.f32.s32 v18  }
0x106: {  	v31 =	vld.idx.msk [tilespmem:v22+s30+$0x0], $0xffff;
	[tilespmem:s17+$0x680] =	vst v8;
	v18 =	vcvt.f32.s32 v47;
	v41 =	vor.u32 $0x500080, v10;
	v8 =	vtrunc.f32 v39  }
0x107: {  	v47 =	vor.u32 $0x600080, v11;
	v1 =	vtrunc.f32 v1;
	v17 =	vmul.u32 $0x283E4, v17  }
0x108: {  	vm6 =	vgt.s32 v20, $0x307;
	v55 =	vadd.s32 $0x7FCF8, v20;
	v8 =	vcvt.f32.s32 v8  }
0x109: {  	v1 =	vcvt.f32.s32 v1;
	v15 =	vadd.s32 v16, v15;
	v16 =	vsel vm15, v19, v45  }
0x10a: {  	vm4 =	vgt.s32 v46, $0x230;
	v48 =	vadd.s32 $0x7FDCF, v46;
	vm5 =	vgt.s32 v18, $0x230  }
0x10b: {  	v49 =	vadd.s32 $0x7FDCF, v18;
	v19 =	vtrunc.f32 v50;
	v56 =	vsel vm6, v55, v20  }
0x10c: {  	v45 =	vsel vm12, v44, v42;
	v50 =	vor.u32 $0x700080, v12;
	v15 =	vadd.s32 v17, v15  }
0x10d: {  	v17 =	vsel vm4, v48, v46;
	v18 =	vsel vm5, v49, v18;
	v53 =	vcvt.f32.s32 v19  }
0x10e: {  	v19 =	vcvt.f32.s32 v54;
	v46 =	vadd.s32 $0x7FA36, v2;
	v48 =	vor.u32 $0x700000, v12  }
0x10f: {  	[tilespmem:s17+$0x7000] =	vst v7;
	vm14 =	vgt.s32 v8, $0x5C9;
	v49 =	vadd.s32 $0x7FA36, v8;
	v7 =	vmul.u32 $0x5CA, v45  }
0x110: {  	v54 =	vor.u32 $0x900080, v14;
	vm15 =	vgt.s32 v1, $0x7FF;
	v60 =	vadd.s32 $0x7F800, v1  }
0x111: {  	v17 =	vmul.u32 $0x231, v17;
	v58 =	vmul.u32 $0x4CD61, v18;
	v25 =	vshll.u32 v15, $0x1  }
0x112: {  	v18 =	vtrunc.f32 v62;
	v15 =	vand.u32 $0x7F, v15;
	v2 =	vsel vm13, v46, v2  }
0x113: {  	[tilespmem:s17+$0x600] =	vst v34;
	v8 =	vsel vm14, v49, v8;
	v1 =	vsel vm15, v60, v1;
	vm7 =	vgt.s32 v53, $0x307  }
0x114: {  	[tilespmem:s17+$0x7080] =	vst v31;
	v57 =	vadd.s32 $0x7FCF8, v53;
	vm8 =	vgt.s32 v19, $0x307;
	v59 =	vadd.s32 $0x7FCF8, v19  }
0x115: {  	[tilespmem:s17+$0x1080] =	vst v52;
	v18 =	vcvt.f32.s32 v18;
	v32 =	vand.u32 $0xFFF00, v25;
	v2 =	vmul.u32 $0x18364, v2  }
0x116: {  	[tilespmem:s17+$0x800] =	vst v36;
	v7 =	vadd.s32 v8, v7;
	v62 =	vshll.u32 v1, $0x1;
	v1 =	vand.u32 $0x7F, v1  }
0x117: {  	[tilespmem:s17+$0x880] =	vst v9;
	v16 =	vadd.s32 v16, v17;
	v17 =	vsel vm7, v57, v53;
	v61 =	vsel vm8, v59, v19  }
0x118: {  	[tilespmem:s17+$0x900] =	vst v38;
	v19 =	vtrunc.f32 v24;
	v15 =	vor.u32 v32, v15;
	v53 =	vor.u32 $0x900000, v14  }
0x119: {  	[tilespmem:s17+$0xA00] =	vst v43;
	v0 =	vadd.s32 v0, v62;
	v17 =	vmul.u32 $0x308, v17;
	v5 =	vadd.s32 v58, v16  }
0x11a: {  	[tilespmem:s17+$0x1000] =	vst v51;
	v16 =	vmul.u32 $0x13040, v61;
	v26 =	vcvt.f32.s32 v19;
	vm10 =	vgt.s32 v18, $0x42F  }
0x11b: {  	[tilespmem:s17+$0x980] =	vst v41;
	v29 =	vadd.s32 $0x7FBD0, v18;
	v2 =	vadd.s32 v2, v7;
	v55 =	vor.u32 $0xA00000, v15  }
0x11c: {  	[tilespmem:s17+$0xA80] =	vst v47;
	v0 =	vand.u32 $0xFFF00, v0;
	v33 =	vshll.u32 v5, $0x1;
	v5 =	vand.u32 $0x7F, v5  }
0x11d: {  	[tilespmem:s17+$0xB80] =	vst v50;
	v0 =	vor.u32 v0, v1;
	v6 =	vadd.s32 v56, v17;
	v17 =	vcvt.f32.s32 v63  }
0x11e: {  	[tilespmem:s17+$0xB00] =	vst v48;
	vm11 =	vgt.s32 v26, $0x42F;
	v30 =	vadd.s32 $0x7FBD0, v26;
	v19 =	vand.u32 $0xFFF00, v33  }
0x11f: {  	[tilespmem:s17+$0x1180] =	vst v54;
	v56 =	vor.u32 $0xA00080, v15;
	vm9 =	vgt.s32 v17, $0x42F;
	v27 =	vadd.s32 $0x7FBD0, v17  }
0x120: {  	[tilespmem:s17+$0x1100] =	vst v53;
	v1 =	vor.u32 $0xF00000, v0;
	v28 =	vsel vm9, v27, v17;
	v17 =	vsel vm10, v29, v18  }
0x121: {  	[tilespmem:s17+$0x1200] =	vst v55;
	v0 =	vor.u32 $0xF00080, v0;
	v4 =	vsel vm11, v30, v26;
	v17 =	vmul.u32 $0x430, v17  }
0x122: {  	v6 =	vadd.s32 v16, v6;
	v5 =	vor.u32 v19, v5;
	[tilespmem:s17+$0x1280] =	vst v56;
	v4 =	vmul.u32 $0x18900, v4  }
0x123: {  	[tilespmem:s17+$0x1B00] =	vst v1;
	v35 =	vshll.u32 v6, $0x1;
	v6 =	vand.u32 $0x7F, v6;
	v3 =	vadd.s32 v28, v17  }
0x124: {  	[tilespmem:s17+$0x1B80] =	vst v0;
	v57 =	vor.u32 $0xB00000, v5;
	v19 =	vand.u32 $0xFFF00, v35;
	v4 =	vadd.s32 v4, v3  }
0x125: {  	v5 =	vor.u32 $0xB00080, v5;
	[tilespmem:s17+$0x1300] =	vst v57;
	v6 =	vor.u32 v19, v6;
	v4 =	vshll.u32 v4, $0x1  }
0x126: {  	[tilespmem:s17+$0x1380] =	vst v5;
	v58 =	vor.u32 $0xC00000, v6;
	v3 =	vand.u32 $0x7F, v3;
	v4 =	vand.u32 $0xFFF00, v4  }
0x127: {  	p0 =	sne.s32 s16, $0x1C0;
	v59 =	vshll.u32 v2, $0x1;
	v6 =	vor.u32 $0xC00080, v6;
	[tilespmem:s17+$0x1800] =	vst v58;
	v3 =	vor.u32 v4, v3  }
.Ltmp5:
0x128: {  	v2 =	vand.u32 $0x7F, v2;
	[tilespmem:s17+$0x1880] =	vst v6;
	v4 =	vand.u32 $0xFFF00, v59;
	v61 =	vor.u32 $0xD00000, v3;
	(pc) =	sbr.rel @p0 .LBB2_4-.Ltmp5, $4  }
0x129: {  	v3 =	vor.u32 $0xD00080, v3;
	v2 =	vor.u32 v4, v2;
	[tilespmem:s17+$0x1900] =	vst v61  }
0x12a: {  	[tilespmem:s17+$0x1980] =	vst v3;
	v63 =	vor.u32 $0xE00000, v2  }
0x12b: {  	v2 =	vor.u32 $0xE00080, v2;
	[tilespmem:s17+$0x1A00] =	vst v63  }
0x12c: {  	s16 =	sadd.s32 $0x40, s16;
	[tilespmem:s17+$0x1A80] =	vst v2  }
.LBB2_5:
0x12d: {  	s16 =	sshra.s32 s15, $0x2  }
0x12e: {  	v1 =	vld [tilespmem:s16+$0x80]  }
0x12f: {  	v0 =	vld [tilespmem:s16+$0x180]  }
0x130: {  	v2 =	vld [tilespmem:s16+$0x280];
	_ =	sdelay $0x3  }
0x131: {  	v3 =	vmul.f32 $1.600000000e+01, v1;
	v4 =	vmul.f32 $1.600000000e+01, v0  }
0x132: {  	v5 =	vmul.f32 $1.600000000e+01, v2;
	v13 =	vmul.f32 $2.200000000e+01, v1  }
0x133: {  	v8 =	vmul.f32 $2.200000000e+01, v0;
	v14 =	vmul.f32 $2.200000000e+01, v2  }
0x134: {  	v18 =	vmul.f32 $3.000000000e+01, v1;
	v19 =	vmul.f32 $3.000000000e+01, v0  }
0x135: {  	v20 =	vmul.f32 $3.000000000e+01, v2;
	v26 =	vmul.f32 $4.200000000e+01, v1  }
0x136: {  	v27 =	vmul.f32 $4.200000000e+01, v0;
	v29 =	vmul.f32 $4.200000000e+01, v2  }
0x137: {  	v34 =	vmul.f32 $5.800000000e+01, v1;
	v35 =	vmul.f32 $5.800000000e+01, v0  }
0x138: {  	v43 =	vmul.f32 $8.000000000e+01, v1;
	v44 =	vmul.f32 $8.000000000e+01, v0  }
0x139: {  	v45 =	vmul.f32 $8.000000000e+01, v2;
	v50 =	vmul.f32 $1.110000000e+02, v1  }
0x13a: {  	v51 =	vmul.f32 $1.110000000e+02, v0;
	v53 =	vmul.f32 $1.110000000e+02, v2  }
0x13b: {  	v55 =	vmul.f32 $1.530000000e+02, v1;
	v56 =	vmul.f32 $1.530000000e+02, v0  }
0x13c: {  	v3 =	vtrunc.f32 v3;
	v4 =	vtrunc.f32 v4  }
0x13d: {  	v5 =	vtrunc.f32 v5;
	v8 =	vtrunc.f32 v8  }
0x13e: {  	v23 =	vtrunc.f32 v20;
	v28 =	vtrunc.f32 v26  }
0x13f: {  	v31 =	vtrunc.f32 v27;
	v52 =	vtrunc.f32 v50  }
0x140: {  	v20 =	vmul.f32 $2.120000000e+02, v1;
	v50 =	vmul.f32 $7.760000000e+02, v0  }
0x141: {  	v3 =	vcvt.f32.s32 v3;
	v4 =	vcvt.f32.s32 v4  }
0x142: {  	v5 =	vcvt.f32.s32 v5;
	v8 =	vcvt.f32.s32 v8  }
0x143: {  	v30 =	vcvt.f32.s32 v28;
	v28 =	vmul.f32 $2.940000000e+02, v1;
	vm0 =	vgt.s32 v3, $0xF  }
0x144: {  	v6 =	vadd.s32 $0xFFFFFFF0, v3;
	v11 =	vshll.u32 v4, $0x4;
	vm8 =	vgt.s32 v4, $0xF  }
0x145: {  	vm1 =	vgt.s32 v5, $0xF;
	v5 =	vshll.u32 v5, $0x8;
	vm10 =	vgt.s32 v8, $0x15  }
0x146: {  	v9 =	vadd.s32 $0xFFFFFFEA, v8;
	vm15 =	vgt.s32 v30, $0x29;
	v3 =	vsel vm0, v6, v3  }
0x147: {  	v12 =	vadd.s32 $0xFFFFFF00, v11;
	v7 =	vadd.s32 $0x7FFFF000, v5;
	v6 =	vtrunc.f32 v13  }
0x148: {  	v8 =	vsel vm10, v9, v8;
	v4 =	vsel vm8, v12, v11;
	v5 =	vsel vm1, v7, v5  }
0x149: {  	v6 =	vcvt.f32.s32 v6;
	v7 =	vtrunc.f32 v14;
	v8 =	vmul.u32 $0x16, v8  }
0x14a: {  	v12 =	vadd.s32 $0x7FFD6, v30;
	v14 =	vmul.f32 $5.800000000e+01, v2;
	v4 =	vadd.s32 v3, v4  }
0x14b: {  	v7 =	vcvt.f32.s32 v7;
	v3 =	vand.u32 $0x7, v3;
	v5 =	vadd.s32 v5, v4  }
0x14c: {  	vm9 =	vgt.s32 v6, $0x15;
	v10 =	vadd.s32 $0xFFFFFFEA, v6;
	v4 =	vand.u32 $0x78, v4  }
0x14d: {  	v38 =	vtrunc.f32 v14;
	v14 =	vtrunc.f32 v53;
	v5 =	vshll.u32 v5, $0x1  }
0x14e: {  	vm11 =	vgt.s32 v7, $0x15;
	v15 =	vadd.s32 $0xFFFFFFEA, v7;
	v6 =	vsel vm9, v10, v6  }
0x14f: {  	v14 =	vcvt.f32.s32 v14;
	v5 =	vand.u32 $0xFFFFFF00, v5;
	v7 =	vsel vm11, v15, v7  }
0x150: {  	v16 =	vadd.s32 v6, v8;
	v8 =	vtrunc.f32 v19;
	v7 =	vmul.u32 $0x1E4, v7  }
0x151: {  	v4 =	vor.u32 v4, v5;
	v22 =	vcvt.f32.s32 v8;
	v8 =	vcvt.f32.s32 v23  }
0x152: {  	v54 =	vadd.s32 $0x7FF91, v14;
	v23 =	vmul.f32 $2.120000000e+02, v2;
	v6 =	vor.u32 v3, v4  }
0x153: {  	v4 =	vtrunc.f32 v18;
	v17 =	vadd.s32 v7, v16;
	v5 =	vor.u32 $0x80, v6  }
0x154: {  	v21 =	vcvt.f32.s32 v4;
	vm13 =	vgt.s32 v22, $0x1D;
	v11 =	vadd.s32 $0xFFFFFFE2, v22  }
0x155: {  	vm14 =	vgt.s32 v8, $0x1D;
	v25 =	vadd.s32 $0xFFFFFFE2, v8;
	v7 =	vshll.u32 v17, $0x1  }
0x156: {  	v3 =	vand.u32 $0x7F, v17;
	v8 =	vsel vm14, v25, v8;
	vm14 =	vgt.s32 v14, $0x6E  }
0x157: {  	v17 =	vmul.f32 $1.530000000e+02, v2;
	v7 =	vand.u32 $0xFFFFFF00, v7;
	vm12 =	vgt.s32 v21, $0x1D  }
0x158: {  	v24 =	vadd.s32 $0xFFFFFFE2, v21;
	v8 =	vmul.u32 $0x384, v8;
	v14 =	vsel vm14, v54, v14  }
0x159: {  	v4 =	vor.u32 v3, v7;
	v7 =	vsel vm13, v11, v22;
	v9 =	vsel vm12, v24, v21  }
0x15a: {  	v11 =	vtrunc.f32 v29;
	v59 =	vtrunc.f32 v17;
	v7 =	vmul.u32 $0x1E, v7  }
0x15b: {  	v14 =	vmul.u32 $0x3021, v14;
	v22 =	vmul.f32 $2.120000000e+02, v0;
	v11 =	vcvt.f32.s32 v11  }
0x15c: {  	v29 =	vmul.f32 $2.940000000e+02, v0;
	v3 =	vor.u32 $0x80, v4;
	v7 =	vadd.s32 v9, v7  }
0x15d: {  	v9 =	vcvt.f32.s32 v31;
	vm5 =	vgt.s32 v11, $0x29;
	v33 =	vadd.s32 $0x7FFD6, v11  }
0x15e: {  	v31 =	vmul.f32 $2.940000000e+02, v2;
	v7 =	vadd.s32 v8, v7;
	v8 =	vsel vm15, v12, v30  }
0x15f: {  	v11 =	vsel vm5, v33, v11;
	v12 =	vtrunc.f32 v35;
	v30 =	vtrunc.f32 v28  }
0x160: {  	v35 =	vmul.f32 $4.060000000e+02, v1;
	v32 =	vshll.u32 v7, $0x1;
	vm4 =	vgt.s32 v9, $0x29  }
0x161: {  	v13 =	vadd.s32 $0x7FFD6, v9;
	v7 =	vand.u32 $0x7F, v7;
	v37 =	vcvt.f32.s32 v12  }
0x162: {  	v11 =	vmul.u32 $0x6E4, v11;
	v12 =	vcvt.f32.s32 v38;
	v17 =	vtrunc.f32 v31  }
0x163: {  	v38 =	vmul.f32 $4.060000000e+02, v2;
	v9 =	vsel vm4, v13, v9;
	v13 =	vtrunc.f32 v34  }
0x164: {  	v10 =	vand.u32 $0xFFFFFF00, v32;
	v32 =	vtrunc.f32 v29;
	v17 =	vcvt.f32.s32 v17  }
0x165: {  	v9 =	vmul.u32 $0x2A, v9;
	v36 =	vcvt.f32.s32 v13;
	v7 =	vor.u32 v7, v10  }
0x166: {  	vm7 =	vgt.s32 v37, $0x39;
	vm8 =	vgt.s32 v12, $0x39;
	v41 =	vadd.s32 $0x7FFC6, v12  }
0x167: {  	v40 =	vadd.s32 $0x7FFC6, v37;
	v13 =	vtrunc.f32 v45;
	v12 =	vsel vm8, v41, v12  }
0x168: {  	v46 =	vcvt.f32.s32 v13;
	v13 =	vtrunc.f32 v51;
	v34 =	vadd.s32 $0x7FEDA, v17  }
0x169: {  	v8 =	vadd.s32 v8, v9;
	vm6 =	vgt.s32 v36, $0x39;
	v42 =	vadd.s32 $0x7FFC6, v36  }
0x16a: {  	v12 =	vmul.u32 $0xD24, v12;
	v13 =	vcvt.f32.s32 v13;
	v8 =	vadd.s32 v11, v8  }
0x16b: {  	v11 =	vsel vm7, v40, v37;
	v9 =	vsel vm6, v42, v36;
	v36 =	vmul.f32 $4.060000000e+02, v0  }
0x16c: {  	vm11 =	vgt.s32 v46, $0x4F;
	v37 =	vtrunc.f32 v35;
	v42 =	vmul.f32 $5.610000000e+02, v1  }
0x16d: {  	v39 =	vshll.u32 v8, $0x1;
	v11 =	vmul.u32 $0x3A, v11;
	v8 =	vand.u32 $0x7F, v8  }
0x16e: {  	vm13 =	vgt.s32 v13, $0x6E;
	v16 =	vadd.s32 $0x7FF91, v13;
	v10 =	vand.u32 $0xFFF00, v39  }
0x16f: {  	v13 =	vsel vm13, v16, v13;
	v16 =	vtrunc.f32 v55;
	v9 =	vadd.s32 v9, v11  }
0x170: {  	v8 =	vor.u32 v10, v8;
	v11 =	vtrunc.f32 v43;
	v10 =	vtrunc.f32 v44  }
0x171: {  	v49 =	vadd.s32 $0x7FFB0, v46;
	v57 =	vcvt.f32.s32 v16;
	v16 =	vtrunc.f32 v23  }
0x172: {  	v13 =	vmul.u32 $0x6F, v13;
	v43 =	vmul.f32 $5.610000000e+02, v0;
	v44 =	vmul.f32 $5.610000000e+02, v2  }
0x173: {  	v9 =	vadd.s32 v12, v9;
	v11 =	vcvt.f32.s32 v11;
	v10 =	vcvt.f32.s32 v10  }
0x174: {  	v24 =	vcvt.f32.s32 v16;
	v12 =	vshll.u32 v9, $0x1;
	v9 =	vand.u32 $0x7F, v9  }
0x175: {  	vm15 =	vgt.s32 v57, $0x98;
	v63 =	vadd.s32 $0x7FF67, v57;
	v12 =	vand.u32 $0xFFF00, v12  }
0x176: {  	vm9 =	vgt.s32 v11, $0x4F;
	v47 =	vadd.s32 $0x7FFB0, v11;
	vm10 =	vgt.s32 v10, $0x4F  }
0x177: {  	v48 =	vadd.s32 $0x7FFB0, v10;
	vm8 =	vgt.s32 v24, $0xD3;
	v27 =	vadd.s32 $0x7FF2C, v24  }
0x178: {  	v9 =	vor.u32 v12, v9;
	v10 =	vsel vm10, v48, v10;
	v12 =	vsel vm11, v49, v46  }
0x179: {  	v11 =	vsel vm9, v47, v11;
	vm11 =	vgt.s32 v17, $0x125;
	v10 =	vmul.u32 $0x50, v10  }
0x17a: {  	v47 =	vtrunc.f32 v44;
	v12 =	vmul.u32 $0x1900, v12;
	v17 =	vsel vm11, v34, v17  }
0x17b: {  	v34 =	vor.u32 $0x300000, v8;
	v8 =	vor.u32 $0x300080, v8;
	v10 =	vadd.s32 v11, v10  }
0x17c: {  	v11 =	vcvt.f32.s32 v52;
	v52 =	vmul.f32 $7.760000000e+02, v2;
	v12 =	vadd.s32 v12, v10  }
0x17d: {  	v17 =	vmul.u32 $0x151A4, v17;
	v10 =	vand.u32 $0x7F, v10;
	v12 =	vshll.u32 v12, $0x1  }
0x17e: {  	vm12 =	vgt.s32 v11, $0x6E;
	v15 =	vadd.s32 $0x7FF91, v11;
	v54 =	vtrunc.f32 v52  }
0x17f: {  	v12 =	vand.u32 $0xFFF00, v12;
	v11 =	vsel vm12, v15, v11;
	v15 =	vtrunc.f32 v56  }
0x180: {  	v11 =	vadd.s32 v11, v13;
	v58 =	vcvt.f32.s32 v15;
	v10 =	vor.u32 v12, v10  }
0x181: {  	v15 =	vcvt.f32.s32 v59;
	v13 =	vsel vm15, v63, v57;
	v11 =	vadd.s32 v14, v11  }
0x182: {  	v60 =	vshll.u32 v11, $0x1;
	vm4 =	vgt.s32 v58, $0x98;
	v61 =	vadd.s32 $0x7FF67, v58  }
0x183: {  	vm5 =	vgt.s32 v15, $0x98;
	v62 =	vadd.s32 $0x7FF67, v15;
	v14 =	vsel vm4, v61, v58  }
0x184: {  	v11 =	vand.u32 $0x7F, v11;
	v15 =	vsel vm5, v62, v15;
	v14 =	vmul.u32 $0x99, v14  }
0x185: {  	v12 =	vand.u32 $0xFFF00, v60;
	v60 =	vmul.f32 $1.072000000e+03, v1;
	v15 =	vmul.u32 $0x5B71, v15  }
0x186: {  	v62 =	vmul.f32 $1.072000000e+03, v0;
	v11 =	vor.u32 v12, v11;
	v13 =	vadd.s32 v13, v14  }
0x187: {  	v63 =	vtrunc.f32 v60;
	v14 =	vtrunc.f32 v20;
	v21 =	vadd.s32 v15, v13  }
0x188: {  	v14 =	vcvt.f32.s32 v14;
	v13 =	vtrunc.f32 v22;
	v22 =	vor.u32 $0x80, v7  }
0x189: {  	v15 =	vshll.u32 v21, $0x1;
	v12 =	vand.u32 $0x7F, v21;
	v13 =	vcvt.f32.s32 v13  }
0x18a: {  	v21 =	vmul.f32 $7.760000000e+02, v1;
	v15 =	vand.u32 $0xFFF00, v15;
	vm6 =	vgt.s32 v14, $0xD3  }
0x18b: {  	v25 =	vadd.s32 $0x7FF2C, v14;
	vm7 =	vgt.s32 v13, $0xD3;
	v26 =	vadd.s32 $0x7FF2C, v13  }
0x18c: {  	v12 =	vor.u32 v15, v12;
	v15 =	vsel vm8, v27, v24;
	v13 =	vsel vm7, v26, v13  }
0x18d: {  	v24 =	vmul.f32 $1.072000000e+03, v2;
	v2 =	vmul.f32 $1.482000000e+03, v2;
	v13 =	vmul.u32 $0xD4, v13  }
0x18e: {  	v14 =	vsel vm6, v25, v14;
	v51 =	vtrunc.f32 v21;
	v15 =	vmul.u32 $0xAF90, v15  }
0x18f: {  	v2 =	vtrunc.f32 v2;
	v13 =	vadd.s32 v14, v13;
	v14 =	vcvt.f32.s32 v30  }
0x190: {  	v2 =	vcvt.f32.s32 v2;
	v13 =	vadd.s32 v15, v13;
	v15 =	vcvt.f32.s32 v32  }
0x191: {  	v33 =	vshll.u32 v13, $0x1;
	v13 =	vand.u32 $0x7F, v13;
	vm9 =	vgt.s32 v14, $0x125  }
0x192: {  	v19 =	vadd.s32 $0x7FEDA, v14;
	v16 =	vand.u32 $0xFFF00, v33;
	vm10 =	vgt.s32 v15, $0x125  }
0x193: {  	v18 =	vadd.s32 $0x7FEDA, v15;
	v14 =	vsel vm9, v19, v14;
	v19 =	vtrunc.f32 v42  }
0x194: {  	v13 =	vor.u32 v16, v13;
	v16 =	vcvt.f32.s32 v37;
	v45 =	vcvt.f32.s32 v19  }
0x195: {  	v6 =	vld.idx.msk [tilespmem:v6+s26+$0x0], $0xffff;
	v15 =	vsel vm10, v18, v15;
	v37 =	vmul.f32 $1.482000000e+03, v0;
	v0 =	vmul.f32 $2.048000000e+03, v0  }
0x196: {  	v5 =	vld.idx.msk [tilespmem:v5+s26+$0x0], $0xffff;
	v15 =	vmul.u32 $0x126, v15;
	v52 =	vor.u32 $0x800080, v13;
	vm12 =	vgt.s32 v16, $0x195  }
0x197: {  	v40 =	vadd.s32 $0x7FE6A, v16;
	vm15 =	vgt.s32 v45, $0x230;
	v19 =	vadd.s32 $0x7FDCF, v45  }
0x198: {  	v0 =	vtrunc.f32 v0;
	v14 =	vadd.s32 v14, v15;
	v15 =	vtrunc.f32 v36  }
0x199: {  	v16 =	vsel vm12, v40, v16;
	v36 =	vor.u32 $0x400000, v9;
	v9 =	vor.u32 $0x400080, v9  }
0x19a: {  	[tilespmem:s16+$0x7100] =	vst v6;
	v40 =	vtrunc.f32 v37;
	v0 =	vcvt.f32.s32 v0;
	v14 =	vadd.s32 v17, v14  }
0x19b: {  	[tilespmem:s16+$0x7180] =	vst v5;
	v15 =	vcvt.f32.s32 v15;
	v17 =	vtrunc.f32 v38;
	v38 =	vor.u32 $0x500000, v10  }
0x19c: {  	v4 =	vld.idx.msk [tilespmem:v4+s29+$0x0], $0xffff;
	v42 =	vcvt.f32.s32 v40;
	v39 =	vshll.u32 v14, $0x1;
	v14 =	vand.u32 $0x7F, v14  }
0x19d: {  	v3 =	vld.idx.msk [tilespmem:v3+s29+$0x0], $0xffff;
	v17 =	vcvt.f32.s32 v17;
	v0 =	vshll.u32 v0, $0xC;
	v18 =	vand.u32 $0xFFF00, v39  }
0x19e: {  	vm13 =	vgt.s32 v15, $0x195;
	v20 =	vadd.s32 $0x7FE6A, v15;
	v39 =	vmul.f32 $1.482000000e+03, v1  }
0x19f: {  	vm12 =	vgt.s32 v42, $0x5C9;
	v44 =	vadd.s32 $0x7FA36, v42;
	v1 =	vmul.f32 $2.048000000e+03, v1  }
0x1a0: {  	v14 =	vor.u32 v18, v14;
	v15 =	vsel vm13, v20, v15;
	vm14 =	vgt.s32 v17, $0x195  }
0x1a1: {  	[tilespmem:s16+$0x7200] =	vst v4;
	v41 =	vadd.s32 $0x7FE6A, v17;
	v18 =	vtrunc.f32 v43;
	v20 =	vcvt.f32.s32 v51  }
0x1a2: {  	[tilespmem:s16+$0x7280] =	vst v3;
	v43 =	vor.u32 $0x600000, v11;
	vm13 =	vgt.s32 v2, $0x5C9;
	v51 =	vor.u32 $0x800000, v13  }
0x1a3: {  	v7 =	vld.idx.msk [tilespmem:v7+s30+$0x0], $0xffff;
	v17 =	vsel vm14, v41, v17;
	v15 =	vmul.u32 $0x196, v15;
	v46 =	vcvt.f32.s32 v18  }
0x1a4: {  	v31 =	vld.idx.msk [tilespmem:v22+s30+$0x0], $0xffff;
	[tilespmem:s16+$0x780] =	vst v8;
	v18 =	vcvt.f32.s32 v47;
	v41 =	vor.u32 $0x500080, v10;
	v8 =	vtrunc.f32 v39  }
0x1a5: {  	v47 =	vor.u32 $0x600080, v11;
	v1 =	vtrunc.f32 v1;
	v17 =	vmul.u32 $0x283E4, v17  }
0x1a6: {  	vm6 =	vgt.s32 v20, $0x307;
	v55 =	vadd.s32 $0x7FCF8, v20;
	v8 =	vcvt.f32.s32 v8  }
0x1a7: {  	v1 =	vcvt.f32.s32 v1;
	v15 =	vadd.s32 v16, v15;
	v16 =	vsel vm15, v19, v45  }
0x1a8: {  	vm4 =	vgt.s32 v46, $0x230;
	v48 =	vadd.s32 $0x7FDCF, v46;
	vm5 =	vgt.s32 v18, $0x230  }
0x1a9: {  	v49 =	vadd.s32 $0x7FDCF, v18;
	v19 =	vtrunc.f32 v50;
	v56 =	vsel vm6, v55, v20  }
0x1aa: {  	v45 =	vsel vm12, v44, v42;
	v50 =	vor.u32 $0x700080, v12;
	v15 =	vadd.s32 v17, v15  }
0x1ab: {  	v17 =	vsel vm4, v48, v46;
	v18 =	vsel vm5, v49, v18;
	v53 =	vcvt.f32.s32 v19  }
0x1ac: {  	v19 =	vcvt.f32.s32 v54;
	v46 =	vadd.s32 $0x7FA36, v2;
	v48 =	vor.u32 $0x700000, v12  }
0x1ad: {  	[tilespmem:s16+$0x7300] =	vst v7;
	vm14 =	vgt.s32 v8, $0x5C9;
	v49 =	vadd.s32 $0x7FA36, v8;
	v7 =	vmul.u32 $0x5CA, v45  }
0x1ae: {  	v54 =	vor.u32 $0x900080, v14;
	vm15 =	vgt.s32 v1, $0x7FF;
	v60 =	vadd.s32 $0x7F800, v1  }
0x1af: {  	v17 =	vmul.u32 $0x231, v17;
	v58 =	vmul.u32 $0x4CD61, v18;
	v25 =	vshll.u32 v15, $0x1  }
0x1b0: {  	v18 =	vtrunc.f32 v62;
	v15 =	vand.u32 $0x7F, v15;
	v2 =	vsel vm13, v46, v2  }
0x1b1: {  	[tilespmem:s16+$0x700] =	vst v34;
	v8 =	vsel vm14, v49, v8;
	v1 =	vsel vm15, v60, v1;
	vm7 =	vgt.s32 v53, $0x307  }
0x1b2: {  	[tilespmem:s16+$0x7380] =	vst v31;
	v57 =	vadd.s32 $0x7FCF8, v53;
	vm8 =	vgt.s32 v19, $0x307;
	v59 =	vadd.s32 $0x7FCF8, v19  }
0x1b3: {  	[tilespmem:s16+$0x1480] =	vst v52;
	v18 =	vcvt.f32.s32 v18;
	v32 =	vand.u32 $0xFFF00, v25;
	v2 =	vmul.u32 $0x18364, v2  }
0x1b4: {  	[tilespmem:s16+$0xC00] =	vst v36;
	v7 =	vadd.s32 v8, v7;
	v62 =	vshll.u32 v1, $0x1;
	v1 =	vand.u32 $0x7F, v1  }
0x1b5: {  	[tilespmem:s16+$0xC80] =	vst v9;
	v16 =	vadd.s32 v16, v17;
	v17 =	vsel vm7, v57, v53;
	v61 =	vsel vm8, v59, v19  }
0x1b6: {  	[tilespmem:s16+$0xD00] =	vst v38;
	v19 =	vtrunc.f32 v24;
	v15 =	vor.u32 v32, v15;
	v53 =	vor.u32 $0x900000, v14  }
0x1b7: {  	[tilespmem:s16+$0xE00] =	vst v43;
	v0 =	vadd.s32 v0, v62;
	v17 =	vmul.u32 $0x308, v17;
	v5 =	vadd.s32 v58, v16  }
0x1b8: {  	[tilespmem:s16+$0x1400] =	vst v51;
	v16 =	vmul.u32 $0x13040, v61;
	v26 =	vcvt.f32.s32 v19;
	vm10 =	vgt.s32 v18, $0x42F  }
0x1b9: {  	[tilespmem:s16+$0xD80] =	vst v41;
	v29 =	vadd.s32 $0x7FBD0, v18;
	v2 =	vadd.s32 v2, v7;
	v55 =	vor.u32 $0xA00000, v15  }
0x1ba: {  	[tilespmem:s16+$0xE80] =	vst v47;
	v0 =	vand.u32 $0xFFF00, v0;
	v33 =	vshll.u32 v5, $0x1;
	v5 =	vand.u32 $0x7F, v5  }
0x1bb: {  	[tilespmem:s16+$0xF80] =	vst v50;
	v0 =	vor.u32 v0, v1;
	v6 =	vadd.s32 v56, v17;
	v17 =	vcvt.f32.s32 v63  }
0x1bc: {  	[tilespmem:s16+$0xF00] =	vst v48;
	vm11 =	vgt.s32 v26, $0x42F;
	v30 =	vadd.s32 $0x7FBD0, v26;
	v19 =	vand.u32 $0xFFF00, v33  }
0x1bd: {  	[tilespmem:s16+$0x1580] =	vst v54;
	v56 =	vor.u32 $0xA00080, v15;
	vm9 =	vgt.s32 v17, $0x42F;
	v27 =	vadd.s32 $0x7FBD0, v17  }
0x1be: {  	[tilespmem:s16+$0x1500] =	vst v53;
	v1 =	vor.u32 $0xF00000, v0;
	v28 =	vsel vm9, v27, v17;
	v17 =	vsel vm10, v29, v18  }
0x1bf: {  	[tilespmem:s16+$0x1600] =	vst v55;
	v0 =	vor.u32 $0xF00080, v0;
	v4 =	vsel vm11, v30, v26;
	v17 =	vmul.u32 $0x430, v17  }
0x1c0: {  	v6 =	vadd.s32 v16, v6;
	v5 =	vor.u32 v19, v5;
	[tilespmem:s16+$0x1680] =	vst v56;
	v4 =	vmul.u32 $0x18900, v4  }
0x1c1: {  	[tilespmem:s16+$0x1F00] =	vst v1;
	v35 =	vshll.u32 v6, $0x1;
	v6 =	vand.u32 $0x7F, v6;
	v3 =	vadd.s32 v28, v17  }
0x1c2: {  	[tilespmem:s16+$0x1F80] =	vst v0;
	v57 =	vor.u32 $0xB00000, v5;
	v19 =	vand.u32 $0xFFF00, v35;
	v4 =	vadd.s32 v4, v3  }
0x1c3: {  	v5 =	vor.u32 $0xB00080, v5;
	[tilespmem:s16+$0x1700] =	vst v57;
	v6 =	vor.u32 v19, v6;
	v4 =	vshll.u32 v4, $0x1  }
0x1c4: {  	[tilespmem:s16+$0x1780] =	vst v5;
	v58 =	vor.u32 $0xC00000, v6;
	v3 =	vand.u32 $0x7F, v3;
	v4 =	vand.u32 $0xFFF00, v4  }
0x1c5: {  	p0 =	sne.s32 s15, $0x1C0;
	v59 =	vshll.u32 v2, $0x1;
	v6 =	vor.u32 $0xC00080, v6;
	[tilespmem:s16+$0x1C00] =	vst v58;
	v3 =	vor.u32 v4, v3  }
.Ltmp6:
0x1c6: {  	v2 =	vand.u32 $0x7F, v2;
	[tilespmem:s16+$0x1C80] =	vst v6;
	v4 =	vand.u32 $0xFFF00, v59;
	v61 =	vor.u32 $0xD00000, v3;
	(pc) =	sbr.rel @p0 .LBB2_5-.Ltmp6, $4  }
0x1c7: {  	v3 =	vor.u32 $0xD00080, v3;
	v2 =	vor.u32 v4, v2;
	[tilespmem:s16+$0x1D00] =	vst v61  }
0x1c8: {  	[tilespmem:s16+$0x1D80] =	vst v3;
	v63 =	vor.u32 $0xE00000, v2  }
0x1c9: {  	v2 =	vor.u32 $0xE00080, v2;
	[tilespmem:s16+$0x1E00] =	vst v63  }
0x1ca: {  	s15 =	sadd.s32 $0x40, s15;
	[tilespmem:s16+$0x1E80] =	vst v2  }
0x1cb: {  	p0 =	seq.s32 s14, $0x0  }
.Ltmp7:
0x1cc: {  	_ = 	snop;
	(pc) =	sbr.rel @p0 .LBB2_13-.Ltmp7, $4  }
0x1cd: {  	s15 =	simm.s32 $0x600  }
0x1ce: {  	[tilespmem:s20], [sflag:$0x1] =	stream.indirect.gather [hbm4b:s2+s8], $0x1, s15, s8, $0xb8;
	[tilespmem:$0x1C100] =	vst v63  }
0x1cf: {  	_ = 	snop  }
0x1d0: {  	[tilespmem:s22], [sflag:$0x2] =	stream.indirect.gather [hbm4b:s2+s21], $0x1, s21, s21, $0xb8;
	[tilespmem:$0x1C100] =	vst v63  }
0x1d1: {  	_ =	swait.ge [sflag:s23], $0xA00  }
0x1d2: {  	s15 =	sshll.u32 s14, $0xB;
	[sflag:s23] =	ssyncset.done $0x0  }
0x1d3: {  	s16 =	sadd.s32 s15, s13;
	[sflag:s23] =	ssyncadd.s32 $0xFFFFF600  }
0x1d4: {  	s15 =	sadd.s32 s6, s16;
	_ =	swait.ge [sflag:s24], $0x1000  }
0x1d5: {  	s17 =	sshrl.u32 s15, $0x3;
	[sflag:s24] =	ssyncset.done $0x0  }
0x1d6: {  	s18 =	simm.s32 $0x7400;
	s15 =	sadd.s32 s4, s17;
	[sflag:s24] =	ssyncadd.s32 $0xFFFFF000  }
0x1d7: {  	[hbm4b:s15+s5] =	stream.linear.scatter [tilespmem:s18], [sflag:$0x6], $0x300, $0x38;
	[tilespmem:$0x1C100] =	vst v63  }
0x1d8: {  	s15 =	simm.s32 $0x6  }
0x1d9: {  	_ =	swait.ge [sflag:s15], $0x300  }
0x1da: {  	[sflag:s15] =	ssyncset.done $0x0  }
0x1db: {  	s25 =	simm.s32 $0x5400;
	s17 =	sadd.s32 s17, s12;
	[sflag:s15] =	ssyncadd.s32 $0xFFFFFD00  }
0x1dc: {  	[hbm4b:s17+s5] =	stream.linear.scatter [tilespmem:s25], [sflag:$0x6], $0x100, $0x38;
	[tilespmem:$0x1C100] =	vst v63  }
0x1dd: {  	_ =	swait.ge [sflag:s15], $0x100  }
0x1de: {  	s25 =	rddreg [dreg:$0x6]  }
0x1df: {  	s17 =	sadd.s32 s16, s25  }
0x1e0: {  	[sflag:s15] =	ssyncset.done $0x0;
	s17 =	sshrl.u32 s17, $0x3  }
0x1e1: {  	[sflag:s15] =	ssyncadd.s32 $0xFFFFFF00;
	s25 =	simm.s32 $0x7700;
	s18 =	sadd.s32 s4, s17  }
0x1e2: {  	[hbm4b:s18+s5] =	stream.linear.scatter [tilespmem:s25], [sflag:$0x6], $0x300, $0x38;
	[tilespmem:$0x1C100] =	vst v63  }
0x1e3: {  	_ =	swait.ge [sflag:s15], $0x300  }
0x1e4: {  	[sflag:s15] =	ssyncset.done $0x0  }
0x1e5: {  	s17 =	sadd.s32 s17, s12;
	s18 =	simm.s32 $0x5500;
	[sflag:s15] =	ssyncadd.s32 $0xFFFFFD00  }
0x1e6: {  	[hbm4b:s17+s5] =	stream.linear.scatter [tilespmem:s18], [sflag:$0x6], $0x100, $0x38;
	[tilespmem:$0x1C100] =	vst v63  }
0x1e7: {  	_ =	swait.ge [sflag:s15], $0x100  }
0x1e8: {  	s18 =	rddreg [dreg:$0x7]  }
0x1e9: {  	s17 =	sadd.s32 s16, s18  }
0x1ea: {  	[sflag:s15] =	ssyncset.done $0x0;
	s17 =	sshrl.u32 s17, $0x3  }
0x1eb: {  	[sflag:s15] =	ssyncadd.s32 $0xFFFFFF00;
	s18 =	simm.s32 $0x5600;
	s17 =	sadd.s32 s4, s17  }
0x1ec: {  	[hbm4b:s17+s5] =	stream.linear.scatter [tilespmem:s18], [sflag:$0x6], $0x800, $0x38;
	[tilespmem:$0x1C100] =	vst v63  }
0x1ed: {  	_ =	swait.ge [sflag:s15], $0x800  }
0x1ee: {  	s18 =	rddreg [dreg:$0x8]  }
0x1ef: {  	s17 =	sadd.s32 s16, s18  }
0x1f0: {  	[sflag:s15] =	ssyncset.done $0x0;
	s17 =	sshrl.u32 s17, $0x3  }
0x1f1: {  	s25 =	simm.s32 $0x5E00;
	[sflag:s15] =	ssyncadd.s32 $0xFFFFF800;
	s17 =	sadd.s32 s4, s17  }
0x1f2: {  	[hbm4b:s17+s5] =	stream.linear.scatter [tilespmem:s25], [sflag:$0x6], $0x800, $0x38;
	[tilespmem:$0x1C100] =	vst v63  }
0x1f3: {  	_ =	swait.ge [sflag:s15], $0x800  }
.Ltmp8:
0x1f4: {  	s18 =	rddreg [dreg:$0x9];
	(pc) =	sbr.rel .LBB2_12-.Ltmp8, $4  }
0x1f5: {  	s16 =	sadd.s32 s16, s18  }
0x1f6: {  	[sflag:s15] =	ssyncset.done $0x0;
	s16 =	sshrl.u32 s16, $0x3  }
0x1f7: {  	[sflag:s15] =	ssyncadd.s32 $0xFFFFF800;
	s18 =	simm.s32 $0x6600;
	s16 =	sadd.s32 s4, s16  }
0x1f8: {  	[hbm4b:s16+s5] =	stream.linear.scatter [tilespmem:s18], [sflag:$0x6], $0x800, $0x38;
	[tilespmem:$0x1C100] =	vst v63  }
.LBB2_8:
0x1f9: {  	s15 =	simm.s32 $0x300  }
0x1fa: {  	[tilespmem:s15], [sflag:$0x6] =	stream.strided.gather [hbm4b:s18+s31], $0x100, s0, s31, $0x38;
	[tilespmem:$0x1C100] =	vst v63  }
0x1fb: {  	_ =	swait.ge [sflag:s3], $0x100  }
0x1fc: {  	[sflag:s3] =	ssyncset.done $0x0  }
0x1fd: {  	s18 =	simm.s32 $0x400;
	[sflag:s3] =	ssyncadd.s32 $0xFFFFFF00  }
0x1fe: {  	[tilespmem:s18], [sflag:$0x6] =	stream.strided.gather [hbm4b:s17+s31], $0x100, s0, s31, $0x38;
	[tilespmem:$0x1C100] =	vst v63  }
0x1ff: {  	_ =	swait.ge [sflag:s3], $0x100  }
0x200: {  	[sflag:s3] =	ssyncset.done $0x0  }
0x201: {  	s18 =	simm.s32 $0x500;
	[sflag:s3] =	ssyncadd.s32 $0xFFFFFF00  }
0x202: {  	[tilespmem:s18], [sflag:$0x6] =	stream.strided.gather [hbm4b:s16+s31], $0x100, s0, s31, $0x38;
	[tilespmem:$0x1C100] =	vst v63  }
0x203: {  	_ =	swait.ge [sflag:s3], $0x100  }
0x204: {  	[sflag:s3] =	ssyncset.done $0x0  }
0x205: {  	s15 =	simm.s32 $0x0;
	s16 =	simm.s32 $0x0;
	[sflag:s3] =	ssyncadd.s32 $0xFFFFFF00  }
.LBB2_9:
0x206: {  	s17 =	sshra.s32 s16, $0x2  }
0x207: {  	v1 =	vld [tilespmem:s17+$0x300]  }
0x208: {  	v0 =	vld [tilespmem:s17+$0x400]  }
0x209: {  	v2 =	vld [tilespmem:s17+$0x500];
	_ =	sdelay $0x3  }
0x20a: {  	v3 =	vmul.f32 $1.600000000e+01, v1;
	v4 =	vmul.f32 $1.600000000e+01, v0  }
0x20b: {  	v5 =	vmul.f32 $1.600000000e+01, v2;
	v13 =	vmul.f32 $2.200000000e+01, v1  }
0x20c: {  	v8 =	vmul.f32 $2.200000000e+01, v0;
	v14 =	vmul.f32 $2.200000000e+01, v2  }
0x20d: {  	v18 =	vmul.f32 $3.000000000e+01, v1;
	v19 =	vmul.f32 $3.000000000e+01, v0  }
0x20e: {  	v20 =	vmul.f32 $3.000000000e+01, v2;
	v26 =	vmul.f32 $4.200000000e+01, v1  }
0x20f: {  	v27 =	vmul.f32 $4.200000000e+01, v0;
	v29 =	vmul.f32 $4.200000000e+01, v2  }
0x210: {  	v34 =	vmul.f32 $5.800000000e+01, v1;
	v35 =	vmul.f32 $5.800000000e+01, v0  }
0x211: {  	v43 =	vmul.f32 $8.000000000e+01, v1;
	v44 =	vmul.f32 $8.000000000e+01, v0  }
0x212: {  	v45 =	vmul.f32 $8.000000000e+01, v2;
	v50 =	vmul.f32 $1.110000000e+02, v1  }
0x213: {  	v51 =	vmul.f32 $1.110000000e+02, v0;
	v53 =	vmul.f32 $1.110000000e+02, v2  }
0x214: {  	v55 =	vmul.f32 $1.530000000e+02, v1;
	v56 =	vmul.f32 $1.530000000e+02, v0  }
0x215: {  	v3 =	vtrunc.f32 v3;
	v4 =	vtrunc.f32 v4  }
0x216: {  	v5 =	vtrunc.f32 v5;
	v8 =	vtrunc.f32 v8  }
0x217: {  	v23 =	vtrunc.f32 v20;
	v28 =	vtrunc.f32 v26  }
0x218: {  	v31 =	vtrunc.f32 v27;
	v52 =	vtrunc.f32 v50  }
0x219: {  	v20 =	vmul.f32 $2.120000000e+02, v1;
	v50 =	vmul.f32 $7.760000000e+02, v0  }
0x21a: {  	v3 =	vcvt.f32.s32 v3;
	v4 =	vcvt.f32.s32 v4  }
0x21b: {  	v5 =	vcvt.f32.s32 v5;
	v8 =	vcvt.f32.s32 v8  }
0x21c: {  	v30 =	vcvt.f32.s32 v28;
	v28 =	vmul.f32 $2.940000000e+02, v1;
	vm0 =	vgt.s32 v3, $0xF  }
0x21d: {  	v6 =	vadd.s32 $0xFFFFFFF0, v3;
	v11 =	vshll.u32 v4, $0x4;
	vm8 =	vgt.s32 v4, $0xF  }
0x21e: {  	vm1 =	vgt.s32 v5, $0xF;
	v5 =	vshll.u32 v5, $0x8;
	vm10 =	vgt.s32 v8, $0x15  }
0x21f: {  	v9 =	vadd.s32 $0xFFFFFFEA, v8;
	vm15 =	vgt.s32 v30, $0x29;
	v3 =	vsel vm0, v6, v3  }
0x220: {  	v12 =	vadd.s32 $0xFFFFFF00, v11;
	v7 =	vadd.s32 $0x7FFFF000, v5;
	v6 =	vtrunc.f32 v13  }
0x221: {  	v8 =	vsel vm10, v9, v8;
	v4 =	vsel vm8, v12, v11;
	v5 =	vsel vm1, v7, v5  }
0x222: {  	v6 =	vcvt.f32.s32 v6;
	v7 =	vtrunc.f32 v14;
	v8 =	vmul.u32 $0x16, v8  }
0x223: {  	v12 =	vadd.s32 $0x7FFD6, v30;
	v14 =	vmul.f32 $5.800000000e+01, v2;
	v4 =	vadd.s32 v3, v4  }
0x224: {  	v7 =	vcvt.f32.s32 v7;
	v3 =	vand.u32 $0x7, v3;
	v5 =	vadd.s32 v5, v4  }
0x225: {  	vm9 =	vgt.s32 v6, $0x15;
	v10 =	vadd.s32 $0xFFFFFFEA, v6;
	v4 =	vand.u32 $0x78, v4  }
0x226: {  	v38 =	vtrunc.f32 v14;
	v14 =	vtrunc.f32 v53;
	v5 =	vshll.u32 v5, $0x1  }
0x227: {  	vm11 =	vgt.s32 v7, $0x15;
	v15 =	vadd.s32 $0xFFFFFFEA, v7;
	v6 =	vsel vm9, v10, v6  }
0x228: {  	v14 =	vcvt.f32.s32 v14;
	v5 =	vand.u32 $0xFFFFFF00, v5;
	v7 =	vsel vm11, v15, v7  }
0x229: {  	v16 =	vadd.s32 v6, v8;
	v8 =	vtrunc.f32 v19;
	v7 =	vmul.u32 $0x1E4, v7  }
0x22a: {  	v4 =	vor.u32 v4, v5;
	v22 =	vcvt.f32.s32 v8;
	v8 =	vcvt.f32.s32 v23  }
0x22b: {  	v54 =	vadd.s32 $0x7FF91, v14;
	v23 =	vmul.f32 $2.120000000e+02, v2;
	v6 =	vor.u32 v3, v4  }
0x22c: {  	v4 =	vtrunc.f32 v18;
	v17 =	vadd.s32 v7, v16;
	v5 =	vor.u32 $0x80, v6  }
0x22d: {  	v21 =	vcvt.f32.s32 v4;
	vm13 =	vgt.s32 v22, $0x1D;
	v11 =	vadd.s32 $0xFFFFFFE2, v22  }
0x22e: {  	vm14 =	vgt.s32 v8, $0x1D;
	v25 =	vadd.s32 $0xFFFFFFE2, v8;
	v7 =	vshll.u32 v17, $0x1  }
0x22f: {  	v3 =	vand.u32 $0x7F, v17;
	v8 =	vsel vm14, v25, v8;
	vm14 =	vgt.s32 v14, $0x6E  }
0x230: {  	v17 =	vmul.f32 $1.530000000e+02, v2;
	v7 =	vand.u32 $0xFFFFFF00, v7;
	vm12 =	vgt.s32 v21, $0x1D  }
0x231: {  	v24 =	vadd.s32 $0xFFFFFFE2, v21;
	v8 =	vmul.u32 $0x384, v8;
	v14 =	vsel vm14, v54, v14  }
0x232: {  	v4 =	vor.u32 v3, v7;
	v7 =	vsel vm13, v11, v22;
	v9 =	vsel vm12, v24, v21  }
0x233: {  	v11 =	vtrunc.f32 v29;
	v59 =	vtrunc.f32 v17;
	v7 =	vmul.u32 $0x1E, v7  }
0x234: {  	v14 =	vmul.u32 $0x3021, v14;
	v22 =	vmul.f32 $2.120000000e+02, v0;
	v11 =	vcvt.f32.s32 v11  }
0x235: {  	v29 =	vmul.f32 $2.940000000e+02, v0;
	v3 =	vor.u32 $0x80, v4;
	v7 =	vadd.s32 v9, v7  }
0x236: {  	v9 =	vcvt.f32.s32 v31;
	vm5 =	vgt.s32 v11, $0x29;
	v33 =	vadd.s32 $0x7FFD6, v11  }
0x237: {  	v31 =	vmul.f32 $2.940000000e+02, v2;
	v7 =	vadd.s32 v8, v7;
	v8 =	vsel vm15, v12, v30  }
0x238: {  	v11 =	vsel vm5, v33, v11;
	v12 =	vtrunc.f32 v35;
	v30 =	vtrunc.f32 v28  }
0x239: {  	v35 =	vmul.f32 $4.060000000e+02, v1;
	v32 =	vshll.u32 v7, $0x1;
	vm4 =	vgt.s32 v9, $0x29  }
0x23a: {  	v13 =	vadd.s32 $0x7FFD6, v9;
	v7 =	vand.u32 $0x7F, v7;
	v37 =	vcvt.f32.s32 v12  }
0x23b: {  	v11 =	vmul.u32 $0x6E4, v11;
	v12 =	vcvt.f32.s32 v38;
	v17 =	vtrunc.f32 v31  }
0x23c: {  	v38 =	vmul.f32 $4.060000000e+02, v2;
	v9 =	vsel vm4, v13, v9;
	v13 =	vtrunc.f32 v34  }
0x23d: {  	v10 =	vand.u32 $0xFFFFFF00, v32;
	v32 =	vtrunc.f32 v29;
	v17 =	vcvt.f32.s32 v17  }
0x23e: {  	v9 =	vmul.u32 $0x2A, v9;
	v36 =	vcvt.f32.s32 v13;
	v7 =	vor.u32 v7, v10  }
0x23f: {  	vm7 =	vgt.s32 v37, $0x39;
	vm8 =	vgt.s32 v12, $0x39;
	v41 =	vadd.s32 $0x7FFC6, v12  }
0x240: {  	v40 =	vadd.s32 $0x7FFC6, v37;
	v13 =	vtrunc.f32 v45;
	v12 =	vsel vm8, v41, v12  }
0x241: {  	v46 =	vcvt.f32.s32 v13;
	v13 =	vtrunc.f32 v51;
	v34 =	vadd.s32 $0x7FEDA, v17  }
0x242: {  	v8 =	vadd.s32 v8, v9;
	vm6 =	vgt.s32 v36, $0x39;
	v42 =	vadd.s32 $0x7FFC6, v36  }
0x243: {  	v12 =	vmul.u32 $0xD24, v12;
	v13 =	vcvt.f32.s32 v13;
	v8 =	vadd.s32 v11, v8  }
0x244: {  	v11 =	vsel vm7, v40, v37;
	v9 =	vsel vm6, v42, v36;
	v36 =	vmul.f32 $4.060000000e+02, v0  }
0x245: {  	vm11 =	vgt.s32 v46, $0x4F;
	v37 =	vtrunc.f32 v35;
	v42 =	vmul.f32 $5.610000000e+02, v1  }
0x246: {  	v39 =	vshll.u32 v8, $0x1;
	v11 =	vmul.u32 $0x3A, v11;
	v8 =	vand.u32 $0x7F, v8  }
0x247: {  	vm13 =	vgt.s32 v13, $0x6E;
	v16 =	vadd.s32 $0x7FF91, v13;
	v10 =	vand.u32 $0xFFF00, v39  }
0x248: {  	v13 =	vsel vm13, v16, v13;
	v16 =	vtrunc.f32 v55;
	v9 =	vadd.s32 v9, v11  }
0x249: {  	v8 =	vor.u32 v10, v8;
	v11 =	vtrunc.f32 v43;
	v10 =	vtrunc.f32 v44  }
0x24a: {  	v49 =	vadd.s32 $0x7FFB0, v46;
	v57 =	vcvt.f32.s32 v16;
	v16 =	vtrunc.f32 v23  }
0x24b: {  	v13 =	vmul.u32 $0x6F, v13;
	v43 =	vmul.f32 $5.610000000e+02, v0;
	v44 =	vmul.f32 $5.610000000e+02, v2  }
0x24c: {  	v9 =	vadd.s32 v12, v9;
	v11 =	vcvt.f32.s32 v11;
	v10 =	vcvt.f32.s32 v10  }
0x24d: {  	v24 =	vcvt.f32.s32 v16;
	v12 =	vshll.u32 v9, $0x1;
	v9 =	vand.u32 $0x7F, v9  }
0x24e: {  	vm15 =	vgt.s32 v57, $0x98;
	v63 =	vadd.s32 $0x7FF67, v57;
	v12 =	vand.u32 $0xFFF00, v12  }
0x24f: {  	vm9 =	vgt.s32 v11, $0x4F;
	v47 =	vadd.s32 $0x7FFB0, v11;
	vm10 =	vgt.s32 v10, $0x4F  }
0x250: {  	v48 =	vadd.s32 $0x7FFB0, v10;
	vm8 =	vgt.s32 v24, $0xD3;
	v27 =	vadd.s32 $0x7FF2C, v24  }
0x251: {  	v9 =	vor.u32 v12, v9;
	v10 =	vsel vm10, v48, v10;
	v12 =	vsel vm11, v49, v46  }
0x252: {  	v11 =	vsel vm9, v47, v11;
	vm11 =	vgt.s32 v17, $0x125;
	v10 =	vmul.u32 $0x50, v10  }
0x253: {  	v47 =	vtrunc.f32 v44;
	v12 =	vmul.u32 $0x1900, v12;
	v17 =	vsel vm11, v34, v17  }
0x254: {  	v34 =	vor.u32 $0x300000, v8;
	v8 =	vor.u32 $0x300080, v8;
	v10 =	vadd.s32 v11, v10  }
0x255: {  	v11 =	vcvt.f32.s32 v52;
	v52 =	vmul.f32 $7.760000000e+02, v2;
	v12 =	vadd.s32 v12, v10  }
0x256: {  	v17 =	vmul.u32 $0x151A4, v17;
	v10 =	vand.u32 $0x7F, v10;
	v12 =	vshll.u32 v12, $0x1  }
0x257: {  	vm12 =	vgt.s32 v11, $0x6E;
	v15 =	vadd.s32 $0x7FF91, v11;
	v54 =	vtrunc.f32 v52  }
0x258: {  	v12 =	vand.u32 $0xFFF00, v12;
	v11 =	vsel vm12, v15, v11;
	v15 =	vtrunc.f32 v56  }
0x259: {  	v11 =	vadd.s32 v11, v13;
	v58 =	vcvt.f32.s32 v15;
	v10 =	vor.u32 v12, v10  }
0x25a: {  	v15 =	vcvt.f32.s32 v59;
	v13 =	vsel vm15, v63, v57;
	v11 =	vadd.s32 v14, v11  }
0x25b: {  	v60 =	vshll.u32 v11, $0x1;
	vm4 =	vgt.s32 v58, $0x98;
	v61 =	vadd.s32 $0x7FF67, v58  }
0x25c: {  	vm5 =	vgt.s32 v15, $0x98;
	v62 =	vadd.s32 $0x7FF67, v15;
	v14 =	vsel vm4, v61, v58  }
0x25d: {  	v11 =	vand.u32 $0x7F, v11;
	v15 =	vsel vm5, v62, v15;
	v14 =	vmul.u32 $0x99, v14  }
0x25e: {  	v12 =	vand.u32 $0xFFF00, v60;
	v60 =	vmul.f32 $1.072000000e+03, v1;
	v15 =	vmul.u32 $0x5B71, v15  }
0x25f: {  	v62 =	vmul.f32 $1.072000000e+03, v0;
	v11 =	vor.u32 v12, v11;
	v13 =	vadd.s32 v13, v14  }
0x260: {  	v63 =	vtrunc.f32 v60;
	v14 =	vtrunc.f32 v20;
	v21 =	vadd.s32 v15, v13  }
0x261: {  	v14 =	vcvt.f32.s32 v14;
	v13 =	vtrunc.f32 v22;
	v22 =	vor.u32 $0x80, v7  }
0x262: {  	v15 =	vshll.u32 v21, $0x1;
	v12 =	vand.u32 $0x7F, v21;
	v13 =	vcvt.f32.s32 v13  }
0x263: {  	v21 =	vmul.f32 $7.760000000e+02, v1;
	v15 =	vand.u32 $0xFFF00, v15;
	vm6 =	vgt.s32 v14, $0xD3  }
0x264: {  	v25 =	vadd.s32 $0x7FF2C, v14;
	vm7 =	vgt.s32 v13, $0xD3;
	v26 =	vadd.s32 $0x7FF2C, v13  }
0x265: {  	v12 =	vor.u32 v15, v12;
	v15 =	vsel vm8, v27, v24;
	v13 =	vsel vm7, v26, v13  }
0x266: {  	v24 =	vmul.f32 $1.072000000e+03, v2;
	v2 =	vmul.f32 $1.482000000e+03, v2;
	v13 =	vmul.u32 $0xD4, v13  }
0x267: {  	v14 =	vsel vm6, v25, v14;
	v51 =	vtrunc.f32 v21;
	v15 =	vmul.u32 $0xAF90, v15  }
0x268: {  	v2 =	vtrunc.f32 v2;
	v13 =	vadd.s32 v14, v13;
	v14 =	vcvt.f32.s32 v30  }
0x269: {  	v2 =	vcvt.f32.s32 v2;
	v13 =	vadd.s32 v15, v13;
	v15 =	vcvt.f32.s32 v32  }
0x26a: {  	v33 =	vshll.u32 v13, $0x1;
	v13 =	vand.u32 $0x7F, v13;
	vm9 =	vgt.s32 v14, $0x125  }
0x26b: {  	v19 =	vadd.s32 $0x7FEDA, v14;
	v16 =	vand.u32 $0xFFF00, v33;
	vm10 =	vgt.s32 v15, $0x125  }
0x26c: {  	v18 =	vadd.s32 $0x7FEDA, v15;
	v14 =	vsel vm9, v19, v14;
	v19 =	vtrunc.f32 v42  }
0x26d: {  	v13 =	vor.u32 v16, v13;
	v16 =	vcvt.f32.s32 v37;
	v45 =	vcvt.f32.s32 v19  }
0x26e: {  	v6 =	vld.idx.msk [tilespmem:v6+s26+$0x0], $0xffff;
	v15 =	vsel vm10, v18, v15;
	v37 =	vmul.f32 $1.482000000e+03, v0;
	v0 =	vmul.f32 $2.048000000e+03, v0  }
0x26f: {  	v5 =	vld.idx.msk [tilespmem:v5+s26+$0x0], $0xffff;
	v15 =	vmul.u32 $0x126, v15;
	v52 =	vor.u32 $0x800080, v13;
	vm12 =	vgt.s32 v16, $0x195  }
0x270: {  	v40 =	vadd.s32 $0x7FE6A, v16;
	vm15 =	vgt.s32 v45, $0x230;
	v19 =	vadd.s32 $0x7FDCF, v45  }
0x271: {  	v0 =	vtrunc.f32 v0;
	v14 =	vadd.s32 v14, v15;
	v15 =	vtrunc.f32 v36  }
0x272: {  	v16 =	vsel vm12, v40, v16;
	v36 =	vor.u32 $0x400000, v9;
	v9 =	vor.u32 $0x400080, v9  }
0x273: {  	[tilespmem:s17+$0x7400] =	vst v6;
	v40 =	vtrunc.f32 v37;
	v0 =	vcvt.f32.s32 v0;
	v14 =	vadd.s32 v17, v14  }
0x274: {  	[tilespmem:s17+$0x7480] =	vst v5;
	v15 =	vcvt.f32.s32 v15;
	v17 =	vtrunc.f32 v38;
	v38 =	vor.u32 $0x500000, v10  }
0x275: {  	v4 =	vld.idx.msk [tilespmem:v4+s29+$0x0], $0xffff;
	v42 =	vcvt.f32.s32 v40;
	v39 =	vshll.u32 v14, $0x1;
	v14 =	vand.u32 $0x7F, v14  }
0x276: {  	v3 =	vld.idx.msk [tilespmem:v3+s29+$0x0], $0xffff;
	v17 =	vcvt.f32.s32 v17;
	v0 =	vshll.u32 v0, $0xC;
	v18 =	vand.u32 $0xFFF00, v39  }
0x277: {  	vm13 =	vgt.s32 v15, $0x195;
	v20 =	vadd.s32 $0x7FE6A, v15;
	v39 =	vmul.f32 $1.482000000e+03, v1  }
0x278: {  	vm12 =	vgt.s32 v42, $0x5C9;
	v44 =	vadd.s32 $0x7FA36, v42;
	v1 =	vmul.f32 $2.048000000e+03, v1  }
0x279: {  	v14 =	vor.u32 v18, v14;
	v15 =	vsel vm13, v20, v15;
	vm14 =	vgt.s32 v17, $0x195  }
0x27a: {  	[tilespmem:s17+$0x7500] =	vst v4;
	v41 =	vadd.s32 $0x7FE6A, v17;
	v18 =	vtrunc.f32 v43;
	v20 =	vcvt.f32.s32 v51  }
0x27b: {  	[tilespmem:s17+$0x7580] =	vst v3;
	v43 =	vor.u32 $0x600000, v11;
	vm13 =	vgt.s32 v2, $0x5C9;
	v51 =	vor.u32 $0x800000, v13  }
0x27c: {  	v7 =	vld.idx.msk [tilespmem:v7+s30+$0x0], $0xffff;
	v17 =	vsel vm14, v41, v17;
	v15 =	vmul.u32 $0x196, v15;
	v46 =	vcvt.f32.s32 v18  }
0x27d: {  	v31 =	vld.idx.msk [tilespmem:v22+s30+$0x0], $0xffff;
	[tilespmem:s17+$0x2080] =	vst v8;
	v18 =	vcvt.f32.s32 v47;
	v41 =	vor.u32 $0x500080, v10;
	v8 =	vtrunc.f32 v39  }
0x27e: {  	v47 =	vor.u32 $0x600080, v11;
	v1 =	vtrunc.f32 v1;
	v17 =	vmul.u32 $0x283E4, v17  }
0x27f: {  	vm6 =	vgt.s32 v20, $0x307;
	v55 =	vadd.s32 $0x7FCF8, v20;
	v8 =	vcvt.f32.s32 v8  }
0x280: {  	v1 =	vcvt.f32.s32 v1;
	v15 =	vadd.s32 v16, v15;
	v16 =	vsel vm15, v19, v45  }
0x281: {  	vm4 =	vgt.s32 v46, $0x230;
	v48 =	vadd.s32 $0x7FDCF, v46;
	vm5 =	vgt.s32 v18, $0x230  }
0x282: {  	v49 =	vadd.s32 $0x7FDCF, v18;
	v19 =	vtrunc.f32 v50;
	v56 =	vsel vm6, v55, v20  }
0x283: {  	v45 =	vsel vm12, v44, v42;
	v50 =	vor.u32 $0x700080, v12;
	v15 =	vadd.s32 v17, v15  }
0x284: {  	v17 =	vsel vm4, v48, v46;
	v18 =	vsel vm5, v49, v18;
	v53 =	vcvt.f32.s32 v19  }
0x285: {  	v19 =	vcvt.f32.s32 v54;
	v46 =	vadd.s32 $0x7FA36, v2;
	v48 =	vor.u32 $0x700000, v12  }
0x286: {  	[tilespmem:s17+$0x7600] =	vst v7;
	vm14 =	vgt.s32 v8, $0x5C9;
	v49 =	vadd.s32 $0x7FA36, v8;
	v7 =	vmul.u32 $0x5CA, v45  }
0x287: {  	v54 =	vor.u32 $0x900080, v14;
	vm15 =	vgt.s32 v1, $0x7FF;
	v60 =	vadd.s32 $0x7F800, v1  }
0x288: {  	v17 =	vmul.u32 $0x231, v17;
	v58 =	vmul.u32 $0x4CD61, v18;
	v25 =	vshll.u32 v15, $0x1  }
0x289: {  	v18 =	vtrunc.f32 v62;
	v15 =	vand.u32 $0x7F, v15;
	v2 =	vsel vm13, v46, v2  }
0x28a: {  	[tilespmem:s17+$0x2000] =	vst v34;
	v8 =	vsel vm14, v49, v8;
	v1 =	vsel vm15, v60, v1;
	vm7 =	vgt.s32 v53, $0x307  }
0x28b: {  	[tilespmem:s17+$0x7680] =	vst v31;
	v57 =	vadd.s32 $0x7FCF8, v53;
	vm8 =	vgt.s32 v19, $0x307;
	v59 =	vadd.s32 $0x7FCF8, v19  }
0x28c: {  	[tilespmem:s17+$0x2A80] =	vst v52;
	v18 =	vcvt.f32.s32 v18;
	v32 =	vand.u32 $0xFFF00, v25;
	v2 =	vmul.u32 $0x18364, v2  }
0x28d: {  	[tilespmem:s17+$0x2200] =	vst v36;
	v7 =	vadd.s32 v8, v7;
	v62 =	vshll.u32 v1, $0x1;
	v1 =	vand.u32 $0x7F, v1  }
0x28e: {  	[tilespmem:s17+$0x2280] =	vst v9;
	v16 =	vadd.s32 v16, v17;
	v17 =	vsel vm7, v57, v53;
	v61 =	vsel vm8, v59, v19  }
0x28f: {  	[tilespmem:s17+$0x2300] =	vst v38;
	v19 =	vtrunc.f32 v24;
	v15 =	vor.u32 v32, v15;
	v53 =	vor.u32 $0x900000, v14  }
0x290: {  	[tilespmem:s17+$0x2400] =	vst v43;
	v0 =	vadd.s32 v0, v62;
	v17 =	vmul.u32 $0x308, v17;
	v5 =	vadd.s32 v58, v16  }
0x291: {  	[tilespmem:s17+$0x2A00] =	vst v51;
	v16 =	vmul.u32 $0x13040, v61;
	v26 =	vcvt.f32.s32 v19;
	vm10 =	vgt.s32 v18, $0x42F  }
0x292: {  	[tilespmem:s17+$0x2380] =	vst v41;
	v29 =	vadd.s32 $0x7FBD0, v18;
	v2 =	vadd.s32 v2, v7;
	v55 =	vor.u32 $0xA00000, v15  }
0x293: {  	[tilespmem:s17+$0x2480] =	vst v47;
	v0 =	vand.u32 $0xFFF00, v0;
	v33 =	vshll.u32 v5, $0x1;
	v5 =	vand.u32 $0x7F, v5  }
0x294: {  	[tilespmem:s17+$0x2580] =	vst v50;
	v0 =	vor.u32 v0, v1;
	v6 =	vadd.s32 v56, v17;
	v17 =	vcvt.f32.s32 v63  }
0x295: {  	[tilespmem:s17+$0x2500] =	vst v48;
	vm11 =	vgt.s32 v26, $0x42F;
	v30 =	vadd.s32 $0x7FBD0, v26;
	v19 =	vand.u32 $0xFFF00, v33  }
0x296: {  	[tilespmem:s17+$0x2B80] =	vst v54;
	v56 =	vor.u32 $0xA00080, v15;
	vm9 =	vgt.s32 v17, $0x42F;
	v27 =	vadd.s32 $0x7FBD0, v17  }
0x297: {  	[tilespmem:s17+$0x2B00] =	vst v53;
	v1 =	vor.u32 $0xF00000, v0;
	v28 =	vsel vm9, v27, v17;
	v17 =	vsel vm10, v29, v18  }
0x298: {  	[tilespmem:s17+$0x2C00] =	vst v55;
	v0 =	vor.u32 $0xF00080, v0;
	v4 =	vsel vm11, v30, v26;
	v17 =	vmul.u32 $0x430, v17  }
0x299: {  	v6 =	vadd.s32 v16, v6;
	v5 =	vor.u32 v19, v5;
	[tilespmem:s17+$0x2C80] =	vst v56;
	v4 =	vmul.u32 $0x18900, v4  }
0x29a: {  	[tilespmem:s17+$0x3500] =	vst v1;
	v35 =	vshll.u32 v6, $0x1;
	v6 =	vand.u32 $0x7F, v6;
	v3 =	vadd.s32 v28, v17  }
0x29b: {  	[tilespmem:s17+$0x3580] =	vst v0;
	v57 =	vor.u32 $0xB00000, v5;
	v19 =	vand.u32 $0xFFF00, v35;
	v4 =	vadd.s32 v4, v3  }
0x29c: {  	v5 =	vor.u32 $0xB00080, v5;
	[tilespmem:s17+$0x2D00] =	vst v57;
	v6 =	vor.u32 v19, v6;
	v4 =	vshll.u32 v4, $0x1  }
0x29d: {  	[tilespmem:s17+$0x2D80] =	vst v5;
	v58 =	vor.u32 $0xC00000, v6;
	v3 =	vand.u32 $0x7F, v3;
	v4 =	vand.u32 $0xFFF00, v4  }
0x29e: {  	p0 =	sne.s32 s16, $0x1C0;
	v59 =	vshll.u32 v2, $0x1;
	v6 =	vor.u32 $0xC00080, v6;
	[tilespmem:s17+$0x3200] =	vst v58;
	v3 =	vor.u32 v4, v3  }
.Ltmp9:
0x29f: {  	v2 =	vand.u32 $0x7F, v2;
	[tilespmem:s17+$0x3280] =	vst v6;
	v4 =	vand.u32 $0xFFF00, v59;
	v61 =	vor.u32 $0xD00000, v3;
	(pc) =	sbr.rel @p0 .LBB2_9-.Ltmp9, $4  }
0x2a0: {  	v3 =	vor.u32 $0xD00080, v3;
	v2 =	vor.u32 v4, v2;
	[tilespmem:s17+$0x3300] =	vst v61  }
0x2a1: {  	[tilespmem:s17+$0x3380] =	vst v3;
	v63 =	vor.u32 $0xE00000, v2  }
0x2a2: {  	v2 =	vor.u32 $0xE00080, v2;
	[tilespmem:s17+$0x3400] =	vst v63  }
0x2a3: {  	s16 =	sadd.s32 $0x40, s16;
	[tilespmem:s17+$0x3480] =	vst v2  }
.LBB2_10:
0x2a4: {  	s16 =	sshra.s32 s15, $0x2  }
0x2a5: {  	v1 =	vld [tilespmem:s16+$0x380]  }
0x2a6: {  	v0 =	vld [tilespmem:s16+$0x480]  }
0x2a7: {  	v2 =	vld [tilespmem:s16+$0x580];
	_ =	sdelay $0x3  }
0x2a8: {  	v3 =	vmul.f32 $1.600000000e+01, v1;
	v4 =	vmul.f32 $1.600000000e+01, v0  }
0x2a9: {  	v5 =	vmul.f32 $1.600000000e+01, v2;
	v13 =	vmul.f32 $2.200000000e+01, v1  }
0x2aa: {  	v8 =	vmul.f32 $2.200000000e+01, v0;
	v14 =	vmul.f32 $2.200000000e+01, v2  }
0x2ab: {  	v18 =	vmul.f32 $3.000000000e+01, v1;
	v19 =	vmul.f32 $3.000000000e+01, v0  }
0x2ac: {  	v20 =	vmul.f32 $3.000000000e+01, v2;
	v26 =	vmul.f32 $4.200000000e+01, v1  }
0x2ad: {  	v27 =	vmul.f32 $4.200000000e+01, v0;
	v29 =	vmul.f32 $4.200000000e+01, v2  }
0x2ae: {  	v34 =	vmul.f32 $5.800000000e+01, v1;
	v35 =	vmul.f32 $5.800000000e+01, v0  }
0x2af: {  	v43 =	vmul.f32 $8.000000000e+01, v1;
	v44 =	vmul.f32 $8.000000000e+01, v0  }
0x2b0: {  	v45 =	vmul.f32 $8.000000000e+01, v2;
	v50 =	vmul.f32 $1.110000000e+02, v1  }
0x2b1: {  	v51 =	vmul.f32 $1.110000000e+02, v0;
	v53 =	vmul.f32 $1.110000000e+02, v2  }
0x2b2: {  	v55 =	vmul.f32 $1.530000000e+02, v1;
	v56 =	vmul.f32 $1.530000000e+02, v0  }
0x2b3: {  	v3 =	vtrunc.f32 v3;
	v4 =	vtrunc.f32 v4  }
0x2b4: {  	v5 =	vtrunc.f32 v5;
	v8 =	vtrunc.f32 v8  }
0x2b5: {  	v23 =	vtrunc.f32 v20;
	v28 =	vtrunc.f32 v26  }
0x2b6: {  	v31 =	vtrunc.f32 v27;
	v52 =	vtrunc.f32 v50  }
0x2b7: {  	v20 =	vmul.f32 $2.120000000e+02, v1;
	v50 =	vmul.f32 $7.760000000e+02, v0  }
0x2b8: {  	v3 =	vcvt.f32.s32 v3;
	v4 =	vcvt.f32.s32 v4  }
0x2b9: {  	v5 =	vcvt.f32.s32 v5;
	v8 =	vcvt.f32.s32 v8  }
0x2ba: {  	v30 =	vcvt.f32.s32 v28;
	v28 =	vmul.f32 $2.940000000e+02, v1;
	vm0 =	vgt.s32 v3, $0xF  }
0x2bb: {  	v6 =	vadd.s32 $0xFFFFFFF0, v3;
	v11 =	vshll.u32 v4, $0x4;
	vm8 =	vgt.s32 v4, $0xF  }
0x2bc: {  	vm1 =	vgt.s32 v5, $0xF;
	v5 =	vshll.u32 v5, $0x8;
	vm10 =	vgt.s32 v8, $0x15  }
0x2bd: {  	v9 =	vadd.s32 $0xFFFFFFEA, v8;
	vm15 =	vgt.s32 v30, $0x29;
	v3 =	vsel vm0, v6, v3  }
0x2be: {  	v12 =	vadd.s32 $0xFFFFFF00, v11;
	v7 =	vadd.s32 $0x7FFFF000, v5;
	v6 =	vtrunc.f32 v13  }
0x2bf: {  	v8 =	vsel vm10, v9, v8;
	v4 =	vsel vm8, v12, v11;
	v5 =	vsel vm1, v7, v5  }
0x2c0: {  	v6 =	vcvt.f32.s32 v6;
	v7 =	vtrunc.f32 v14;
	v8 =	vmul.u32 $0x16, v8  }
0x2c1: {  	v12 =	vadd.s32 $0x7FFD6, v30;
	v14 =	vmul.f32 $5.800000000e+01, v2;
	v4 =	vadd.s32 v3, v4  }
0x2c2: {  	v7 =	vcvt.f32.s32 v7;
	v3 =	vand.u32 $0x7, v3;
	v5 =	vadd.s32 v5, v4  }
0x2c3: {  	vm9 =	vgt.s32 v6, $0x15;
	v10 =	vadd.s32 $0xFFFFFFEA, v6;
	v4 =	vand.u32 $0x78, v4  }
0x2c4: {  	v38 =	vtrunc.f32 v14;
	v14 =	vtrunc.f32 v53;
	v5 =	vshll.u32 v5, $0x1  }
0x2c5: {  	vm11 =	vgt.s32 v7, $0x15;
	v15 =	vadd.s32 $0xFFFFFFEA, v7;
	v6 =	vsel vm9, v10, v6  }
0x2c6: {  	v14 =	vcvt.f32.s32 v14;
	v5 =	vand.u32 $0xFFFFFF00, v5;
	v7 =	vsel vm11, v15, v7  }
0x2c7: {  	v16 =	vadd.s32 v6, v8;
	v8 =	vtrunc.f32 v19;
	v7 =	vmul.u32 $0x1E4, v7  }
0x2c8: {  	v4 =	vor.u32 v4, v5;
	v22 =	vcvt.f32.s32 v8;
	v8 =	vcvt.f32.s32 v23  }
0x2c9: {  	v54 =	vadd.s32 $0x7FF91, v14;
	v23 =	vmul.f32 $2.120000000e+02, v2;
	v6 =	vor.u32 v3, v4  }
0x2ca: {  	v4 =	vtrunc.f32 v18;
	v17 =	vadd.s32 v7, v16;
	v5 =	vor.u32 $0x80, v6  }
0x2cb: {  	v21 =	vcvt.f32.s32 v4;
	vm13 =	vgt.s32 v22, $0x1D;
	v11 =	vadd.s32 $0xFFFFFFE2, v22  }
0x2cc: {  	vm14 =	vgt.s32 v8, $0x1D;
	v25 =	vadd.s32 $0xFFFFFFE2, v8;
	v7 =	vshll.u32 v17, $0x1  }
0x2cd: {  	v3 =	vand.u32 $0x7F, v17;
	v8 =	vsel vm14, v25, v8;
	vm14 =	vgt.s32 v14, $0x6E  }
0x2ce: {  	v17 =	vmul.f32 $1.530000000e+02, v2;
	v7 =	vand.u32 $0xFFFFFF00, v7;
	vm12 =	vgt.s32 v21, $0x1D  }
0x2cf: {  	v24 =	vadd.s32 $0xFFFFFFE2, v21;
	v8 =	vmul.u32 $0x384, v8;
	v14 =	vsel vm14, v54, v14  }
0x2d0: {  	v4 =	vor.u32 v3, v7;
	v7 =	vsel vm13, v11, v22;
	v9 =	vsel vm12, v24, v21  }
0x2d1: {  	v11 =	vtrunc.f32 v29;
	v59 =	vtrunc.f32 v17;
	v7 =	vmul.u32 $0x1E, v7  }
0x2d2: {  	v14 =	vmul.u32 $0x3021, v14;
	v22 =	vmul.f32 $2.120000000e+02, v0;
	v11 =	vcvt.f32.s32 v11  }
0x2d3: {  	v29 =	vmul.f32 $2.940000000e+02, v0;
	v3 =	vor.u32 $0x80, v4;
	v7 =	vadd.s32 v9, v7  }
0x2d4: {  	v9 =	vcvt.f32.s32 v31;
	vm5 =	vgt.s32 v11, $0x29;
	v33 =	vadd.s32 $0x7FFD6, v11  }
0x2d5: {  	v31 =	vmul.f32 $2.940000000e+02, v2;
	v7 =	vadd.s32 v8, v7;
	v8 =	vsel vm15, v12, v30  }
0x2d6: {  	v11 =	vsel vm5, v33, v11;
	v12 =	vtrunc.f32 v35;
	v30 =	vtrunc.f32 v28  }
0x2d7: {  	v35 =	vmul.f32 $4.060000000e+02, v1;
	v32 =	vshll.u32 v7, $0x1;
	vm4 =	vgt.s32 v9, $0x29  }
0x2d8: {  	v13 =	vadd.s32 $0x7FFD6, v9;
	v7 =	vand.u32 $0x7F, v7;
	v37 =	vcvt.f32.s32 v12  }
0x2d9: {  	v11 =	vmul.u32 $0x6E4, v11;
	v12 =	vcvt.f32.s32 v38;
	v17 =	vtrunc.f32 v31  }
0x2da: {  	v38 =	vmul.f32 $4.060000000e+02, v2;
	v9 =	vsel vm4, v13, v9;
	v13 =	vtrunc.f32 v34  }
0x2db: {  	v10 =	vand.u32 $0xFFFFFF00, v32;
	v32 =	vtrunc.f32 v29;
	v17 =	vcvt.f32.s32 v17  }
0x2dc: {  	v9 =	vmul.u32 $0x2A, v9;
	v36 =	vcvt.f32.s32 v13;
	v7 =	vor.u32 v7, v10  }
0x2dd: {  	vm7 =	vgt.s32 v37, $0x39;
	vm8 =	vgt.s32 v12, $0x39;
	v41 =	vadd.s32 $0x7FFC6, v12  }
0x2de: {  	v40 =	vadd.s32 $0x7FFC6, v37;
	v13 =	vtrunc.f32 v45;
	v12 =	vsel vm8, v41, v12  }
0x2df: {  	v46 =	vcvt.f32.s32 v13;
	v13 =	vtrunc.f32 v51;
	v34 =	vadd.s32 $0x7FEDA, v17  }
0x2e0: {  	v8 =	vadd.s32 v8, v9;
	vm6 =	vgt.s32 v36, $0x39;
	v42 =	vadd.s32 $0x7FFC6, v36  }
0x2e1: {  	v12 =	vmul.u32 $0xD24, v12;
	v13 =	vcvt.f32.s32 v13;
	v8 =	vadd.s32 v11, v8  }
0x2e2: {  	v11 =	vsel vm7, v40, v37;
	v9 =	vsel vm6, v42, v36;
	v36 =	vmul.f32 $4.060000000e+02, v0  }
0x2e3: {  	vm11 =	vgt.s32 v46, $0x4F;
	v37 =	vtrunc.f32 v35;
	v42 =	vmul.f32 $5.610000000e+02, v1  }
0x2e4: {  	v39 =	vshll.u32 v8, $0x1;
	v11 =	vmul.u32 $0x3A, v11;
	v8 =	vand.u32 $0x7F, v8  }
0x2e5: {  	vm13 =	vgt.s32 v13, $0x6E;
	v16 =	vadd.s32 $0x7FF91, v13;
	v10 =	vand.u32 $0xFFF00, v39  }
0x2e6: {  	v13 =	vsel vm13, v16, v13;
	v16 =	vtrunc.f32 v55;
	v9 =	vadd.s32 v9, v11  }
0x2e7: {  	v8 =	vor.u32 v10, v8;
	v11 =	vtrunc.f32 v43;
	v10 =	vtrunc.f32 v44  }
0x2e8: {  	v49 =	vadd.s32 $0x7FFB0, v46;
	v57 =	vcvt.f32.s32 v16;
	v16 =	vtrunc.f32 v23  }
0x2e9: {  	v13 =	vmul.u32 $0x6F, v13;
	v43 =	vmul.f32 $5.610000000e+02, v0;
	v44 =	vmul.f32 $5.610000000e+02, v2  }
0x2ea: {  	v9 =	vadd.s32 v12, v9;
	v11 =	vcvt.f32.s32 v11;
	v10 =	vcvt.f32.s32 v10  }
0x2eb: {  	v24 =	vcvt.f32.s32 v16;
	v12 =	vshll.u32 v9, $0x1;
	v9 =	vand.u32 $0x7F, v9  }
0x2ec: {  	vm15 =	vgt.s32 v57, $0x98;
	v63 =	vadd.s32 $0x7FF67, v57;
	v12 =	vand.u32 $0xFFF00, v12  }
0x2ed: {  	vm9 =	vgt.s32 v11, $0x4F;
	v47 =	vadd.s32 $0x7FFB0, v11;
	vm10 =	vgt.s32 v10, $0x4F  }
0x2ee: {  	v48 =	vadd.s32 $0x7FFB0, v10;
	vm8 =	vgt.s32 v24, $0xD3;
	v27 =	vadd.s32 $0x7FF2C, v24  }
0x2ef: {  	v9 =	vor.u32 v12, v9;
	v10 =	vsel vm10, v48, v10;
	v12 =	vsel vm11, v49, v46  }
0x2f0: {  	v11 =	vsel vm9, v47, v11;
	vm11 =	vgt.s32 v17, $0x125;
	v10 =	vmul.u32 $0x50, v10  }
0x2f1: {  	v47 =	vtrunc.f32 v44;
	v12 =	vmul.u32 $0x1900, v12;
	v17 =	vsel vm11, v34, v17  }
0x2f2: {  	v34 =	vor.u32 $0x300000, v8;
	v8 =	vor.u32 $0x300080, v8;
	v10 =	vadd.s32 v11, v10  }
0x2f3: {  	v11 =	vcvt.f32.s32 v52;
	v52 =	vmul.f32 $7.760000000e+02, v2;
	v12 =	vadd.s32 v12, v10  }
0x2f4: {  	v17 =	vmul.u32 $0x151A4, v17;
	v10 =	vand.u32 $0x7F, v10;
	v12 =	vshll.u32 v12, $0x1  }
0x2f5: {  	vm12 =	vgt.s32 v11, $0x6E;
	v15 =	vadd.s32 $0x7FF91, v11;
	v54 =	vtrunc.f32 v52  }
0x2f6: {  	v12 =	vand.u32 $0xFFF00, v12;
	v11 =	vsel vm12, v15, v11;
	v15 =	vtrunc.f32 v56  }
0x2f7: {  	v11 =	vadd.s32 v11, v13;
	v58 =	vcvt.f32.s32 v15;
	v10 =	vor.u32 v12, v10  }
0x2f8: {  	v15 =	vcvt.f32.s32 v59;
	v13 =	vsel vm15, v63, v57;
	v11 =	vadd.s32 v14, v11  }
0x2f9: {  	v60 =	vshll.u32 v11, $0x1;
	vm4 =	vgt.s32 v58, $0x98;
	v61 =	vadd.s32 $0x7FF67, v58  }
0x2fa: {  	vm5 =	vgt.s32 v15, $0x98;
	v62 =	vadd.s32 $0x7FF67, v15;
	v14 =	vsel vm4, v61, v58  }
0x2fb: {  	v11 =	vand.u32 $0x7F, v11;
	v15 =	vsel vm5, v62, v15;
	v14 =	vmul.u32 $0x99, v14  }
0x2fc: {  	v12 =	vand.u32 $0xFFF00, v60;
	v60 =	vmul.f32 $1.072000000e+03, v1;
	v15 =	vmul.u32 $0x5B71, v15  }
0x2fd: {  	v62 =	vmul.f32 $1.072000000e+03, v0;
	v11 =	vor.u32 v12, v11;
	v13 =	vadd.s32 v13, v14  }
0x2fe: {  	v63 =	vtrunc.f32 v60;
	v14 =	vtrunc.f32 v20;
	v21 =	vadd.s32 v15, v13  }
0x2ff: {  	v14 =	vcvt.f32.s32 v14;
	v13 =	vtrunc.f32 v22;
	v22 =	vor.u32 $0x80, v7  }
0x300: {  	v15 =	vshll.u32 v21, $0x1;
	v12 =	vand.u32 $0x7F, v21;
	v13 =	vcvt.f32.s32 v13  }
0x301: {  	v21 =	vmul.f32 $7.760000000e+02, v1;
	v15 =	vand.u32 $0xFFF00, v15;
	vm6 =	vgt.s32 v14, $0xD3  }
0x302: {  	v25 =	vadd.s32 $0x7FF2C, v14;
	vm7 =	vgt.s32 v13, $0xD3;
	v26 =	vadd.s32 $0x7FF2C, v13  }
0x303: {  	v12 =	vor.u32 v15, v12;
	v15 =	vsel vm8, v27, v24;
	v13 =	vsel vm7, v26, v13  }
0x304: {  	v24 =	vmul.f32 $1.072000000e+03, v2;
	v2 =	vmul.f32 $1.482000000e+03, v2;
	v13 =	vmul.u32 $0xD4, v13  }
0x305: {  	v14 =	vsel vm6, v25, v14;
	v51 =	vtrunc.f32 v21;
	v15 =	vmul.u32 $0xAF90, v15  }
0x306: {  	v2 =	vtrunc.f32 v2;
	v13 =	vadd.s32 v14, v13;
	v14 =	vcvt.f32.s32 v30  }
0x307: {  	v2 =	vcvt.f32.s32 v2;
	v13 =	vadd.s32 v15, v13;
	v15 =	vcvt.f32.s32 v32  }
0x308: {  	v33 =	vshll.u32 v13, $0x1;
	v13 =	vand.u32 $0x7F, v13;
	vm9 =	vgt.s32 v14, $0x125  }
0x309: {  	v19 =	vadd.s32 $0x7FEDA, v14;
	v16 =	vand.u32 $0xFFF00, v33;
	vm10 =	vgt.s32 v15, $0x125  }
0x30a: {  	v18 =	vadd.s32 $0x7FEDA, v15;
	v14 =	vsel vm9, v19, v14;
	v19 =	vtrunc.f32 v42  }
0x30b: {  	v13 =	vor.u32 v16, v13;
	v16 =	vcvt.f32.s32 v37;
	v45 =	vcvt.f32.s32 v19  }
0x30c: {  	v6 =	vld.idx.msk [tilespmem:v6+s26+$0x0], $0xffff;
	v15 =	vsel vm10, v18, v15;
	v37 =	vmul.f32 $1.482000000e+03, v0;
	v0 =	vmul.f32 $2.048000000e+03, v0  }
0x30d: {  	v5 =	vld.idx.msk [tilespmem:v5+s26+$0x0], $0xffff;
	v15 =	vmul.u32 $0x126, v15;
	v52 =	vor.u32 $0x800080, v13;
	vm12 =	vgt.s32 v16, $0x195  }
0x30e: {  	v40 =	vadd.s32 $0x7FE6A, v16;
	vm15 =	vgt.s32 v45, $0x230;
	v19 =	vadd.s32 $0x7FDCF, v45  }
0x30f: {  	v0 =	vtrunc.f32 v0;
	v14 =	vadd.s32 v14, v15;
	v15 =	vtrunc.f32 v36  }
0x310: {  	v16 =	vsel vm12, v40, v16;
	v36 =	vor.u32 $0x400000, v9;
	v9 =	vor.u32 $0x400080, v9  }
0x311: {  	[tilespmem:s16+$0x7700] =	vst v6;
	v40 =	vtrunc.f32 v37;
	v0 =	vcvt.f32.s32 v0;
	v14 =	vadd.s32 v17, v14  }
0x312: {  	[tilespmem:s16+$0x7780] =	vst v5;
	v15 =	vcvt.f32.s32 v15;
	v17 =	vtrunc.f32 v38;
	v38 =	vor.u32 $0x500000, v10  }
0x313: {  	v4 =	vld.idx.msk [tilespmem:v4+s29+$0x0], $0xffff;
	v42 =	vcvt.f32.s32 v40;
	v39 =	vshll.u32 v14, $0x1;
	v14 =	vand.u32 $0x7F, v14  }
0x314: {  	v3 =	vld.idx.msk [tilespmem:v3+s29+$0x0], $0xffff;
	v17 =	vcvt.f32.s32 v17;
	v0 =	vshll.u32 v0, $0xC;
	v18 =	vand.u32 $0xFFF00, v39  }
0x315: {  	vm13 =	vgt.s32 v15, $0x195;
	v20 =	vadd.s32 $0x7FE6A, v15;
	v39 =	vmul.f32 $1.482000000e+03, v1  }
0x316: {  	vm12 =	vgt.s32 v42, $0x5C9;
	v44 =	vadd.s32 $0x7FA36, v42;
	v1 =	vmul.f32 $2.048000000e+03, v1  }
0x317: {  	v14 =	vor.u32 v18, v14;
	v15 =	vsel vm13, v20, v15;
	vm14 =	vgt.s32 v17, $0x195  }
0x318: {  	[tilespmem:s16+$0x7800] =	vst v4;
	v41 =	vadd.s32 $0x7FE6A, v17;
	v18 =	vtrunc.f32 v43;
	v20 =	vcvt.f32.s32 v51  }
0x319: {  	[tilespmem:s16+$0x7880] =	vst v3;
	v43 =	vor.u32 $0x600000, v11;
	vm13 =	vgt.s32 v2, $0x5C9;
	v51 =	vor.u32 $0x800000, v13  }
0x31a: {  	v7 =	vld.idx.msk [tilespmem:v7+s30+$0x0], $0xffff;
	v17 =	vsel vm14, v41, v17;
	v15 =	vmul.u32 $0x196, v15;
	v46 =	vcvt.f32.s32 v18  }
0x31b: {  	v31 =	vld.idx.msk [tilespmem:v22+s30+$0x0], $0xffff;
	[tilespmem:s16+$0x2180] =	vst v8;
	v18 =	vcvt.f32.s32 v47;
	v41 =	vor.u32 $0x500080, v10;
	v8 =	vtrunc.f32 v39  }
0x31c: {  	v47 =	vor.u32 $0x600080, v11;
	v1 =	vtrunc.f32 v1;
	v17 =	vmul.u32 $0x283E4, v17  }
0x31d: {  	vm6 =	vgt.s32 v20, $0x307;
	v55 =	vadd.s32 $0x7FCF8, v20;
	v8 =	vcvt.f32.s32 v8  }
0x31e: {  	v1 =	vcvt.f32.s32 v1;
	v15 =	vadd.s32 v16, v15;
	v16 =	vsel vm15, v19, v45  }
0x31f: {  	vm4 =	vgt.s32 v46, $0x230;
	v48 =	vadd.s32 $0x7FDCF, v46;
	vm5 =	vgt.s32 v18, $0x230  }
0x320: {  	v49 =	vadd.s32 $0x7FDCF, v18;
	v19 =	vtrunc.f32 v50;
	v56 =	vsel vm6, v55, v20  }
0x321: {  	v45 =	vsel vm12, v44, v42;
	v50 =	vor.u32 $0x700080, v12;
	v15 =	vadd.s32 v17, v15  }
0x322: {  	v17 =	vsel vm4, v48, v46;
	v18 =	vsel vm5, v49, v18;
	v53 =	vcvt.f32.s32 v19  }
0x323: {  	v19 =	vcvt.f32.s32 v54;
	v46 =	vadd.s32 $0x7FA36, v2;
	v48 =	vor.u32 $0x700000, v12  }
0x324: {  	[tilespmem:s16+$0x7900] =	vst v7;
	vm14 =	vgt.s32 v8, $0x5C9;
	v49 =	vadd.s32 $0x7FA36, v8;
	v7 =	vmul.u32 $0x5CA, v45  }
0x325: {  	v54 =	vor.u32 $0x900080, v14;
	vm15 =	vgt.s32 v1, $0x7FF;
	v60 =	vadd.s32 $0x7F800, v1  }
0x326: {  	v17 =	vmul.u32 $0x231, v17;
	v58 =	vmul.u32 $0x4CD61, v18;
	v25 =	vshll.u32 v15, $0x1  }
0x327: {  	v18 =	vtrunc.f32 v62;
	v15 =	vand.u32 $0x7F, v15;
	v2 =	vsel vm13, v46, v2  }
0x328: {  	[tilespmem:s16+$0x2100] =	vst v34;
	v8 =	vsel vm14, v49, v8;
	v1 =	vsel vm15, v60, v1;
	vm7 =	vgt.s32 v53, $0x307  }
0x329: {  	[tilespmem:s16+$0x7980] =	vst v31;
	v57 =	vadd.s32 $0x7FCF8, v53;
	vm8 =	vgt.s32 v19, $0x307;
	v59 =	vadd.s32 $0x7FCF8, v19  }
0x32a: {  	[tilespmem:s16+$0x2E80] =	vst v52;
	v18 =	vcvt.f32.s32 v18;
	v32 =	vand.u32 $0xFFF00, v25;
	v2 =	vmul.u32 $0x18364, v2  }
0x32b: {  	[tilespmem:s16+$0x2600] =	vst v36;
	v7 =	vadd.s32 v8, v7;
	v62 =	vshll.u32 v1, $0x1;
	v1 =	vand.u32 $0x7F, v1  }
0x32c: {  	[tilespmem:s16+$0x2680] =	vst v9;
	v16 =	vadd.s32 v16, v17;
	v17 =	vsel vm7, v57, v53;
	v61 =	vsel vm8, v59, v19  }
0x32d: {  	[tilespmem:s16+$0x2700] =	vst v38;
	v19 =	vtrunc.f32 v24;
	v15 =	vor.u32 v32, v15;
	v53 =	vor.u32 $0x900000, v14  }
0x32e: {  	[tilespmem:s16+$0x2800] =	vst v43;
	v0 =	vadd.s32 v0, v62;
	v17 =	vmul.u32 $0x308, v17;
	v5 =	vadd.s32 v58, v16  }
0x32f: {  	[tilespmem:s16+$0x2E00] =	vst v51;
	v16 =	vmul.u32 $0x13040, v61;
	v26 =	vcvt.f32.s32 v19;
	vm10 =	vgt.s32 v18, $0x42F  }
0x330: {  	[tilespmem:s16+$0x2780] =	vst v41;
	v29 =	vadd.s32 $0x7FBD0, v18;
	v2 =	vadd.s32 v2, v7;
	v55 =	vor.u32 $0xA00000, v15  }
0x331: {  	[tilespmem:s16+$0x2880] =	vst v47;
	v0 =	vand.u32 $0xFFF00, v0;
	v33 =	vshll.u32 v5, $0x1;
	v5 =	vand.u32 $0x7F, v5  }
0x332: {  	[tilespmem:s16+$0x2980] =	vst v50;
	v0 =	vor.u32 v0, v1;
	v6 =	vadd.s32 v56, v17;
	v17 =	vcvt.f32.s32 v63  }
0x333: {  	[tilespmem:s16+$0x2900] =	vst v48;
	vm11 =	vgt.s32 v26, $0x42F;
	v30 =	vadd.s32 $0x7FBD0, v26;
	v19 =	vand.u32 $0xFFF00, v33  }
0x334: {  	[tilespmem:s16+$0x2F80] =	vst v54;
	v56 =	vor.u32 $0xA00080, v15;
	vm9 =	vgt.s32 v17, $0x42F;
	v27 =	vadd.s32 $0x7FBD0, v17  }
0x335: {  	[tilespmem:s16+$0x2F00] =	vst v53;
	v1 =	vor.u32 $0xF00000, v0;
	v28 =	vsel vm9, v27, v17;
	v17 =	vsel vm10, v29, v18  }
0x336: {  	[tilespmem:s16+$0x3000] =	vst v55;
	v0 =	vor.u32 $0xF00080, v0;
	v4 =	vsel vm11, v30, v26;
	v17 =	vmul.u32 $0x430, v17  }
0x337: {  	v6 =	vadd.s32 v16, v6;
	v5 =	vor.u32 v19, v5;
	[tilespmem:s16+$0x3080] =	vst v56;
	v4 =	vmul.u32 $0x18900, v4  }
0x338: {  	[tilespmem:s16+$0x3900] =	vst v1;
	v35 =	vshll.u32 v6, $0x1;
	v6 =	vand.u32 $0x7F, v6;
	v3 =	vadd.s32 v28, v17  }
0x339: {  	[tilespmem:s16+$0x3980] =	vst v0;
	v57 =	vor.u32 $0xB00000, v5;
	v19 =	vand.u32 $0xFFF00, v35;
	v4 =	vadd.s32 v4, v3  }
0x33a: {  	v5 =	vor.u32 $0xB00080, v5;
	[tilespmem:s16+$0x3100] =	vst v57;
	v6 =	vor.u32 v19, v6;
	v4 =	vshll.u32 v4, $0x1  }
0x33b: {  	[tilespmem:s16+$0x3180] =	vst v5;
	v58 =	vor.u32 $0xC00000, v6;
	v3 =	vand.u32 $0x7F, v3;
	v4 =	vand.u32 $0xFFF00, v4  }
0x33c: {  	p0 =	sne.s32 s15, $0x1C0;
	v59 =	vshll.u32 v2, $0x1;
	v6 =	vor.u32 $0xC00080, v6;
	[tilespmem:s16+$0x3600] =	vst v58;
	v3 =	vor.u32 v4, v3  }
.Ltmp10:
0x33d: {  	v2 =	vand.u32 $0x7F, v2;
	[tilespmem:s16+$0x3680] =	vst v6;
	v4 =	vand.u32 $0xFFF00, v59;
	v61 =	vor.u32 $0xD00000, v3;
	(pc) =	sbr.rel @p0 .LBB2_10-.Ltmp10, $4  }
0x33e: {  	v3 =	vor.u32 $0xD00080, v3;
	v2 =	vor.u32 v4, v2;
	[tilespmem:s16+$0x3700] =	vst v61  }
0x33f: {  	[tilespmem:s16+$0x3780] =	vst v3;
	v63 =	vor.u32 $0xE00000, v2  }
0x340: {  	v2 =	vor.u32 $0xE00080, v2;
	[tilespmem:s16+$0x3800] =	vst v63  }
0x341: {  	s15 =	sadd.s32 $0x40, s15;
	[tilespmem:s16+$0x3880] =	vst v2  }
.Ltmp11:
0x342: {  	_ = 	snop;
	(pc) =	sbr.rel .LBB2_11-.Ltmp11, $1  }
0x343: {  	_ =	sdelay $0x3  }
.LBB2_15:
0x344: {  	_ =	sfence.sel $0x180000  }
0x345: {  	[bflag:$0x0] =	sbarrier.arrive $0xFFFF  }
0x346: {  	_ =	strace $0x90000047  }
0x347: {  	s0 =	stileid.u32;
	[bflag:$0x2] =	sbarrier.arrive $0xFFFF  }
0x348: {  	p0 =	sne.s32 s0, $0x0;
	s0 =	rddreg [dreg:$0x3]  }
0x349: {  	s0 =	sadd.s32 @!p0 $0x100000, s0  }
0x34a: {  	[sflag:s0] =	ssyncadd.tile.s32 @!p0 $0x1;
	_ =	shalt  }
.Lfunc_end2:
_tile_overlayer_lowered:
.L_overlay_start_2:
0x34b: {  	(tag) =	ssettag $0x2  }
0x34c: {  	s0 =	rddreg [dreg:$0x0];
	s2 =	stileid.u32  }
0x34d: {  	s1 =	rddreg [dreg:$0x1];
	p0 =	sne.s32 s2, $0x0  }
0x34e: {  	s3 =	rddreg [dreg:$0x2];
	[bflag:$0x3] =	sbarrier.arrive $0xFFFF;
	s2 =	simm.s32 @!p0 $0x1C05  }
0x34f: {  	[timem:s3], [sflag:s2] =	dma.local @!p0 [hbm:s0], s1  }
0x350: {  	s0 =	simm.s32 @!p0 $0x5  }
0x351: {  	_ =	swait.ge @!p0 [sflag:s0], s1  }
0x352: {  	s1 =	ssub.s32 @!p0 $0x0, s1;
	[sflag:s0] =	ssyncset.done @!p0 $0x0  }
0x353: {  	[sflag:s0] =	ssyncadd.s32 @!p0 s1  }
0x354: {  	[bflag:$0x3] =	sbarrier.arrive $0xFFFF  }
0x355: {  	_ =	shalt  }

</sc_bundles>
